<compile_context>
chip_gen: v7x
topology: tpu7x:2x2x1
jax: 0.10.2.dev20260603
libtpu: 0.0.44.dev20260713+nightly
codegen_flags: <defaults>
</compile_context>

<pallas_src>
import functools

import jax
import jax.numpy as jnp
from jax import lax
from jax.experimental import pallas as pl
from jax.experimental.pallas import tpu as pltpu
from jax.experimental.pallas import tpu_sc as plsc

_N = 10000
_E = 160000
_NC = 2
_NS = 16
_BLK = 128
_RPT = 80
_EPT = _BLK * _RPT
_EPAD = _EPT * _NS
_ROWS = _EPAD // _BLK
_NP = 10240
_NPT = _NP // _NS


def _cdiv(a, b):
    return (a + b - 1) // b


@functools.lru_cache(maxsize=None)
def _seg_sums(CH, LW):
    mesh = plsc.VectorSubcoreMesh(core_axis_name="c", subcore_axis_name="s")
    rounds = _cdiv(CH, _NC)

    @functools.partial(
        pl.kernel,
        mesh=mesh,
        out_type=jax.ShapeDtypeStruct((CH, _NP, LW), jnp.float32),
        scratch_types=[
            pltpu.VMEM((_EPT,), jnp.int32),
            pltpu.VMEM((_EPT,), jnp.int32),
            pltpu.VMEM((_RPT, _BLK), jnp.int32),
            pltpu.VMEM((_BLK, LW), jnp.float32),
            pltpu.VMEM_SHARED((_NP, LW), jnp.float32),
            pltpu.SemaphoreType.DMA,
        ],
    )
    def k(y2, src1, dst2, zeros, out, srcv, idxv, dstv, rows, acc, sem):
        cid = lax.axis_index("c")
        sid = lax.axis_index("s")
        pltpu.sync_copy(src1.at[pl.ds(sid * _EPT, _EPT)], srcv)
        pltpu.sync_copy(dst2.at[pl.ds(sid * _RPT, _RPT)], dstv)
        for r in range(rounds):
            chunk = cid + _NC * r

            @pl.when(chunk < CH)
            def _():
                pltpu.sync_copy(zeros, acc.at[pl.ds(sid * _NPT, _NPT)])
                def mkidx(g, carry):
                    sv = srcv[pl.ds(g * 16, 16)]
                    idxv[pl.ds(g * 16, 16)] = sv * CH + chunk
                    return carry

                lax.fori_loop(0, _EPT // 16, mkidx, 0)
                plsc.subcore_barrier()

                def blk(j, carry):
                    pltpu.async_copy(
                        y2.at[idxv.at[pl.ds(j * _BLK, _BLK)]], rows, sem
                    ).wait()
                    pltpu.sync_copy(rows, acc.at[dstv.at[j]], add=True)
                    return carry

                lax.fori_loop(0, _RPT, blk, 0)
                plsc.subcore_barrier()
                pltpu.sync_copy(
                    acc.at[pl.ds(sid * _NPT, _NPT)],
                    out.at[chunk, pl.ds(sid * _NPT, _NPT)],
                )
                plsc.subcore_barrier()

    return k


def _tc_layer_body(CH, elu, s3, cnt, h, wl, wr, b, o):
    inv = 1.0 / jnp.maximum(cnt[...], 1.0)
    acc = jnp.dot(h[...], wr[...], preferred_element_type=jnp.float32)
    for c in range(CH):
        acc += jnp.dot(s3[c] * inv, wl[c], preferred_element_type=jnp.float32)
    acc += b[...]
    if elu:
        acc = jnp.where(acc > 0.0, acc, jnp.exp(acc) - 1.0)
    o[...] = acc


def _tc_layer(CH, LW, K, DOUT, elu, s3, cnt, h, wl, wr, b):
    R = 1000
    return pl.pallas_call(
        functools.partial(_tc_layer_body, CH, elu),
        grid=(_N // R,),
        in_specs=[
            pl.BlockSpec((CH, R, LW), lambda i: (0, i, 0)),
            pl.BlockSpec((R, 1), lambda i: (i, 0)),
            pl.BlockSpec((R, K), lambda i: (i, 0)),
            pl.BlockSpec((CH, LW, DOUT), lambda i: (0, 0, 0)),
            pl.BlockSpec((K, DOUT), lambda i: (0, 0)),
            pl.BlockSpec((1, DOUT), lambda i: (0, 0)),
        ],
        out_specs=pl.BlockSpec((R, DOUT), lambda i: (i, 0)),
        out_shape=jax.ShapeDtypeStruct((_N, DOUT), jnp.float32),
    )(s3, cnt, h, wl, wr, b)


def _mm_body(h, w, o):
    o[...] = jnp.dot(h[...], w[...], preferred_element_type=jnp.float32)


def _tc_matmul(K, DOUT, h, w):
    R = 1000
    return pl.pallas_call(
        _mm_body,
        grid=(_N // R,),
        in_specs=[
            pl.BlockSpec((R, K), lambda i: (i, 0)),
            pl.BlockSpec((K, DOUT), lambda i: (0, 0)),
        ],
        out_specs=pl.BlockSpec((R, DOUT), lambda i: (i, 0)),
        out_shape=jax.ShapeDtypeStruct((_N, DOUT), jnp.float32),
    )(h, w)


def kernel(x, edge_index, weight, params):
    del weight
    src = edge_index[0].astype(jnp.int32)
    dst = edge_index[1].astype(jnp.int32)
    pad = _EPAD - _E
    pad_i = jnp.arange(pad, dtype=jnp.int32)
    src1 = jnp.concatenate([src, pad_i % 64])
    dst2 = jnp.concatenate([dst, _N + (pad_i % 8)]).reshape(_ROWS, _BLK)

    zeros128 = jnp.zeros((_NPT, 128), jnp.float32)
    ones128 = jnp.ones((_N, 128), jnp.float32)

    cnt = _seg_sums(1, 128)(ones128, src1, dst2, zeros128)[0, :_N, :1]

    h = x.astype(jnp.float32)
    for i in range(8):
        Wl, Wr, b = params[i]
        K = Wl.shape[0]
        CH = K // 128
        s3 = _seg_sums(CH, 128)(h.reshape(_N * CH, 128), src1, dst2, zeros128)
        h = _tc_layer(CH, 128, K, 512, True, s3, cnt, h,
                      Wl.reshape(CH, 128, 512), Wr, b.reshape(1, 512))

    Wl, Wr, b = params[8]
    wl_pad = jnp.concatenate([Wl, jnp.zeros((512, 64), jnp.float32)], axis=1)
    y = _tc_matmul(512, 128, h, wl_pad)
    s3 = _seg_sums(1, 128)(y, src1, dst2, zeros128)
    eye_pad = jnp.concatenate(
        [jnp.eye(64, dtype=jnp.float32), jnp.zeros((64, 64), jnp.float32)],
        axis=0).reshape(1, 128, 64)
    out = _tc_layer(1, 128, 512, 64, False, s3, cnt, h, eye_pad, Wr,
                    b.reshape(1, 64))
    return out

# --- scband reference (transcript-rebuilt; emitter-appended) ---
"""Pipeline reference for scband-gl-sageconv-9l-512h-44753559224359 (READ-ONLY COPY).

The authoritative reference and input builder live on the scoring server;
editing this copy changes nothing except your own understanding.
"""

import jax, jax.numpy as jnp
import numpy as np

N = 10000
E = 160000
F_IN = 256
H = 512
C = 64


def _glorot_uniform(k, din, dout):
    scale = 1.0 / np.sqrt(din)
    return jax.random.uniform(k, (din, dout), minval=-scale, maxval=scale, dtype=jnp.float32)


def setup_inputs(seed: int = 0) -> dict:
    key = jax.random.key(seed)
    k_x, k_ei, k_w = jax.random.split(key, 3)
    x = jax.random.normal(k_x, (N, F_IN), dtype=jnp.float32)
    edge_index = jax.random.randint(k_ei, (2, E), 0, N, dtype=jnp.int64)
    weight = jax.random.uniform(k_w, (E,), dtype=jnp.float32)
    dims = [(F_IN, H)] + [(H, H)] * 7 + [(H, C)]
    params = []
    for i, (din, dout) in enumerate(dims):
        k1, k2 = jax.random.split(jax.random.fold_in(key, i + 10), 2)
        Wl = _glorot_uniform(k1, din, dout)
        Wr = _glorot_uniform(k2, din, dout)
        b = jnp.zeros((dout,), dtype=jnp.float32)
        params.append((Wl, Wr, b))
    return {"x": x, "edge_index": edge_index, "weight": weight, "params": params}


def _sage_conv(x, src, dst, Wl, Wr, b):
    # PyG SAGEConv (mean aggr): out = mean_{j in N(i)} x_j @ W_l + x_i @ W_r + b
    msgs = x[src]
    summed = jax.ops.segment_sum(msgs, dst, num_segments=x.shape[0])
    cnt = jax.ops.segment_sum(jnp.ones((src.shape[0],), dtype=x.dtype), dst, num_segments=x.shape[0])
    mean = summed / jnp.maximum(cnt, 1.0)[:, None]
    return mean @ Wl + x @ Wr + b


def reference(x, edge_index, weight, params):
    # edge weight is extracted in the original forward but unused by SAGEConv
    src = edge_index[0]
    dst = edge_index[1]
    h = x.astype(jnp.float32)
    for i in range(8):
        Wl, Wr, b = params[i]
        h = jax.nn.elu(_sage_conv(h, src, dst, Wl, Wr, b))
    Wl, Wr, b = params[8]
    h = _sage_conv(h, src, dst, Wl, Wr, b)
    return h

if __name__ == "__main__":
    import jax
    _d = setup_inputs()
    print(jax.jit(kernel)(*tuple(_d.values())))

</pallas_src>

<mosaic_0001>
#map = affine_map<(d0, d1) -> (0, 0)>
#map1 = affine_map<(d0, d1) -> (0)>
#map2 = affine_map<(d0, d1) -> (0, 0, 0)>
module attributes {stable_mosaic.version = 14 : i64} {
  func.func @k(%arg0: i32, %arg1: i32, %arg2: memref<10000x128xf32, #tpu.memory_space<hbm>>, %arg3: memref<163840xi32, #tpu.memory_space<hbm>>, %arg4: memref<1280x128xi32, #tpu.memory_space<hbm>>, %arg5: memref<640x128xf32, #tpu.memory_space<hbm>>, %arg6: memref<1x10240x128xf32, #tpu.memory_space<hbm>>, %arg7: memref<10240xi32, #tpu.memory_space<vmem>>, %arg8: memref<10240xi32, #tpu.memory_space<vmem>>, %arg9: memref<80x128xi32, #tpu.memory_space<vmem>>, %arg10: memref<128x128xf32, #tpu.memory_space<vmem>>, %arg11: memref<10240x128xf32, #tpu.memory_space<vmem_shared>>, %arg12: memref<!tpu.dma_semaphore, #tpu.memory_space<semaphore_mem>>) attributes {dimension_semantics = [#tpu.dimension_semantics<core_parallel>, #tpu.dimension_semantics<subcore_parallel>], iteration_bounds = array<i64: 2, 16>, scalar_prefetch = 0 : i64, scratch_operands = 6 : i64, tpu.core_type = #tpu.core_type<sc_vector_subcore>, window_params = [{transform_indices = #map}, {transform_indices = #map1}, {transform_indices = #map}, {transform_indices = #map}, {transform_indices = #map2}]} {
    %mul3A = arith.constant 10240 : i32
    %mul3A_0 = arith.muli %arg1, %mul3A : i32
    "tpu.region"() ({
      %run_scoped3A = tpu.sem_alloc : memref<!tpu.dma_semaphore, #tpu.memory_space<semaphore_mem>>
      %dma_start3A = tpu.memref_slice %arg3[%mul3A_0] : memref<163840xi32, #tpu.memory_space<hbm>> -> memref<10240xi32, #tpu.memory_space<hbm>>
      %dma_start3A_6 = tpu.memref_slice %arg3[%mul3A_0] : memref<163840xi32, #tpu.memory_space<hbm>> -> memref<10240xi32, #tpu.memory_space<hbm>>
      tpu.enqueue_dma source(%dma_start3A_6 : memref<10240xi32, #tpu.memory_space<hbm>>) target(%arg7 : memref<10240xi32, #tpu.memory_space<vmem>>) target_semaphore(%run_scoped3A : memref<!tpu.dma_semaphore, #tpu.memory_space<semaphore_mem>>)
      %dma_wait3A = tpu.memref_slice %arg3[%mul3A_0] : memref<163840xi32, #tpu.memory_space<hbm>> -> memref<10240xi32, #tpu.memory_space<hbm>>
      %dma_wait3A_7 = tpu.memref_slice %arg3[%mul3A_0] : memref<163840xi32, #tpu.memory_space<hbm>> -> memref<10240xi32, #tpu.memory_space<hbm>>
      tpu.wait_dma2 semaphore(%run_scoped3A : memref<!tpu.dma_semaphore, #tpu.memory_space<semaphore_mem>>) src(%dma_wait3A_7 : memref<10240xi32, #tpu.memory_space<hbm>>) dst(%arg7 : memref<10240xi32, #tpu.memory_space<vmem>>)
      tpu.yield
    }) : () -> ()
    %mul3A_1 = arith.constant 80 : i32
    %mul3A_2 = arith.muli %arg1, %mul3A_1 : i32
    "tpu.region"() ({
      %run_scoped3A = tpu.sem_alloc : memref<!tpu.dma_semaphore, #tpu.memory_space<semaphore_mem>>
      %dma_start3A = arith.constant 0 : i32
      %dma_start3A_6 = tpu.memref_slice %arg4[%mul3A_2, %dma_start3A] : memref<1280x128xi32, #tpu.memory_space<hbm>> -> memref<80x128xi32, #tpu.memory_space<hbm>>
      %dma_start3A_7 = arith.constant 0 : i32
      %dma_start3A_8 = tpu.memref_slice %arg4[%mul3A_2, %dma_start3A_7] : memref<1280x128xi32, #tpu.memory_space<hbm>> -> memref<80x128xi32, #tpu.memory_space<hbm>>
      tpu.enqueue_dma source(%dma_start3A_8 : memref<80x128xi32, #tpu.memory_space<hbm>>) target(%arg9 : memref<80x128xi32, #tpu.memory_space<vmem>>) target_semaphore(%run_scoped3A : memref<!tpu.dma_semaphore, #tpu.memory_space<semaphore_mem>>)
      %dma_wait3A = arith.constant 0 : i32
      %dma_wait3A_9 = tpu.memref_slice %arg4[%mul3A_2, %dma_wait3A] : memref<1280x128xi32, #tpu.memory_space<hbm>> -> memref<80x128xi32, #tpu.memory_space<hbm>>
      %dma_wait3A_10 = arith.constant 0 : i32
      %dma_wait3A_11 = tpu.memref_slice %arg4[%mul3A_2, %dma_wait3A_10] : memref<1280x128xi32, #tpu.memory_space<hbm>> -> memref<80x128xi32, #tpu.memory_space<hbm>>
      tpu.wait_dma2 semaphore(%run_scoped3A : memref<!tpu.dma_semaphore, #tpu.memory_space<semaphore_mem>>) src(%dma_wait3A_11 : memref<80x128xi32, #tpu.memory_space<hbm>>) dst(%arg9 : memref<80x128xi32, #tpu.memory_space<vmem>>)
      tpu.yield
    }) : () -> ()
    %add3A = arith.constant 0 : i32
    %add3A_3 = arith.addi %arg0, %add3A : i32
    %lt3A = arith.constant 1 : i32
    %lt3A_4 = arith.cmpi slt, %add3A_3, %lt3A : i32
    %convert_element_type3A = arith.extui %lt3A_4 : i1 to i32
    %cond3A = arith.constant 0 : i32
    %cond3A_5 = arith.cmpi ne, %convert_element_type3A, %cond3A : i32
    scf.if %cond3A_5 {
      %mul3A_6 = arith.constant 640 : i32
      %mul3A_7 = arith.muli %arg1, %mul3A_6 : i32
      "tpu.region"() ({
        %run_scoped3A = tpu.sem_alloc : memref<!tpu.dma_semaphore, #tpu.memory_space<semaphore_mem>>
        %dma_start3A = arith.constant 0 : i32
        %dma_start3A_25 = tpu.memref_slice %arg11[%mul3A_7, %dma_start3A] : memref<10240x128xf32, #tpu.memory_space<vmem_shared>> -> memref<640x128xf32, #tpu.memory_space<vmem_shared>>
        tpu.enqueue_dma source(%arg5 : memref<640x128xf32, #tpu.memory_space<hbm>>) target(%dma_start3A_25 : memref<640x128xf32, #tpu.memory_space<vmem_shared>>) target_semaphore(%run_scoped3A : memref<!tpu.dma_semaphore, #tpu.memory_space<semaphore_mem>>)
        %dma_wait3A = arith.constant 0 : i32
        %dma_wait3A_26 = tpu.memref_slice %arg11[%mul3A_7, %dma_wait3A] : memref<10240x128xf32, #tpu.memory_space<vmem_shared>> -> memref<640x128xf32, #tpu.memory_space<vmem_shared>>
        tpu.wait_dma2 semaphore(%run_scoped3A : memref<!tpu.dma_semaphore, #tpu.memory_space<semaphore_mem>>) src(%arg5 : memref<640x128xf32, #tpu.memory_space<hbm>>) dst(%dma_wait3A_26 : memref<640x128xf32, #tpu.memory_space<vmem_shared>>)
        tpu.yield
      }) : () -> ()
      %scan3A = arith.constant 0 : i32
      %scan3A_8 = arith.constant 0 : i32
      %scan3A_9 = arith.constant 640 : i32
      %scan3A_10 = arith.addi %scan3A_8, %scan3A_9 : i32
      %scan3A_11 = arith.constant 1 : i32
      scf.for %scan3A_25 = %scan3A_8 to %scan3A_10 step %scan3A_11  : i32 {
        %mul3A_26 = arith.constant 16 : i32
        %mul3A_27 = arith.muli %scan3A_25, %mul3A_26 : i32
        %get3A = arith.index_cast %mul3A_27 : i32 to index
        %get3A_28 = tpu.vector_load %arg7[%get3A] {strides = array<i32>} : memref<10240xi32, #tpu.memory_space<vmem>>, vector<16xi32>,
        %get3A_29 = vector.shape_cast %get3A_28 : vector<16xi32> to vector<16xi32>
        %mul3A_30 = arith.constant 1 : i32
        %mul3A_31 = vector.broadcast %mul3A_30 : i32 to vector<16xi32>
        %mul3A_32 = arith.muli %get3A_29, %mul3A_31 : vector<16xi32>
        %add3A_33 = vector.broadcast %add3A_3 : i32 to vector<16xi32>
        %add3A_34 = arith.addi %mul3A_32, %add3A_33 : vector<16xi32>
        %mul3A_35 = arith.constant 16 : i32
        %mul3A_36 = arith.muli %scan3A_25, %mul3A_35 : i32
        %swap3A = arith.index_cast %mul3A_36 : i32 to index
        %swap3A_37 = tpu.vector_load %arg8[%swap3A] {strides = array<i32>} : memref<10240xi32, #tpu.memory_space<vmem>>, vector<16xi32>,
        %swap3A_38 = vector.shape_cast %swap3A_37 : vector<16xi32> to vector<16xi32>
        %swap3A_39 = vector.shape_cast %add3A_34 : vector<16xi32> to vector<16xi32>
        tpu.vector_store %arg8[%swap3A], %swap3A_39 {strides = array<i32>} : memref<10240xi32, #tpu.memory_space<vmem>>, vector<16xi32>,
      }
      %scan3A_12 = arith.constant 640 : i32
      %barrier3A = arith.constant 0 : index
      tpu.barrier barrier_id(%barrier3A)
      %scan3A_13 = arith.constant 0 : i32
      %scan3A_14 = arith.constant 0 : i32
      %scan3A_15 = arith.constant 80 : i32
      %scan3A_16 = arith.addi %scan3A_14, %scan3A_15 : i32
      %scan3A_17 = arith.constant 1 : i32
      scf.for %scan3A_25 = %scan3A_14 to %scan3A_16 step %scan3A_17  : i32 {
        %mul3A_26 = arith.constant 128 : i32
        %mul3A_27 = arith.muli %scan3A_25, %mul3A_26 : i32
        %dma_start3A = tpu.memref_slice %arg8[%mul3A_27] : memref<10240xi32, #tpu.memory_space<vmem>> -> memref<128xi32, #tpu.memory_space<vmem>>
        %dma_start3A_28 = arith.constant 0 : i32
        %dma_start3A_29 = arith.constant 0 : i32
        %dma_start3A_30 = tpu.memref_slice %arg2[%dma_start3A_28, %dma_start3A_29] : memref<10000x128xf32, #tpu.memory_space<hbm>> -> memref<10000x128xf32, #tpu.memory_space<hbm>>
        tpu.enqueue_indirect_dma source(%dma_start3A_30 : memref<10000x128xf32, #tpu.memory_space<hbm>>) target(%arg10 : memref<128x128xf32, #tpu.memory_space<vmem>>) offsets(%dma_start3A : memref<128xi32, #tpu.memory_space<vmem>>) semaphore(%arg12 : memref<!tpu.dma_semaphore, #tpu.memory_space<semaphore_mem>>)
        %dma_wait3A = tpu.memref_slice %arg8[%mul3A_27] : memref<10240xi32, #tpu.memory_space<vmem>> -> memref<128xi32, #tpu.memory_space<vmem>>
        %dma_wait3A_31 = arith.constant 0 : i32
        %dma_wait3A_32 = arith.constant 0 : i32
        %dma_wait3A_33 = tpu.memref_slice %arg2[%dma_wait3A_31, %dma_wait3A_32] : memref<10000x128xf32, #tpu.memory_space<hbm>> -> memref<10000x128xf32, #tpu.memory_space<hbm>>
        tpu.wait_indirect_dma semaphore(%arg12 : memref<!tpu.dma_semaphore, #tpu.memory_space<semaphore_mem>>) src(%dma_wait3A_33 : memref<10000x128xf32, #tpu.memory_space<hbm>>) dst(%arg10 : memref<128x128xf32, #tpu.memory_space<vmem>>)
        "tpu.region"() ({
          %run_scoped3A = tpu.sem_alloc : memref<!tpu.dma_semaphore, #tpu.memory_space<semaphore_mem>>
          %dma_start3A_34 = arith.constant 0 : i32
          %dma_start3A_35 = tpu.memref_slice %arg9[%scan3A_25, %dma_start3A_34] : memref<80x128xi32, #tpu.memory_space<vmem>> -> memref<1x128xi32, #tpu.memory_space<vmem>>
          %dma_start3A_36 = tpu.memref_squeeze %dma_start3A_35 : memref<1x128xi32, #tpu.memory_space<vmem>> -> memref<128xi32, #tpu.memory_space<vmem>>
          %dma_start3A_37 = arith.constant 0 : i32
          %dma_start3A_38 = arith.constant 0 : i32
          %dma_start3A_39 = tpu.memref_slice %arg11[%dma_start3A_37, %dma_start3A_38] : memref<10240x128xf32, #tpu.memory_space<vmem_shared>> -> memref<10240x128xf32, #tpu.memory_space<vmem_shared>>
          tpu.enqueue_indirect_dma source(%arg10 : memref<128x128xf32, #tpu.memory_space<vmem>>) target(%dma_start3A_39 : memref<10240x128xf32, #tpu.memory_space<vmem_shared>>) offsets(%dma_start3A_36 : memref<128xi32, #tpu.memory_space<vmem>>) semaphore(%run_scoped3A : memref<!tpu.dma_semaphore, #tpu.memory_space<semaphore_mem>>) {add = true}
          %dma_wait3A_40 = arith.constant 0 : i32
          %dma_wait3A_41 = tpu.memref_slice %arg9[%scan3A_25, %dma_wait3A_40] : memref<80x128xi32, #tpu.memory_space<vmem>> -> memref<1x128xi32, #tpu.memory_space<vmem>>
          %dma_wait3A_42 = tpu.memref_squeeze %dma_wait3A_41 : memref<1x128xi32, #tpu.memory_space<vmem>> -> memref<128xi32, #tpu.memory_space<vmem>>
          %dma_wait3A_43 = arith.constant 0 : i32
          %dma_wait3A_44 = arith.constant 0 : i32
          %dma_wait3A_45 = tpu.memref_slice %arg11[%dma_wait3A_43, %dma_wait3A_44] : memref<10240x128xf32, #tpu.memory_space<vmem_shared>> -> memref<10240x128xf32, #tpu.memory_space<vmem_shared>>
          tpu.wait_indirect_dma semaphore(%run_scoped3A : memref<!tpu.dma_semaphore, #tpu.memory_space<semaphore_mem>>) src(%arg10 : memref<128x128xf32, #tpu.memory_space<vmem>>) dst(%dma_wait3A_45 : memref<10240x128xf32, #tpu.memory_space<vmem_shared>>)
          tpu.yield
        }) : () -> ()
      }
      %scan3A_18 = arith.constant 80 : i32
      %barrier3A_19 = arith.constant 0 : index
      tpu.barrier barrier_id(%barrier3A_19)
      %mul3A_20 = arith.constant 640 : i32
      %mul3A_21 = arith.muli %arg1, %mul3A_20 : i32
      %mul3A_22 = arith.constant 640 : i32
      %mul3A_23 = arith.muli %arg1, %mul3A_22 : i32
      "tpu.region"() ({
        %run_scoped3A = tpu.sem_alloc : memref<!tpu.dma_semaphore, #tpu.memory_space<semaphore_mem>>
        %dma_start3A = arith.constant 0 : i32
        %dma_start3A_25 = tpu.memref_slice %arg6[%add3A_3, %mul3A_23, %dma_start3A] : memref<1x10240x128xf32, #tpu.memory_space<hbm>> -> memref<1x640x128xf32, #tpu.memory_space<hbm>>
        %dma_start3A_26 = tpu.memref_squeeze %dma_start3A_25 : memref<1x640x128xf32, #tpu.memory_space<hbm>> -> memref<640x128xf32, #tpu.memory_space<hbm>>
        %dma_start3A_27 = arith.constant 0 : i32
        %dma_start3A_28 = tpu.memref_slice %arg11[%mul3A_21, %dma_start3A_27] : memref<10240x128xf32, #tpu.memory_space<vmem_shared>> -> memref<640x128xf32, #tpu.memory_space<vmem_shared>>
        tpu.enqueue_dma source(%dma_start3A_28 : memref<640x128xf32, #tpu.memory_space<vmem_shared>>) target(%dma_start3A_26 : memref<640x128xf32, #tpu.memory_space<hbm>>) target_semaphore(%run_scoped3A : memref<!tpu.dma_semaphore, #tpu.memory_space<semaphore_mem>>)
        %dma_wait3A = arith.constant 0 : i32
        %dma_wait3A_29 = tpu.memref_slice %arg6[%add3A_3, %mul3A_23, %dma_wait3A] : memref<1x10240x128xf32, #tpu.memory_space<hbm>> -> memref<1x640x128xf32, #tpu.memory_space<hbm>>
        %dma_wait3A_30 = tpu.memref_squeeze %dma_wait3A_29 : memref<1x640x128xf32, #tpu.memory_space<hbm>> -> memref<640x128xf32, #tpu.memory_space<hbm>>
        %dma_wait3A_31 = arith.constant 0 : i32
        %dma_wait3A_32 = tpu.memref_slice %arg11[%mul3A_21, %dma_wait3A_31] : memref<10240x128xf32, #tpu.memory_space<vmem_shared>> -> memref<640x128xf32, #tpu.memory_space<vmem_shared>>
        tpu.wait_dma2 semaphore(%run_scoped3A : memref<!tpu.dma_semaphore, #tpu.memory_space<semaphore_mem>>) src(%dma_wait3A_32 : memref<640x128xf32, #tpu.memory_space<vmem_shared>>) dst(%dma_wait3A_30 : memref<640x128xf32, #tpu.memory_space<hbm>>)
        tpu.yield
      }) : () -> ()
      %barrier3A_24 = arith.constant 0 : index
      tpu.barrier barrier_id(%barrier3A_24)
    } else {
    }
    return
  }
}

#map = affine_map<(d0, d1) -> (0, 0)>
#map1 = affine_map<(d0, d1) -> (0)>
#map2 = affine_map<(d0, d1) -> (0, 0, 0)>
module attributes {stable_mosaic.version = 14 : i64} {
  func.func @k(%arg0: i32, %arg1: i32, %arg2: memref<40000x128xf32, #tpu.memory_space<hbm>>, %arg3: memref<163840xi32, #tpu.memory_space<hbm>>, %arg4: memref<1280x128xi32, #tpu.memory_space<hbm>>, %arg5: memref<640x128xf32, #tpu.memory_space<hbm>>, %arg6: memref<4x10240x128xf32, #tpu.memory_space<hbm>>, %arg7: memref<10240xi32, #tpu.memory_space<vmem>>, %arg8: memref<10240xi32, #tpu.memory_space<vmem>>, %arg9: memref<80x128xi32, #tpu.memory_space<vmem>>, %arg10: memref<128x128xf32, #tpu.memory_space<vmem>>, %arg11: memref<10240x128xf32, #tpu.memory_space<vmem_shared>>, %arg12: memref<!tpu.dma_semaphore, #tpu.memory_space<semaphore_mem>>) attributes {dimension_semantics = [#tpu.dimension_semantics<core_parallel>, #tpu.dimension_semantics<subcore_parallel>], iteration_bounds = array<i64: 2, 16>, scalar_prefetch = 0 : i64, scratch_operands = 6 : i64, tpu.core_type = #tpu.core_type<sc_vector_subcore>, window_params = [{transform_indices = #map}, {transform_indices = #map1}, {transform_indices = #map}, {transform_indices = #map}, {transform_indices = #map2}]} {
    %mul3A = arith.constant 10240 : i32
    %mul3A_0 = arith.muli %arg1, %mul3A : i32
    "tpu.region"() ({
      %run_scoped3A = tpu.sem_alloc : memref<!tpu.dma_semaphore, #tpu.memory_space<semaphore_mem>>
      %dma_start3A = tpu.memref_slice %arg3[%mul3A_0] : memref<163840xi32, #tpu.memory_space<hbm>> -> memref<10240xi32, #tpu.memory_space<hbm>>
      %dma_start3A_13 = tpu.memref_slice %arg3[%mul3A_0] : memref<163840xi32, #tpu.memory_space<hbm>> -> memref<10240xi32, #tpu.memory_space<hbm>>
      tpu.enqueue_dma source(%dma_start3A_13 : memref<10240xi32, #tpu.memory_space<hbm>>) target(%arg7 : memref<10240xi32, #tpu.memory_space<vmem>>) target_semaphore(%run_scoped3A : memref<!tpu.dma_semaphore, #tpu.memory_space<semaphore_mem>>)
      %dma_wait3A = tpu.memref_slice %arg3[%mul3A_0] : memref<163840xi32, #tpu.memory_space<hbm>> -> memref<10240xi32, #tpu.memory_space<hbm>>
      %dma_wait3A_14 = tpu.memref_slice %arg3[%mul3A_0] : memref<163840xi32, #tpu.memory_space<hbm>> -> memref<10240xi32, #tpu.memory_space<hbm>>
      tpu.wait_dma2 semaphore(%run_scoped3A : memref<!tpu.dma_semaphore, #tpu.memory_space<semaphore_mem>>) src(%dma_wait3A_14 : memref<10240xi32, #tpu.memory_space<hbm>>) dst(%arg7 : memref<10240xi32, #tpu.memory_space<vmem>>)
      tpu.yield
    }) : () -> ()
    %mul3A_1 = arith.constant 80 : i32
    %mul3A_2 = arith.muli %arg1, %mul3A_1 : i32
    "tpu.region"() ({
      %run_scoped3A = tpu.sem_alloc : memref<!tpu.dma_semaphore, #tpu.memory_space<semaphore_mem>>
      %dma_start3A = arith.constant 0 : i32
      %dma_start3A_13 = tpu.memref_slice %arg4[%mul3A_2, %dma_start3A] : memref<1280x128xi32, #tpu.memory_space<hbm>> -> memref<80x128xi32, #tpu.memory_space<hbm>>
      %dma_start3A_14 = arith.constant 0 : i32
      %dma_start3A_15 = tpu.memref_slice %arg4[%mul3A_2, %dma_start3A_14] : memref<1280x128xi32, #tpu.memory_space<hbm>> -> memref<80x128xi32, #tpu.memory_space<hbm>>
      tpu.enqueue_dma source(%dma_start3A_15 : memref<80x128xi32, #tpu.memory_space<hbm>>) target(%arg9 : memref<80x128xi32, #tpu.memory_space<vmem>>) target_semaphore(%run_scoped3A : memref<!tpu.dma_semaphore, #tpu.memory_space<semaphore_mem>>)
      %dma_wait3A = arith.constant 0 : i32
      %dma_wait3A_16 = tpu.memref_slice %arg4[%mul3A_2, %dma_wait3A] : memref<1280x128xi32, #tpu.memory_space<hbm>> -> memref<80x128xi32, #tpu.memory_space<hbm>>
      %dma_wait3A_17 = arith.constant 0 : i32
      %dma_wait3A_18 = tpu.memref_slice %arg4[%mul3A_2, %dma_wait3A_17] : memref<1280x128xi32, #tpu.memory_space<hbm>> -> memref<80x128xi32, #tpu.memory_space<hbm>>
      tpu.wait_dma2 semaphore(%run_scoped3A : memref<!tpu.dma_semaphore, #tpu.memory_space<semaphore_mem>>) src(%dma_wait3A_18 : memref<80x128xi32, #tpu.memory_space<hbm>>) dst(%arg9 : memref<80x128xi32, #tpu.memory_space<vmem>>)
      tpu.yield
    }) : () -> ()
    %add3A = arith.constant 0 : i32
    %add3A_3 = arith.addi %arg0, %add3A : i32
    %lt3A = arith.constant 4 : i32
    %lt3A_4 = arith.cmpi slt, %add3A_3, %lt3A : i32
    %convert_element_type3A = arith.extui %lt3A_4 : i1 to i32
    %cond3A = arith.constant 0 : i32
    %cond3A_5 = arith.cmpi ne, %convert_element_type3A, %cond3A : i32
    scf.if %cond3A_5 {
      %mul3A_13 = arith.constant 640 : i32
      %mul3A_14 = arith.muli %arg1, %mul3A_13 : i32
      "tpu.region"() ({
        %run_scoped3A = tpu.sem_alloc : memref<!tpu.dma_semaphore, #tpu.memory_space<semaphore_mem>>
        %dma_start3A = arith.constant 0 : i32
        %dma_start3A_32 = tpu.memref_slice %arg11[%mul3A_14, %dma_start3A] : memref<10240x128xf32, #tpu.memory_space<vmem_shared>> -> memref<640x128xf32, #tpu.memory_space<vmem_shared>>
        tpu.enqueue_dma source(%arg5 : memref<640x128xf32, #tpu.memory_space<hbm>>) target(%dma_start3A_32 : memref<640x128xf32, #tpu.memory_space<vmem_shared>>) target_semaphore(%run_scoped3A : memref<!tpu.dma_semaphore, #tpu.memory_space<semaphore_mem>>)
        %dma_wait3A = arith.constant 0 : i32
        %dma_wait3A_33 = tpu.memref_slice %arg11[%mul3A_14, %dma_wait3A] : memref<10240x128xf32, #tpu.memory_space<vmem_shared>> -> memref<640x128xf32, #tpu.memory_space<vmem_shared>>
        tpu.wait_dma2 semaphore(%run_scoped3A : memref<!tpu.dma_semaphore, #tpu.memory_space<semaphore_mem>>) src(%arg5 : memref<640x128xf32, #tpu.memory_space<hbm>>) dst(%dma_wait3A_33 : memref<640x128xf32, #tpu.memory_space<vmem_shared>>)
        tpu.yield
      }) : () -> ()
      %scan3A = arith.constant 0 : i32
      %scan3A_15 = arith.constant 0 : i32
      %scan3A_16 = arith.constant 640 : i32
      %scan3A_17 = arith.addi %scan3A_15, %scan3A_16 : i32
      %scan3A_18 = arith.constant 1 : i32
      scf.for %scan3A_32 = %scan3A_15 to %scan3A_17 step %scan3A_18  : i32 {
        %mul3A_33 = arith.constant 16 : i32
        %mul3A_34 = arith.muli %scan3A_32, %mul3A_33 : i32
        %get3A = arith.index_cast %mul3A_34 : i32 to index
        %get3A_35 = tpu.vector_load %arg7[%get3A] {strides = array<i32>} : memref<10240xi32, #tpu.memory_space<vmem>>, vector<16xi32>,
        %get3A_36 = vector.shape_cast %get3A_35 : vector<16xi32> to vector<16xi32>
        %mul3A_37 = arith.constant 4 : i32
        %mul3A_38 = vector.broadcast %mul3A_37 : i32 to vector<16xi32>
        %mul3A_39 = arith.muli %get3A_36, %mul3A_38 : vector<16xi32>
        %add3A_40 = vector.broadcast %add3A_3 : i32 to vector<16xi32>
        %add3A_41 = arith.addi %mul3A_39, %add3A_40 : vector<16xi32>
        %mul3A_42 = arith.constant 16 : i32
        %mul3A_43 = arith.muli %scan3A_32, %mul3A_42 : i32
        %swap3A = arith.index_cast %mul3A_43 : i32 to index
        %swap3A_44 = tpu.vector_load %arg8[%swap3A] {strides = array<i32>} : memref<10240xi32, #tpu.memory_space<vmem>>, vector<16xi32>,
        %swap3A_45 = vector.shape_cast %swap3A_44 : vector<16xi32> to vector<16xi32>
        %swap3A_46 = vector.shape_cast %add3A_41 : vector<16xi32> to vector<16xi32>
        tpu.vector_store %arg8[%swap3A], %swap3A_46 {strides = array<i32>} : memref<10240xi32, #tpu.memory_space<vmem>>, vector<16xi32>,
      }
      %scan3A_19 = arith.constant 640 : i32
      %barrier3A = arith.constant 0 : index
      tpu.barrier barrier_id(%barrier3A)
      %scan3A_20 = arith.constant 0 : i32
      %scan3A_21 = arith.constant 0 : i32
      %scan3A_22 = arith.constant 80 : i32
      %scan3A_23 = arith.addi %scan3A_21, %scan3A_22 : i32
      %scan3A_24 = arith.constant 1 : i32
      scf.for %scan3A_32 = %scan3A_21 to %scan3A_23 step %scan3A_24  : i32 {
        %mul3A_33 = arith.constant 128 : i32
        %mul3A_34 = arith.muli %scan3A_32, %mul3A_33 : i32
        %dma_start3A = tpu.memref_slice %arg8[%mul3A_34] : memref<10240xi32, #tpu.memory_space<vmem>> -> memref<128xi32, #tpu.memory_space<vmem>>
        %dma_start3A_35 = arith.constant 0 : i32
        %dma_start3A_36 = arith.constant 0 : i32
        %dma_start3A_37 = tpu.memref_slice %arg2[%dma_start3A_35, %dma_start3A_36] : memref<40000x128xf32, #tpu.memory_space<hbm>> -> memref<40000x128xf32, #tpu.memory_space<hbm>>
        tpu.enqueue_indirect_dma source(%dma_start3A_37 : memref<40000x128xf32, #tpu.memory_space<hbm>>) target(%arg10 : memref<128x128xf32, #tpu.memory_space<vmem>>) offsets(%dma_start3A : memref<128xi32, #tpu.memory_space<vmem>>) semaphore(%arg12 : memref<!tpu.dma_semaphore, #tpu.memory_space<semaphore_mem>>)
        %dma_wait3A = tpu.memref_slice %arg8[%mul3A_34] : memref<10240xi32, #tpu.memory_space<vmem>> -> memref<128xi32, #tpu.memory_space<vmem>>
        %dma_wait3A_38 = arith.constant 0 : i32
        %dma_wait3A_39 = arith.constant 0 : i32
        %dma_wait3A_40 = tpu.memref_slice %arg2[%dma_wait3A_38, %dma_wait3A_39] : memref<40000x128xf32, #tpu.memory_space<hbm>> -> memref<40000x128xf32, #tpu.memory_space<hbm>>
        tpu.wait_indirect_dma semaphore(%arg12 : memref<!tpu.dma_semaphore, #tpu.memory_space<semaphore_mem>>) src(%dma_wait3A_40 : memref<40000x128xf32, #tpu.memory_space<hbm>>) dst(%arg10 : memref<128x128xf32, #tpu.memory_space<vmem>>)
        "tpu.region"() ({
          %run_scoped3A = tpu.sem_alloc : memref<!tpu.dma_semaphore, #tpu.memory_space<semaphore_mem>>
          %dma_start3A_41 = arith.constant 0 : i32
          %dma_start3A_42 = tpu.memref_slice %arg9[%scan3A_32, %dma_start3A_41] : memref<80x128xi32, #tpu.memory_space<vmem>> -> memref<1x128xi32, #tpu.memory_space<vmem>>
          %dma_start3A_43 = tpu.memref_squeeze %dma_start3A_42 : memref<1x128xi32, #tpu.memory_space<vmem>> -> memref<128xi32, #tpu.memory_space<vmem>>
          %dma_start3A_44 = arith.constant 0 : i32
          %dma_start3A_45 = arith.constant 0 : i32
          %dma_start3A_46 = tpu.memref_slice %arg11[%dma_start3A_44, %dma_start3A_45] : memref<10240x128xf32, #tpu.memory_space<vmem_shared>> -> memref<10240x128xf32, #tpu.memory_space<vmem_shared>>
          tpu.enqueue_indirect_dma source(%arg10 : memref<128x128xf32, #tpu.memory_space<vmem>>) target(%dma_start3A_46 : memref<10240x128xf32, #tpu.memory_space<vmem_shared>>) offsets(%dma_start3A_43 : memref<128xi32, #tpu.memory_space<vmem>>) semaphore(%run_scoped3A : memref<!tpu.dma_semaphore, #tpu.memory_space<semaphore_mem>>) {add = true}
          %dma_wait3A_47 = arith.constant 0 : i32
          %dma_wait3A_48 = tpu.memref_slice %arg9[%scan3A_32, %dma_wait3A_47] : memref<80x128xi32, #tpu.memory_space<vmem>> -> memref<1x128xi32, #tpu.memory_space<vmem>>
          %dma_wait3A_49 = tpu.memref_squeeze %dma_wait3A_48 : memref<1x128xi32, #tpu.memory_space<vmem>> -> memref<128xi32, #tpu.memory_space<vmem>>
          %dma_wait3A_50 = arith.constant 0 : i32
          %dma_wait3A_51 = arith.constant 0 : i32
          %dma_wait3A_52 = tpu.memref_slice %arg11[%dma_wait3A_50, %dma_wait3A_51] : memref<10240x128xf32, #tpu.memory_space<vmem_shared>> -> memref<10240x128xf32, #tpu.memory_space<vmem_shared>>
          tpu.wait_indirect_dma semaphore(%run_scoped3A : memref<!tpu.dma_semaphore, #tpu.memory_space<semaphore_mem>>) src(%arg10 : memref<128x128xf32, #tpu.memory_space<vmem>>) dst(%dma_wait3A_52 : memref<10240x128xf32, #tpu.memory_space<vmem_shared>>)
          tpu.yield
        }) : () -> ()
      }
      %scan3A_25 = arith.constant 80 : i32
      %barrier3A_26 = arith.constant 0 : index
      tpu.barrier barrier_id(%barrier3A_26)
      %mul3A_27 = arith.constant 640 : i32
      %mul3A_28 = arith.muli %arg1, %mul3A_27 : i32
      %mul3A_29 = arith.constant 640 : i32
      %mul3A_30 = arith.muli %arg1, %mul3A_29 : i32
      "tpu.region"() ({
        %run_scoped3A = tpu.sem_alloc : memref<!tpu.dma_semaphore, #tpu.memory_space<semaphore_mem>>
        %dma_start3A = arith.constant 0 : i32
        %dma_start3A_32 = tpu.memref_slice %arg6[%add3A_3, %mul3A_30, %dma_start3A] : memref<4x10240x128xf32, #tpu.memory_space<hbm>> -> memref<1x640x128xf32, #tpu.memory_space<hbm>>
        %dma_start3A_33 = tpu.memref_squeeze %dma_start3A_32 : memref<1x640x128xf32, #tpu.memory_space<hbm>> -> memref<640x128xf32, #tpu.memory_space<hbm>>
        %dma_start3A_34 = arith.constant 0 : i32
        %dma_start3A_35 = tpu.memref_slice %arg11[%mul3A_28, %dma_start3A_34] : memref<10240x128xf32, #tpu.memory_space<vmem_shared>> -> memref<640x128xf32, #tpu.memory_space<vmem_shared>>
        tpu.enqueue_dma source(%dma_start3A_35 : memref<640x128xf32, #tpu.memory_space<vmem_shared>>) target(%dma_start3A_33 : memref<640x128xf32, #tpu.memory_space<hbm>>) target_semaphore(%run_scoped3A : memref<!tpu.dma_semaphore, #tpu.memory_space<semaphore_mem>>)
        %dma_wait3A = arith.constant 0 : i32
        %dma_wait3A_36 = tpu.memref_slice %arg6[%add3A_3, %mul3A_30, %dma_wait3A] : memref<4x10240x128xf32, #tpu.memory_space<hbm>> -> memref<1x640x128xf32, #tpu.memory_space<hbm>>
        %dma_wait3A_37 = tpu.memref_squeeze %dma_wait3A_36 : memref<1x640x128xf32, #tpu.memory_space<hbm>> -> memref<640x128xf32, #tpu.memory_space<hbm>>
        %dma_wait3A_38 = arith.constant 0 : i32
        %dma_wait3A_39 = tpu.memref_slice %arg11[%mul3A_28, %dma_wait3A_38] : memref<10240x128xf32, #tpu.memory_space<vmem_shared>> -> memref<640x128xf32, #tpu.memory_space<vmem_shared>>
        tpu.wait_dma2 semaphore(%run_scoped3A : memref<!tpu.dma_semaphore, #tpu.memory_space<semaphore_mem>>) src(%dma_wait3A_39 : memref<640x128xf32, #tpu.memory_space<vmem_shared>>) dst(%dma_wait3A_37 : memref<640x128xf32, #tpu.memory_space<hbm>>)
        tpu.yield
      }) : () -> ()
      %barrier3A_31 = arith.constant 0 : index
      tpu.barrier barrier_id(%barrier3A_31)
    } else {
    }
    %add3A_6 = arith.constant 2 : i32
    %add3A_7 = arith.addi %arg0, %add3A_6 : i32
    %lt3A_8 = arith.constant 4 : i32
    %lt3A_9 = arith.cmpi slt, %add3A_7, %lt3A_8 : i32
    %convert_element_type3A_10 = arith.extui %lt3A_9 : i1 to i32
    %cond3A_11 = arith.constant 0 : i32
    %cond3A_12 = arith.cmpi ne, %convert_element_type3A_10, %cond3A_11 : i32
    scf.if %cond3A_12 {
      %mul3A_13 = arith.constant 640 : i32
      %mul3A_14 = arith.muli %arg1, %mul3A_13 : i32
      "tpu.region"() ({
        %run_scoped3A = tpu.sem_alloc : memref<!tpu.dma_semaphore, #tpu.memory_space<semaphore_mem>>
        %dma_start3A = arith.constant 0 : i32
        %dma_start3A_32 = tpu.memref_slice %arg11[%mul3A_14, %dma_start3A] : memref<10240x128xf32, #tpu.memory_space<vmem_shared>> -> memref<640x128xf32, #tpu.memory_space<vmem_shared>>
        tpu.enqueue_dma source(%arg5 : memref<640x128xf32, #tpu.memory_space<hbm>>) target(%dma_start3A_32 : memref<640x128xf32, #tpu.memory_space<vmem_shared>>) target_semaphore(%run_scoped3A : memref<!tpu.dma_semaphore, #tpu.memory_space<semaphore_mem>>)
        %dma_wait3A = arith.constant 0 : i32
        %dma_wait3A_33 = tpu.memref_slice %arg11[%mul3A_14, %dma_wait3A] : memref<10240x128xf32, #tpu.memory_space<vmem_shared>> -> memref<640x128xf32, #tpu.memory_space<vmem_shared>>
        tpu.wait_dma2 semaphore(%run_scoped3A : memref<!tpu.dma_semaphore, #tpu.memory_space<semaphore_mem>>) src(%arg5 : memref<640x128xf32, #tpu.memory_space<hbm>>) dst(%dma_wait3A_33 : memref<640x128xf32, #tpu.memory_space<vmem_shared>>)
        tpu.yield
      }) : () -> ()
      %scan3A = arith.constant 0 : i32
      %scan3A_15 = arith.constant 0 : i32
      %scan3A_16 = arith.constant 640 : i32
      %scan3A_17 = arith.addi %scan3A_15, %scan3A_16 : i32
      %scan3A_18 = arith.constant 1 : i32
      scf.for %scan3A_32 = %scan3A_15 to %scan3A_17 step %scan3A_18  : i32 {
        %mul3A_33 = arith.constant 16 : i32
        %mul3A_34 = arith.muli %scan3A_32, %mul3A_33 : i32
        %get3A = arith.index_cast %mul3A_34 : i32 to index
        %get3A_35 = tpu.vector_load %arg7[%get3A] {strides = array<i32>} : memref<10240xi32, #tpu.memory_space<vmem>>, vector<16xi32>,
        %get3A_36 = vector.shape_cast %get3A_35 : vector<16xi32> to vector<16xi32>
        %mul3A_37 = arith.constant 4 : i32
        %mul3A_38 = vector.broadcast %mul3A_37 : i32 to vector<16xi32>
        %mul3A_39 = arith.muli %get3A_36, %mul3A_38 : vector<16xi32>
        %add3A_40 = vector.broadcast %add3A_7 : i32 to vector<16xi32>
        %add3A_41 = arith.addi %mul3A_39, %add3A_40 : vector<16xi32>
        %mul3A_42 = arith.constant 16 : i32
        %mul3A_43 = arith.muli %scan3A_32, %mul3A_42 : i32
        %swap3A = arith.index_cast %mul3A_43 : i32 to index
        %swap3A_44 = tpu.vector_load %arg8[%swap3A] {strides = array<i32>} : memref<10240xi32, #tpu.memory_space<vmem>>, vector<16xi32>,
        %swap3A_45 = vector.shape_cast %swap3A_44 : vector<16xi32> to vector<16xi32>
        %swap3A_46 = vector.shape_cast %add3A_41 : vector<16xi32> to vector<16xi32>
        tpu.vector_store %arg8[%swap3A], %swap3A_46 {strides = array<i32>} : memref<10240xi32, #tpu.memory_space<vmem>>, vector<16xi32>,
      }
      %scan3A_19 = arith.constant 640 : i32
      %barrier3A = arith.constant 0 : index
      tpu.barrier barrier_id(%barrier3A)
      %scan3A_20 = arith.constant 0 : i32
      %scan3A_21 = arith.constant 0 : i32
      %scan3A_22 = arith.constant 80 : i32
      %scan3A_23 = arith.addi %scan3A_21, %scan3A_22 : i32
      %scan3A_24 = arith.constant 1 : i32
      scf.for %scan3A_32 = %scan3A_21 to %scan3A_23 step %scan3A_24  : i32 {
        %mul3A_33 = arith.constant 128 : i32
        %mul3A_34 = arith.muli %scan3A_32, %mul3A_33 : i32
        %dma_start3A = tpu.memref_slice %arg8[%mul3A_34] : memref<10240xi32, #tpu.memory_space<vmem>> -> memref<128xi32, #tpu.memory_space<vmem>>
        %dma_start3A_35 = arith.constant 0 : i32
        %dma_start3A_36 = arith.constant 0 : i32
        %dma_start3A_37 = tpu.memref_slice %arg2[%dma_start3A_35, %dma_start3A_36] : memref<40000x128xf32, #tpu.memory_space<hbm>> -> memref<40000x128xf32, #tpu.memory_space<hbm>>
        tpu.enqueue_indirect_dma source(%dma_start3A_37 : memref<40000x128xf32, #tpu.memory_space<hbm>>) target(%arg10 : memref<128x128xf32, #tpu.memory_space<vmem>>) offsets(%dma_start3A : memref<128xi32, #tpu.memory_space<vmem>>) semaphore(%arg12 : memref<!tpu.dma_semaphore, #tpu.memory_space<semaphore_mem>>)
        %dma_wait3A = tpu.memref_slice %arg8[%mul3A_34] : memref<10240xi32, #tpu.memory_space<vmem>> -> memref<128xi32, #tpu.memory_space<vmem>>
        %dma_wait3A_38 = arith.constant 0 : i32
        %dma_wait3A_39 = arith.constant 0 : i32
        %dma_wait3A_40 = tpu.memref_slice %arg2[%dma_wait3A_38, %dma_wait3A_39] : memref<40000x128xf32, #tpu.memory_space<hbm>> -> memref<40000x128xf32, #tpu.memory_space<hbm>>
        tpu.wait_indirect_dma semaphore(%arg12 : memref<!tpu.dma_semaphore, #tpu.memory_space<semaphore_mem>>) src(%dma_wait3A_40 : memref<40000x128xf32, #tpu.memory_space<hbm>>) dst(%arg10 : memref<128x128xf32, #tpu.memory_space<vmem>>)
        "tpu.region"() ({
          %run_scoped3A = tpu.sem_alloc : memref<!tpu.dma_semaphore, #tpu.memory_space<semaphore_mem>>
          %dma_start3A_41 = arith.constant 0 : i32
          %dma_start3A_42 = tpu.memref_slice %arg9[%scan3A_32, %dma_start3A_41] : memref<80x128xi32, #tpu.memory_space<vmem>> -> memref<1x128xi32, #tpu.memory_space<vmem>>
          %dma_start3A_43 = tpu.memref_squeeze %dma_start3A_42 : memref<1x128xi32, #tpu.memory_space<vmem>> -> memref<128xi32, #tpu.memory_space<vmem>>
          %dma_start3A_44 = arith.constant 0 : i32
          %dma_start3A_45 = arith.constant 0 : i32
          %dma_start3A_46 = tpu.memref_slice %arg11[%dma_start3A_44, %dma_start3A_45] : memref<10240x128xf32, #tpu.memory_space<vmem_shared>> -> memref<10240x128xf32, #tpu.memory_space<vmem_shared>>
          tpu.enqueue_indirect_dma source(%arg10 : memref<128x128xf32, #tpu.memory_space<vmem>>) target(%dma_start3A_46 : memref<10240x128xf32, #tpu.memory_space<vmem_shared>>) offsets(%dma_start3A_43 : memref<128xi32, #tpu.memory_space<vmem>>) semaphore(%run_scoped3A : memref<!tpu.dma_semaphore, #tpu.memory_space<semaphore_mem>>) {add = true}
          %dma_wait3A_47 = arith.constant 0 : i32
          %dma_wait3A_48 = tpu.memref_slice %arg9[%scan3A_32, %dma_wait3A_47] : memref<80x128xi32, #tpu.memory_space<vmem>> -> memref<1x128xi32, #tpu.memory_space<vmem>>
          %dma_wait3A_49 = tpu.memref_squeeze %dma_wait3A_48 : memref<1x128xi32, #tpu.memory_space<vmem>> -> memref<128xi32, #tpu.memory_space<vmem>>
          %dma_wait3A_50 = arith.constant 0 : i32
          %dma_wait3A_51 = arith.constant 0 : i32
          %dma_wait3A_52 = tpu.memref_slice %arg11[%dma_wait3A_50, %dma_wait3A_51] : memref<10240x128xf32, #tpu.memory_space<vmem_shared>> -> memref<10240x128xf32, #tpu.memory_space<vmem_shared>>
          tpu.wait_indirect_dma semaphore(%run_scoped3A : memref<!tpu.dma_semaphore, #tpu.memory_space<semaphore_mem>>) src(%arg10 : memref<128x128xf32, #tpu.memory_space<vmem>>) dst(%dma_wait3A_52 : memref<10240x128xf32, #tpu.memory_space<vmem_shared>>)
          tpu.yield
        }) : () -> ()
      }
      %scan3A_25 = arith.constant 80 : i32
      %barrier3A_26 = arith.constant 0 : index
      tpu.barrier barrier_id(%barrier3A_26)
      %mul3A_27 = arith.constant 640 : i32
      %mul3A_28 = arith.muli %arg1, %mul3A_27 : i32
      %mul3A_29 = arith.constant 640 : i32
      %mul3A_30 = arith.muli %arg1, %mul3A_29 : i32
      "tpu.region"() ({
        %run_scoped3A = tpu.sem_alloc : memref<!tpu.dma_semaphore, #tpu.memory_space<semaphore_mem>>
        %dma_start3A = arith.constant 0 : i32
        %dma_start3A_32 = tpu.memref_slice %arg6[%add3A_7, %mul3A_30, %dma_start3A] : memref<4x10240x128xf32, #tpu.memory_space<hbm>> -> memref<1x640x128xf32, #tpu.memory_space<hbm>>
        %dma_start3A_33 = tpu.memref_squeeze %dma_start3A_32 : memref<1x640x128xf32, #tpu.memory_space<hbm>> -> memref<640x128xf32, #tpu.memory_space<hbm>>
        %dma_start3A_34 = arith.constant 0 : i32
        %dma_start3A_35 = tpu.memref_slice %arg11[%mul3A_28, %dma_start3A_34] : memref<10240x128xf32, #tpu.memory_space<vmem_shared>> -> memref<640x128xf32, #tpu.memory_space<vmem_shared>>
        tpu.enqueue_dma source(%dma_start3A_35 : memref<640x128xf32, #tpu.memory_space<vmem_shared>>) target(%dma_start3A_33 : memref<640x128xf32, #tpu.memory_space<hbm>>) target_semaphore(%run_scoped3A : memref<!tpu.dma_semaphore, #tpu.memory_space<semaphore_mem>>)
        %dma_wait3A = arith.constant 0 : i32
        %dma_wait3A_36 = tpu.memref_slice %arg6[%add3A_7, %mul3A_30, %dma_wait3A] : memref<4x10240x128xf32, #tpu.memory_space<hbm>> -> memref<1x640x128xf32, #tpu.memory_space<hbm>>
        %dma_wait3A_37 = tpu.memref_squeeze %dma_wait3A_36 : memref<1x640x128xf32, #tpu.memory_space<hbm>> -> memref<640x128xf32, #tpu.memory_space<hbm>>
        %dma_wait3A_38 = arith.constant 0 : i32
        %dma_wait3A_39 = tpu.memref_slice %arg11[%mul3A_28, %dma_wait3A_38] : memref<10240x128xf32, #tpu.memory_space<vmem_shared>> -> memref<640x128xf32, #tpu.memory_space<vmem_shared>>
        tpu.wait_dma2 semaphore(%run_scoped3A : memref<!tpu.dma_semaphore, #tpu.memory_space<semaphore_mem>>) src(%dma_wait3A_39 : memref<640x128xf32, #tpu.memory_space<vmem_shared>>) dst(%dma_wait3A_37 : memref<640x128xf32, #tpu.memory_space<hbm>>)
        tpu.yield
      }) : () -> ()
      %barrier3A_31 = arith.constant 0 : index
      tpu.barrier barrier_id(%barrier3A_31)
    } else {
    }
    return
  }
}

#map = affine_map<(d0, d1) -> (0, 0)>
#map1 = affine_map<(d0, d1) -> (0)>
#map2 = affine_map<(d0, d1) -> (0, 0, 0)>
module attributes {stable_mosaic.version = 14 : i64} {
  func.func @k(%arg0: i32, %arg1: i32, %arg2: memref<20000x128xf32, #tpu.memory_space<hbm>>, %arg3: memref<163840xi32, #tpu.memory_space<hbm>>, %arg4: memref<1280x128xi32, #tpu.memory_space<hbm>>, %arg5: memref<640x128xf32, #tpu.memory_space<hbm>>, %arg6: memref<2x10240x128xf32, #tpu.memory_space<hbm>>, %arg7: memref<10240xi32, #tpu.memory_space<vmem>>, %arg8: memref<10240xi32, #tpu.memory_space<vmem>>, %arg9: memref<80x128xi32, #tpu.memory_space<vmem>>, %arg10: memref<128x128xf32, #tpu.memory_space<vmem>>, %arg11: memref<10240x128xf32, #tpu.memory_space<vmem_shared>>, %arg12: memref<!tpu.dma_semaphore, #tpu.memory_space<semaphore_mem>>) attributes {dimension_semantics = [#tpu.dimension_semantics<core_parallel>, #tpu.dimension_semantics<subcore_parallel>], iteration_bounds = array<i64: 2, 16>, scalar_prefetch = 0 : i64, scratch_operands = 6 : i64, tpu.core_type = #tpu.core_type<sc_vector_subcore>, window_params = [{transform_indices = #map}, {transform_indices = #map1}, {transform_indices = #map}, {transform_indices = #map}, {transform_indices = #map2}]} {
    %mul3A = arith.constant 10240 : i32
    %mul3A_0 = arith.muli %arg1, %mul3A : i32
    "tpu.region"() ({
      %run_scoped3A = tpu.sem_alloc : memref<!tpu.dma_semaphore, #tpu.memory_space<semaphore_mem>>
      %dma_start3A = tpu.memref_slice %arg3[%mul3A_0] : memref<163840xi32, #tpu.memory_space<hbm>> -> memref<10240xi32, #tpu.memory_space<hbm>>
      %dma_start3A_6 = tpu.memref_slice %arg3[%mul3A_0] : memref<163840xi32, #tpu.memory_space<hbm>> -> memref<10240xi32, #tpu.memory_space<hbm>>
      tpu.enqueue_dma source(%dma_start3A_6 : memref<10240xi32, #tpu.memory_space<hbm>>) target(%arg7 : memref<10240xi32, #tpu.memory_space<vmem>>) target_semaphore(%run_scoped3A : memref<!tpu.dma_semaphore, #tpu.memory_space<semaphore_mem>>)
      %dma_wait3A = tpu.memref_slice %arg3[%mul3A_0] : memref<163840xi32, #tpu.memory_space<hbm>> -> memref<10240xi32, #tpu.memory_space<hbm>>
      %dma_wait3A_7 = tpu.memref_slice %arg3[%mul3A_0] : memref<163840xi32, #tpu.memory_space<hbm>> -> memref<10240xi32, #tpu.memory_space<hbm>>
      tpu.wait_dma2 semaphore(%run_scoped3A : memref<!tpu.dma_semaphore, #tpu.memory_space<semaphore_mem>>) src(%dma_wait3A_7 : memref<10240xi32, #tpu.memory_space<hbm>>) dst(%arg7 : memref<10240xi32, #tpu.memory_space<vmem>>)
      tpu.yield
    }) : () -> ()
    %mul3A_1 = arith.constant 80 : i32
    %mul3A_2 = arith.muli %arg1, %mul3A_1 : i32
    "tpu.region"() ({
      %run_scoped3A = tpu.sem_alloc : memref<!tpu.dma_semaphore, #tpu.memory_space<semaphore_mem>>
      %dma_start3A = arith.constant 0 : i32
      %dma_start3A_6 = tpu.memref_slice %arg4[%mul3A_2, %dma_start3A] : memref<1280x128xi32, #tpu.memory_space<hbm>> -> memref<80x128xi32, #tpu.memory_space<hbm>>
      %dma_start3A_7 = arith.constant 0 : i32
      %dma_start3A_8 = tpu.memref_slice %arg4[%mul3A_2, %dma_start3A_7] : memref<1280x128xi32, #tpu.memory_space<hbm>> -> memref<80x128xi32, #tpu.memory_space<hbm>>
      tpu.enqueue_dma source(%dma_start3A_8 : memref<80x128xi32, #tpu.memory_space<hbm>>) target(%arg9 : memref<80x128xi32, #tpu.memory_space<vmem>>) target_semaphore(%run_scoped3A : memref<!tpu.dma_semaphore, #tpu.memory_space<semaphore_mem>>)
      %dma_wait3A = arith.constant 0 : i32
      %dma_wait3A_9 = tpu.memref_slice %arg4[%mul3A_2, %dma_wait3A] : memref<1280x128xi32, #tpu.memory_space<hbm>> -> memref<80x128xi32, #tpu.memory_space<hbm>>
      %dma_wait3A_10 = arith.constant 0 : i32
      %dma_wait3A_11 = tpu.memref_slice %arg4[%mul3A_2, %dma_wait3A_10] : memref<1280x128xi32, #tpu.memory_space<hbm>> -> memref<80x128xi32, #tpu.memory_space<hbm>>
      tpu.wait_dma2 semaphore(%run_scoped3A : memref<!tpu.dma_semaphore, #tpu.memory_space<semaphore_mem>>) src(%dma_wait3A_11 : memref<80x128xi32, #tpu.memory_space<hbm>>) dst(%arg9 : memref<80x128xi32, #tpu.memory_space<vmem>>)
      tpu.yield
    }) : () -> ()
    %add3A = arith.constant 0 : i32
    %add3A_3 = arith.addi %arg0, %add3A : i32
    %lt3A = arith.constant 2 : i32
    %lt3A_4 = arith.cmpi slt, %add3A_3, %lt3A : i32
    %convert_element_type3A = arith.extui %lt3A_4 : i1 to i32
    %cond3A = arith.constant 0 : i32
    %cond3A_5 = arith.cmpi ne, %convert_element_type3A, %cond3A : i32
    scf.if %cond3A_5 {
      %mul3A_6 = arith.constant 640 : i32
      %mul3A_7 = arith.muli %arg1, %mul3A_6 : i32
      "tpu.region"() ({
        %run_scoped3A = tpu.sem_alloc : memref<!tpu.dma_semaphore, #tpu.memory_space<semaphore_mem>>
        %dma_start3A = arith.constant 0 : i32
        %dma_start3A_25 = tpu.memref_slice %arg11[%mul3A_7, %dma_start3A] : memref<10240x128xf32, #tpu.memory_space<vmem_shared>> -> memref<640x128xf32, #tpu.memory_space<vmem_shared>>
        tpu.enqueue_dma source(%arg5 : memref<640x128xf32, #tpu.memory_space<hbm>>) target(%dma_start3A_25 : memref<640x128xf32, #tpu.memory_space<vmem_shared>>) target_semaphore(%run_scoped3A : memref<!tpu.dma_semaphore, #tpu.memory_space<semaphore_mem>>)
        %dma_wait3A = arith.constant 0 : i32
        %dma_wait3A_26 = tpu.memref_slice %arg11[%mul3A_7, %dma_wait3A] : memref<10240x128xf32, #tpu.memory_space<vmem_shared>> -> memref<640x128xf32, #tpu.memory_space<vmem_shared>>
        tpu.wait_dma2 semaphore(%run_scoped3A : memref<!tpu.dma_semaphore, #tpu.memory_space<semaphore_mem>>) src(%arg5 : memref<640x128xf32, #tpu.memory_space<hbm>>) dst(%dma_wait3A_26 : memref<640x128xf32, #tpu.memory_space<vmem_shared>>)
        tpu.yield
      }) : () -> ()
      %scan3A = arith.constant 0 : i32
      %scan3A_8 = arith.constant 0 : i32
      %scan3A_9 = arith.constant 640 : i32
      %scan3A_10 = arith.addi %scan3A_8, %scan3A_9 : i32
      %scan3A_11 = arith.constant 1 : i32
      scf.for %scan3A_25 = %scan3A_8 to %scan3A_10 step %scan3A_11  : i32 {
        %mul3A_26 = arith.constant 16 : i32
        %mul3A_27 = arith.muli %scan3A_25, %mul3A_26 : i32
        %get3A = arith.index_cast %mul3A_27 : i32 to index
        %get3A_28 = tpu.vector_load %arg7[%get3A] {strides = array<i32>} : memref<10240xi32, #tpu.memory_space<vmem>>, vector<16xi32>,
        %get3A_29 = vector.shape_cast %get3A_28 : vector<16xi32> to vector<16xi32>
        %mul3A_30 = arith.constant 2 : i32
        %mul3A_31 = vector.broadcast %mul3A_30 : i32 to vector<16xi32>
        %mul3A_32 = arith.muli %get3A_29, %mul3A_31 : vector<16xi32>
        %add3A_33 = vector.broadcast %add3A_3 : i32 to vector<16xi32>
        %add3A_34 = arith.addi %mul3A_32, %add3A_33 : vector<16xi32>
        %mul3A_35 = arith.constant 16 : i32
        %mul3A_36 = arith.muli %scan3A_25, %mul3A_35 : i32
        %swap3A = arith.index_cast %mul3A_36 : i32 to index
        %swap3A_37 = tpu.vector_load %arg8[%swap3A] {strides = array<i32>} : memref<10240xi32, #tpu.memory_space<vmem>>, vector<16xi32>,
        %swap3A_38 = vector.shape_cast %swap3A_37 : vector<16xi32> to vector<16xi32>
        %swap3A_39 = vector.shape_cast %add3A_34 : vector<16xi32> to vector<16xi32>
        tpu.vector_store %arg8[%swap3A], %swap3A_39 {strides = array<i32>} : memref<10240xi32, #tpu.memory_space<vmem>>, vector<16xi32>,
      }
      %scan3A_12 = arith.constant 640 : i32
      %barrier3A = arith.constant 0 : index
      tpu.barrier barrier_id(%barrier3A)
      %scan3A_13 = arith.constant 0 : i32
      %scan3A_14 = arith.constant 0 : i32
      %scan3A_15 = arith.constant 80 : i32
      %scan3A_16 = arith.addi %scan3A_14, %scan3A_15 : i32
      %scan3A_17 = arith.constant 1 : i32
      scf.for %scan3A_25 = %scan3A_14 to %scan3A_16 step %scan3A_17  : i32 {
        %mul3A_26 = arith.constant 128 : i32
        %mul3A_27 = arith.muli %scan3A_25, %mul3A_26 : i32
        %dma_start3A = tpu.memref_slice %arg8[%mul3A_27] : memref<10240xi32, #tpu.memory_space<vmem>> -> memref<128xi32, #tpu.memory_space<vmem>>
        %dma_start3A_28 = arith.constant 0 : i32
        %dma_start3A_29 = arith.constant 0 : i32
        %dma_start3A_30 = tpu.memref_slice %arg2[%dma_start3A_28, %dma_start3A_29] : memref<20000x128xf32, #tpu.memory_space<hbm>> -> memref<20000x128xf32, #tpu.memory_space<hbm>>
        tpu.enqueue_indirect_dma source(%dma_start3A_30 : memref<20000x128xf32, #tpu.memory_space<hbm>>) target(%arg10 : memref<128x128xf32, #tpu.memory_space<vmem>>) offsets(%dma_start3A : memref<128xi32, #tpu.memory_space<vmem>>) semaphore(%arg12 : memref<!tpu.dma_semaphore, #tpu.memory_space<semaphore_mem>>)
        %dma_wait3A = tpu.memref_slice %arg8[%mul3A_27] : memref<10240xi32, #tpu.memory_space<vmem>> -> memref<128xi32, #tpu.memory_space<vmem>>
        %dma_wait3A_31 = arith.constant 0 : i32
        %dma_wait3A_32 = arith.constant 0 : i32
        %dma_wait3A_33 = tpu.memref_slice %arg2[%dma_wait3A_31, %dma_wait3A_32] : memref<20000x128xf32, #tpu.memory_space<hbm>> -> memref<20000x128xf32, #tpu.memory_space<hbm>>
        tpu.wait_indirect_dma semaphore(%arg12 : memref<!tpu.dma_semaphore, #tpu.memory_space<semaphore_mem>>) src(%dma_wait3A_33 : memref<20000x128xf32, #tpu.memory_space<hbm>>) dst(%arg10 : memref<128x128xf32, #tpu.memory_space<vmem>>)
        "tpu.region"() ({
          %run_scoped3A = tpu.sem_alloc : memref<!tpu.dma_semaphore, #tpu.memory_space<semaphore_mem>>
          %dma_start3A_34 = arith.constant 0 : i32
          %dma_start3A_35 = tpu.memref_slice %arg9[%scan3A_25, %dma_start3A_34] : memref<80x128xi32, #tpu.memory_space<vmem>> -> memref<1x128xi32, #tpu.memory_space<vmem>>
          %dma_start3A_36 = tpu.memref_squeeze %dma_start3A_35 : memref<1x128xi32, #tpu.memory_space<vmem>> -> memref<128xi32, #tpu.memory_space<vmem>>
          %dma_start3A_37 = arith.constant 0 : i32
          %dma_start3A_38 = arith.constant 0 : i32
          %dma_start3A_39 = tpu.memref_slice %arg11[%dma_start3A_37, %dma_start3A_38] : memref<10240x128xf32, #tpu.memory_space<vmem_shared>> -> memref<10240x128xf32, #tpu.memory_space<vmem_shared>>
          tpu.enqueue_indirect_dma source(%arg10 : memref<128x128xf32, #tpu.memory_space<vmem>>) target(%dma_start3A_39 : memref<10240x128xf32, #tpu.memory_space<vmem_shared>>) offsets(%dma_start3A_36 : memref<128xi32, #tpu.memory_space<vmem>>) semaphore(%run_scoped3A : memref<!tpu.dma_semaphore, #tpu.memory_space<semaphore_mem>>) {add = true}
          %dma_wait3A_40 = arith.constant 0 : i32
          %dma_wait3A_41 = tpu.memref_slice %arg9[%scan3A_25, %dma_wait3A_40] : memref<80x128xi32, #tpu.memory_space<vmem>> -> memref<1x128xi32, #tpu.memory_space<vmem>>
          %dma_wait3A_42 = tpu.memref_squeeze %dma_wait3A_41 : memref<1x128xi32, #tpu.memory_space<vmem>> -> memref<128xi32, #tpu.memory_space<vmem>>
          %dma_wait3A_43 = arith.constant 0 : i32
          %dma_wait3A_44 = arith.constant 0 : i32
          %dma_wait3A_45 = tpu.memref_slice %arg11[%dma_wait3A_43, %dma_wait3A_44] : memref<10240x128xf32, #tpu.memory_space<vmem_shared>> -> memref<10240x128xf32, #tpu.memory_space<vmem_shared>>
          tpu.wait_indirect_dma semaphore(%run_scoped3A : memref<!tpu.dma_semaphore, #tpu.memory_space<semaphore_mem>>) src(%arg10 : memref<128x128xf32, #tpu.memory_space<vmem>>) dst(%dma_wait3A_45 : memref<10240x128xf32, #tpu.memory_space<vmem_shared>>)
          tpu.yield
        }) : () -> ()
      }
      %scan3A_18 = arith.constant 80 : i32
      %barrier3A_19 = arith.constant 0 : index
      tpu.barrier barrier_id(%barrier3A_19)
      %mul3A_20 = arith.constant 640 : i32
      %mul3A_21 = arith.muli %arg1, %mul3A_20 : i32
      %mul3A_22 = arith.constant 640 : i32
      %mul3A_23 = arith.muli %arg1, %mul3A_22 : i32
      "tpu.region"() ({
        %run_scoped3A = tpu.sem_alloc : memref<!tpu.dma_semaphore, #tpu.memory_space<semaphore_mem>>
        %dma_start3A = arith.constant 0 : i32
        %dma_start3A_25 = tpu.memref_slice %arg6[%add3A_3, %mul3A_23, %dma_start3A] : memref<2x10240x128xf32, #tpu.memory_space<hbm>> -> memref<1x640x128xf32, #tpu.memory_space<hbm>>
        %dma_start3A_26 = tpu.memref_squeeze %dma_start3A_25 : memref<1x640x128xf32, #tpu.memory_space<hbm>> -> memref<640x128xf32, #tpu.memory_space<hbm>>
        %dma_start3A_27 = arith.constant 0 : i32
        %dma_start3A_28 = tpu.memref_slice %arg11[%mul3A_21, %dma_start3A_27] : memref<10240x128xf32, #tpu.memory_space<vmem_shared>> -> memref<640x128xf32, #tpu.memory_space<vmem_shared>>
        tpu.enqueue_dma source(%dma_start3A_28 : memref<640x128xf32, #tpu.memory_space<vmem_shared>>) target(%dma_start3A_26 : memref<640x128xf32, #tpu.memory_space<hbm>>) target_semaphore(%run_scoped3A : memref<!tpu.dma_semaphore, #tpu.memory_space<semaphore_mem>>)
        %dma_wait3A = arith.constant 0 : i32
        %dma_wait3A_29 = tpu.memref_slice %arg6[%add3A_3, %mul3A_23, %dma_wait3A] : memref<2x10240x128xf32, #tpu.memory_space<hbm>> -> memref<1x640x128xf32, #tpu.memory_space<hbm>>
        %dma_wait3A_30 = tpu.memref_squeeze %dma_wait3A_29 : memref<1x640x128xf32, #tpu.memory_space<hbm>> -> memref<640x128xf32, #tpu.memory_space<hbm>>
        %dma_wait3A_31 = arith.constant 0 : i32
        %dma_wait3A_32 = tpu.memref_slice %arg11[%mul3A_21, %dma_wait3A_31] : memref<10240x128xf32, #tpu.memory_space<vmem_shared>> -> memref<640x128xf32, #tpu.memory_space<vmem_shared>>
        tpu.wait_dma2 semaphore(%run_scoped3A : memref<!tpu.dma_semaphore, #tpu.memory_space<semaphore_mem>>) src(%dma_wait3A_32 : memref<640x128xf32, #tpu.memory_space<vmem_shared>>) dst(%dma_wait3A_30 : memref<640x128xf32, #tpu.memory_space<hbm>>)
        tpu.yield
      }) : () -> ()
      %barrier3A_24 = arith.constant 0 : index
      tpu.barrier barrier_id(%barrier3A_24)
    } else {
    }
    return
  }
}

#map = affine_map<(d0, d1) -> (0, 0)>
#map1 = affine_map<(d0, d1) -> (0)>
#map2 = affine_map<(d0, d1) -> (0, 0, 0)>
module attributes {stable_mosaic.version = 14 : i64} {
  func.func @k(%arg0: i32, %arg1: i32, %arg2: memref<40000x128xf32, #tpu.memory_space<hbm>>, %arg3: memref<163840xi32, #tpu.memory_space<hbm>>, %arg4: memref<1280x128xi32, #tpu.memory_space<hbm>>, %arg5: memref<640x128xf32, #tpu.memory_space<hbm>>, %arg6: memref<4x10240x128xf32, #tpu.memory_space<hbm>>, %arg7: memref<10240xi32, #tpu.memory_space<vmem>>, %arg8: memref<10240xi32, #tpu.memory_space<vmem>>, %arg9: memref<80x128xi32, #tpu.memory_space<vmem>>, %arg10: memref<128x128xf32, #tpu.memory_space<vmem>>, %arg11: memref<10240x128xf32, #tpu.memory_space<vmem_shared>>, %arg12: memref<!tpu.dma_semaphore, #tpu.memory_space<semaphore_mem>>) attributes {dimension_semantics = [#tpu.dimension_semantics<core_parallel>, #tpu.dimension_semantics<subcore_parallel>], iteration_bounds = array<i64: 2, 16>, scalar_prefetch = 0 : i64, scratch_operands = 6 : i64, tpu.core_type = #tpu.core_type<sc_vector_subcore>, window_params = [{transform_indices = #map}, {transform_indices = #map1}, {transform_indices = #map}, {transform_indices = #map}, {transform_indices = #map2}]} {
    %mul3A = arith.constant 10240 : i32
    %mul3A_0 = arith.muli %arg1, %mul3A : i32
    "tpu.region"() ({
      %run_scoped3A = tpu.sem_alloc : memref<!tpu.dma_semaphore, #tpu.memory_space<semaphore_mem>>
      %dma_start3A = tpu.memref_slice %arg3[%mul3A_0] : memref<163840xi32, #tpu.memory_space<hbm>> -> memref<10240xi32, #tpu.memory_space<hbm>>
      %dma_start3A_13 = tpu.memref_slice %arg3[%mul3A_0] : memref<163840xi32, #tpu.memory_space<hbm>> -> memref<10240xi32, #tpu.memory_space<hbm>>
      tpu.enqueue_dma source(%dma_start3A_13 : memref<10240xi32, #tpu.memory_space<hbm>>) target(%arg7 : memref<10240xi32, #tpu.memory_space<vmem>>) target_semaphore(%run_scoped3A : memref<!tpu.dma_semaphore, #tpu.memory_space<semaphore_mem>>)
      %dma_wait3A = tpu.memref_slice %arg3[%mul3A_0] : memref<163840xi32, #tpu.memory_space<hbm>> -> memref<10240xi32, #tpu.memory_space<hbm>>
      %dma_wait3A_14 = tpu.memref_slice %arg3[%mul3A_0] : memref<163840xi32, #tpu.memory_space<hbm>> -> memref<10240xi32, #tpu.memory_space<hbm>>
      tpu.wait_dma2 semaphore(%run_scoped3A : memref<!tpu.dma_semaphore, #tpu.memory_space<semaphore_mem>>) src(%dma_wait3A_14 : memref<10240xi32, #tpu.memory_space<hbm>>) dst(%arg7 : memref<10240xi32, #tpu.memory_space<vmem>>)
      tpu.yield
    }) : () -> ()
    %mul3A_1 = arith.constant 80 : i32
    %mul3A_2 = arith.muli %arg1, %mul3A_1 : i32
    "tpu.region"() ({
      %run_scoped3A = tpu.sem_alloc : memref<!tpu.dma_semaphore, #tpu.memory_space<semaphore_mem>>
      %dma_start3A = arith.constant 0 : i32
      %dma_start3A_13 = tpu.memref_slice %arg4[%mul3A_2, %dma_start3A] : memref<1280x128xi32, #tpu.memory_space<hbm>> -> memref<80x128xi32, #tpu.memory_space<hbm>>
      %dma_start3A_14 = arith.constant 0 : i32
      %dma_start3A_15 = tpu.memref_slice %arg4[%mul3A_2, %dma_start3A_14] : memref<1280x128xi32, #tpu.memory_space<hbm>> -> memref<80x128xi32, #tpu.memory_space<hbm>>
      tpu.enqueue_dma source(%dma_start3A_15 : memref<80x128xi32, #tpu.memory_space<hbm>>) target(%arg9 : memref<80x128xi32, #tpu.memory_space<vmem>>) target_semaphore(%run_scoped3A : memref<!tpu.dma_semaphore, #tpu.memory_space<semaphore_mem>>)
      %dma_wait3A = arith.constant 0 : i32
      %dma_wait3A_16 = tpu.memref_slice %arg4[%mul3A_2, %dma_wait3A] : memref<1280x128xi32, #tpu.memory_space<hbm>> -> memref<80x128xi32, #tpu.memory_space<hbm>>
      %dma_wait3A_17 = arith.constant 0 : i32
      %dma_wait3A_18 = tpu.memref_slice %arg4[%mul3A_2, %dma_wait3A_17] : memref<1280x128xi32, #tpu.memory_space<hbm>> -> memref<80x128xi32, #tpu.memory_space<hbm>>
      tpu.wait_dma2 semaphore(%run_scoped3A : memref<!tpu.dma_semaphore, #tpu.memory_space<semaphore_mem>>) src(%dma_wait3A_18 : memref<80x128xi32, #tpu.memory_space<hbm>>) dst(%arg9 : memref<80x128xi32, #tpu.memory_space<vmem>>)
      tpu.yield
    }) : () -> ()
    %add3A = arith.constant 0 : i32
    %add3A_3 = arith.addi %arg0, %add3A : i32
    %lt3A = arith.constant 4 : i32
    %lt3A_4 = arith.cmpi slt, %add3A_3, %lt3A : i32
    %convert_element_type3A = arith.extui %lt3A_4 : i1 to i32
    %cond3A = arith.constant 0 : i32
    %cond3A_5 = arith.cmpi ne, %convert_element_type3A, %cond3A : i32
    scf.if %cond3A_5 {
      %mul3A_13 = arith.constant 640 : i32
      %mul3A_14 = arith.muli %arg1, %mul3A_13 : i32
      "tpu.region"() ({
        %run_scoped3A = tpu.sem_alloc : memref<!tpu.dma_semaphore, #tpu.memory_space<semaphore_mem>>
        %dma_start3A = arith.constant 0 : i32
        %dma_start3A_32 = tpu.memref_slice %arg11[%mul3A_14, %dma_start3A] : memref<10240x128xf32, #tpu.memory_space<vmem_shared>> -> memref<640x128xf32, #tpu.memory_space<vmem_shared>>
        tpu.enqueue_dma source(%arg5 : memref<640x128xf32, #tpu.memory_space<hbm>>) target(%dma_start3A_32 : memref<640x128xf32, #tpu.memory_space<vmem_shared>>) target_semaphore(%run_scoped3A : memref<!tpu.dma_semaphore, #tpu.memory_space<semaphore_mem>>)
        %dma_wait3A = arith.constant 0 : i32
        %dma_wait3A_33 = tpu.memref_slice %arg11[%mul3A_14, %dma_wait3A] : memref<10240x128xf32, #tpu.memory_space<vmem_shared>> -> memref<640x128xf32, #tpu.memory_space<vmem_shared>>
        tpu.wait_dma2 semaphore(%run_scoped3A : memref<!tpu.dma_semaphore, #tpu.memory_space<semaphore_mem>>) src(%arg5 : memref<640x128xf32, #tpu.memory_space<hbm>>) dst(%dma_wait3A_33 : memref<640x128xf32, #tpu.memory_space<vmem_shared>>)
        tpu.yield
      }) : () -> ()
      %scan3A = arith.constant 0 : i32
      %scan3A_15 = arith.constant 0 : i32
      %scan3A_16 = arith.constant 640 : i32
      %scan3A_17 = arith.addi %scan3A_15, %scan3A_16 : i32
      %scan3A_18 = arith.constant 1 : i32
      scf.for %scan3A_32 = %scan3A_15 to %scan3A_17 step %scan3A_18  : i32 {
        %mul3A_33 = arith.constant 16 : i32
        %mul3A_34 = arith.muli %scan3A_32, %mul3A_33 : i32
        %get3A = arith.index_cast %mul3A_34 : i32 to index
        %get3A_35 = tpu.vector_load %arg7[%get3A] {strides = array<i32>} : memref<10240xi32, #tpu.memory_space<vmem>>, vector<16xi32>,
        %get3A_36 = vector.shape_cast %get3A_35 : vector<16xi32> to vector<16xi32>
        %mul3A_37 = arith.constant 4 : i32
        %mul3A_38 = vector.broadcast %mul3A_37 : i32 to vector<16xi32>
        %mul3A_39 = arith.muli %get3A_36, %mul3A_38 : vector<16xi32>
        %add3A_40 = vector.broadcast %add3A_3 : i32 to vector<16xi32>
        %add3A_41 = arith.addi %mul3A_39, %add3A_40 : vector<16xi32>
        %mul3A_42 = arith.constant 16 : i32
        %mul3A_43 = arith.muli %scan3A_32, %mul3A_42 : i32
        %swap3A = arith.index_cast %mul3A_43 : i32 to index
        %swap3A_44 = tpu.vector_load %arg8[%swap3A] {strides = array<i32>} : memref<10240xi32, #tpu.memory_space<vmem>>, vector<16xi32>,
        %swap3A_45 = vector.shape_cast %swap3A_44 : vector<16xi32> to vector<16xi32>
        %swap3A_46 = vector.shape_cast %add3A_41 : vector<16xi32> to vector<16xi32>
        tpu.vector_store %arg8[%swap3A], %swap3A_46 {strides = array<i32>} : memref<10240xi32, #tpu.memory_space<vmem>>, vector<16xi32>,
      }
      %scan3A_19 = arith.constant 640 : i32
      %barrier3A = arith.constant 0 : index
      tpu.barrier barrier_id(%barrier3A)
      %scan3A_20 = arith.constant 0 : i32
      %scan3A_21 = arith.constant 0 : i32
      %scan3A_22 = arith.constant 80 : i32
      %scan3A_23 = arith.addi %scan3A_21, %scan3A_22 : i32
      %scan3A_24 = arith.constant 1 : i32
      scf.for %scan3A_32 = %scan3A_21 to %scan3A_23 step %scan3A_24  : i32 {
        %mul3A_33 = arith.constant 128 : i32
        %mul3A_34 = arith.muli %scan3A_32, %mul3A_33 : i32
        %dma_start3A = tpu.memref_slice %arg8[%mul3A_34] : memref<10240xi32, #tpu.memory_space<vmem>> -> memref<128xi32, #tpu.memory_space<vmem>>
        %dma_start3A_35 = arith.constant 0 : i32
        %dma_start3A_36 = arith.constant 0 : i32
        %dma_start3A_37 = tpu.memref_slice %arg2[%dma_start3A_35, %dma_start3A_36] : memref<40000x128xf32, #tpu.memory_space<hbm>> -> memref<40000x128xf32, #tpu.memory_space<hbm>>
        tpu.enqueue_indirect_dma source(%dma_start3A_37 : memref<40000x128xf32, #tpu.memory_space<hbm>>) target(%arg10 : memref<128x128xf32, #tpu.memory_space<vmem>>) offsets(%dma_start3A : memref<128xi32, #tpu.memory_space<vmem>>) semaphore(%arg12 : memref<!tpu.dma_semaphore, #tpu.memory_space<semaphore_mem>>)
        %dma_wait3A = tpu.memref_slice %arg8[%mul3A_34] : memref<10240xi32, #tpu.memory_space<vmem>> -> memref<128xi32, #tpu.memory_space<vmem>>
        %dma_wait3A_38 = arith.constant 0 : i32
        %dma_wait3A_39 = arith.constant 0 : i32
        %dma_wait3A_40 = tpu.memref_slice %arg2[%dma_wait3A_38, %dma_wait3A_39] : memref<40000x128xf32, #tpu.memory_space<hbm>> -> memref<40000x128xf32, #tpu.memory_space<hbm>>
        tpu.wait_indirect_dma semaphore(%arg12 : memref<!tpu.dma_semaphore, #tpu.memory_space<semaphore_mem>>) src(%dma_wait3A_40 : memref<40000x128xf32, #tpu.memory_space<hbm>>) dst(%arg10 : memref<128x128xf32, #tpu.memory_space<vmem>>)
        "tpu.region"() ({
          %run_scoped3A = tpu.sem_alloc : memref<!tpu.dma_semaphore, #tpu.memory_space<semaphore_mem>>
          %dma_start3A_41 = arith.constant 0 : i32
          %dma_start3A_42 = tpu.memref_slice %arg9[%scan3A_32, %dma_start3A_41] : memref<80x128xi32, #tpu.memory_space<vmem>> -> memref<1x128xi32, #tpu.memory_space<vmem>>
          %dma_start3A_43 = tpu.memref_squeeze %dma_start3A_42 : memref<1x128xi32, #tpu.memory_space<vmem>> -> memref<128xi32, #tpu.memory_space<vmem>>
          %dma_start3A_44 = arith.constant 0 : i32
          %dma_start3A_45 = arith.constant 0 : i32
          %dma_start3A_46 = tpu.memref_slice %arg11[%dma_start3A_44, %dma_start3A_45] : memref<10240x128xf32, #tpu.memory_space<vmem_shared>> -> memref<10240x128xf32, #tpu.memory_space<vmem_shared>>
          tpu.enqueue_indirect_dma source(%arg10 : memref<128x128xf32, #tpu.memory_space<vmem>>) target(%dma_start3A_46 : memref<10240x128xf32, #tpu.memory_space<vmem_shared>>) offsets(%dma_start3A_43 : memref<128xi32, #tpu.memory_space<vmem>>) semaphore(%run_scoped3A : memref<!tpu.dma_semaphore, #tpu.memory_space<semaphore_mem>>) {add = true}
          %dma_wait3A_47 = arith.constant 0 : i32
          %dma_wait3A_48 = tpu.memref_slice %arg9[%scan3A_32, %dma_wait3A_47] : memref<80x128xi32, #tpu.memory_space<vmem>> -> memref<1x128xi32, #tpu.memory_space<vmem>>
          %dma_wait3A_49 = tpu.memref_squeeze %dma_wait3A_48 : memref<1x128xi32, #tpu.memory_space<vmem>> -> memref<128xi32, #tpu.memory_space<vmem>>
          %dma_wait3A_50 = arith.constant 0 : i32
          %dma_wait3A_51 = arith.constant 0 : i32
          %dma_wait3A_52 = tpu.memref_slice %arg11[%dma_wait3A_50, %dma_wait3A_51] : memref<10240x128xf32, #tpu.memory_space<vmem_shared>> -> memref<10240x128xf32, #tpu.memory_space<vmem_shared>>
          tpu.wait_indirect_dma semaphore(%run_scoped3A : memref<!tpu.dma_semaphore, #tpu.memory_space<semaphore_mem>>) src(%arg10 : memref<128x128xf32, #tpu.memory_space<vmem>>) dst(%dma_wait3A_52 : memref<10240x128xf32, #tpu.memory_space<vmem_shared>>)
          tpu.yield
        }) : () -> ()
      }
      %scan3A_25 = arith.constant 80 : i32
      %barrier3A_26 = arith.constant 0 : index
      tpu.barrier barrier_id(%barrier3A_26)
      %mul3A_27 = arith.constant 640 : i32
      %mul3A_28 = arith.muli %arg1, %mul3A_27 : i32
      %mul3A_29 = arith.constant 640 : i32
      %mul3A_30 = arith.muli %arg1, %mul3A_29 : i32
      "tpu.region"() ({
        %run_scoped3A = tpu.sem_alloc : memref<!tpu.dma_semaphore, #tpu.memory_space<semaphore_mem>>
        %dma_start3A = arith.constant 0 : i32
        %dma_start3A_32 = tpu.memref_slice %arg6[%add3A_3, %mul3A_30, %dma_start3A] : memref<4x10240x128xf32, #tpu.memory_space<hbm>> -> memref<1x640x128xf32, #tpu.memory_space<hbm>>
        %dma_start3A_33 = tpu.memref_squeeze %dma_start3A_32 : memref<1x640x128xf32, #tpu.memory_space<hbm>> -> memref<640x128xf32, #tpu.memory_space<hbm>>
        %dma_start3A_34 = arith.constant 0 : i32
        %dma_start3A_35 = tpu.memref_slice %arg11[%mul3A_28, %dma_start3A_34] : memref<10240x128xf32, #tpu.memory_space<vmem_shared>> -> memref<640x128xf32, #tpu.memory_space<vmem_shared>>
        tpu.enqueue_dma source(%dma_start3A_35 : memref<640x128xf32, #tpu.memory_space<vmem_shared>>) target(%dma_start3A_33 : memref<640x128xf32, #tpu.memory_space<hbm>>) target_semaphore(%run_scoped3A : memref<!tpu.dma_semaphore, #tpu.memory_space<semaphore_mem>>)
        %dma_wait3A = arith.constant 0 : i32
        %dma_wait3A_36 = tpu.memref_slice %arg6[%add3A_3, %mul3A_30, %dma_wait3A] : memref<4x10240x128xf32, #tpu.memory_space<hbm>> -> memref<1x640x128xf32, #tpu.memory_space<hbm>>
        %dma_wait3A_37 = tpu.memref_squeeze %dma_wait3A_36 : memref<1x640x128xf32, #tpu.memory_space<hbm>> -> memref<640x128xf32, #tpu.memory_space<hbm>>
        %dma_wait3A_38 = arith.constant 0 : i32
        %dma_wait3A_39 = tpu.memref_slice %arg11[%mul3A_28, %dma_wait3A_38] : memref<10240x128xf32, #tpu.memory_space<vmem_shared>> -> memref<640x128xf32, #tpu.memory_space<vmem_shared>>
        tpu.wait_dma2 semaphore(%run_scoped3A : memref<!tpu.dma_semaphore, #tpu.memory_space<semaphore_mem>>) src(%dma_wait3A_39 : memref<640x128xf32, #tpu.memory_space<vmem_shared>>) dst(%dma_wait3A_37 : memref<640x128xf32, #tpu.memory_space<hbm>>)
        tpu.yield
      }) : () -> ()
      %barrier3A_31 = arith.constant 0 : index
      tpu.barrier barrier_id(%barrier3A_31)
    } else {
    }
    %add3A_6 = arith.constant 2 : i32
    %add3A_7 = arith.addi %arg0, %add3A_6 : i32
    %lt3A_8 = arith.constant 4 : i32
    %lt3A_9 = arith.cmpi slt, %add3A_7, %lt3A_8 : i32
    %convert_element_type3A_10 = arith.extui %lt3A_9 : i1 to i32
    %cond3A_11 = arith.constant 0 : i32
    %cond3A_12 = arith.cmpi ne, %convert_element_type3A_10, %cond3A_11 : i32
    scf.if %cond3A_12 {
      %mul3A_13 = arith.constant 640 : i32
      %mul3A_14 = arith.muli %arg1, %mul3A_13 : i32
      "tpu.region"() ({
        %run_scoped3A = tpu.sem_alloc : memref<!tpu.dma_semaphore, #tpu.memory_space<semaphore_mem>>
        %dma_start3A = arith.constant 0 : i32
        %dma_start3A_32 = tpu.memref_slice %arg11[%mul3A_14, %dma_start3A] : memref<10240x128xf32, #tpu.memory_space<vmem_shared>> -> memref<640x128xf32, #tpu.memory_space<vmem_shared>>
        tpu.enqueue_dma source(%arg5 : memref<640x128xf32, #tpu.memory_space<hbm>>) target(%dma_start3A_32 : memref<640x128xf32, #tpu.memory_space<vmem_shared>>) target_semaphore(%run_scoped3A : memref<!tpu.dma_semaphore, #tpu.memory_space<semaphore_mem>>)
        %dma_wait3A = arith.constant 0 : i32
        %dma_wait3A_33 = tpu.memref_slice %arg11[%mul3A_14, %dma_wait3A] : memref<10240x128xf32, #tpu.memory_space<vmem_shared>> -> memref<640x128xf32, #tpu.memory_space<vmem_shared>>
        tpu.wait_dma2 semaphore(%run_scoped3A : memref<!tpu.dma_semaphore, #tpu.memory_space<semaphore_mem>>) src(%arg5 : memref<640x128xf32, #tpu.memory_space<hbm>>) dst(%dma_wait3A_33 : memref<640x128xf32, #tpu.memory_space<vmem_shared>>)
        tpu.yield
      }) : () -> ()
      %scan3A = arith.constant 0 : i32
      %scan3A_15 = arith.constant 0 : i32
      %scan3A_16 = arith.constant 640 : i32
      %scan3A_17 = arith.addi %scan3A_15, %scan3A_16 : i32
      %scan3A_18 = arith.constant 1 : i32
      scf.for %scan3A_32 = %scan3A_15 to %scan3A_17 step %scan3A_18  : i32 {
        %mul3A_33 = arith.constant 16 : i32
        %mul3A_34 = arith.muli %scan3A_32, %mul3A_33 : i32
        %get3A = arith.index_cast %mul3A_34 : i32 to index
        %get3A_35 = tpu.vector_load %arg7[%get3A] {strides = array<i32>} : memref<10240xi32, #tpu.memory_space<vmem>>, vector<16xi32>,
        %get3A_36 = vector.shape_cast %get3A_35 : vector<16xi32> to vector<16xi32>
        %mul3A_37 = arith.constant 4 : i32
        %mul3A_38 = vector.broadcast %mul3A_37 : i32 to vector<16xi32>
        %mul3A_39 = arith.muli %get3A_36, %mul3A_38 : vector<16xi32>
        %add3A_40 = vector.broadcast %add3A_7 : i32 to vector<16xi32>
        %add3A_41 = arith.addi %mul3A_39, %add3A_40 : vector<16xi32>
        %mul3A_42 = arith.constant 16 : i32
        %mul3A_43 = arith.muli %scan3A_32, %mul3A_42 : i32
        %swap3A = arith.index_cast %mul3A_43 : i32 to index
        %swap3A_44 = tpu.vector_load %arg8[%swap3A] {strides = array<i32>} : memref<10240xi32, #tpu.memory_space<vmem>>, vector<16xi32>,
        %swap3A_45 = vector.shape_cast %swap3A_44 : vector<16xi32> to vector<16xi32>
        %swap3A_46 = vector.shape_cast %add3A_41 : vector<16xi32> to vector<16xi32>
        tpu.vector_store %arg8[%swap3A], %swap3A_46 {strides = array<i32>} : memref<10240xi32, #tpu.memory_space<vmem>>, vector<16xi32>,
      }
      %scan3A_19 = arith.constant 640 : i32
      %barrier3A = arith.constant 0 : index
      tpu.barrier barrier_id(%barrier3A)
      %scan3A_20 = arith.constant 0 : i32
      %scan3A_21 = arith.constant 0 : i32
      %scan3A_22 = arith.constant 80 : i32
      %scan3A_23 = arith.addi %scan3A_21, %scan3A_22 : i32
      %scan3A_24 = arith.constant 1 : i32
      scf.for %scan3A_32 = %scan3A_21 to %scan3A_23 step %scan3A_24  : i32 {
        %mul3A_33 = arith.constant 128 : i32
        %mul3A_34 = arith.muli %scan3A_32, %mul3A_33 : i32
        %dma_start3A = tpu.memref_slice %arg8[%mul3A_34] : memref<10240xi32, #tpu.memory_space<vmem>> -> memref<128xi32, #tpu.memory_space<vmem>>
        %dma_start3A_35 = arith.constant 0 : i32
        %dma_start3A_36 = arith.constant 0 : i32
        %dma_start3A_37 = tpu.memref_slice %arg2[%dma_start3A_35, %dma_start3A_36] : memref<40000x128xf32, #tpu.memory_space<hbm>> -> memref<40000x128xf32, #tpu.memory_space<hbm>>
        tpu.enqueue_indirect_dma source(%dma_start3A_37 : memref<40000x128xf32, #tpu.memory_space<hbm>>) target(%arg10 : memref<128x128xf32, #tpu.memory_space<vmem>>) offsets(%dma_start3A : memref<128xi32, #tpu.memory_space<vmem>>) semaphore(%arg12 : memref<!tpu.dma_semaphore, #tpu.memory_space<semaphore_mem>>)
        %dma_wait3A = tpu.memref_slice %arg8[%mul3A_34] : memref<10240xi32, #tpu.memory_space<vmem>> -> memref<128xi32, #tpu.memory_space<vmem>>
        %dma_wait3A_38 = arith.constant 0 : i32
        %dma_wait3A_39 = arith.constant 0 : i32
        %dma_wait3A_40 = tpu.memref_slice %arg2[%dma_wait3A_38, %dma_wait3A_39] : memref<40000x128xf32, #tpu.memory_space<hbm>> -> memref<40000x128xf32, #tpu.memory_space<hbm>>
        tpu.wait_indirect_dma semaphore(%arg12 : memref<!tpu.dma_semaphore, #tpu.memory_space<semaphore_mem>>) src(%dma_wait3A_40 : memref<40000x128xf32, #tpu.memory_space<hbm>>) dst(%arg10 : memref<128x128xf32, #tpu.memory_space<vmem>>)
        "tpu.region"() ({
          %run_scoped3A = tpu.sem_alloc : memref<!tpu.dma_semaphore, #tpu.memory_space<semaphore_mem>>
          %dma_start3A_41 = arith.constant 0 : i32
          %dma_start3A_42 = tpu.memref_slice %arg9[%scan3A_32, %dma_start3A_41] : memref<80x128xi32, #tpu.memory_space<vmem>> -> memref<1x128xi32, #tpu.memory_space<vmem>>
          %dma_start3A_43 = tpu.memref_squeeze %dma_start3A_42 : memref<1x128xi32, #tpu.memory_space<vmem>> -> memref<128xi32, #tpu.memory_space<vmem>>
          %dma_start3A_44 = arith.constant 0 : i32
          %dma_start3A_45 = arith.constant 0 : i32
          %dma_start3A_46 = tpu.memref_slice %arg11[%dma_start3A_44, %dma_start3A_45] : memref<10240x128xf32, #tpu.memory_space<vmem_shared>> -> memref<10240x128xf32, #tpu.memory_space<vmem_shared>>
          tpu.enqueue_indirect_dma source(%arg10 : memref<128x128xf32, #tpu.memory_space<vmem>>) target(%dma_start3A_46 : memref<10240x128xf32, #tpu.memory_space<vmem_shared>>) offsets(%dma_start3A_43 : memref<128xi32, #tpu.memory_space<vmem>>) semaphore(%run_scoped3A : memref<!tpu.dma_semaphore, #tpu.memory_space<semaphore_mem>>) {add = true}
          %dma_wait3A_47 = arith.constant 0 : i32
          %dma_wait3A_48 = tpu.memref_slice %arg9[%scan3A_32, %dma_wait3A_47] : memref<80x128xi32, #tpu.memory_space<vmem>> -> memref<1x128xi32, #tpu.memory_space<vmem>>
          %dma_wait3A_49 = tpu.memref_squeeze %dma_wait3A_48 : memref<1x128xi32, #tpu.memory_space<vmem>> -> memref<128xi32, #tpu.memory_space<vmem>>
          %dma_wait3A_50 = arith.constant 0 : i32
          %dma_wait3A_51 = arith.constant 0 : i32
          %dma_wait3A_52 = tpu.memref_slice %arg11[%dma_wait3A_50, %dma_wait3A_51] : memref<10240x128xf32, #tpu.memory_space<vmem_shared>> -> memref<10240x128xf32, #tpu.memory_space<vmem_shared>>
          tpu.wait_indirect_dma semaphore(%run_scoped3A : memref<!tpu.dma_semaphore, #tpu.memory_space<semaphore_mem>>) src(%arg10 : memref<128x128xf32, #tpu.memory_space<vmem>>) dst(%dma_wait3A_52 : memref<10240x128xf32, #tpu.memory_space<vmem_shared>>)
          tpu.yield
        }) : () -> ()
      }
      %scan3A_25 = arith.constant 80 : i32
      %barrier3A_26 = arith.constant 0 : index
      tpu.barrier barrier_id(%barrier3A_26)
      %mul3A_27 = arith.constant 640 : i32
      %mul3A_28 = arith.muli %arg1, %mul3A_27 : i32
      %mul3A_29 = arith.constant 640 : i32
      %mul3A_30 = arith.muli %arg1, %mul3A_29 : i32
      "tpu.region"() ({
        %run_scoped3A = tpu.sem_alloc : memref<!tpu.dma_semaphore, #tpu.memory_space<semaphore_mem>>
        %dma_start3A = arith.constant 0 : i32
        %dma_start3A_32 = tpu.memref_slice %arg6[%add3A_7, %mul3A_30, %dma_start3A] : memref<4x10240x128xf32, #tpu.memory_space<hbm>> -> memref<1x640x128xf32, #tpu.memory_space<hbm>>
        %dma_start3A_33 = tpu.memref_squeeze %dma_start3A_32 : memref<1x640x128xf32, #tpu.memory_space<hbm>> -> memref<640x128xf32, #tpu.memory_space<hbm>>
        %dma_start3A_34 = arith.constant 0 : i32
        %dma_start3A_35 = tpu.memref_slice %arg11[%mul3A_28, %dma_start3A_34] : memref<10240x128xf32, #tpu.memory_space<vmem_shared>> -> memref<640x128xf32, #tpu.memory_space<vmem_shared>>
        tpu.enqueue_dma source(%dma_start3A_35 : memref<640x128xf32, #tpu.memory_space<vmem_shared>>) target(%dma_start3A_33 : memref<640x128xf32, #tpu.memory_space<hbm>>) target_semaphore(%run_scoped3A : memref<!tpu.dma_semaphore, #tpu.memory_space<semaphore_mem>>)
        %dma_wait3A = arith.constant 0 : i32
        %dma_wait3A_36 = tpu.memref_slice %arg6[%add3A_7, %mul3A_30, %dma_wait3A] : memref<4x10240x128xf32, #tpu.memory_space<hbm>> -> memref<1x640x128xf32, #tpu.memory_space<hbm>>
        %dma_wait3A_37 = tpu.memref_squeeze %dma_wait3A_36 : memref<1x640x128xf32, #tpu.memory_space<hbm>> -> memref<640x128xf32, #tpu.memory_space<hbm>>
        %dma_wait3A_38 = arith.constant 0 : i32
        %dma_wait3A_39 = tpu.memref_slice %arg11[%mul3A_28, %dma_wait3A_38] : memref<10240x128xf32, #tpu.memory_space<vmem_shared>> -> memref<640x128xf32, #tpu.memory_space<vmem_shared>>
        tpu.wait_dma2 semaphore(%run_scoped3A : memref<!tpu.dma_semaphore, #tpu.memory_space<semaphore_mem>>) src(%dma_wait3A_39 : memref<640x128xf32, #tpu.memory_space<vmem_shared>>) dst(%dma_wait3A_37 : memref<640x128xf32, #tpu.memory_space<hbm>>)
        tpu.yield
      }) : () -> ()
      %barrier3A_31 = arith.constant 0 : index
      tpu.barrier barrier_id(%barrier3A_31)
    } else {
    }
    return
  }
}

#map = affine_map<(d0, d1) -> (0, 0)>
#map1 = affine_map<(d0, d1) -> (0)>
#map2 = affine_map<(d0, d1) -> (0, 0, 0)>
module attributes {stable_mosaic.version = 14 : i64} {
  func.func @k(%arg0: i32, %arg1: i32, %arg2: memref<40000x128xf32, #tpu.memory_space<hbm>>, %arg3: memref<163840xi32, #tpu.memory_space<hbm>>, %arg4: memref<1280x128xi32, #tpu.memory_space<hbm>>, %arg5: memref<640x128xf32, #tpu.memory_space<hbm>>, %arg6: memref<4x10240x128xf32, #tpu.memory_space<hbm>>, %arg7: memref<10240xi32, #tpu.memory_space<vmem>>, %arg8: memref<10240xi32, #tpu.memory_space<vmem>>, %arg9: memref<80x128xi32, #tpu.memory_space<vmem>>, %arg10: memref<128x128xf32, #tpu.memory_space<vmem>>, %arg11: memref<10240x128xf32, #tpu.memory_space<vmem_shared>>, %arg12: memref<!tpu.dma_semaphore, #tpu.memory_space<semaphore_mem>>) attributes {dimension_semantics = [#tpu.dimension_semantics<core_parallel>, #tpu.dimension_semantics<subcore_parallel>], iteration_bounds = array<i64: 2, 16>, scalar_prefetch = 0 : i64, scratch_operands = 6 : i64, tpu.core_type = #tpu.core_type<sc_vector_subcore>, window_params = [{transform_indices = #map}, {transform_indices = #map1}, {transform_indices = #map}, {transform_indices = #map}, {transform_indices = #map2}]} {
    %mul3A = arith.constant 10240 : i32
    %mul3A_0 = arith.muli %arg1, %mul3A : i32
    "tpu.region"() ({
      %run_scoped3A = tpu.sem_alloc : memref<!tpu.dma_semaphore, #tpu.memory_space<semaphore_mem>>
      %dma_start3A = tpu.memref_slice %arg3[%mul3A_0] : memref<163840xi32, #tpu.memory_space<hbm>> -> memref<10240xi32, #tpu.memory_space<hbm>>
      %dma_start3A_13 = tpu.memref_slice %arg3[%mul3A_0] : memref<163840xi32, #tpu.memory_space<hbm>> -> memref<10240xi32, #tpu.memory_space<hbm>>
      tpu.enqueue_dma source(%dma_start3A_13 : memref<10240xi32, #tpu.memory_space<hbm>>) target(%arg7 : memref<10240xi32, #tpu.memory_space<vmem>>) target_semaphore(%run_scoped3A : memref<!tpu.dma_semaphore, #tpu.memory_space<semaphore_mem>>)
      %dma_wait3A = tpu.memref_slice %arg3[%mul3A_0] : memref<163840xi32, #tpu.memory_space<hbm>> -> memref<10240xi32, #tpu.memory_space<hbm>>
      %dma_wait3A_14 = tpu.memref_slice %arg3[%mul3A_0] : memref<163840xi32, #tpu.memory_space<hbm>> -> memref<10240xi32, #tpu.memory_space<hbm>>
      tpu.wait_dma2 semaphore(%run_scoped3A : memref<!tpu.dma_semaphore, #tpu.memory_space<semaphore_mem>>) src(%dma_wait3A_14 : memref<10240xi32, #tpu.memory_space<hbm>>) dst(%arg7 : memref<10240xi32, #tpu.memory_space<vmem>>)
      tpu.yield
    }) : () -> ()
    %mul3A_1 = arith.constant 80 : i32
    %mul3A_2 = arith.muli %arg1, %mul3A_1 : i32
    "tpu.region"() ({
      %run_scoped3A = tpu.sem_alloc : memref<!tpu.dma_semaphore, #tpu.memory_space<semaphore_mem>>
      %dma_start3A = arith.constant 0 : i32
      %dma_start3A_13 = tpu.memref_slice %arg4[%mul3A_2, %dma_start3A] : memref<1280x128xi32, #tpu.memory_space<hbm>> -> memref<80x128xi32, #tpu.memory_space<hbm>>
      %dma_start3A_14 = arith.constant 0 : i32
      %dma_start3A_15 = tpu.memref_slice %arg4[%mul3A_2, %dma_start3A_14] : memref<1280x128xi32, #tpu.memory_space<hbm>> -> memref<80x128xi32, #tpu.memory_space<hbm>>
      tpu.enqueue_dma source(%dma_start3A_15 : memref<80x128xi32, #tpu.memory_space<hbm>>) target(%arg9 : memref<80x128xi32, #tpu.memory_space<vmem>>) target_semaphore(%run_scoped3A : memref<!tpu.dma_semaphore, #tpu.memory_space<semaphore_mem>>)
      %dma_wait3A = arith.constant 0 : i32
      %dma_wait3A_16 = tpu.memref_slice %arg4[%mul3A_2, %dma_wait3A] : memref<1280x128xi32, #tpu.memory_space<hbm>> -> memref<80x128xi32, #tpu.memory_space<hbm>>
      %dma_wait3A_17 = arith.constant 0 : i32
      %dma_wait3A_18 = tpu.memref_slice %arg4[%mul3A_2, %dma_wait3A_17] : memref<1280x128xi32, #tpu.memory_space<hbm>> -> memref<80x128xi32, #tpu.memory_space<hbm>>
      tpu.wait_dma2 semaphore(%run_scoped3A : memref<!tpu.dma_semaphore, #tpu.memory_space<semaphore_mem>>) src(%dma_wait3A_18 : memref<80x128xi32, #tpu.memory_space<hbm>>) dst(%arg9 : memref<80x128xi32, #tpu.memory_space<vmem>>)
      tpu.yield
    }) : () -> ()
    %add3A = arith.constant 0 : i32
    %add3A_3 = arith.addi %arg0, %add3A : i32
    %lt3A = arith.constant 4 : i32
    %lt3A_4 = arith.cmpi slt, %add3A_3, %lt3A : i32
    %convert_element_type3A = arith.extui %lt3A_4 : i1 to i32
    %cond3A = arith.constant 0 : i32
    %cond3A_5 = arith.cmpi ne, %convert_element_type3A, %cond3A : i32
    scf.if %cond3A_5 {
      %mul3A_13 = arith.constant 640 : i32
      %mul3A_14 = arith.muli %arg1, %mul3A_13 : i32
      "tpu.region"() ({
        %run_scoped3A = tpu.sem_alloc : memref<!tpu.dma_semaphore, #tpu.memory_space<semaphore_mem>>
        %dma_start3A = arith.constant 0 : i32
        %dma_start3A_32 = tpu.memref_slice %arg11[%mul3A_14, %dma_start3A] : memref<10240x128xf32, #tpu.memory_space<vmem_shared>> -> memref<640x128xf32, #tpu.memory_space<vmem_shared>>
        tpu.enqueue_dma source(%arg5 : memref<640x128xf32, #tpu.memory_space<hbm>>) target(%dma_start3A_32 : memref<640x128xf32, #tpu.memory_space<vmem_shared>>) target_semaphore(%run_scoped3A : memref<!tpu.dma_semaphore, #tpu.memory_space<semaphore_mem>>)
        %dma_wait3A = arith.constant 0 : i32
        %dma_wait3A_33 = tpu.memref_slice %arg11[%mul3A_14, %dma_wait3A] : memref<10240x128xf32, #tpu.memory_space<vmem_shared>> -> memref<640x128xf32, #tpu.memory_space<vmem_shared>>
        tpu.wait_dma2 semaphore(%run_scoped3A : memref<!tpu.dma_semaphore, #tpu.memory_space<semaphore_mem>>) src(%arg5 : memref<640x128xf32, #tpu.memory_space<hbm>>) dst(%dma_wait3A_33 : memref<640x128xf32, #tpu.memory_space<vmem_shared>>)
        tpu.yield
      }) : () -> ()
      %scan3A = arith.constant 0 : i32
      %scan3A_15 = arith.constant 0 : i32
      %scan3A_16 = arith.constant 640 : i32
      %scan3A_17 = arith.addi %scan3A_15, %scan3A_16 : i32
      %scan3A_18 = arith.constant 1 : i32
      scf.for %scan3A_32 = %scan3A_15 to %scan3A_17 step %scan3A_18  : i32 {
        %mul3A_33 = arith.constant 16 : i32
        %mul3A_34 = arith.muli %scan3A_32, %mul3A_33 : i32
        %get3A = arith.index_cast %mul3A_34 : i32 to index
        %get3A_35 = tpu.vector_load %arg7[%get3A] {strides = array<i32>} : memref<10240xi32, #tpu.memory_space<vmem>>, vector<16xi32>,
        %get3A_36 = vector.shape_cast %get3A_35 : vector<16xi32> to vector<16xi32>
        %mul3A_37 = arith.constant 4 : i32
        %mul3A_38 = vector.broadcast %mul3A_37 : i32 to vector<16xi32>
        %mul3A_39 = arith.muli %get3A_36, %mul3A_38 : vector<16xi32>
        %add3A_40 = vector.broadcast %add3A_3 : i32 to vector<16xi32>
        %add3A_41 = arith.addi %mul3A_39, %add3A_40 : vector<16xi32>
        %mul3A_42 = arith.constant 16 : i32
        %mul3A_43 = arith.muli %scan3A_32, %mul3A_42 : i32
        %swap3A = arith.index_cast %mul3A_43 : i32 to index
        %swap3A_44 = tpu.vector_load %arg8[%swap3A] {strides = array<i32>} : memref<10240xi32, #tpu.memory_space<vmem>>, vector<16xi32>,
        %swap3A_45 = vector.shape_cast %swap3A_44 : vector<16xi32> to vector<16xi32>
        %swap3A_46 = vector.shape_cast %add3A_41 : vector<16xi32> to vector<16xi32>
        tpu.vector_store %arg8[%swap3A], %swap3A_46 {strides = array<i32>} : memref<10240xi32, #tpu.memory_space<vmem>>, vector<16xi32>,
      }
      %scan3A_19 = arith.constant 640 : i32
      %barrier3A = arith.constant 0 : index
      tpu.barrier barrier_id(%barrier3A)
      %scan3A_20 = arith.constant 0 : i32
      %scan3A_21 = arith.constant 0 : i32
      %scan3A_22 = arith.constant 80 : i32
      %scan3A_23 = arith.addi %scan3A_21, %scan3A_22 : i32
      %scan3A_24 = arith.constant 1 : i32
      scf.for %scan3A_32 = %scan3A_21 to %scan3A_23 step %scan3A_24  : i32 {
        %mul3A_33 = arith.constant 128 : i32
        %mul3A_34 = arith.muli %scan3A_32, %mul3A_33 : i32
        %dma_start3A = tpu.memref_slice %arg8[%mul3A_34] : memref<10240xi32, #tpu.memory_space<vmem>> -> memref<128xi32, #tpu.memory_space<vmem>>
        %dma_start3A_35 = arith.constant 0 : i32
        %dma_start3A_36 = arith.constant 0 : i32
        %dma_start3A_37 = tpu.memref_slice %arg2[%dma_start3A_35, %dma_start3A_36] : memref<40000x128xf32, #tpu.memory_space<hbm>> -> memref<40000x128xf32, #tpu.memory_space<hbm>>
        tpu.enqueue_indirect_dma source(%dma_start3A_37 : memref<40000x128xf32, #tpu.memory_space<hbm>>) target(%arg10 : memref<128x128xf32, #tpu.memory_space<vmem>>) offsets(%dma_start3A : memref<128xi32, #tpu.memory_space<vmem>>) semaphore(%arg12 : memref<!tpu.dma_semaphore, #tpu.memory_space<semaphore_mem>>)
        %dma_wait3A = tpu.memref_slice %arg8[%mul3A_34] : memref<10240xi32, #tpu.memory_space<vmem>> -> memref<128xi32, #tpu.memory_space<vmem>>
        %dma_wait3A_38 = arith.constant 0 : i32
        %dma_wait3A_39 = arith.constant 0 : i32
        %dma_wait3A_40 = tpu.memref_slice %arg2[%dma_wait3A_38, %dma_wait3A_39] : memref<40000x128xf32, #tpu.memory_space<hbm>> -> memref<40000x128xf32, #tpu.memory_space<hbm>>
        tpu.wait_indirect_dma semaphore(%arg12 : memref<!tpu.dma_semaphore, #tpu.memory_space<semaphore_mem>>) src(%dma_wait3A_40 : memref<40000x128xf32, #tpu.memory_space<hbm>>) dst(%arg10 : memref<128x128xf32, #tpu.memory_space<vmem>>)
        "tpu.region"() ({
          %run_scoped3A = tpu.sem_alloc : memref<!tpu.dma_semaphore, #tpu.memory_space<semaphore_mem>>
          %dma_start3A_41 = arith.constant 0 : i32
          %dma_start3A_42 = tpu.memref_slice %arg9[%scan3A_32, %dma_start3A_41] : memref<80x128xi32, #tpu.memory_space<vmem>> -> memref<1x128xi32, #tpu.memory_space<vmem>>
          %dma_start3A_43 = tpu.memref_squeeze %dma_start3A_42 : memref<1x128xi32, #tpu.memory_space<vmem>> -> memref<128xi32, #tpu.memory_space<vmem>>
          %dma_start3A_44 = arith.constant 0 : i32
          %dma_start3A_45 = arith.constant 0 : i32
          %dma_start3A_46 = tpu.memref_slice %arg11[%dma_start3A_44, %dma_start3A_45] : memref<10240x128xf32, #tpu.memory_space<vmem_shared>> -> memref<10240x128xf32, #tpu.memory_space<vmem_shared>>
          tpu.enqueue_indirect_dma source(%arg10 : memref<128x128xf32, #tpu.memory_space<vmem>>) target(%dma_start3A_46 : memref<10240x128xf32, #tpu.memory_space<vmem_shared>>) offsets(%dma_start3A_43 : memref<128xi32, #tpu.memory_space<vmem>>) semaphore(%run_scoped3A : memref<!tpu.dma_semaphore, #tpu.memory_space<semaphore_mem>>) {add = true}
          %dma_wait3A_47 = arith.constant 0 : i32
          %dma_wait3A_48 = tpu.memref_slice %arg9[%scan3A_32, %dma_wait3A_47] : memref<80x128xi32, #tpu.memory_space<vmem>> -> memref<1x128xi32, #tpu.memory_space<vmem>>
          %dma_wait3A_49 = tpu.memref_squeeze %dma_wait3A_48 : memref<1x128xi32, #tpu.memory_space<vmem>> -> memref<128xi32, #tpu.memory_space<vmem>>
          %dma_wait3A_50 = arith.constant 0 : i32
          %dma_wait3A_51 = arith.constant 0 : i32
          %dma_wait3A_52 = tpu.memref_slice %arg11[%dma_wait3A_50, %dma_wait3A_51] : memref<10240x128xf32, #tpu.memory_space<vmem_shared>> -> memref<10240x128xf32, #tpu.memory_space<vmem_shared>>
          tpu.wait_indirect_dma semaphore(%run_scoped3A : memref<!tpu.dma_semaphore, #tpu.memory_space<semaphore_mem>>) src(%arg10 : memref<128x128xf32, #tpu.memory_space<vmem>>) dst(%dma_wait3A_52 : memref<10240x128xf32, #tpu.memory_space<vmem_shared>>)
          tpu.yield
        }) : () -> ()
      }
      %scan3A_25 = arith.constant 80 : i32
      %barrier3A_26 = arith.constant 0 : index
      tpu.barrier barrier_id(%barrier3A_26)
      %mul3A_27 = arith.constant 640 : i32
      %mul3A_28 = arith.muli %arg1, %mul3A_27 : i32
      %mul3A_29 = arith.constant 640 : i32
      %mul3A_30 = arith.muli %arg1, %mul3A_29 : i32
      "tpu.region"() ({
        %run_scoped3A = tpu.sem_alloc : memref<!tpu.dma_semaphore, #tpu.memory_space<semaphore_mem>>
        %dma_start3A = arith.constant 0 : i32
        %dma_start3A_32 = tpu.memref_slice %arg6[%add3A_3, %mul3A_30, %dma_start3A] : memref<4x10240x128xf32, #tpu.memory_space<hbm>> -> memref<1x640x128xf32, #tpu.memory_space<hbm>>
        %dma_start3A_33 = tpu.memref_squeeze %dma_start3A_32 : memref<1x640x128xf32, #tpu.memory_space<hbm>> -> memref<640x128xf32, #tpu.memory_space<hbm>>
        %dma_start3A_34 = arith.constant 0 : i32
        %dma_start3A_35 = tpu.memref_slice %arg11[%mul3A_28, %dma_start3A_34] : memref<10240x128xf32, #tpu.memory_space<vmem_shared>> -> memref<640x128xf32, #tpu.memory_space<vmem_shared>>
        tpu.enqueue_dma source(%dma_start3A_35 : memref<640x128xf32, #tpu.memory_space<vmem_shared>>) target(%dma_start3A_33 : memref<640x128xf32, #tpu.memory_space<hbm>>) target_semaphore(%run_scoped3A : memref<!tpu.dma_semaphore, #tpu.memory_space<semaphore_mem>>)
        %dma_wait3A = arith.constant 0 : i32
        %dma_wait3A_36 = tpu.memref_slice %arg6[%add3A_3, %mul3A_30, %dma_wait3A] : memref<4x10240x128xf32, #tpu.memory_space<hbm>> -> memref<1x640x128xf32, #tpu.memory_space<hbm>>
        %dma_wait3A_37 = tpu.memref_squeeze %dma_wait3A_36 : memref<1x640x128xf32, #tpu.memory_space<hbm>> -> memref<640x128xf32, #tpu.memory_space<hbm>>
        %dma_wait3A_38 = arith.constant 0 : i32
        %dma_wait3A_39 = tpu.memref_slice %arg11[%mul3A_28, %dma_wait3A_38] : memref<10240x128xf32, #tpu.memory_space<vmem_shared>> -> memref<640x128xf32, #tpu.memory_space<vmem_shared>>
        tpu.wait_dma2 semaphore(%run_scoped3A : memref<!tpu.dma_semaphore, #tpu.memory_space<semaphore_mem>>) src(%dma_wait3A_39 : memref<640x128xf32, #tpu.memory_space<vmem_shared>>) dst(%dma_wait3A_37 : memref<640x128xf32, #tpu.memory_space<hbm>>)
        tpu.yield
      }) : () -> ()
      %barrier3A_31 = arith.constant 0 : index
      tpu.barrier barrier_id(%barrier3A_31)
    } else {
    }
    %add3A_6 = arith.constant 2 : i32
    %add3A_7 = arith.addi %arg0, %add3A_6 : i32
    %lt3A_8 = arith.constant 4 : i32
    %lt3A_9 = arith.cmpi slt, %add3A_7, %lt3A_8 : i32
    %convert_element_type3A_10 = arith.extui %lt3A_9 : i1 to i32
    %cond3A_11 = arith.constant 0 : i32
    %cond3A_12 = arith.cmpi ne, %convert_element_type3A_10, %cond3A_11 : i32
    scf.if %cond3A_12 {
      %mul3A_13 = arith.constant 640 : i32
      %mul3A_14 = arith.muli %arg1, %mul3A_13 : i32
      "tpu.region"() ({
        %run_scoped3A = tpu.sem_alloc : memref<!tpu.dma_semaphore, #tpu.memory_space<semaphore_mem>>
        %dma_start3A = arith.constant 0 : i32
        %dma_start3A_32 = tpu.memref_slice %arg11[%mul3A_14, %dma_start3A] : memref<10240x128xf32, #tpu.memory_space<vmem_shared>> -> memref<640x128xf32, #tpu.memory_space<vmem_shared>>
        tpu.enqueue_dma source(%arg5 : memref<640x128xf32, #tpu.memory_space<hbm>>) target(%dma_start3A_32 : memref<640x128xf32, #tpu.memory_space<vmem_shared>>) target_semaphore(%run_scoped3A : memref<!tpu.dma_semaphore, #tpu.memory_space<semaphore_mem>>)
        %dma_wait3A = arith.constant 0 : i32
        %dma_wait3A_33 = tpu.memref_slice %arg11[%mul3A_14, %dma_wait3A] : memref<10240x128xf32, #tpu.memory_space<vmem_shared>> -> memref<640x128xf32, #tpu.memory_space<vmem_shared>>
        tpu.wait_dma2 semaphore(%run_scoped3A : memref<!tpu.dma_semaphore, #tpu.memory_space<semaphore_mem>>) src(%arg5 : memref<640x128xf32, #tpu.memory_space<hbm>>) dst(%dma_wait3A_33 : memref<640x128xf32, #tpu.memory_space<vmem_shared>>)
        tpu.yield
      }) : () -> ()
      %scan3A = arith.constant 0 : i32
      %scan3A_15 = arith.constant 0 : i32
      %scan3A_16 = arith.constant 640 : i32
      %scan3A_17 = arith.addi %scan3A_15, %scan3A_16 : i32
      %scan3A_18 = arith.constant 1 : i32
      scf.for %scan3A_32 = %scan3A_15 to %scan3A_17 step %scan3A_18  : i32 {
        %mul3A_33 = arith.constant 16 : i32
        %mul3A_34 = arith.muli %scan3A_32, %mul3A_33 : i32
        %get3A = arith.index_cast %mul3A_34 : i32 to index
        %get3A_35 = tpu.vector_load %arg7[%get3A] {strides = array<i32>} : memref<10240xi32, #tpu.memory_space<vmem>>, vector<16xi32>,
        %get3A_36 = vector.shape_cast %get3A_35 : vector<16xi32> to vector<16xi32>
        %mul3A_37 = arith.constant 4 : i32
        %mul3A_38 = vector.broadcast %mul3A_37 : i32 to vector<16xi32>
        %mul3A_39 = arith.muli %get3A_36, %mul3A_38 : vector<16xi32>
        %add3A_40 = vector.broadcast %add3A_7 : i32 to vector<16xi32>
        %add3A_41 = arith.addi %mul3A_39, %add3A_40 : vector<16xi32>
        %mul3A_42 = arith.constant 16 : i32
        %mul3A_43 = arith.muli %scan3A_32, %mul3A_42 : i32
        %swap3A = arith.index_cast %mul3A_43 : i32 to index
        %swap3A_44 = tpu.vector_load %arg8[%swap3A] {strides = array<i32>} : memref<10240xi32, #tpu.memory_space<vmem>>, vector<16xi32>,
        %swap3A_45 = vector.shape_cast %swap3A_44 : vector<16xi32> to vector<16xi32>
        %swap3A_46 = vector.shape_cast %add3A_41 : vector<16xi32> to vector<16xi32>
        tpu.vector_store %arg8[%swap3A], %swap3A_46 {strides = array<i32>} : memref<10240xi32, #tpu.memory_space<vmem>>, vector<16xi32>,
      }
      %scan3A_19 = arith.constant 640 : i32
      %barrier3A = arith.constant 0 : index
      tpu.barrier barrier_id(%barrier3A)
      %scan3A_20 = arith.constant 0 : i32
      %scan3A_21 = arith.constant 0 : i32
      %scan3A_22 = arith.constant 80 : i32
      %scan3A_23 = arith.addi %scan3A_21, %scan3A_22 : i32
      %scan3A_24 = arith.constant 1 : i32
      scf.for %scan3A_32 = %scan3A_21 to %scan3A_23 step %scan3A_24  : i32 {
        %mul3A_33 = arith.constant 128 : i32
        %mul3A_34 = arith.muli %scan3A_32, %mul3A_33 : i32
        %dma_start3A = tpu.memref_slice %arg8[%mul3A_34] : memref<10240xi32, #tpu.memory_space<vmem>> -> memref<128xi32, #tpu.memory_space<vmem>>
        %dma_start3A_35 = arith.constant 0 : i32
        %dma_start3A_36 = arith.constant 0 : i32
        %dma_start3A_37 = tpu.memref_slice %arg2[%dma_start3A_35, %dma_start3A_36] : memref<40000x128xf32, #tpu.memory_space<hbm>> -> memref<40000x128xf32, #tpu.memory_space<hbm>>
        tpu.enqueue_indirect_dma source(%dma_start3A_37 : memref<40000x128xf32, #tpu.memory_space<hbm>>) target(%arg10 : memref<128x128xf32, #tpu.memory_space<vmem>>) offsets(%dma_start3A : memref<128xi32, #tpu.memory_space<vmem>>) semaphore(%arg12 : memref<!tpu.dma_semaphore, #tpu.memory_space<semaphore_mem>>)
        %dma_wait3A = tpu.memref_slice %arg8[%mul3A_34] : memref<10240xi32, #tpu.memory_space<vmem>> -> memref<128xi32, #tpu.memory_space<vmem>>
        %dma_wait3A_38 = arith.constant 0 : i32
        %dma_wait3A_39 = arith.constant 0 : i32
        %dma_wait3A_40 = tpu.memref_slice %arg2[%dma_wait3A_38, %dma_wait3A_39] : memref<40000x128xf32, #tpu.memory_space<hbm>> -> memref<40000x128xf32, #tpu.memory_space<hbm>>
        tpu.wait_indirect_dma semaphore(%arg12 : memref<!tpu.dma_semaphore, #tpu.memory_space<semaphore_mem>>) src(%dma_wait3A_40 : memref<40000x128xf32, #tpu.memory_space<hbm>>) dst(%arg10 : memref<128x128xf32, #tpu.memory_space<vmem>>)
        "tpu.region"() ({
          %run_scoped3A = tpu.sem_alloc : memref<!tpu.dma_semaphore, #tpu.memory_space<semaphore_mem>>
          %dma_start3A_41 = arith.constant 0 : i32
          %dma_start3A_42 = tpu.memref_slice %arg9[%scan3A_32, %dma_start3A_41] : memref<80x128xi32, #tpu.memory_space<vmem>> -> memref<1x128xi32, #tpu.memory_space<vmem>>
          %dma_start3A_43 = tpu.memref_squeeze %dma_start3A_42 : memref<1x128xi32, #tpu.memory_space<vmem>> -> memref<128xi32, #tpu.memory_space<vmem>>
          %dma_start3A_44 = arith.constant 0 : i32
          %dma_start3A_45 = arith.constant 0 : i32
          %dma_start3A_46 = tpu.memref_slice %arg11[%dma_start3A_44, %dma_start3A_45] : memref<10240x128xf32, #tpu.memory_space<vmem_shared>> -> memref<10240x128xf32, #tpu.memory_space<vmem_shared>>
          tpu.enqueue_indirect_dma source(%arg10 : memref<128x128xf32, #tpu.memory_space<vmem>>) target(%dma_start3A_46 : memref<10240x128xf32, #tpu.memory_space<vmem_shared>>) offsets(%dma_start3A_43 : memref<128xi32, #tpu.memory_space<vmem>>) semaphore(%run_scoped3A : memref<!tpu.dma_semaphore, #tpu.memory_space<semaphore_mem>>) {add = true}
          %dma_wait3A_47 = arith.constant 0 : i32
          %dma_wait3A_48 = tpu.memref_slice %arg9[%scan3A_32, %dma_wait3A_47] : memref<80x128xi32, #tpu.memory_space<vmem>> -> memref<1x128xi32, #tpu.memory_space<vmem>>
          %dma_wait3A_49 = tpu.memref_squeeze %dma_wait3A_48 : memref<1x128xi32, #tpu.memory_space<vmem>> -> memref<128xi32, #tpu.memory_space<vmem>>
          %dma_wait3A_50 = arith.constant 0 : i32
          %dma_wait3A_51 = arith.constant 0 : i32
          %dma_wait3A_52 = tpu.memref_slice %arg11[%dma_wait3A_50, %dma_wait3A_51] : memref<10240x128xf32, #tpu.memory_space<vmem_shared>> -> memref<10240x128xf32, #tpu.memory_space<vmem_shared>>
          tpu.wait_indirect_dma semaphore(%run_scoped3A : memref<!tpu.dma_semaphore, #tpu.memory_space<semaphore_mem>>) src(%arg10 : memref<128x128xf32, #tpu.memory_space<vmem>>) dst(%dma_wait3A_52 : memref<10240x128xf32, #tpu.memory_space<vmem_shared>>)
          tpu.yield
        }) : () -> ()
      }
      %scan3A_25 = arith.constant 80 : i32
      %barrier3A_26 = arith.constant 0 : index
      tpu.barrier barrier_id(%barrier3A_26)
      %mul3A_27 = arith.constant 640 : i32
      %mul3A_28 = arith.muli %arg1, %mul3A_27 : i32
      %mul3A_29 = arith.constant 640 : i32
      %mul3A_30 = arith.muli %arg1, %mul3A_29 : i32
      "tpu.region"() ({
        %run_scoped3A = tpu.sem_alloc : memref<!tpu.dma_semaphore, #tpu.memory_space<semaphore_mem>>
        %dma_start3A = arith.constant 0 : i32
        %dma_start3A_32 = tpu.memref_slice %arg6[%add3A_7, %mul3A_30, %dma_start3A] : memref<4x10240x128xf32, #tpu.memory_space<hbm>> -> memref<1x640x128xf32, #tpu.memory_space<hbm>>
        %dma_start3A_33 = tpu.memref_squeeze %dma_start3A_32 : memref<1x640x128xf32, #tpu.memory_space<hbm>> -> memref<640x128xf32, #tpu.memory_space<hbm>>
        %dma_start3A_34 = arith.constant 0 : i32
        %dma_start3A_35 = tpu.memref_slice %arg11[%mul3A_28, %dma_start3A_34] : memref<10240x128xf32, #tpu.memory_space<vmem_shared>> -> memref<640x128xf32, #tpu.memory_space<vmem_shared>>
        tpu.enqueue_dma source(%dma_start3A_35 : memref<640x128xf32, #tpu.memory_space<vmem_shared>>) target(%dma_start3A_33 : memref<640x128xf32, #tpu.memory_space<hbm>>) target_semaphore(%run_scoped3A : memref<!tpu.dma_semaphore, #tpu.memory_space<semaphore_mem>>)
        %dma_wait3A = arith.constant 0 : i32
        %dma_wait3A_36 = tpu.memref_slice %arg6[%add3A_7, %mul3A_30, %dma_wait3A] : memref<4x10240x128xf32, #tpu.memory_space<hbm>> -> memref<1x640x128xf32, #tpu.memory_space<hbm>>
        %dma_wait3A_37 = tpu.memref_squeeze %dma_wait3A_36 : memref<1x640x128xf32, #tpu.memory_space<hbm>> -> memref<640x128xf32, #tpu.memory_space<hbm>>
        %dma_wait3A_38 = arith.constant 0 : i32
        %dma_wait3A_39 = tpu.memref_slice %arg11[%mul3A_28, %dma_wait3A_38] : memref<10240x128xf32, #tpu.memory_space<vmem_shared>> -> memref<640x128xf32, #tpu.memory_space<vmem_shared>>
        tpu.wait_dma2 semaphore(%run_scoped3A : memref<!tpu.dma_semaphore, #tpu.memory_space<semaphore_mem>>) src(%dma_wait3A_39 : memref<640x128xf32, #tpu.memory_space<vmem_shared>>) dst(%dma_wait3A_37 : memref<640x128xf32, #tpu.memory_space<hbm>>)
        tpu.yield
      }) : () -> ()
      %barrier3A_31 = arith.constant 0 : index
      tpu.barrier barrier_id(%barrier3A_31)
    } else {
    }
    return
  }
}

#map = affine_map<(d0, d1) -> (0, 0)>
#map1 = affine_map<(d0, d1) -> (0)>
#map2 = affine_map<(d0, d1) -> (0, 0, 0)>
module attributes {stable_mosaic.version = 14 : i64} {
  func.func @k(%arg0: i32, %arg1: i32, %arg2: memref<40000x128xf32, #tpu.memory_space<hbm>>, %arg3: memref<163840xi32, #tpu.memory_space<hbm>>, %arg4: memref<1280x128xi32, #tpu.memory_space<hbm>>, %arg5: memref<640x128xf32, #tpu.memory_space<hbm>>, %arg6: memref<4x10240x128xf32, #tpu.memory_space<hbm>>, %arg7: memref<10240xi32, #tpu.memory_space<vmem>>, %arg8: memref<10240xi32, #tpu.memory_space<vmem>>, %arg9: memref<80x128xi32, #tpu.memory_space<vmem>>, %arg10: memref<128x128xf32, #tpu.memory_space<vmem>>, %arg11: memref<10240x128xf32, #tpu.memory_space<vmem_shared>>, %arg12: memref<!tpu.dma_semaphore, #tpu.memory_space<semaphore_mem>>) attributes {dimension_semantics = [#tpu.dimension_semantics<core_parallel>, #tpu.dimension_semantics<subcore_parallel>], iteration_bounds = array<i64: 2, 16>, scalar_prefetch = 0 : i64, scratch_operands = 6 : i64, tpu.core_type = #tpu.core_type<sc_vector_subcore>, window_params = [{transform_indices = #map}, {transform_indices = #map1}, {transform_indices = #map}, {transform_indices = #map}, {transform_indices = #map2}]} {
    %mul3A = arith.constant 10240 : i32
    %mul3A_0 = arith.muli %arg1, %mul3A : i32
    "tpu.region"() ({
      %run_scoped3A = tpu.sem_alloc : memref<!tpu.dma_semaphore, #tpu.memory_space<semaphore_mem>>
      %dma_start3A = tpu.memref_slice %arg3[%mul3A_0] : memref<163840xi32, #tpu.memory_space<hbm>> -> memref<10240xi32, #tpu.memory_space<hbm>>
      %dma_start3A_13 = tpu.memref_slice %arg3[%mul3A_0] : memref<163840xi32, #tpu.memory_space<hbm>> -> memref<10240xi32, #tpu.memory_space<hbm>>
      tpu.enqueue_dma source(%dma_start3A_13 : memref<10240xi32, #tpu.memory_space<hbm>>) target(%arg7 : memref<10240xi32, #tpu.memory_space<vmem>>) target_semaphore(%run_scoped3A : memref<!tpu.dma_semaphore, #tpu.memory_space<semaphore_mem>>)
      %dma_wait3A = tpu.memref_slice %arg3[%mul3A_0] : memref<163840xi32, #tpu.memory_space<hbm>> -> memref<10240xi32, #tpu.memory_space<hbm>>
      %dma_wait3A_14 = tpu.memref_slice %arg3[%mul3A_0] : memref<163840xi32, #tpu.memory_space<hbm>> -> memref<10240xi32, #tpu.memory_space<hbm>>
      tpu.wait_dma2 semaphore(%run_scoped3A : memref<!tpu.dma_semaphore, #tpu.memory_space<semaphore_mem>>) src(%dma_wait3A_14 : memref<10240xi32, #tpu.memory_space<hbm>>) dst(%arg7 : memref<10240xi32, #tpu.memory_space<vmem>>)
      tpu.yield
    }) : () -> ()
    %mul3A_1 = arith.constant 80 : i32
    %mul3A_2 = arith.muli %arg1, %mul3A_1 : i32
    "tpu.region"() ({
      %run_scoped3A = tpu.sem_alloc : memref<!tpu.dma_semaphore, #tpu.memory_space<semaphore_mem>>
      %dma_start3A = arith.constant 0 : i32
      %dma_start3A_13 = tpu.memref_slice %arg4[%mul3A_2, %dma_start3A] : memref<1280x128xi32, #tpu.memory_space<hbm>> -> memref<80x128xi32, #tpu.memory_space<hbm>>
      %dma_start3A_14 = arith.constant 0 : i32
      %dma_start3A_15 = tpu.memref_slice %arg4[%mul3A_2, %dma_start3A_14] : memref<1280x128xi32, #tpu.memory_space<hbm>> -> memref<80x128xi32, #tpu.memory_space<hbm>>
      tpu.enqueue_dma source(%dma_start3A_15 : memref<80x128xi32, #tpu.memory_space<hbm>>) target(%arg9 : memref<80x128xi32, #tpu.memory_space<vmem>>) target_semaphore(%run_scoped3A : memref<!tpu.dma_semaphore, #tpu.memory_space<semaphore_mem>>)
      %dma_wait3A = arith.constant 0 : i32
      %dma_wait3A_16 = tpu.memref_slice %arg4[%mul3A_2, %dma_wait3A] : memref<1280x128xi32, #tpu.memory_space<hbm>> -> memref<80x128xi32, #tpu.memory_space<hbm>>
      %dma_wait3A_17 = arith.constant 0 : i32
      %dma_wait3A_18 = tpu.memref_slice %arg4[%mul3A_2, %dma_wait3A_17] : memref<1280x128xi32, #tpu.memory_space<hbm>> -> memref<80x128xi32, #tpu.memory_space<hbm>>
      tpu.wait_dma2 semaphore(%run_scoped3A : memref<!tpu.dma_semaphore, #tpu.memory_space<semaphore_mem>>) src(%dma_wait3A_18 : memref<80x128xi32, #tpu.memory_space<hbm>>) dst(%arg9 : memref<80x128xi32, #tpu.memory_space<vmem>>)
      tpu.yield
    }) : () -> ()
    %add3A = arith.constant 0 : i32
    %add3A_3 = arith.addi %arg0, %add3A : i32
    %lt3A = arith.constant 4 : i32
    %lt3A_4 = arith.cmpi slt, %add3A_3, %lt3A : i32
    %convert_element_type3A = arith.extui %lt3A_4 : i1 to i32
    %cond3A = arith.constant 0 : i32
    %cond3A_5 = arith.cmpi ne, %convert_element_type3A, %cond3A : i32
    scf.if %cond3A_5 {
      %mul3A_13 = arith.constant 640 : i32
      %mul3A_14 = arith.muli %arg1, %mul3A_13 : i32
      "tpu.region"() ({
        %run_scoped3A = tpu.sem_alloc : memref<!tpu.dma_semaphore, #tpu.memory_space<semaphore_mem>>
        %dma_start3A = arith.constant 0 : i32
        %dma_start3A_32 = tpu.memref_slice %arg11[%mul3A_14, %dma_start3A] : memref<10240x128xf32, #tpu.memory_space<vmem_shared>> -> memref<640x128xf32, #tpu.memory_space<vmem_shared>>
        tpu.enqueue_dma source(%arg5 : memref<640x128xf32, #tpu.memory_space<hbm>>) target(%dma_start3A_32 : memref<640x128xf32, #tpu.memory_space<vmem_shared>>) target_semaphore(%run_scoped3A : memref<!tpu.dma_semaphore, #tpu.memory_space<semaphore_mem>>)
        %dma_wait3A = arith.constant 0 : i32
        %dma_wait3A_33 = tpu.memref_slice %arg11[%mul3A_14, %dma_wait3A] : memref<10240x128xf32, #tpu.memory_space<vmem_shared>> -> memref<640x128xf32, #tpu.memory_space<vmem_shared>>
        tpu.wait_dma2 semaphore(%run_scoped3A : memref<!tpu.dma_semaphore, #tpu.memory_space<semaphore_mem>>) src(%arg5 : memref<640x128xf32, #tpu.memory_space<hbm>>) dst(%dma_wait3A_33 : memref<640x128xf32, #tpu.memory_space<vmem_shared>>)
        tpu.yield
      }) : () -> ()
      %scan3A = arith.constant 0 : i32
      %scan3A_15 = arith.constant 0 : i32
      %scan3A_16 = arith.constant 640 : i32
      %scan3A_17 = arith.addi %scan3A_15, %scan3A_16 : i32
      %scan3A_18 = arith.constant 1 : i32
      scf.for %scan3A_32 = %scan3A_15 to %scan3A_17 step %scan3A_18  : i32 {
        %mul3A_33 = arith.constant 16 : i32
        %mul3A_34 = arith.muli %scan3A_32, %mul3A_33 : i32
        %get3A = arith.index_cast %mul3A_34 : i32 to index
        %get3A_35 = tpu.vector_load %arg7[%get3A] {strides = array<i32>} : memref<10240xi32, #tpu.memory_space<vmem>>, vector<16xi32>,
        %get3A_36 = vector.shape_cast %get3A_35 : vector<16xi32> to vector<16xi32>
        %mul3A_37 = arith.constant 4 : i32
        %mul3A_38 = vector.broadcast %mul3A_37 : i32 to vector<16xi32>
        %mul3A_39 = arith.muli %get3A_36, %mul3A_38 : vector<16xi32>
        %add3A_40 = vector.broadcast %add3A_3 : i32 to vector<16xi32>
        %add3A_41 = arith.addi %mul3A_39, %add3A_40 : vector<16xi32>
        %mul3A_42 = arith.constant 16 : i32
        %mul3A_43 = arith.muli %scan3A_32, %mul3A_42 : i32
        %swap3A = arith.index_cast %mul3A_43 : i32 to index
        %swap3A_44 = tpu.vector_load %arg8[%swap3A] {strides = array<i32>} : memref<10240xi32, #tpu.memory_space<vmem>>, vector<16xi32>,
        %swap3A_45 = vector.shape_cast %swap3A_44 : vector<16xi32> to vector<16xi32>
        %swap3A_46 = vector.shape_cast %add3A_41 : vector<16xi32> to vector<16xi32>
        tpu.vector_store %arg8[%swap3A], %swap3A_46 {strides = array<i32>} : memref<10240xi32, #tpu.memory_space<vmem>>, vector<16xi32>,
      }
      %scan3A_19 = arith.constant 640 : i32
      %barrier3A = arith.constant 0 : index
      tpu.barrier barrier_id(%barrier3A)
      %scan3A_20 = arith.constant 0 : i32
      %scan3A_21 = arith.constant 0 : i32
      %scan3A_22 = arith.constant 80 : i32
      %scan3A_23 = arith.addi %scan3A_21, %scan3A_22 : i32
      %scan3A_24 = arith.constant 1 : i32
      scf.for %scan3A_32 = %scan3A_21 to %scan3A_23 step %scan3A_24  : i32 {
        %mul3A_33 = arith.constant 128 : i32
        %mul3A_34 = arith.muli %scan3A_32, %mul3A_33 : i32
        %dma_start3A = tpu.memref_slice %arg8[%mul3A_34] : memref<10240xi32, #tpu.memory_space<vmem>> -> memref<128xi32, #tpu.memory_space<vmem>>
        %dma_start3A_35 = arith.constant 0 : i32
        %dma_start3A_36 = arith.constant 0 : i32
        %dma_start3A_37 = tpu.memref_slice %arg2[%dma_start3A_35, %dma_start3A_36] : memref<40000x128xf32, #tpu.memory_space<hbm>> -> memref<40000x128xf32, #tpu.memory_space<hbm>>
        tpu.enqueue_indirect_dma source(%dma_start3A_37 : memref<40000x128xf32, #tpu.memory_space<hbm>>) target(%arg10 : memref<128x128xf32, #tpu.memory_space<vmem>>) offsets(%dma_start3A : memref<128xi32, #tpu.memory_space<vmem>>) semaphore(%arg12 : memref<!tpu.dma_semaphore, #tpu.memory_space<semaphore_mem>>)
        %dma_wait3A = tpu.memref_slice %arg8[%mul3A_34] : memref<10240xi32, #tpu.memory_space<vmem>> -> memref<128xi32, #tpu.memory_space<vmem>>
        %dma_wait3A_38 = arith.constant 0 : i32
        %dma_wait3A_39 = arith.constant 0 : i32
        %dma_wait3A_40 = tpu.memref_slice %arg2[%dma_wait3A_38, %dma_wait3A_39] : memref<40000x128xf32, #tpu.memory_space<hbm>> -> memref<40000x128xf32, #tpu.memory_space<hbm>>
        tpu.wait_indirect_dma semaphore(%arg12 : memref<!tpu.dma_semaphore, #tpu.memory_space<semaphore_mem>>) src(%dma_wait3A_40 : memref<40000x128xf32, #tpu.memory_space<hbm>>) dst(%arg10 : memref<128x128xf32, #tpu.memory_space<vmem>>)
        "tpu.region"() ({
          %run_scoped3A = tpu.sem_alloc : memref<!tpu.dma_semaphore, #tpu.memory_space<semaphore_mem>>
          %dma_start3A_41 = arith.constant 0 : i32
          %dma_start3A_42 = tpu.memref_slice %arg9[%scan3A_32, %dma_start3A_41] : memref<80x128xi32, #tpu.memory_space<vmem>> -> memref<1x128xi32, #tpu.memory_space<vmem>>
          %dma_start3A_43 = tpu.memref_squeeze %dma_start3A_42 : memref<1x128xi32, #tpu.memory_space<vmem>> -> memref<128xi32, #tpu.memory_space<vmem>>
          %dma_start3A_44 = arith.constant 0 : i32
          %dma_start3A_45 = arith.constant 0 : i32
          %dma_start3A_46 = tpu.memref_slice %arg11[%dma_start3A_44, %dma_start3A_45] : memref<10240x128xf32, #tpu.memory_space<vmem_shared>> -> memref<10240x128xf32, #tpu.memory_space<vmem_shared>>
          tpu.enqueue_indirect_dma source(%arg10 : memref<128x128xf32, #tpu.memory_space<vmem>>) target(%dma_start3A_46 : memref<10240x128xf32, #tpu.memory_space<vmem_shared>>) offsets(%dma_start3A_43 : memref<128xi32, #tpu.memory_space<vmem>>) semaphore(%run_scoped3A : memref<!tpu.dma_semaphore, #tpu.memory_space<semaphore_mem>>) {add = true}
          %dma_wait3A_47 = arith.constant 0 : i32
          %dma_wait3A_48 = tpu.memref_slice %arg9[%scan3A_32, %dma_wait3A_47] : memref<80x128xi32, #tpu.memory_space<vmem>> -> memref<1x128xi32, #tpu.memory_space<vmem>>
          %dma_wait3A_49 = tpu.memref_squeeze %dma_wait3A_48 : memref<1x128xi32, #tpu.memory_space<vmem>> -> memref<128xi32, #tpu.memory_space<vmem>>
          %dma_wait3A_50 = arith.constant 0 : i32
          %dma_wait3A_51 = arith.constant 0 : i32
          %dma_wait3A_52 = tpu.memref_slice %arg11[%dma_wait3A_50, %dma_wait3A_51] : memref<10240x128xf32, #tpu.memory_space<vmem_shared>> -> memref<10240x128xf32, #tpu.memory_space<vmem_shared>>
          tpu.wait_indirect_dma semaphore(%run_scoped3A : memref<!tpu.dma_semaphore, #tpu.memory_space<semaphore_mem>>) src(%arg10 : memref<128x128xf32, #tpu.memory_space<vmem>>) dst(%dma_wait3A_52 : memref<10240x128xf32, #tpu.memory_space<vmem_shared>>)
          tpu.yield
        }) : () -> ()
      }
      %scan3A_25 = arith.constant 80 : i32
      %barrier3A_26 = arith.constant 0 : index
      tpu.barrier barrier_id(%barrier3A_26)
      %mul3A_27 = arith.constant 640 : i32
      %mul3A_28 = arith.muli %arg1, %mul3A_27 : i32
      %mul3A_29 = arith.constant 640 : i32
      %mul3A_30 = arith.muli %arg1, %mul3A_29 : i32
      "tpu.region"() ({
        %run_scoped3A = tpu.sem_alloc : memref<!tpu.dma_semaphore, #tpu.memory_space<semaphore_mem>>
        %dma_start3A = arith.constant 0 : i32
        %dma_start3A_32 = tpu.memref_slice %arg6[%add3A_3, %mul3A_30, %dma_start3A] : memref<4x10240x128xf32, #tpu.memory_space<hbm>> -> memref<1x640x128xf32, #tpu.memory_space<hbm>>
        %dma_start3A_33 = tpu.memref_squeeze %dma_start3A_32 : memref<1x640x128xf32, #tpu.memory_space<hbm>> -> memref<640x128xf32, #tpu.memory_space<hbm>>
        %dma_start3A_34 = arith.constant 0 : i32
        %dma_start3A_35 = tpu.memref_slice %arg11[%mul3A_28, %dma_start3A_34] : memref<10240x128xf32, #tpu.memory_space<vmem_shared>> -> memref<640x128xf32, #tpu.memory_space<vmem_shared>>
        tpu.enqueue_dma source(%dma_start3A_35 : memref<640x128xf32, #tpu.memory_space<vmem_shared>>) target(%dma_start3A_33 : memref<640x128xf32, #tpu.memory_space<hbm>>) target_semaphore(%run_scoped3A : memref<!tpu.dma_semaphore, #tpu.memory_space<semaphore_mem>>)
        %dma_wait3A = arith.constant 0 : i32
        %dma_wait3A_36 = tpu.memref_slice %arg6[%add3A_3, %mul3A_30, %dma_wait3A] : memref<4x10240x128xf32, #tpu.memory_space<hbm>> -> memref<1x640x128xf32, #tpu.memory_space<hbm>>
        %dma_wait3A_37 = tpu.memref_squeeze %dma_wait3A_36 : memref<1x640x128xf32, #tpu.memory_space<hbm>> -> memref<640x128xf32, #tpu.memory_space<hbm>>
        %dma_wait3A_38 = arith.constant 0 : i32
        %dma_wait3A_39 = tpu.memref_slice %arg11[%mul3A_28, %dma_wait3A_38] : memref<10240x128xf32, #tpu.memory_space<vmem_shared>> -> memref<640x128xf32, #tpu.memory_space<vmem_shared>>
        tpu.wait_dma2 semaphore(%run_scoped3A : memref<!tpu.dma_semaphore, #tpu.memory_space<semaphore_mem>>) src(%dma_wait3A_39 : memref<640x128xf32, #tpu.memory_space<vmem_shared>>) dst(%dma_wait3A_37 : memref<640x128xf32, #tpu.memory_space<hbm>>)
        tpu.yield
      }) : () -> ()
      %barrier3A_31 = arith.constant 0 : index
      tpu.barrier barrier_id(%barrier3A_31)
    } else {
    }
    %add3A_6 = arith.constant 2 : i32
    %add3A_7 = arith.addi %arg0, %add3A_6 : i32
    %lt3A_8 = arith.constant 4 : i32
    %lt3A_9 = arith.cmpi slt, %add3A_7, %lt3A_8 : i32
    %convert_element_type3A_10 = arith.extui %lt3A_9 : i1 to i32
    %cond3A_11 = arith.constant 0 : i32
    %cond3A_12 = arith.cmpi ne, %convert_element_type3A_10, %cond3A_11 : i32
    scf.if %cond3A_12 {
      %mul3A_13 = arith.constant 640 : i32
      %mul3A_14 = arith.muli %arg1, %mul3A_13 : i32
      "tpu.region"() ({
        %run_scoped3A = tpu.sem_alloc : memref<!tpu.dma_semaphore, #tpu.memory_space<semaphore_mem>>
        %dma_start3A = arith.constant 0 : i32
        %dma_start3A_32 = tpu.memref_slice %arg11[%mul3A_14, %dma_start3A] : memref<10240x128xf32, #tpu.memory_space<vmem_shared>> -> memref<640x128xf32, #tpu.memory_space<vmem_shared>>
        tpu.enqueue_dma source(%arg5 : memref<640x128xf32, #tpu.memory_space<hbm>>) target(%dma_start3A_32 : memref<640x128xf32, #tpu.memory_space<vmem_shared>>) target_semaphore(%run_scoped3A : memref<!tpu.dma_semaphore, #tpu.memory_space<semaphore_mem>>)
        %dma_wait3A = arith.constant 0 : i32
        %dma_wait3A_33 = tpu.memref_slice %arg11[%mul3A_14, %dma_wait3A] : memref<10240x128xf32, #tpu.memory_space<vmem_shared>> -> memref<640x128xf32, #tpu.memory_space<vmem_shared>>
        tpu.wait_dma2 semaphore(%run_scoped3A : memref<!tpu.dma_semaphore, #tpu.memory_space<semaphore_mem>>) src(%arg5 : memref<640x128xf32, #tpu.memory_space<hbm>>) dst(%dma_wait3A_33 : memref<640x128xf32, #tpu.memory_space<vmem_shared>>)
        tpu.yield
      }) : () -> ()
      %scan3A = arith.constant 0 : i32
      %scan3A_15 = arith.constant 0 : i32
      %scan3A_16 = arith.constant 640 : i32
      %scan3A_17 = arith.addi %scan3A_15, %scan3A_16 : i32
      %scan3A_18 = arith.constant 1 : i32
      scf.for %scan3A_32 = %scan3A_15 to %scan3A_17 step %scan3A_18  : i32 {
        %mul3A_33 = arith.constant 16 : i32
        %mul3A_34 = arith.muli %scan3A_32, %mul3A_33 : i32
        %get3A = arith.index_cast %mul3A_34 : i32 to index
        %get3A_35 = tpu.vector_load %arg7[%get3A] {strides = array<i32>} : memref<10240xi32, #tpu.memory_space<vmem>>, vector<16xi32>,
        %get3A_36 = vector.shape_cast %get3A_35 : vector<16xi32> to vector<16xi32>
        %mul3A_37 = arith.constant 4 : i32
        %mul3A_38 = vector.broadcast %mul3A_37 : i32 to vector<16xi32>
        %mul3A_39 = arith.muli %get3A_36, %mul3A_38 : vector<16xi32>
        %add3A_40 = vector.broadcast %add3A_7 : i32 to vector<16xi32>
        %add3A_41 = arith.addi %mul3A_39, %add3A_40 : vector<16xi32>
        %mul3A_42 = arith.constant 16 : i32
        %mul3A_43 = arith.muli %scan3A_32, %mul3A_42 : i32
        %swap3A = arith.index_cast %mul3A_43 : i32 to index
        %swap3A_44 = tpu.vector_load %arg8[%swap3A] {strides = array<i32>} : memref<10240xi32, #tpu.memory_space<vmem>>, vector<16xi32>,
        %swap3A_45 = vector.shape_cast %swap3A_44 : vector<16xi32> to vector<16xi32>
        %swap3A_46 = vector.shape_cast %add3A_41 : vector<16xi32> to vector<16xi32>
        tpu.vector_store %arg8[%swap3A], %swap3A_46 {strides = array<i32>} : memref<10240xi32, #tpu.memory_space<vmem>>, vector<16xi32>,
      }
      %scan3A_19 = arith.constant 640 : i32
      %barrier3A = arith.constant 0 : index
      tpu.barrier barrier_id(%barrier3A)
      %scan3A_20 = arith.constant 0 : i32
      %scan3A_21 = arith.constant 0 : i32
      %scan3A_22 = arith.constant 80 : i32
      %scan3A_23 = arith.addi %scan3A_21, %scan3A_22 : i32
      %scan3A_24 = arith.constant 1 : i32
      scf.for %scan3A_32 = %scan3A_21 to %scan3A_23 step %scan3A_24  : i32 {
        %mul3A_33 = arith.constant 128 : i32
        %mul3A_34 = arith.muli %scan3A_32, %mul3A_33 : i32
        %dma_start3A = tpu.memref_slice %arg8[%mul3A_34] : memref<10240xi32, #tpu.memory_space<vmem>> -> memref<128xi32, #tpu.memory_space<vmem>>
        %dma_start3A_35 = arith.constant 0 : i32
        %dma_start3A_36 = arith.constant 0 : i32
        %dma_start3A_37 = tpu.memref_slice %arg2[%dma_start3A_35, %dma_start3A_36] : memref<40000x128xf32, #tpu.memory_space<hbm>> -> memref<40000x128xf32, #tpu.memory_space<hbm>>
        tpu.enqueue_indirect_dma source(%dma_start3A_37 : memref<40000x128xf32, #tpu.memory_space<hbm>>) target(%arg10 : memref<128x128xf32, #tpu.memory_space<vmem>>) offsets(%dma_start3A : memref<128xi32, #tpu.memory_space<vmem>>) semaphore(%arg12 : memref<!tpu.dma_semaphore, #tpu.memory_space<semaphore_mem>>)
        %dma_wait3A = tpu.memref_slice %arg8[%mul3A_34] : memref<10240xi32, #tpu.memory_space<vmem>> -> memref<128xi32, #tpu.memory_space<vmem>>
        %dma_wait3A_38 = arith.constant 0 : i32
        %dma_wait3A_39 = arith.constant 0 : i32
        %dma_wait3A_40 = tpu.memref_slice %arg2[%dma_wait3A_38, %dma_wait3A_39] : memref<40000x128xf32, #tpu.memory_space<hbm>> -> memref<40000x128xf32, #tpu.memory_space<hbm>>
        tpu.wait_indirect_dma semaphore(%arg12 : memref<!tpu.dma_semaphore, #tpu.memory_space<semaphore_mem>>) src(%dma_wait3A_40 : memref<40000x128xf32, #tpu.memory_space<hbm>>) dst(%arg10 : memref<128x128xf32, #tpu.memory_space<vmem>>)
        "tpu.region"() ({
          %run_scoped3A = tpu.sem_alloc : memref<!tpu.dma_semaphore, #tpu.memory_space<semaphore_mem>>
          %dma_start3A_41 = arith.constant 0 : i32
          %dma_start3A_42 = tpu.memref_slice %arg9[%scan3A_32, %dma_start3A_41] : memref<80x128xi32, #tpu.memory_space<vmem>> -> memref<1x128xi32, #tpu.memory_space<vmem>>
          %dma_start3A_43 = tpu.memref_squeeze %dma_start3A_42 : memref<1x128xi32, #tpu.memory_space<vmem>> -> memref<128xi32, #tpu.memory_space<vmem>>
          %dma_start3A_44 = arith.constant 0 : i32
          %dma_start3A_45 = arith.constant 0 : i32
          %dma_start3A_46 = tpu.memref_slice %arg11[%dma_start3A_44, %dma_start3A_45] : memref<10240x128xf32, #tpu.memory_space<vmem_shared>> -> memref<10240x128xf32, #tpu.memory_space<vmem_shared>>
          tpu.enqueue_indirect_dma source(%arg10 : memref<128x128xf32, #tpu.memory_space<vmem>>) target(%dma_start3A_46 : memref<10240x128xf32, #tpu.memory_space<vmem_shared>>) offsets(%dma_start3A_43 : memref<128xi32, #tpu.memory_space<vmem>>) semaphore(%run_scoped3A : memref<!tpu.dma_semaphore, #tpu.memory_space<semaphore_mem>>) {add = true}
          %dma_wait3A_47 = arith.constant 0 : i32
          %dma_wait3A_48 = tpu.memref_slice %arg9[%scan3A_32, %dma_wait3A_47] : memref<80x128xi32, #tpu.memory_space<vmem>> -> memref<1x128xi32, #tpu.memory_space<vmem>>
          %dma_wait3A_49 = tpu.memref_squeeze %dma_wait3A_48 : memref<1x128xi32, #tpu.memory_space<vmem>> -> memref<128xi32, #tpu.memory_space<vmem>>
          %dma_wait3A_50 = arith.constant 0 : i32
          %dma_wait3A_51 = arith.constant 0 : i32
          %dma_wait3A_52 = tpu.memref_slice %arg11[%dma_wait3A_50, %dma_wait3A_51] : memref<10240x128xf32, #tpu.memory_space<vmem_shared>> -> memref<10240x128xf32, #tpu.memory_space<vmem_shared>>
          tpu.wait_indirect_dma semaphore(%run_scoped3A : memref<!tpu.dma_semaphore, #tpu.memory_space<semaphore_mem>>) src(%arg10 : memref<128x128xf32, #tpu.memory_space<vmem>>) dst(%dma_wait3A_52 : memref<10240x128xf32, #tpu.memory_space<vmem_shared>>)
          tpu.yield
        }) : () -> ()
      }
      %scan3A_25 = arith.constant 80 : i32
      %barrier3A_26 = arith.constant 0 : index
      tpu.barrier barrier_id(%barrier3A_26)
      %mul3A_27 = arith.constant 640 : i32
      %mul3A_28 = arith.muli %arg1, %mul3A_27 : i32
      %mul3A_29 = arith.constant 640 : i32
      %mul3A_30 = arith.muli %arg1, %mul3A_29 : i32
      "tpu.region"() ({
        %run_scoped3A = tpu.sem_alloc : memref<!tpu.dma_semaphore, #tpu.memory_space<semaphore_mem>>
        %dma_start3A = arith.constant 0 : i32
        %dma_start3A_32 = tpu.memref_slice %arg6[%add3A_7, %mul3A_30, %dma_start3A] : memref<4x10240x128xf32, #tpu.memory_space<hbm>> -> memref<1x640x128xf32, #tpu.memory_space<hbm>>
        %dma_start3A_33 = tpu.memref_squeeze %dma_start3A_32 : memref<1x640x128xf32, #tpu.memory_space<hbm>> -> memref<640x128xf32, #tpu.memory_space<hbm>>
        %dma_start3A_34 = arith.constant 0 : i32
        %dma_start3A_35 = tpu.memref_slice %arg11[%mul3A_28, %dma_start3A_34] : memref<10240x128xf32, #tpu.memory_space<vmem_shared>> -> memref<640x128xf32, #tpu.memory_space<vmem_shared>>
        tpu.enqueue_dma source(%dma_start3A_35 : memref<640x128xf32, #tpu.memory_space<vmem_shared>>) target(%dma_start3A_33 : memref<640x128xf32, #tpu.memory_space<hbm>>) target_semaphore(%run_scoped3A : memref<!tpu.dma_semaphore, #tpu.memory_space<semaphore_mem>>)
        %dma_wait3A = arith.constant 0 : i32
        %dma_wait3A_36 = tpu.memref_slice %arg6[%add3A_7, %mul3A_30, %dma_wait3A] : memref<4x10240x128xf32, #tpu.memory_space<hbm>> -> memref<1x640x128xf32, #tpu.memory_space<hbm>>
        %dma_wait3A_37 = tpu.memref_squeeze %dma_wait3A_36 : memref<1x640x128xf32, #tpu.memory_space<hbm>> -> memref<640x128xf32, #tpu.memory_space<hbm>>
        %dma_wait3A_38 = arith.constant 0 : i32
        %dma_wait3A_39 = tpu.memref_slice %arg11[%mul3A_28, %dma_wait3A_38] : memref<10240x128xf32, #tpu.memory_space<vmem_shared>> -> memref<640x128xf32, #tpu.memory_space<vmem_shared>>
        tpu.wait_dma2 semaphore(%run_scoped3A : memref<!tpu.dma_semaphore, #tpu.memory_space<semaphore_mem>>) src(%dma_wait3A_39 : memref<640x128xf32, #tpu.memory_space<vmem_shared>>) dst(%dma_wait3A_37 : memref<640x128xf32, #tpu.memory_space<hbm>>)
        tpu.yield
      }) : () -> ()
      %barrier3A_31 = arith.constant 0 : index
      tpu.barrier barrier_id(%barrier3A_31)
    } else {
    }
    return
  }
}

#map = affine_map<(d0, d1) -> (0, 0)>
#map1 = affine_map<(d0, d1) -> (0)>
#map2 = affine_map<(d0, d1) -> (0, 0, 0)>
module attributes {stable_mosaic.version = 14 : i64} {
  func.func @k(%arg0: i32, %arg1: i32, %arg2: memref<40000x128xf32, #tpu.memory_space<hbm>>, %arg3: memref<163840xi32, #tpu.memory_space<hbm>>, %arg4: memref<1280x128xi32, #tpu.memory_space<hbm>>, %arg5: memref<640x128xf32, #tpu.memory_space<hbm>>, %arg6: memref<4x10240x128xf32, #tpu.memory_space<hbm>>, %arg7: memref<10240xi32, #tpu.memory_space<vmem>>, %arg8: memref<10240xi32, #tpu.memory_space<vmem>>, %arg9: memref<80x128xi32, #tpu.memory_space<vmem>>, %arg10: memref<128x128xf32, #tpu.memory_space<vmem>>, %arg11: memref<10240x128xf32, #tpu.memory_space<vmem_shared>>, %arg12: memref<!tpu.dma_semaphore, #tpu.memory_space<semaphore_mem>>) attributes {dimension_semantics = [#tpu.dimension_semantics<core_parallel>, #tpu.dimension_semantics<subcore_parallel>], iteration_bounds = array<i64: 2, 16>, scalar_prefetch = 0 : i64, scratch_operands = 6 : i64, tpu.core_type = #tpu.core_type<sc_vector_subcore>, window_params = [{transform_indices = #map}, {transform_indices = #map1}, {transform_indices = #map}, {transform_indices = #map}, {transform_indices = #map2}]} {
    %mul3A = arith.constant 10240 : i32
    %mul3A_0 = arith.muli %arg1, %mul3A : i32
    "tpu.region"() ({
      %run_scoped3A = tpu.sem_alloc : memref<!tpu.dma_semaphore, #tpu.memory_space<semaphore_mem>>
      %dma_start3A = tpu.memref_slice %arg3[%mul3A_0] : memref<163840xi32, #tpu.memory_space<hbm>> -> memref<10240xi32, #tpu.memory_space<hbm>>
      %dma_start3A_13 = tpu.memref_slice %arg3[%mul3A_0] : memref<163840xi32, #tpu.memory_space<hbm>> -> memref<10240xi32, #tpu.memory_space<hbm>>
      tpu.enqueue_dma source(%dma_start3A_13 : memref<10240xi32, #tpu.memory_space<hbm>>) target(%arg7 : memref<10240xi32, #tpu.memory_space<vmem>>) target_semaphore(%run_scoped3A : memref<!tpu.dma_semaphore, #tpu.memory_space<semaphore_mem>>)
      %dma_wait3A = tpu.memref_slice %arg3[%mul3A_0] : memref<163840xi32, #tpu.memory_space<hbm>> -> memref<10240xi32, #tpu.memory_space<hbm>>
      %dma_wait3A_14 = tpu.memref_slice %arg3[%mul3A_0] : memref<163840xi32, #tpu.memory_space<hbm>> -> memref<10240xi32, #tpu.memory_space<hbm>>
      tpu.wait_dma2 semaphore(%run_scoped3A : memref<!tpu.dma_semaphore, #tpu.memory_space<semaphore_mem>>) src(%dma_wait3A_14 : memref<10240xi32, #tpu.memory_space<hbm>>) dst(%arg7 : memref<10240xi32, #tpu.memory_space<vmem>>)
      tpu.yield
    }) : () -> ()
    %mul3A_1 = arith.constant 80 : i32
    %mul3A_2 = arith.muli %arg1, %mul3A_1 : i32
    "tpu.region"() ({
      %run_scoped3A = tpu.sem_alloc : memref<!tpu.dma_semaphore, #tpu.memory_space<semaphore_mem>>
      %dma_start3A = arith.constant 0 : i32
      %dma_start3A_13 = tpu.memref_slice %arg4[%mul3A_2, %dma_start3A] : memref<1280x128xi32, #tpu.memory_space<hbm>> -> memref<80x128xi32, #tpu.memory_space<hbm>>
      %dma_start3A_14 = arith.constant 0 : i32
      %dma_start3A_15 = tpu.memref_slice %arg4[%mul3A_2, %dma_start3A_14] : memref<1280x128xi32, #tpu.memory_space<hbm>> -> memref<80x128xi32, #tpu.memory_space<hbm>>
      tpu.enqueue_dma source(%dma_start3A_15 : memref<80x128xi32, #tpu.memory_space<hbm>>) target(%arg9 : memref<80x128xi32, #tpu.memory_space<vmem>>) target_semaphore(%run_scoped3A : memref<!tpu.dma_semaphore, #tpu.memory_space<semaphore_mem>>)
      %dma_wait3A = arith.constant 0 : i32
      %dma_wait3A_16 = tpu.memref_slice %arg4[%mul3A_2, %dma_wait3A] : memref<1280x128xi32, #tpu.memory_space<hbm>> -> memref<80x128xi32, #tpu.memory_space<hbm>>
      %dma_wait3A_17 = arith.constant 0 : i32
      %dma_wait3A_18 = tpu.memref_slice %arg4[%mul3A_2, %dma_wait3A_17] : memref<1280x128xi32, #tpu.memory_space<hbm>> -> memref<80x128xi32, #tpu.memory_space<hbm>>
      tpu.wait_dma2 semaphore(%run_scoped3A : memref<!tpu.dma_semaphore, #tpu.memory_space<semaphore_mem>>) src(%dma_wait3A_18 : memref<80x128xi32, #tpu.memory_space<hbm>>) dst(%arg9 : memref<80x128xi32, #tpu.memory_space<vmem>>)
      tpu.yield
    }) : () -> ()
    %add3A = arith.constant 0 : i32
    %add3A_3 = arith.addi %arg0, %add3A : i32
    %lt3A = arith.constant 4 : i32
    %lt3A_4 = arith.cmpi slt, %add3A_3, %lt3A : i32
    %convert_element_type3A = arith.extui %lt3A_4 : i1 to i32
    %cond3A = arith.constant 0 : i32
    %cond3A_5 = arith.cmpi ne, %convert_element_type3A, %cond3A : i32
    scf.if %cond3A_5 {
      %mul3A_13 = arith.constant 640 : i32
      %mul3A_14 = arith.muli %arg1, %mul3A_13 : i32
      "tpu.region"() ({
        %run_scoped3A = tpu.sem_alloc : memref<!tpu.dma_semaphore, #tpu.memory_space<semaphore_mem>>
        %dma_start3A = arith.constant 0 : i32
        %dma_start3A_32 = tpu.memref_slice %arg11[%mul3A_14, %dma_start3A] : memref<10240x128xf32, #tpu.memory_space<vmem_shared>> -> memref<640x128xf32, #tpu.memory_space<vmem_shared>>
        tpu.enqueue_dma source(%arg5 : memref<640x128xf32, #tpu.memory_space<hbm>>) target(%dma_start3A_32 : memref<640x128xf32, #tpu.memory_space<vmem_shared>>) target_semaphore(%run_scoped3A : memref<!tpu.dma_semaphore, #tpu.memory_space<semaphore_mem>>)
        %dma_wait3A = arith.constant 0 : i32
        %dma_wait3A_33 = tpu.memref_slice %arg11[%mul3A_14, %dma_wait3A] : memref<10240x128xf32, #tpu.memory_space<vmem_shared>> -> memref<640x128xf32, #tpu.memory_space<vmem_shared>>
        tpu.wait_dma2 semaphore(%run_scoped3A : memref<!tpu.dma_semaphore, #tpu.memory_space<semaphore_mem>>) src(%arg5 : memref<640x128xf32, #tpu.memory_space<hbm>>) dst(%dma_wait3A_33 : memref<640x128xf32, #tpu.memory_space<vmem_shared>>)
        tpu.yield
      }) : () -> ()
      %scan3A = arith.constant 0 : i32
      %scan3A_15 = arith.constant 0 : i32
      %scan3A_16 = arith.constant 640 : i32
      %scan3A_17 = arith.addi %scan3A_15, %scan3A_16 : i32
      %scan3A_18 = arith.constant 1 : i32
      scf.for %scan3A_32 = %scan3A_15 to %scan3A_17 step %scan3A_18  : i32 {
        %mul3A_33 = arith.constant 16 : i32
        %mul3A_34 = arith.muli %scan3A_32, %mul3A_33 : i32
        %get3A = arith.index_cast %mul3A_34 : i32 to index
        %get3A_35 = tpu.vector_load %arg7[%get3A] {strides = array<i32>} : memref<10240xi32, #tpu.memory_space<vmem>>, vector<16xi32>,
        %get3A_36 = vector.shape_cast %get3A_35 : vector<16xi32> to vector<16xi32>
        %mul3A_37 = arith.constant 4 : i32
        %mul3A_38 = vector.broadcast %mul3A_37 : i32 to vector<16xi32>
        %mul3A_39 = arith.muli %get3A_36, %mul3A_38 : vector<16xi32>
        %add3A_40 = vector.broadcast %add3A_3 : i32 to vector<16xi32>
        %add3A_41 = arith.addi %mul3A_39, %add3A_40 : vector<16xi32>
        %mul3A_42 = arith.constant 16 : i32
        %mul3A_43 = arith.muli %scan3A_32, %mul3A_42 : i32
        %swap3A = arith.index_cast %mul3A_43 : i32 to index
        %swap3A_44 = tpu.vector_load %arg8[%swap3A] {strides = array<i32>} : memref<10240xi32, #tpu.memory_space<vmem>>, vector<16xi32>,
        %swap3A_45 = vector.shape_cast %swap3A_44 : vector<16xi32> to vector<16xi32>
        %swap3A_46 = vector.shape_cast %add3A_41 : vector<16xi32> to vector<16xi32>
        tpu.vector_store %arg8[%swap3A], %swap3A_46 {strides = array<i32>} : memref<10240xi32, #tpu.memory_space<vmem>>, vector<16xi32>,
      }
      %scan3A_19 = arith.constant 640 : i32
      %barrier3A = arith.constant 0 : index
      tpu.barrier barrier_id(%barrier3A)
      %scan3A_20 = arith.constant 0 : i32
      %scan3A_21 = arith.constant 0 : i32
      %scan3A_22 = arith.constant 80 : i32
      %scan3A_23 = arith.addi %scan3A_21, %scan3A_22 : i32
      %scan3A_24 = arith.constant 1 : i32
      scf.for %scan3A_32 = %scan3A_21 to %scan3A_23 step %scan3A_24  : i32 {
        %mul3A_33 = arith.constant 128 : i32
        %mul3A_34 = arith.muli %scan3A_32, %mul3A_33 : i32
        %dma_start3A = tpu.memref_slice %arg8[%mul3A_34] : memref<10240xi32, #tpu.memory_space<vmem>> -> memref<128xi32, #tpu.memory_space<vmem>>
        %dma_start3A_35 = arith.constant 0 : i32
        %dma_start3A_36 = arith.constant 0 : i32
        %dma_start3A_37 = tpu.memref_slice %arg2[%dma_start3A_35, %dma_start3A_36] : memref<40000x128xf32, #tpu.memory_space<hbm>> -> memref<40000x128xf32, #tpu.memory_space<hbm>>
        tpu.enqueue_indirect_dma source(%dma_start3A_37 : memref<40000x128xf32, #tpu.memory_space<hbm>>) target(%arg10 : memref<128x128xf32, #tpu.memory_space<vmem>>) offsets(%dma_start3A : memref<128xi32, #tpu.memory_space<vmem>>) semaphore(%arg12 : memref<!tpu.dma_semaphore, #tpu.memory_space<semaphore_mem>>)
        %dma_wait3A = tpu.memref_slice %arg8[%mul3A_34] : memref<10240xi32, #tpu.memory_space<vmem>> -> memref<128xi32, #tpu.memory_space<vmem>>
        %dma_wait3A_38 = arith.constant 0 : i32
        %dma_wait3A_39 = arith.constant 0 : i32
        %dma_wait3A_40 = tpu.memref_slice %arg2[%dma_wait3A_38, %dma_wait3A_39] : memref<40000x128xf32, #tpu.memory_space<hbm>> -> memref<40000x128xf32, #tpu.memory_space<hbm>>
        tpu.wait_indirect_dma semaphore(%arg12 : memref<!tpu.dma_semaphore, #tpu.memory_space<semaphore_mem>>) src(%dma_wait3A_40 : memref<40000x128xf32, #tpu.memory_space<hbm>>) dst(%arg10 : memref<128x128xf32, #tpu.memory_space<vmem>>)
        "tpu.region"() ({
          %run_scoped3A = tpu.sem_alloc : memref<!tpu.dma_semaphore, #tpu.memory_space<semaphore_mem>>
          %dma_start3A_41 = arith.constant 0 : i32
          %dma_start3A_42 = tpu.memref_slice %arg9[%scan3A_32, %dma_start3A_41] : memref<80x128xi32, #tpu.memory_space<vmem>> -> memref<1x128xi32, #tpu.memory_space<vmem>>
          %dma_start3A_43 = tpu.memref_squeeze %dma_start3A_42 : memref<1x128xi32, #tpu.memory_space<vmem>> -> memref<128xi32, #tpu.memory_space<vmem>>
          %dma_start3A_44 = arith.constant 0 : i32
          %dma_start3A_45 = arith.constant 0 : i32
          %dma_start3A_46 = tpu.memref_slice %arg11[%dma_start3A_44, %dma_start3A_45] : memref<10240x128xf32, #tpu.memory_space<vmem_shared>> -> memref<10240x128xf32, #tpu.memory_space<vmem_shared>>
          tpu.enqueue_indirect_dma source(%arg10 : memref<128x128xf32, #tpu.memory_space<vmem>>) target(%dma_start3A_46 : memref<10240x128xf32, #tpu.memory_space<vmem_shared>>) offsets(%dma_start3A_43 : memref<128xi32, #tpu.memory_space<vmem>>) semaphore(%run_scoped3A : memref<!tpu.dma_semaphore, #tpu.memory_space<semaphore_mem>>) {add = true}
          %dma_wait3A_47 = arith.constant 0 : i32
          %dma_wait3A_48 = tpu.memref_slice %arg9[%scan3A_32, %dma_wait3A_47] : memref<80x128xi32, #tpu.memory_space<vmem>> -> memref<1x128xi32, #tpu.memory_space<vmem>>
          %dma_wait3A_49 = tpu.memref_squeeze %dma_wait3A_48 : memref<1x128xi32, #tpu.memory_space<vmem>> -> memref<128xi32, #tpu.memory_space<vmem>>
          %dma_wait3A_50 = arith.constant 0 : i32
          %dma_wait3A_51 = arith.constant 0 : i32
          %dma_wait3A_52 = tpu.memref_slice %arg11[%dma_wait3A_50, %dma_wait3A_51] : memref<10240x128xf32, #tpu.memory_space<vmem_shared>> -> memref<10240x128xf32, #tpu.memory_space<vmem_shared>>
          tpu.wait_indirect_dma semaphore(%run_scoped3A : memref<!tpu.dma_semaphore, #tpu.memory_space<semaphore_mem>>) src(%arg10 : memref<128x128xf32, #tpu.memory_space<vmem>>) dst(%dma_wait3A_52 : memref<10240x128xf32, #tpu.memory_space<vmem_shared>>)
          tpu.yield
        }) : () -> ()
      }
      %scan3A_25 = arith.constant 80 : i32
      %barrier3A_26 = arith.constant 0 : index
      tpu.barrier barrier_id(%barrier3A_26)
      %mul3A_27 = arith.constant 640 : i32
      %mul3A_28 = arith.muli %arg1, %mul3A_27 : i32
      %mul3A_29 = arith.constant 640 : i32
      %mul3A_30 = arith.muli %arg1, %mul3A_29 : i32
      "tpu.region"() ({
        %run_scoped3A = tpu.sem_alloc : memref<!tpu.dma_semaphore, #tpu.memory_space<semaphore_mem>>
        %dma_start3A = arith.constant 0 : i32
        %dma_start3A_32 = tpu.memref_slice %arg6[%add3A_3, %mul3A_30, %dma_start3A] : memref<4x10240x128xf32, #tpu.memory_space<hbm>> -> memref<1x640x128xf32, #tpu.memory_space<hbm>>
        %dma_start3A_33 = tpu.memref_squeeze %dma_start3A_32 : memref<1x640x128xf32, #tpu.memory_space<hbm>> -> memref<640x128xf32, #tpu.memory_space<hbm>>
        %dma_start3A_34 = arith.constant 0 : i32
        %dma_start3A_35 = tpu.memref_slice %arg11[%mul3A_28, %dma_start3A_34] : memref<10240x128xf32, #tpu.memory_space<vmem_shared>> -> memref<640x128xf32, #tpu.memory_space<vmem_shared>>
        tpu.enqueue_dma source(%dma_start3A_35 : memref<640x128xf32, #tpu.memory_space<vmem_shared>>) target(%dma_start3A_33 : memref<640x128xf32, #tpu.memory_space<hbm>>) target_semaphore(%run_scoped3A : memref<!tpu.dma_semaphore, #tpu.memory_space<semaphore_mem>>)
        %dma_wait3A = arith.constant 0 : i32
        %dma_wait3A_36 = tpu.memref_slice %arg6[%add3A_3, %mul3A_30, %dma_wait3A] : memref<4x10240x128xf32, #tpu.memory_space<hbm>> -> memref<1x640x128xf32, #tpu.memory_space<hbm>>
        %dma_wait3A_37 = tpu.memref_squeeze %dma_wait3A_36 : memref<1x640x128xf32, #tpu.memory_space<hbm>> -> memref<640x128xf32, #tpu.memory_space<hbm>>
        %dma_wait3A_38 = arith.constant 0 : i32
        %dma_wait3A_39 = tpu.memref_slice %arg11[%mul3A_28, %dma_wait3A_38] : memref<10240x128xf32, #tpu.memory_space<vmem_shared>> -> memref<640x128xf32, #tpu.memory_space<vmem_shared>>
        tpu.wait_dma2 semaphore(%run_scoped3A : memref<!tpu.dma_semaphore, #tpu.memory_space<semaphore_mem>>) src(%dma_wait3A_39 : memref<640x128xf32, #tpu.memory_space<vmem_shared>>) dst(%dma_wait3A_37 : memref<640x128xf32, #tpu.memory_space<hbm>>)
        tpu.yield
      }) : () -> ()
      %barrier3A_31 = arith.constant 0 : index
      tpu.barrier barrier_id(%barrier3A_31)
    } else {
    }
    %add3A_6 = arith.constant 2 : i32
    %add3A_7 = arith.addi %arg0, %add3A_6 : i32
    %lt3A_8 = arith.constant 4 : i32
    %lt3A_9 = arith.cmpi slt, %add3A_7, %lt3A_8 : i32
    %convert_element_type3A_10 = arith.extui %lt3A_9 : i1 to i32
    %cond3A_11 = arith.constant 0 : i32
    %cond3A_12 = arith.cmpi ne, %convert_element_type3A_10, %cond3A_11 : i32
    scf.if %cond3A_12 {
      %mul3A_13 = arith.constant 640 : i32
      %mul3A_14 = arith.muli %arg1, %mul3A_13 : i32
      "tpu.region"() ({
        %run_scoped3A = tpu.sem_alloc : memref<!tpu.dma_semaphore, #tpu.memory_space<semaphore_mem>>
        %dma_start3A = arith.constant 0 : i32
        %dma_start3A_32 = tpu.memref_slice %arg11[%mul3A_14, %dma_start3A] : memref<10240x128xf32, #tpu.memory_space<vmem_shared>> -> memref<640x128xf32, #tpu.memory_space<vmem_shared>>
        tpu.enqueue_dma source(%arg5 : memref<640x128xf32, #tpu.memory_space<hbm>>) target(%dma_start3A_32 : memref<640x128xf32, #tpu.memory_space<vmem_shared>>) target_semaphore(%run_scoped3A : memref<!tpu.dma_semaphore, #tpu.memory_space<semaphore_mem>>)
        %dma_wait3A = arith.constant 0 : i32
        %dma_wait3A_33 = tpu.memref_slice %arg11[%mul3A_14, %dma_wait3A] : memref<10240x128xf32, #tpu.memory_space<vmem_shared>> -> memref<640x128xf32, #tpu.memory_space<vmem_shared>>
        tpu.wait_dma2 semaphore(%run_scoped3A : memref<!tpu.dma_semaphore, #tpu.memory_space<semaphore_mem>>) src(%arg5 : memref<640x128xf32, #tpu.memory_space<hbm>>) dst(%dma_wait3A_33 : memref<640x128xf32, #tpu.memory_space<vmem_shared>>)
        tpu.yield
      }) : () -> ()
      %scan3A = arith.constant 0 : i32
      %scan3A_15 = arith.constant 0 : i32
      %scan3A_16 = arith.constant 640 : i32
      %scan3A_17 = arith.addi %scan3A_15, %scan3A_16 : i32
      %scan3A_18 = arith.constant 1 : i32
      scf.for %scan3A_32 = %scan3A_15 to %scan3A_17 step %scan3A_18  : i32 {
        %mul3A_33 = arith.constant 16 : i32
        %mul3A_34 = arith.muli %scan3A_32, %mul3A_33 : i32
        %get3A = arith.index_cast %mul3A_34 : i32 to index
        %get3A_35 = tpu.vector_load %arg7[%get3A] {strides = array<i32>} : memref<10240xi32, #tpu.memory_space<vmem>>, vector<16xi32>,
        %get3A_36 = vector.shape_cast %get3A_35 : vector<16xi32> to vector<16xi32>
        %mul3A_37 = arith.constant 4 : i32
        %mul3A_38 = vector.broadcast %mul3A_37 : i32 to vector<16xi32>
        %mul3A_39 = arith.muli %get3A_36, %mul3A_38 : vector<16xi32>
        %add3A_40 = vector.broadcast %add3A_7 : i32 to vector<16xi32>
        %add3A_41 = arith.addi %mul3A_39, %add3A_40 : vector<16xi32>
        %mul3A_42 = arith.constant 16 : i32
        %mul3A_43 = arith.muli %scan3A_32, %mul3A_42 : i32
        %swap3A = arith.index_cast %mul3A_43 : i32 to index
        %swap3A_44 = tpu.vector_load %arg8[%swap3A] {strides = array<i32>} : memref<10240xi32, #tpu.memory_space<vmem>>, vector<16xi32>,
        %swap3A_45 = vector.shape_cast %swap3A_44 : vector<16xi32> to vector<16xi32>
        %swap3A_46 = vector.shape_cast %add3A_41 : vector<16xi32> to vector<16xi32>
        tpu.vector_store %arg8[%swap3A], %swap3A_46 {strides = array<i32>} : memref<10240xi32, #tpu.memory_space<vmem>>, vector<16xi32>,
      }
      %scan3A_19 = arith.constant 640 : i32
      %barrier3A = arith.constant 0 : index
      tpu.barrier barrier_id(%barrier3A)
      %scan3A_20 = arith.constant 0 : i32
      %scan3A_21 = arith.constant 0 : i32
      %scan3A_22 = arith.constant 80 : i32
      %scan3A_23 = arith.addi %scan3A_21, %scan3A_22 : i32
      %scan3A_24 = arith.constant 1 : i32
      scf.for %scan3A_32 = %scan3A_21 to %scan3A_23 step %scan3A_24  : i32 {
        %mul3A_33 = arith.constant 128 : i32
        %mul3A_34 = arith.muli %scan3A_32, %mul3A_33 : i32
        %dma_start3A = tpu.memref_slice %arg8[%mul3A_34] : memref<10240xi32, #tpu.memory_space<vmem>> -> memref<128xi32, #tpu.memory_space<vmem>>
        %dma_start3A_35 = arith.constant 0 : i32
        %dma_start3A_36 = arith.constant 0 : i32
        %dma_start3A_37 = tpu.memref_slice %arg2[%dma_start3A_35, %dma_start3A_36] : memref<40000x128xf32, #tpu.memory_space<hbm>> -> memref<40000x128xf32, #tpu.memory_space<hbm>>
        tpu.enqueue_indirect_dma source(%dma_start3A_37 : memref<40000x128xf32, #tpu.memory_space<hbm>>) target(%arg10 : memref<128x128xf32, #tpu.memory_space<vmem>>) offsets(%dma_start3A : memref<128xi32, #tpu.memory_space<vmem>>) semaphore(%arg12 : memref<!tpu.dma_semaphore, #tpu.memory_space<semaphore_mem>>)
        %dma_wait3A = tpu.memref_slice %arg8[%mul3A_34] : memref<10240xi32, #tpu.memory_space<vmem>> -> memref<128xi32, #tpu.memory_space<vmem>>
        %dma_wait3A_38 = arith.constant 0 : i32
        %dma_wait3A_39 = arith.constant 0 : i32
        %dma_wait3A_40 = tpu.memref_slice %arg2[%dma_wait3A_38, %dma_wait3A_39] : memref<40000x128xf32, #tpu.memory_space<hbm>> -> memref<40000x128xf32, #tpu.memory_space<hbm>>
        tpu.wait_indirect_dma semaphore(%arg12 : memref<!tpu.dma_semaphore, #tpu.memory_space<semaphore_mem>>) src(%dma_wait3A_40 : memref<40000x128xf32, #tpu.memory_space<hbm>>) dst(%arg10 : memref<128x128xf32, #tpu.memory_space<vmem>>)
        "tpu.region"() ({
          %run_scoped3A = tpu.sem_alloc : memref<!tpu.dma_semaphore, #tpu.memory_space<semaphore_mem>>
          %dma_start3A_41 = arith.constant 0 : i32
          %dma_start3A_42 = tpu.memref_slice %arg9[%scan3A_32, %dma_start3A_41] : memref<80x128xi32, #tpu.memory_space<vmem>> -> memref<1x128xi32, #tpu.memory_space<vmem>>
          %dma_start3A_43 = tpu.memref_squeeze %dma_start3A_42 : memref<1x128xi32, #tpu.memory_space<vmem>> -> memref<128xi32, #tpu.memory_space<vmem>>
          %dma_start3A_44 = arith.constant 0 : i32
          %dma_start3A_45 = arith.constant 0 : i32
          %dma_start3A_46 = tpu.memref_slice %arg11[%dma_start3A_44, %dma_start3A_45] : memref<10240x128xf32, #tpu.memory_space<vmem_shared>> -> memref<10240x128xf32, #tpu.memory_space<vmem_shared>>
          tpu.enqueue_indirect_dma source(%arg10 : memref<128x128xf32, #tpu.memory_space<vmem>>) target(%dma_start3A_46 : memref<10240x128xf32, #tpu.memory_space<vmem_shared>>) offsets(%dma_start3A_43 : memref<128xi32, #tpu.memory_space<vmem>>) semaphore(%run_scoped3A : memref<!tpu.dma_semaphore, #tpu.memory_space<semaphore_mem>>) {add = true}
          %dma_wait3A_47 = arith.constant 0 : i32
          %dma_wait3A_48 = tpu.memref_slice %arg9[%scan3A_32, %dma_wait3A_47] : memref<80x128xi32, #tpu.memory_space<vmem>> -> memref<1x128xi32, #tpu.memory_space<vmem>>
          %dma_wait3A_49 = tpu.memref_squeeze %dma_wait3A_48 : memref<1x128xi32, #tpu.memory_space<vmem>> -> memref<128xi32, #tpu.memory_space<vmem>>
          %dma_wait3A_50 = arith.constant 0 : i32
          %dma_wait3A_51 = arith.constant 0 : i32
          %dma_wait3A_52 = tpu.memref_slice %arg11[%dma_wait3A_50, %dma_wait3A_51] : memref<10240x128xf32, #tpu.memory_space<vmem_shared>> -> memref<10240x128xf32, #tpu.memory_space<vmem_shared>>
          tpu.wait_indirect_dma semaphore(%run_scoped3A : memref<!tpu.dma_semaphore, #tpu.memory_space<semaphore_mem>>) src(%arg10 : memref<128x128xf32, #tpu.memory_space<vmem>>) dst(%dma_wait3A_52 : memref<10240x128xf32, #tpu.memory_space<vmem_shared>>)
          tpu.yield
        }) : () -> ()
      }
      %scan3A_25 = arith.constant 80 : i32
      %barrier3A_26 = arith.constant 0 : index
      tpu.barrier barrier_id(%barrier3A_26)
      %mul3A_27 = arith.constant 640 : i32
      %mul3A_28 = arith.muli %arg1, %mul3A_27 : i32
      %mul3A_29 = arith.constant 640 : i32
      %mul3A_30 = arith.muli %arg1, %mul3A_29 : i32
      "tpu.region"() ({
        %run_scoped3A = tpu.sem_alloc : memref<!tpu.dma_semaphore, #tpu.memory_space<semaphore_mem>>
        %dma_start3A = arith.constant 0 : i32
        %dma_start3A_32 = tpu.memref_slice %arg6[%add3A_7, %mul3A_30, %dma_start3A] : memref<4x10240x128xf32, #tpu.memory_space<hbm>> -> memref<1x640x128xf32, #tpu.memory_space<hbm>>
        %dma_start3A_33 = tpu.memref_squeeze %dma_start3A_32 : memref<1x640x128xf32, #tpu.memory_space<hbm>> -> memref<640x128xf32, #tpu.memory_space<hbm>>
        %dma_start3A_34 = arith.constant 0 : i32
        %dma_start3A_35 = tpu.memref_slice %arg11[%mul3A_28, %dma_start3A_34] : memref<10240x128xf32, #tpu.memory_space<vmem_shared>> -> memref<640x128xf32, #tpu.memory_space<vmem_shared>>
        tpu.enqueue_dma source(%dma_start3A_35 : memref<640x128xf32, #tpu.memory_space<vmem_shared>>) target(%dma_start3A_33 : memref<640x128xf32, #tpu.memory_space<hbm>>) target_semaphore(%run_scoped3A : memref<!tpu.dma_semaphore, #tpu.memory_space<semaphore_mem>>)
        %dma_wait3A = arith.constant 0 : i32
        %dma_wait3A_36 = tpu.memref_slice %arg6[%add3A_7, %mul3A_30, %dma_wait3A] : memref<4x10240x128xf32, #tpu.memory_space<hbm>> -> memref<1x640x128xf32, #tpu.memory_space<hbm>>
        %dma_wait3A_37 = tpu.memref_squeeze %dma_wait3A_36 : memref<1x640x128xf32, #tpu.memory_space<hbm>> -> memref<640x128xf32, #tpu.memory_space<hbm>>
        %dma_wait3A_38 = arith.constant 0 : i32
        %dma_wait3A_39 = tpu.memref_slice %arg11[%mul3A_28, %dma_wait3A_38] : memref<10240x128xf32, #tpu.memory_space<vmem_shared>> -> memref<640x128xf32, #tpu.memory_space<vmem_shared>>
        tpu.wait_dma2 semaphore(%run_scoped3A : memref<!tpu.dma_semaphore, #tpu.memory_space<semaphore_mem>>) src(%dma_wait3A_39 : memref<640x128xf32, #tpu.memory_space<vmem_shared>>) dst(%dma_wait3A_37 : memref<640x128xf32, #tpu.memory_space<hbm>>)
        tpu.yield
      }) : () -> ()
      %barrier3A_31 = arith.constant 0 : index
      tpu.barrier barrier_id(%barrier3A_31)
    } else {
    }
    return
  }
}

#map = affine_map<(d0, d1) -> (0, 0)>
#map1 = affine_map<(d0, d1) -> (0)>
#map2 = affine_map<(d0, d1) -> (0, 0, 0)>
module attributes {stable_mosaic.version = 14 : i64} {
  func.func @k(%arg0: i32, %arg1: i32, %arg2: memref<40000x128xf32, #tpu.memory_space<hbm>>, %arg3: memref<163840xi32, #tpu.memory_space<hbm>>, %arg4: memref<1280x128xi32, #tpu.memory_space<hbm>>, %arg5: memref<640x128xf32, #tpu.memory_space<hbm>>, %arg6: memref<4x10240x128xf32, #tpu.memory_space<hbm>>, %arg7: memref<10240xi32, #tpu.memory_space<vmem>>, %arg8: memref<10240xi32, #tpu.memory_space<vmem>>, %arg9: memref<80x128xi32, #tpu.memory_space<vmem>>, %arg10: memref<128x128xf32, #tpu.memory_space<vmem>>, %arg11: memref<10240x128xf32, #tpu.memory_space<vmem_shared>>, %arg12: memref<!tpu.dma_semaphore, #tpu.memory_space<semaphore_mem>>) attributes {dimension_semantics = [#tpu.dimension_semantics<core_parallel>, #tpu.dimension_semantics<subcore_parallel>], iteration_bounds = array<i64: 2, 16>, scalar_prefetch = 0 : i64, scratch_operands = 6 : i64, tpu.core_type = #tpu.core_type<sc_vector_subcore>, window_params = [{transform_indices = #map}, {transform_indices = #map1}, {transform_indices = #map}, {transform_indices = #map}, {transform_indices = #map2}]} {
    %mul3A = arith.constant 10240 : i32
    %mul3A_0 = arith.muli %arg1, %mul3A : i32
    "tpu.region"() ({
      %run_scoped3A = tpu.sem_alloc : memref<!tpu.dma_semaphore, #tpu.memory_space<semaphore_mem>>
      %dma_start3A = tpu.memref_slice %arg3[%mul3A_0] : memref<163840xi32, #tpu.memory_space<hbm>> -> memref<10240xi32, #tpu.memory_space<hbm>>
      %dma_start3A_13 = tpu.memref_slice %arg3[%mul3A_0] : memref<163840xi32, #tpu.memory_space<hbm>> -> memref<10240xi32, #tpu.memory_space<hbm>>
      tpu.enqueue_dma source(%dma_start3A_13 : memref<10240xi32, #tpu.memory_space<hbm>>) target(%arg7 : memref<10240xi32, #tpu.memory_space<vmem>>) target_semaphore(%run_scoped3A : memref<!tpu.dma_semaphore, #tpu.memory_space<semaphore_mem>>)
      %dma_wait3A = tpu.memref_slice %arg3[%mul3A_0] : memref<163840xi32, #tpu.memory_space<hbm>> -> memref<10240xi32, #tpu.memory_space<hbm>>
      %dma_wait3A_14 = tpu.memref_slice %arg3[%mul3A_0] : memref<163840xi32, #tpu.memory_space<hbm>> -> memref<10240xi32, #tpu.memory_space<hbm>>
      tpu.wait_dma2 semaphore(%run_scoped3A : memref<!tpu.dma_semaphore, #tpu.memory_space<semaphore_mem>>) src(%dma_wait3A_14 : memref<10240xi32, #tpu.memory_space<hbm>>) dst(%arg7 : memref<10240xi32, #tpu.memory_space<vmem>>)
      tpu.yield
    }) : () -> ()
    %mul3A_1 = arith.constant 80 : i32
    %mul3A_2 = arith.muli %arg1, %mul3A_1 : i32
    "tpu.region"() ({
      %run_scoped3A = tpu.sem_alloc : memref<!tpu.dma_semaphore, #tpu.memory_space<semaphore_mem>>
      %dma_start3A = arith.constant 0 : i32
      %dma_start3A_13 = tpu.memref_slice %arg4[%mul3A_2, %dma_start3A] : memref<1280x128xi32, #tpu.memory_space<hbm>> -> memref<80x128xi32, #tpu.memory_space<hbm>>
      %dma_start3A_14 = arith.constant 0 : i32
      %dma_start3A_15 = tpu.memref_slice %arg4[%mul3A_2, %dma_start3A_14] : memref<1280x128xi32, #tpu.memory_space<hbm>> -> memref<80x128xi32, #tpu.memory_space<hbm>>
      tpu.enqueue_dma source(%dma_start3A_15 : memref<80x128xi32, #tpu.memory_space<hbm>>) target(%arg9 : memref<80x128xi32, #tpu.memory_space<vmem>>) target_semaphore(%run_scoped3A : memref<!tpu.dma_semaphore, #tpu.memory_space<semaphore_mem>>)
      %dma_wait3A = arith.constant 0 : i32
      %dma_wait3A_16 = tpu.memref_slice %arg4[%mul3A_2, %dma_wait3A] : memref<1280x128xi32, #tpu.memory_space<hbm>> -> memref<80x128xi32, #tpu.memory_space<hbm>>
      %dma_wait3A_17 = arith.constant 0 : i32
      %dma_wait3A_18 = tpu.memref_slice %arg4[%mul3A_2, %dma_wait3A_17] : memref<1280x128xi32, #tpu.memory_space<hbm>> -> memref<80x128xi32, #tpu.memory_space<hbm>>
      tpu.wait_dma2 semaphore(%run_scoped3A : memref<!tpu.dma_semaphore, #tpu.memory_space<semaphore_mem>>) src(%dma_wait3A_18 : memref<80x128xi32, #tpu.memory_space<hbm>>) dst(%arg9 : memref<80x128xi32, #tpu.memory_space<vmem>>)
      tpu.yield
    }) : () -> ()
    %add3A = arith.constant 0 : i32
    %add3A_3 = arith.addi %arg0, %add3A : i32
    %lt3A = arith.constant 4 : i32
    %lt3A_4 = arith.cmpi slt, %add3A_3, %lt3A : i32
    %convert_element_type3A = arith.extui %lt3A_4 : i1 to i32
    %cond3A = arith.constant 0 : i32
    %cond3A_5 = arith.cmpi ne, %convert_element_type3A, %cond3A : i32
    scf.if %cond3A_5 {
      %mul3A_13 = arith.constant 640 : i32
      %mul3A_14 = arith.muli %arg1, %mul3A_13 : i32
      "tpu.region"() ({
        %run_scoped3A = tpu.sem_alloc : memref<!tpu.dma_semaphore, #tpu.memory_space<semaphore_mem>>
        %dma_start3A = arith.constant 0 : i32
        %dma_start3A_32 = tpu.memref_slice %arg11[%mul3A_14, %dma_start3A] : memref<10240x128xf32, #tpu.memory_space<vmem_shared>> -> memref<640x128xf32, #tpu.memory_space<vmem_shared>>
        tpu.enqueue_dma source(%arg5 : memref<640x128xf32, #tpu.memory_space<hbm>>) target(%dma_start3A_32 : memref<640x128xf32, #tpu.memory_space<vmem_shared>>) target_semaphore(%run_scoped3A : memref<!tpu.dma_semaphore, #tpu.memory_space<semaphore_mem>>)
        %dma_wait3A = arith.constant 0 : i32
        %dma_wait3A_33 = tpu.memref_slice %arg11[%mul3A_14, %dma_wait3A] : memref<10240x128xf32, #tpu.memory_space<vmem_shared>> -> memref<640x128xf32, #tpu.memory_space<vmem_shared>>
        tpu.wait_dma2 semaphore(%run_scoped3A : memref<!tpu.dma_semaphore, #tpu.memory_space<semaphore_mem>>) src(%arg5 : memref<640x128xf32, #tpu.memory_space<hbm>>) dst(%dma_wait3A_33 : memref<640x128xf32, #tpu.memory_space<vmem_shared>>)
        tpu.yield
      }) : () -> ()
      %scan3A = arith.constant 0 : i32
      %scan3A_15 = arith.constant 0 : i32
      %scan3A_16 = arith.constant 640 : i32
      %scan3A_17 = arith.addi %scan3A_15, %scan3A_16 : i32
      %scan3A_18 = arith.constant 1 : i32
      scf.for %scan3A_32 = %scan3A_15 to %scan3A_17 step %scan3A_18  : i32 {
        %mul3A_33 = arith.constant 16 : i32
        %mul3A_34 = arith.muli %scan3A_32, %mul3A_33 : i32
        %get3A = arith.index_cast %mul3A_34 : i32 to index
        %get3A_35 = tpu.vector_load %arg7[%get3A] {strides = array<i32>} : memref<10240xi32, #tpu.memory_space<vmem>>, vector<16xi32>,
        %get3A_36 = vector.shape_cast %get3A_35 : vector<16xi32> to vector<16xi32>
        %mul3A_37 = arith.constant 4 : i32
        %mul3A_38 = vector.broadcast %mul3A_37 : i32 to vector<16xi32>
        %mul3A_39 = arith.muli %get3A_36, %mul3A_38 : vector<16xi32>
        %add3A_40 = vector.broadcast %add3A_3 : i32 to vector<16xi32>
        %add3A_41 = arith.addi %mul3A_39, %add3A_40 : vector<16xi32>
        %mul3A_42 = arith.constant 16 : i32
        %mul3A_43 = arith.muli %scan3A_32, %mul3A_42 : i32
        %swap3A = arith.index_cast %mul3A_43 : i32 to index
        %swap3A_44 = tpu.vector_load %arg8[%swap3A] {strides = array<i32>} : memref<10240xi32, #tpu.memory_space<vmem>>, vector<16xi32>,
        %swap3A_45 = vector.shape_cast %swap3A_44 : vector<16xi32> to vector<16xi32>
        %swap3A_46 = vector.shape_cast %add3A_41 : vector<16xi32> to vector<16xi32>
        tpu.vector_store %arg8[%swap3A], %swap3A_46 {strides = array<i32>} : memref<10240xi32, #tpu.memory_space<vmem>>, vector<16xi32>,
      }
      %scan3A_19 = arith.constant 640 : i32
      %barrier3A = arith.constant 0 : index
      tpu.barrier barrier_id(%barrier3A)
      %scan3A_20 = arith.constant 0 : i32
      %scan3A_21 = arith.constant 0 : i32
      %scan3A_22 = arith.constant 80 : i32
      %scan3A_23 = arith.addi %scan3A_21, %scan3A_22 : i32
      %scan3A_24 = arith.constant 1 : i32
      scf.for %scan3A_32 = %scan3A_21 to %scan3A_23 step %scan3A_24  : i32 {
        %mul3A_33 = arith.constant 128 : i32
        %mul3A_34 = arith.muli %scan3A_32, %mul3A_33 : i32
        %dma_start3A = tpu.memref_slice %arg8[%mul3A_34] : memref<10240xi32, #tpu.memory_space<vmem>> -> memref<128xi32, #tpu.memory_space<vmem>>
        %dma_start3A_35 = arith.constant 0 : i32
        %dma_start3A_36 = arith.constant 0 : i32
        %dma_start3A_37 = tpu.memref_slice %arg2[%dma_start3A_35, %dma_start3A_36] : memref<40000x128xf32, #tpu.memory_space<hbm>> -> memref<40000x128xf32, #tpu.memory_space<hbm>>
        tpu.enqueue_indirect_dma source(%dma_start3A_37 : memref<40000x128xf32, #tpu.memory_space<hbm>>) target(%arg10 : memref<128x128xf32, #tpu.memory_space<vmem>>) offsets(%dma_start3A : memref<128xi32, #tpu.memory_space<vmem>>) semaphore(%arg12 : memref<!tpu.dma_semaphore, #tpu.memory_space<semaphore_mem>>)
        %dma_wait3A = tpu.memref_slice %arg8[%mul3A_34] : memref<10240xi32, #tpu.memory_space<vmem>> -> memref<128xi32, #tpu.memory_space<vmem>>
        %dma_wait3A_38 = arith.constant 0 : i32
        %dma_wait3A_39 = arith.constant 0 : i32
        %dma_wait3A_40 = tpu.memref_slice %arg2[%dma_wait3A_38, %dma_wait3A_39] : memref<40000x128xf32, #tpu.memory_space<hbm>> -> memref<40000x128xf32, #tpu.memory_space<hbm>>
        tpu.wait_indirect_dma semaphore(%arg12 : memref<!tpu.dma_semaphore, #tpu.memory_space<semaphore_mem>>) src(%dma_wait3A_40 : memref<40000x128xf32, #tpu.memory_space<hbm>>) dst(%arg10 : memref<128x128xf32, #tpu.memory_space<vmem>>)
        "tpu.region"() ({
          %run_scoped3A = tpu.sem_alloc : memref<!tpu.dma_semaphore, #tpu.memory_space<semaphore_mem>>
          %dma_start3A_41 = arith.constant 0 : i32
          %dma_start3A_42 = tpu.memref_slice %arg9[%scan3A_32, %dma_start3A_41] : memref<80x128xi32, #tpu.memory_space<vmem>> -> memref<1x128xi32, #tpu.memory_space<vmem>>
          %dma_start3A_43 = tpu.memref_squeeze %dma_start3A_42 : memref<1x128xi32, #tpu.memory_space<vmem>> -> memref<128xi32, #tpu.memory_space<vmem>>
          %dma_start3A_44 = arith.constant 0 : i32
          %dma_start3A_45 = arith.constant 0 : i32
          %dma_start3A_46 = tpu.memref_slice %arg11[%dma_start3A_44, %dma_start3A_45] : memref<10240x128xf32, #tpu.memory_space<vmem_shared>> -> memref<10240x128xf32, #tpu.memory_space<vmem_shared>>
          tpu.enqueue_indirect_dma source(%arg10 : memref<128x128xf32, #tpu.memory_space<vmem>>) target(%dma_start3A_46 : memref<10240x128xf32, #tpu.memory_space<vmem_shared>>) offsets(%dma_start3A_43 : memref<128xi32, #tpu.memory_space<vmem>>) semaphore(%run_scoped3A : memref<!tpu.dma_semaphore, #tpu.memory_space<semaphore_mem>>) {add = true}
          %dma_wait3A_47 = arith.constant 0 : i32
          %dma_wait3A_48 = tpu.memref_slice %arg9[%scan3A_32, %dma_wait3A_47] : memref<80x128xi32, #tpu.memory_space<vmem>> -> memref<1x128xi32, #tpu.memory_space<vmem>>
          %dma_wait3A_49 = tpu.memref_squeeze %dma_wait3A_48 : memref<1x128xi32, #tpu.memory_space<vmem>> -> memref<128xi32, #tpu.memory_space<vmem>>
          %dma_wait3A_50 = arith.constant 0 : i32
          %dma_wait3A_51 = arith.constant 0 : i32
          %dma_wait3A_52 = tpu.memref_slice %arg11[%dma_wait3A_50, %dma_wait3A_51] : memref<10240x128xf32, #tpu.memory_space<vmem_shared>> -> memref<10240x128xf32, #tpu.memory_space<vmem_shared>>
          tpu.wait_indirect_dma semaphore(%run_scoped3A : memref<!tpu.dma_semaphore, #tpu.memory_space<semaphore_mem>>) src(%arg10 : memref<128x128xf32, #tpu.memory_space<vmem>>) dst(%dma_wait3A_52 : memref<10240x128xf32, #tpu.memory_space<vmem_shared>>)
          tpu.yield
        }) : () -> ()
      }
      %scan3A_25 = arith.constant 80 : i32
      %barrier3A_26 = arith.constant 0 : index
      tpu.barrier barrier_id(%barrier3A_26)
      %mul3A_27 = arith.constant 640 : i32
      %mul3A_28 = arith.muli %arg1, %mul3A_27 : i32
      %mul3A_29 = arith.constant 640 : i32
      %mul3A_30 = arith.muli %arg1, %mul3A_29 : i32
      "tpu.region"() ({
        %run_scoped3A = tpu.sem_alloc : memref<!tpu.dma_semaphore, #tpu.memory_space<semaphore_mem>>
        %dma_start3A = arith.constant 0 : i32
        %dma_start3A_32 = tpu.memref_slice %arg6[%add3A_3, %mul3A_30, %dma_start3A] : memref<4x10240x128xf32, #tpu.memory_space<hbm>> -> memref<1x640x128xf32, #tpu.memory_space<hbm>>
        %dma_start3A_33 = tpu.memref_squeeze %dma_start3A_32 : memref<1x640x128xf32, #tpu.memory_space<hbm>> -> memref<640x128xf32, #tpu.memory_space<hbm>>
        %dma_start3A_34 = arith.constant 0 : i32
        %dma_start3A_35 = tpu.memref_slice %arg11[%mul3A_28, %dma_start3A_34] : memref<10240x128xf32, #tpu.memory_space<vmem_shared>> -> memref<640x128xf32, #tpu.memory_space<vmem_shared>>
        tpu.enqueue_dma source(%dma_start3A_35 : memref<640x128xf32, #tpu.memory_space<vmem_shared>>) target(%dma_start3A_33 : memref<640x128xf32, #tpu.memory_space<hbm>>) target_semaphore(%run_scoped3A : memref<!tpu.dma_semaphore, #tpu.memory_space<semaphore_mem>>)
        %dma_wait3A = arith.constant 0 : i32
        %dma_wait3A_36 = tpu.memref_slice %arg6[%add3A_3, %mul3A_30, %dma_wait3A] : memref<4x10240x128xf32, #tpu.memory_space<hbm>> -> memref<1x640x128xf32, #tpu.memory_space<hbm>>
        %dma_wait3A_37 = tpu.memref_squeeze %dma_wait3A_36 : memref<1x640x128xf32, #tpu.memory_space<hbm>> -> memref<640x128xf32, #tpu.memory_space<hbm>>
        %dma_wait3A_38 = arith.constant 0 : i32
        %dma_wait3A_39 = tpu.memref_slice %arg11[%mul3A_28, %dma_wait3A_38] : memref<10240x128xf32, #tpu.memory_space<vmem_shared>> -> memref<640x128xf32, #tpu.memory_space<vmem_shared>>
        tpu.wait_dma2 semaphore(%run_scoped3A : memref<!tpu.dma_semaphore, #tpu.memory_space<semaphore_mem>>) src(%dma_wait3A_39 : memref<640x128xf32, #tpu.memory_space<vmem_shared>>) dst(%dma_wait3A_37 : memref<640x128xf32, #tpu.memory_space<hbm>>)
        tpu.yield
      }) : () -> ()
      %barrier3A_31 = arith.constant 0 : index
      tpu.barrier barrier_id(%barrier3A_31)
    } else {
    }
    %add3A_6 = arith.constant 2 : i32
    %add3A_7 = arith.addi %arg0, %add3A_6 : i32
    %lt3A_8 = arith.constant 4 : i32
    %lt3A_9 = arith.cmpi slt, %add3A_7, %lt3A_8 : i32
    %convert_element_type3A_10 = arith.extui %lt3A_9 : i1 to i32
    %cond3A_11 = arith.constant 0 : i32
    %cond3A_12 = arith.cmpi ne, %convert_element_type3A_10, %cond3A_11 : i32
    scf.if %cond3A_12 {
      %mul3A_13 = arith.constant 640 : i32
      %mul3A_14 = arith.muli %arg1, %mul3A_13 : i32
      "tpu.region"() ({
        %run_scoped3A = tpu.sem_alloc : memref<!tpu.dma_semaphore, #tpu.memory_space<semaphore_mem>>
        %dma_start3A = arith.constant 0 : i32
        %dma_start3A_32 = tpu.memref_slice %arg11[%mul3A_14, %dma_start3A] : memref<10240x128xf32, #tpu.memory_space<vmem_shared>> -> memref<640x128xf32, #tpu.memory_space<vmem_shared>>
        tpu.enqueue_dma source(%arg5 : memref<640x128xf32, #tpu.memory_space<hbm>>) target(%dma_start3A_32 : memref<640x128xf32, #tpu.memory_space<vmem_shared>>) target_semaphore(%run_scoped3A : memref<!tpu.dma_semaphore, #tpu.memory_space<semaphore_mem>>)
        %dma_wait3A = arith.constant 0 : i32
        %dma_wait3A_33 = tpu.memref_slice %arg11[%mul3A_14, %dma_wait3A] : memref<10240x128xf32, #tpu.memory_space<vmem_shared>> -> memref<640x128xf32, #tpu.memory_space<vmem_shared>>
        tpu.wait_dma2 semaphore(%run_scoped3A : memref<!tpu.dma_semaphore, #tpu.memory_space<semaphore_mem>>) src(%arg5 : memref<640x128xf32, #tpu.memory_space<hbm>>) dst(%dma_wait3A_33 : memref<640x128xf32, #tpu.memory_space<vmem_shared>>)
        tpu.yield
      }) : () -> ()
      %scan3A = arith.constant 0 : i32
      %scan3A_15 = arith.constant 0 : i32
      %scan3A_16 = arith.constant 640 : i32
      %scan3A_17 = arith.addi %scan3A_15, %scan3A_16 : i32
      %scan3A_18 = arith.constant 1 : i32
      scf.for %scan3A_32 = %scan3A_15 to %scan3A_17 step %scan3A_18  : i32 {
        %mul3A_33 = arith.constant 16 : i32
        %mul3A_34 = arith.muli %scan3A_32, %mul3A_33 : i32
        %get3A = arith.index_cast %mul3A_34 : i32 to index
        %get3A_35 = tpu.vector_load %arg7[%get3A] {strides = array<i32>} : memref<10240xi32, #tpu.memory_space<vmem>>, vector<16xi32>,
        %get3A_36 = vector.shape_cast %get3A_35 : vector<16xi32> to vector<16xi32>
        %mul3A_37 = arith.constant 4 : i32
        %mul3A_38 = vector.broadcast %mul3A_37 : i32 to vector<16xi32>
        %mul3A_39 = arith.muli %get3A_36, %mul3A_38 : vector<16xi32>
        %add3A_40 = vector.broadcast %add3A_7 : i32 to vector<16xi32>
        %add3A_41 = arith.addi %mul3A_39, %add3A_40 : vector<16xi32>
        %mul3A_42 = arith.constant 16 : i32
        %mul3A_43 = arith.muli %scan3A_32, %mul3A_42 : i32
        %swap3A = arith.index_cast %mul3A_43 : i32 to index
        %swap3A_44 = tpu.vector_load %arg8[%swap3A] {strides = array<i32>} : memref<10240xi32, #tpu.memory_space<vmem>>, vector<16xi32>,
        %swap3A_45 = vector.shape_cast %swap3A_44 : vector<16xi32> to vector<16xi32>
        %swap3A_46 = vector.shape_cast %add3A_41 : vector<16xi32> to vector<16xi32>
        tpu.vector_store %arg8[%swap3A], %swap3A_46 {strides = array<i32>} : memref<10240xi32, #tpu.memory_space<vmem>>, vector<16xi32>,
      }
      %scan3A_19 = arith.constant 640 : i32
      %barrier3A = arith.constant 0 : index
      tpu.barrier barrier_id(%barrier3A)
      %scan3A_20 = arith.constant 0 : i32
      %scan3A_21 = arith.constant 0 : i32
      %scan3A_22 = arith.constant 80 : i32
      %scan3A_23 = arith.addi %scan3A_21, %scan3A_22 : i32
      %scan3A_24 = arith.constant 1 : i32
      scf.for %scan3A_32 = %scan3A_21 to %scan3A_23 step %scan3A_24  : i32 {
        %mul3A_33 = arith.constant 128 : i32
        %mul3A_34 = arith.muli %scan3A_32, %mul3A_33 : i32
        %dma_start3A = tpu.memref_slice %arg8[%mul3A_34] : memref<10240xi32, #tpu.memory_space<vmem>> -> memref<128xi32, #tpu.memory_space<vmem>>
        %dma_start3A_35 = arith.constant 0 : i32
        %dma_start3A_36 = arith.constant 0 : i32
        %dma_start3A_37 = tpu.memref_slice %arg2[%dma_start3A_35, %dma_start3A_36] : memref<40000x128xf32, #tpu.memory_space<hbm>> -> memref<40000x128xf32, #tpu.memory_space<hbm>>
        tpu.enqueue_indirect_dma source(%dma_start3A_37 : memref<40000x128xf32, #tpu.memory_space<hbm>>) target(%arg10 : memref<128x128xf32, #tpu.memory_space<vmem>>) offsets(%dma_start3A : memref<128xi32, #tpu.memory_space<vmem>>) semaphore(%arg12 : memref<!tpu.dma_semaphore, #tpu.memory_space<semaphore_mem>>)
        %dma_wait3A = tpu.memref_slice %arg8[%mul3A_34] : memref<10240xi32, #tpu.memory_space<vmem>> -> memref<128xi32, #tpu.memory_space<vmem>>
        %dma_wait3A_38 = arith.constant 0 : i32
        %dma_wait3A_39 = arith.constant 0 : i32
        %dma_wait3A_40 = tpu.memref_slice %arg2[%dma_wait3A_38, %dma_wait3A_39] : memref<40000x128xf32, #tpu.memory_space<hbm>> -> memref<40000x128xf32, #tpu.memory_space<hbm>>
        tpu.wait_indirect_dma semaphore(%arg12 : memref<!tpu.dma_semaphore, #tpu.memory_space<semaphore_mem>>) src(%dma_wait3A_40 : memref<40000x128xf32, #tpu.memory_space<hbm>>) dst(%arg10 : memref<128x128xf32, #tpu.memory_space<vmem>>)
        "tpu.region"() ({
          %run_scoped3A = tpu.sem_alloc : memref<!tpu.dma_semaphore, #tpu.memory_space<semaphore_mem>>
          %dma_start3A_41 = arith.constant 0 : i32
          %dma_start3A_42 = tpu.memref_slice %arg9[%scan3A_32, %dma_start3A_41] : memref<80x128xi32, #tpu.memory_space<vmem>> -> memref<1x128xi32, #tpu.memory_space<vmem>>
          %dma_start3A_43 = tpu.memref_squeeze %dma_start3A_42 : memref<1x128xi32, #tpu.memory_space<vmem>> -> memref<128xi32, #tpu.memory_space<vmem>>
          %dma_start3A_44 = arith.constant 0 : i32
          %dma_start3A_45 = arith.constant 0 : i32
          %dma_start3A_46 = tpu.memref_slice %arg11[%dma_start3A_44, %dma_start3A_45] : memref<10240x128xf32, #tpu.memory_space<vmem_shared>> -> memref<10240x128xf32, #tpu.memory_space<vmem_shared>>
          tpu.enqueue_indirect_dma source(%arg10 : memref<128x128xf32, #tpu.memory_space<vmem>>) target(%dma_start3A_46 : memref<10240x128xf32, #tpu.memory_space<vmem_shared>>) offsets(%dma_start3A_43 : memref<128xi32, #tpu.memory_space<vmem>>) semaphore(%run_scoped3A : memref<!tpu.dma_semaphore, #tpu.memory_space<semaphore_mem>>) {add = true}
          %dma_wait3A_47 = arith.constant 0 : i32
          %dma_wait3A_48 = tpu.memref_slice %arg9[%scan3A_32, %dma_wait3A_47] : memref<80x128xi32, #tpu.memory_space<vmem>> -> memref<1x128xi32, #tpu.memory_space<vmem>>
          %dma_wait3A_49 = tpu.memref_squeeze %dma_wait3A_48 : memref<1x128xi32, #tpu.memory_space<vmem>> -> memref<128xi32, #tpu.memory_space<vmem>>
          %dma_wait3A_50 = arith.constant 0 : i32
          %dma_wait3A_51 = arith.constant 0 : i32
          %dma_wait3A_52 = tpu.memref_slice %arg11[%dma_wait3A_50, %dma_wait3A_51] : memref<10240x128xf32, #tpu.memory_space<vmem_shared>> -> memref<10240x128xf32, #tpu.memory_space<vmem_shared>>
          tpu.wait_indirect_dma semaphore(%run_scoped3A : memref<!tpu.dma_semaphore, #tpu.memory_space<semaphore_mem>>) src(%arg10 : memref<128x128xf32, #tpu.memory_space<vmem>>) dst(%dma_wait3A_52 : memref<10240x128xf32, #tpu.memory_space<vmem_shared>>)
          tpu.yield
        }) : () -> ()
      }
      %scan3A_25 = arith.constant 80 : i32
      %barrier3A_26 = arith.constant 0 : index
      tpu.barrier barrier_id(%barrier3A_26)
      %mul3A_27 = arith.constant 640 : i32
      %mul3A_28 = arith.muli %arg1, %mul3A_27 : i32
      %mul3A_29 = arith.constant 640 : i32
      %mul3A_30 = arith.muli %arg1, %mul3A_29 : i32
      "tpu.region"() ({
        %run_scoped3A = tpu.sem_alloc : memref<!tpu.dma_semaphore, #tpu.memory_space<semaphore_mem>>
        %dma_start3A = arith.constant 0 : i32
        %dma_start3A_32 = tpu.memref_slice %arg6[%add3A_7, %mul3A_30, %dma_start3A] : memref<4x10240x128xf32, #tpu.memory_space<hbm>> -> memref<1x640x128xf32, #tpu.memory_space<hbm>>
        %dma_start3A_33 = tpu.memref_squeeze %dma_start3A_32 : memref<1x640x128xf32, #tpu.memory_space<hbm>> -> memref<640x128xf32, #tpu.memory_space<hbm>>
        %dma_start3A_34 = arith.constant 0 : i32
        %dma_start3A_35 = tpu.memref_slice %arg11[%mul3A_28, %dma_start3A_34] : memref<10240x128xf32, #tpu.memory_space<vmem_shared>> -> memref<640x128xf32, #tpu.memory_space<vmem_shared>>
        tpu.enqueue_dma source(%dma_start3A_35 : memref<640x128xf32, #tpu.memory_space<vmem_shared>>) target(%dma_start3A_33 : memref<640x128xf32, #tpu.memory_space<hbm>>) target_semaphore(%run_scoped3A : memref<!tpu.dma_semaphore, #tpu.memory_space<semaphore_mem>>)
        %dma_wait3A = arith.constant 0 : i32
        %dma_wait3A_36 = tpu.memref_slice %arg6[%add3A_7, %mul3A_30, %dma_wait3A] : memref<4x10240x128xf32, #tpu.memory_space<hbm>> -> memref<1x640x128xf32, #tpu.memory_space<hbm>>
        %dma_wait3A_37 = tpu.memref_squeeze %dma_wait3A_36 : memref<1x640x128xf32, #tpu.memory_space<hbm>> -> memref<640x128xf32, #tpu.memory_space<hbm>>
        %dma_wait3A_38 = arith.constant 0 : i32
        %dma_wait3A_39 = tpu.memref_slice %arg11[%mul3A_28, %dma_wait3A_38] : memref<10240x128xf32, #tpu.memory_space<vmem_shared>> -> memref<640x128xf32, #tpu.memory_space<vmem_shared>>
        tpu.wait_dma2 semaphore(%run_scoped3A : memref<!tpu.dma_semaphore, #tpu.memory_space<semaphore_mem>>) src(%dma_wait3A_39 : memref<640x128xf32, #tpu.memory_space<vmem_shared>>) dst(%dma_wait3A_37 : memref<640x128xf32, #tpu.memory_space<hbm>>)
        tpu.yield
      }) : () -> ()
      %barrier3A_31 = arith.constant 0 : index
      tpu.barrier barrier_id(%barrier3A_31)
    } else {
    }
    return
  }
}

#map = affine_map<(d0, d1) -> (0, 0)>
#map1 = affine_map<(d0, d1) -> (0)>
#map2 = affine_map<(d0, d1) -> (0, 0, 0)>
module attributes {stable_mosaic.version = 14 : i64} {
  func.func @k(%arg0: i32, %arg1: i32, %arg2: memref<40000x128xf32, #tpu.memory_space<hbm>>, %arg3: memref<163840xi32, #tpu.memory_space<hbm>>, %arg4: memref<1280x128xi32, #tpu.memory_space<hbm>>, %arg5: memref<640x128xf32, #tpu.memory_space<hbm>>, %arg6: memref<4x10240x128xf32, #tpu.memory_space<hbm>>, %arg7: memref<10240xi32, #tpu.memory_space<vmem>>, %arg8: memref<10240xi32, #tpu.memory_space<vmem>>, %arg9: memref<80x128xi32, #tpu.memory_space<vmem>>, %arg10: memref<128x128xf32, #tpu.memory_space<vmem>>, %arg11: memref<10240x128xf32, #tpu.memory_space<vmem_shared>>, %arg12: memref<!tpu.dma_semaphore, #tpu.memory_space<semaphore_mem>>) attributes {dimension_semantics = [#tpu.dimension_semantics<core_parallel>, #tpu.dimension_semantics<subcore_parallel>], iteration_bounds = array<i64: 2, 16>, scalar_prefetch = 0 : i64, scratch_operands = 6 : i64, tpu.core_type = #tpu.core_type<sc_vector_subcore>, window_params = [{transform_indices = #map}, {transform_indices = #map1}, {transform_indices = #map}, {transform_indices = #map}, {transform_indices = #map2}]} {
    %mul3A = arith.constant 10240 : i32
    %mul3A_0 = arith.muli %arg1, %mul3A : i32
    "tpu.region"() ({
      %run_scoped3A = tpu.sem_alloc : memref<!tpu.dma_semaphore, #tpu.memory_space<semaphore_mem>>
      %dma_start3A = tpu.memref_slice %arg3[%mul3A_0] : memref<163840xi32, #tpu.memory_space<hbm>> -> memref<10240xi32, #tpu.memory_space<hbm>>
      %dma_start3A_13 = tpu.memref_slice %arg3[%mul3A_0] : memref<163840xi32, #tpu.memory_space<hbm>> -> memref<10240xi32, #tpu.memory_space<hbm>>
      tpu.enqueue_dma source(%dma_start3A_13 : memref<10240xi32, #tpu.memory_space<hbm>>) target(%arg7 : memref<10240xi32, #tpu.memory_space<vmem>>) target_semaphore(%run_scoped3A : memref<!tpu.dma_semaphore, #tpu.memory_space<semaphore_mem>>)
      %dma_wait3A = tpu.memref_slice %arg3[%mul3A_0] : memref<163840xi32, #tpu.memory_space<hbm>> -> memref<10240xi32, #tpu.memory_space<hbm>>
      %dma_wait3A_14 = tpu.memref_slice %arg3[%mul3A_0] : memref<163840xi32, #tpu.memory_space<hbm>> -> memref<10240xi32, #tpu.memory_space<hbm>>
      tpu.wait_dma2 semaphore(%run_scoped3A : memref<!tpu.dma_semaphore, #tpu.memory_space<semaphore_mem>>) src(%dma_wait3A_14 : memref<10240xi32, #tpu.memory_space<hbm>>) dst(%arg7 : memref<10240xi32, #tpu.memory_space<vmem>>)
      tpu.yield
    }) : () -> ()
    %mul3A_1 = arith.constant 80 : i32
    %mul3A_2 = arith.muli %arg1, %mul3A_1 : i32
    "tpu.region"() ({
      %run_scoped3A = tpu.sem_alloc : memref<!tpu.dma_semaphore, #tpu.memory_space<semaphore_mem>>
      %dma_start3A = arith.constant 0 : i32
      %dma_start3A_13 = tpu.memref_slice %arg4[%mul3A_2, %dma_start3A] : memref<1280x128xi32, #tpu.memory_space<hbm>> -> memref<80x128xi32, #tpu.memory_space<hbm>>
      %dma_start3A_14 = arith.constant 0 : i32
      %dma_start3A_15 = tpu.memref_slice %arg4[%mul3A_2, %dma_start3A_14] : memref<1280x128xi32, #tpu.memory_space<hbm>> -> memref<80x128xi32, #tpu.memory_space<hbm>>
      tpu.enqueue_dma source(%dma_start3A_15 : memref<80x128xi32, #tpu.memory_space<hbm>>) target(%arg9 : memref<80x128xi32, #tpu.memory_space<vmem>>) target_semaphore(%run_scoped3A : memref<!tpu.dma_semaphore, #tpu.memory_space<semaphore_mem>>)
      %dma_wait3A = arith.constant 0 : i32
      %dma_wait3A_16 = tpu.memref_slice %arg4[%mul3A_2, %dma_wait3A] : memref<1280x128xi32, #tpu.memory_space<hbm>> -> memref<80x128xi32, #tpu.memory_space<hbm>>
      %dma_wait3A_17 = arith.constant 0 : i32
      %dma_wait3A_18 = tpu.memref_slice %arg4[%mul3A_2, %dma_wait3A_17] : memref<1280x128xi32, #tpu.memory_space<hbm>> -> memref<80x128xi32, #tpu.memory_space<hbm>>
      tpu.wait_dma2 semaphore(%run_scoped3A : memref<!tpu.dma_semaphore, #tpu.memory_space<semaphore_mem>>) src(%dma_wait3A_18 : memref<80x128xi32, #tpu.memory_space<hbm>>) dst(%arg9 : memref<80x128xi32, #tpu.memory_space<vmem>>)
      tpu.yield
    }) : () -> ()
    %add3A = arith.constant 0 : i32
    %add3A_3 = arith.addi %arg0, %add3A : i32
    %lt3A = arith.constant 4 : i32
    %lt3A_4 = arith.cmpi slt, %add3A_3, %lt3A : i32
    %convert_element_type3A = arith.extui %lt3A_4 : i1 to i32
    %cond3A = arith.constant 0 : i32
    %cond3A_5 = arith.cmpi ne, %convert_element_type3A, %cond3A : i32
    scf.if %cond3A_5 {
      %mul3A_13 = arith.constant 640 : i32
      %mul3A_14 = arith.muli %arg1, %mul3A_13 : i32
      "tpu.region"() ({
        %run_scoped3A = tpu.sem_alloc : memref<!tpu.dma_semaphore, #tpu.memory_space<semaphore_mem>>
        %dma_start3A = arith.constant 0 : i32
        %dma_start3A_32 = tpu.memref_slice %arg11[%mul3A_14, %dma_start3A] : memref<10240x128xf32, #tpu.memory_space<vmem_shared>> -> memref<640x128xf32, #tpu.memory_space<vmem_shared>>
        tpu.enqueue_dma source(%arg5 : memref<640x128xf32, #tpu.memory_space<hbm>>) target(%dma_start3A_32 : memref<640x128xf32, #tpu.memory_space<vmem_shared>>) target_semaphore(%run_scoped3A : memref<!tpu.dma_semaphore, #tpu.memory_space<semaphore_mem>>)
        %dma_wait3A = arith.constant 0 : i32
        %dma_wait3A_33 = tpu.memref_slice %arg11[%mul3A_14, %dma_wait3A] : memref<10240x128xf32, #tpu.memory_space<vmem_shared>> -> memref<640x128xf32, #tpu.memory_space<vmem_shared>>
        tpu.wait_dma2 semaphore(%run_scoped3A : memref<!tpu.dma_semaphore, #tpu.memory_space<semaphore_mem>>) src(%arg5 : memref<640x128xf32, #tpu.memory_space<hbm>>) dst(%dma_wait3A_33 : memref<640x128xf32, #tpu.memory_space<vmem_shared>>)
        tpu.yield
      }) : () -> ()
      %scan3A = arith.constant 0 : i32
      %scan3A_15 = arith.constant 0 : i32
      %scan3A_16 = arith.constant 640 : i32
      %scan3A_17 = arith.addi %scan3A_15, %scan3A_16 : i32
      %scan3A_18 = arith.constant 1 : i32
      scf.for %scan3A_32 = %scan3A_15 to %scan3A_17 step %scan3A_18  : i32 {
        %mul3A_33 = arith.constant 16 : i32
        %mul3A_34 = arith.muli %scan3A_32, %mul3A_33 : i32
        %get3A = arith.index_cast %mul3A_34 : i32 to index
        %get3A_35 = tpu.vector_load %arg7[%get3A] {strides = array<i32>} : memref<10240xi32, #tpu.memory_space<vmem>>, vector<16xi32>,
        %get3A_36 = vector.shape_cast %get3A_35 : vector<16xi32> to vector<16xi32>
        %mul3A_37 = arith.constant 4 : i32
        %mul3A_38 = vector.broadcast %mul3A_37 : i32 to vector<16xi32>
        %mul3A_39 = arith.muli %get3A_36, %mul3A_38 : vector<16xi32>
        %add3A_40 = vector.broadcast %add3A_3 : i32 to vector<16xi32>
        %add3A_41 = arith.addi %mul3A_39, %add3A_40 : vector<16xi32>
        %mul3A_42 = arith.constant 16 : i32
        %mul3A_43 = arith.muli %scan3A_32, %mul3A_42 : i32
        %swap3A = arith.index_cast %mul3A_43 : i32 to index
        %swap3A_44 = tpu.vector_load %arg8[%swap3A] {strides = array<i32>} : memref<10240xi32, #tpu.memory_space<vmem>>, vector<16xi32>,
        %swap3A_45 = vector.shape_cast %swap3A_44 : vector<16xi32> to vector<16xi32>
        %swap3A_46 = vector.shape_cast %add3A_41 : vector<16xi32> to vector<16xi32>
        tpu.vector_store %arg8[%swap3A], %swap3A_46 {strides = array<i32>} : memref<10240xi32, #tpu.memory_space<vmem>>, vector<16xi32>,
      }
      %scan3A_19 = arith.constant 640 : i32
      %barrier3A = arith.constant 0 : index
      tpu.barrier barrier_id(%barrier3A)
      %scan3A_20 = arith.constant 0 : i32
      %scan3A_21 = arith.constant 0 : i32
      %scan3A_22 = arith.constant 80 : i32
      %scan3A_23 = arith.addi %scan3A_21, %scan3A_22 : i32
      %scan3A_24 = arith.constant 1 : i32
      scf.for %scan3A_32 = %scan3A_21 to %scan3A_23 step %scan3A_24  : i32 {
        %mul3A_33 = arith.constant 128 : i32
        %mul3A_34 = arith.muli %scan3A_32, %mul3A_33 : i32
        %dma_start3A = tpu.memref_slice %arg8[%mul3A_34] : memref<10240xi32, #tpu.memory_space<vmem>> -> memref<128xi32, #tpu.memory_space<vmem>>
        %dma_start3A_35 = arith.constant 0 : i32
        %dma_start3A_36 = arith.constant 0 : i32
        %dma_start3A_37 = tpu.memref_slice %arg2[%dma_start3A_35, %dma_start3A_36] : memref<40000x128xf32, #tpu.memory_space<hbm>> -> memref<40000x128xf32, #tpu.memory_space<hbm>>
        tpu.enqueue_indirect_dma source(%dma_start3A_37 : memref<40000x128xf32, #tpu.memory_space<hbm>>) target(%arg10 : memref<128x128xf32, #tpu.memory_space<vmem>>) offsets(%dma_start3A : memref<128xi32, #tpu.memory_space<vmem>>) semaphore(%arg12 : memref<!tpu.dma_semaphore, #tpu.memory_space<semaphore_mem>>)
        %dma_wait3A = tpu.memref_slice %arg8[%mul3A_34] : memref<10240xi32, #tpu.memory_space<vmem>> -> memref<128xi32, #tpu.memory_space<vmem>>
        %dma_wait3A_38 = arith.constant 0 : i32
        %dma_wait3A_39 = arith.constant 0 : i32
        %dma_wait3A_40 = tpu.memref_slice %arg2[%dma_wait3A_38, %dma_wait3A_39] : memref<40000x128xf32, #tpu.memory_space<hbm>> -> memref<40000x128xf32, #tpu.memory_space<hbm>>
        tpu.wait_indirect_dma semaphore(%arg12 : memref<!tpu.dma_semaphore, #tpu.memory_space<semaphore_mem>>) src(%dma_wait3A_40 : memref<40000x128xf32, #tpu.memory_space<hbm>>) dst(%arg10 : memref<128x128xf32, #tpu.memory_space<vmem>>)
        "tpu.region"() ({
          %run_scoped3A = tpu.sem_alloc : memref<!tpu.dma_semaphore, #tpu.memory_space<semaphore_mem>>
          %dma_start3A_41 = arith.constant 0 : i32
          %dma_start3A_42 = tpu.memref_slice %arg9[%scan3A_32, %dma_start3A_41] : memref<80x128xi32, #tpu.memory_space<vmem>> -> memref<1x128xi32, #tpu.memory_space<vmem>>
          %dma_start3A_43 = tpu.memref_squeeze %dma_start3A_42 : memref<1x128xi32, #tpu.memory_space<vmem>> -> memref<128xi32, #tpu.memory_space<vmem>>
          %dma_start3A_44 = arith.constant 0 : i32
          %dma_start3A_45 = arith.constant 0 : i32
          %dma_start3A_46 = tpu.memref_slice %arg11[%dma_start3A_44, %dma_start3A_45] : memref<10240x128xf32, #tpu.memory_space<vmem_shared>> -> memref<10240x128xf32, #tpu.memory_space<vmem_shared>>
          tpu.enqueue_indirect_dma source(%arg10 : memref<128x128xf32, #tpu.memory_space<vmem>>) target(%dma_start3A_46 : memref<10240x128xf32, #tpu.memory_space<vmem_shared>>) offsets(%dma_start3A_43 : memref<128xi32, #tpu.memory_space<vmem>>) semaphore(%run_scoped3A : memref<!tpu.dma_semaphore, #tpu.memory_space<semaphore_mem>>) {add = true}
          %dma_wait3A_47 = arith.constant 0 : i32
          %dma_wait3A_48 = tpu.memref_slice %arg9[%scan3A_32, %dma_wait3A_47] : memref<80x128xi32, #tpu.memory_space<vmem>> -> memref<1x128xi32, #tpu.memory_space<vmem>>
          %dma_wait3A_49 = tpu.memref_squeeze %dma_wait3A_48 : memref<1x128xi32, #tpu.memory_space<vmem>> -> memref<128xi32, #tpu.memory_space<vmem>>
          %dma_wait3A_50 = arith.constant 0 : i32
          %dma_wait3A_51 = arith.constant 0 : i32
          %dma_wait3A_52 = tpu.memref_slice %arg11[%dma_wait3A_50, %dma_wait3A_51] : memref<10240x128xf32, #tpu.memory_space<vmem_shared>> -> memref<10240x128xf32, #tpu.memory_space<vmem_shared>>
          tpu.wait_indirect_dma semaphore(%run_scoped3A : memref<!tpu.dma_semaphore, #tpu.memory_space<semaphore_mem>>) src(%arg10 : memref<128x128xf32, #tpu.memory_space<vmem>>) dst(%dma_wait3A_52 : memref<10240x128xf32, #tpu.memory_space<vmem_shared>>)
          tpu.yield
        }) : () -> ()
      }
      %scan3A_25 = arith.constant 80 : i32
      %barrier3A_26 = arith.constant 0 : index
      tpu.barrier barrier_id(%barrier3A_26)
      %mul3A_27 = arith.constant 640 : i32
      %mul3A_28 = arith.muli %arg1, %mul3A_27 : i32
      %mul3A_29 = arith.constant 640 : i32
      %mul3A_30 = arith.muli %arg1, %mul3A_29 : i32
      "tpu.region"() ({
        %run_scoped3A = tpu.sem_alloc : memref<!tpu.dma_semaphore, #tpu.memory_space<semaphore_mem>>
        %dma_start3A = arith.constant 0 : i32
        %dma_start3A_32 = tpu.memref_slice %arg6[%add3A_3, %mul3A_30, %dma_start3A] : memref<4x10240x128xf32, #tpu.memory_space<hbm>> -> memref<1x640x128xf32, #tpu.memory_space<hbm>>
        %dma_start3A_33 = tpu.memref_squeeze %dma_start3A_32 : memref<1x640x128xf32, #tpu.memory_space<hbm>> -> memref<640x128xf32, #tpu.memory_space<hbm>>
        %dma_start3A_34 = arith.constant 0 : i32
        %dma_start3A_35 = tpu.memref_slice %arg11[%mul3A_28, %dma_start3A_34] : memref<10240x128xf32, #tpu.memory_space<vmem_shared>> -> memref<640x128xf32, #tpu.memory_space<vmem_shared>>
        tpu.enqueue_dma source(%dma_start3A_35 : memref<640x128xf32, #tpu.memory_space<vmem_shared>>) target(%dma_start3A_33 : memref<640x128xf32, #tpu.memory_space<hbm>>) target_semaphore(%run_scoped3A : memref<!tpu.dma_semaphore, #tpu.memory_space<semaphore_mem>>)
        %dma_wait3A = arith.constant 0 : i32
        %dma_wait3A_36 = tpu.memref_slice %arg6[%add3A_3, %mul3A_30, %dma_wait3A] : memref<4x10240x128xf32, #tpu.memory_space<hbm>> -> memref<1x640x128xf32, #tpu.memory_space<hbm>>
        %dma_wait3A_37 = tpu.memref_squeeze %dma_wait3A_36 : memref<1x640x128xf32, #tpu.memory_space<hbm>> -> memref<640x128xf32, #tpu.memory_space<hbm>>
        %dma_wait3A_38 = arith.constant 0 : i32
        %dma_wait3A_39 = tpu.memref_slice %arg11[%mul3A_28, %dma_wait3A_38] : memref<10240x128xf32, #tpu.memory_space<vmem_shared>> -> memref<640x128xf32, #tpu.memory_space<vmem_shared>>
        tpu.wait_dma2 semaphore(%run_scoped3A : memref<!tpu.dma_semaphore, #tpu.memory_space<semaphore_mem>>) src(%dma_wait3A_39 : memref<640x128xf32, #tpu.memory_space<vmem_shared>>) dst(%dma_wait3A_37 : memref<640x128xf32, #tpu.memory_space<hbm>>)
        tpu.yield
      }) : () -> ()
      %barrier3A_31 = arith.constant 0 : index
      tpu.barrier barrier_id(%barrier3A_31)
    } else {
    }
    %add3A_6 = arith.constant 2 : i32
    %add3A_7 = arith.addi %arg0, %add3A_6 : i32
    %lt3A_8 = arith.constant 4 : i32
    %lt3A_9 = arith.cmpi slt, %add3A_7, %lt3A_8 : i32
    %convert_element_type3A_10 = arith.extui %lt3A_9 : i1 to i32
    %cond3A_11 = arith.constant 0 : i32
    %cond3A_12 = arith.cmpi ne, %convert_element_type3A_10, %cond3A_11 : i32
    scf.if %cond3A_12 {
      %mul3A_13 = arith.constant 640 : i32
      %mul3A_14 = arith.muli %arg1, %mul3A_13 : i32
      "tpu.region"() ({
        %run_scoped3A = tpu.sem_alloc : memref<!tpu.dma_semaphore, #tpu.memory_space<semaphore_mem>>
        %dma_start3A = arith.constant 0 : i32
        %dma_start3A_32 = tpu.memref_slice %arg11[%mul3A_14, %dma_start3A] : memref<10240x128xf32, #tpu.memory_space<vmem_shared>> -> memref<640x128xf32, #tpu.memory_space<vmem_shared>>
        tpu.enqueue_dma source(%arg5 : memref<640x128xf32, #tpu.memory_space<hbm>>) target(%dma_start3A_32 : memref<640x128xf32, #tpu.memory_space<vmem_shared>>) target_semaphore(%run_scoped3A : memref<!tpu.dma_semaphore, #tpu.memory_space<semaphore_mem>>)
        %dma_wait3A = arith.constant 0 : i32
        %dma_wait3A_33 = tpu.memref_slice %arg11[%mul3A_14, %dma_wait3A] : memref<10240x128xf32, #tpu.memory_space<vmem_shared>> -> memref<640x128xf32, #tpu.memory_space<vmem_shared>>
        tpu.wait_dma2 semaphore(%run_scoped3A : memref<!tpu.dma_semaphore, #tpu.memory_space<semaphore_mem>>) src(%arg5 : memref<640x128xf32, #tpu.memory_space<hbm>>) dst(%dma_wait3A_33 : memref<640x128xf32, #tpu.memory_space<vmem_shared>>)
        tpu.yield
      }) : () -> ()
      %scan3A = arith.constant 0 : i32
      %scan3A_15 = arith.constant 0 : i32
      %scan3A_16 = arith.constant 640 : i32
      %scan3A_17 = arith.addi %scan3A_15, %scan3A_16 : i32
      %scan3A_18 = arith.constant 1 : i32
      scf.for %scan3A_32 = %scan3A_15 to %scan3A_17 step %scan3A_18  : i32 {
        %mul3A_33 = arith.constant 16 : i32
        %mul3A_34 = arith.muli %scan3A_32, %mul3A_33 : i32
        %get3A = arith.index_cast %mul3A_34 : i32 to index
        %get3A_35 = tpu.vector_load %arg7[%get3A] {strides = array<i32>} : memref<10240xi32, #tpu.memory_space<vmem>>, vector<16xi32>,
        %get3A_36 = vector.shape_cast %get3A_35 : vector<16xi32> to vector<16xi32>
        %mul3A_37 = arith.constant 4 : i32
        %mul3A_38 = vector.broadcast %mul3A_37 : i32 to vector<16xi32>
        %mul3A_39 = arith.muli %get3A_36, %mul3A_38 : vector<16xi32>
        %add3A_40 = vector.broadcast %add3A_7 : i32 to vector<16xi32>
        %add3A_41 = arith.addi %mul3A_39, %add3A_40 : vector<16xi32>
        %mul3A_42 = arith.constant 16 : i32
        %mul3A_43 = arith.muli %scan3A_32, %mul3A_42 : i32
        %swap3A = arith.index_cast %mul3A_43 : i32 to index
        %swap3A_44 = tpu.vector_load %arg8[%swap3A] {strides = array<i32>} : memref<10240xi32, #tpu.memory_space<vmem>>, vector<16xi32>,
        %swap3A_45 = vector.shape_cast %swap3A_44 : vector<16xi32> to vector<16xi32>
        %swap3A_46 = vector.shape_cast %add3A_41 : vector<16xi32> to vector<16xi32>
        tpu.vector_store %arg8[%swap3A], %swap3A_46 {strides = array<i32>} : memref<10240xi32, #tpu.memory_space<vmem>>, vector<16xi32>,
      }
      %scan3A_19 = arith.constant 640 : i32
      %barrier3A = arith.constant 0 : index
      tpu.barrier barrier_id(%barrier3A)
      %scan3A_20 = arith.constant 0 : i32
      %scan3A_21 = arith.constant 0 : i32
      %scan3A_22 = arith.constant 80 : i32
      %scan3A_23 = arith.addi %scan3A_21, %scan3A_22 : i32
      %scan3A_24 = arith.constant 1 : i32
      scf.for %scan3A_32 = %scan3A_21 to %scan3A_23 step %scan3A_24  : i32 {
        %mul3A_33 = arith.constant 128 : i32
        %mul3A_34 = arith.muli %scan3A_32, %mul3A_33 : i32
        %dma_start3A = tpu.memref_slice %arg8[%mul3A_34] : memref<10240xi32, #tpu.memory_space<vmem>> -> memref<128xi32, #tpu.memory_space<vmem>>
        %dma_start3A_35 = arith.constant 0 : i32
        %dma_start3A_36 = arith.constant 0 : i32
        %dma_start3A_37 = tpu.memref_slice %arg2[%dma_start3A_35, %dma_start3A_36] : memref<40000x128xf32, #tpu.memory_space<hbm>> -> memref<40000x128xf32, #tpu.memory_space<hbm>>
        tpu.enqueue_indirect_dma source(%dma_start3A_37 : memref<40000x128xf32, #tpu.memory_space<hbm>>) target(%arg10 : memref<128x128xf32, #tpu.memory_space<vmem>>) offsets(%dma_start3A : memref<128xi32, #tpu.memory_space<vmem>>) semaphore(%arg12 : memref<!tpu.dma_semaphore, #tpu.memory_space<semaphore_mem>>)
        %dma_wait3A = tpu.memref_slice %arg8[%mul3A_34] : memref<10240xi32, #tpu.memory_space<vmem>> -> memref<128xi32, #tpu.memory_space<vmem>>
        %dma_wait3A_38 = arith.constant 0 : i32
        %dma_wait3A_39 = arith.constant 0 : i32
        %dma_wait3A_40 = tpu.memref_slice %arg2[%dma_wait3A_38, %dma_wait3A_39] : memref<40000x128xf32, #tpu.memory_space<hbm>> -> memref<40000x128xf32, #tpu.memory_space<hbm>>
        tpu.wait_indirect_dma semaphore(%arg12 : memref<!tpu.dma_semaphore, #tpu.memory_space<semaphore_mem>>) src(%dma_wait3A_40 : memref<40000x128xf32, #tpu.memory_space<hbm>>) dst(%arg10 : memref<128x128xf32, #tpu.memory_space<vmem>>)
        "tpu.region"() ({
          %run_scoped3A = tpu.sem_alloc : memref<!tpu.dma_semaphore, #tpu.memory_space<semaphore_mem>>
          %dma_start3A_41 = arith.constant 0 : i32
          %dma_start3A_42 = tpu.memref_slice %arg9[%scan3A_32, %dma_start3A_41] : memref<80x128xi32, #tpu.memory_space<vmem>> -> memref<1x128xi32, #tpu.memory_space<vmem>>
          %dma_start3A_43 = tpu.memref_squeeze %dma_start3A_42 : memref<1x128xi32, #tpu.memory_space<vmem>> -> memref<128xi32, #tpu.memory_space<vmem>>
          %dma_start3A_44 = arith.constant 0 : i32
          %dma_start3A_45 = arith.constant 0 : i32
          %dma_start3A_46 = tpu.memref_slice %arg11[%dma_start3A_44, %dma_start3A_45] : memref<10240x128xf32, #tpu.memory_space<vmem_shared>> -> memref<10240x128xf32, #tpu.memory_space<vmem_shared>>
          tpu.enqueue_indirect_dma source(%arg10 : memref<128x128xf32, #tpu.memory_space<vmem>>) target(%dma_start3A_46 : memref<10240x128xf32, #tpu.memory_space<vmem_shared>>) offsets(%dma_start3A_43 : memref<128xi32, #tpu.memory_space<vmem>>) semaphore(%run_scoped3A : memref<!tpu.dma_semaphore, #tpu.memory_space<semaphore_mem>>) {add = true}
          %dma_wait3A_47 = arith.constant 0 : i32
          %dma_wait3A_48 = tpu.memref_slice %arg9[%scan3A_32, %dma_wait3A_47] : memref<80x128xi32, #tpu.memory_space<vmem>> -> memref<1x128xi32, #tpu.memory_space<vmem>>
          %dma_wait3A_49 = tpu.memref_squeeze %dma_wait3A_48 : memref<1x128xi32, #tpu.memory_space<vmem>> -> memref<128xi32, #tpu.memory_space<vmem>>
          %dma_wait3A_50 = arith.constant 0 : i32
          %dma_wait3A_51 = arith.constant 0 : i32
          %dma_wait3A_52 = tpu.memref_slice %arg11[%dma_wait3A_50, %dma_wait3A_51] : memref<10240x128xf32, #tpu.memory_space<vmem_shared>> -> memref<10240x128xf32, #tpu.memory_space<vmem_shared>>
          tpu.wait_indirect_dma semaphore(%run_scoped3A : memref<!tpu.dma_semaphore, #tpu.memory_space<semaphore_mem>>) src(%arg10 : memref<128x128xf32, #tpu.memory_space<vmem>>) dst(%dma_wait3A_52 : memref<10240x128xf32, #tpu.memory_space<vmem_shared>>)
          tpu.yield
        }) : () -> ()
      }
      %scan3A_25 = arith.constant 80 : i32
      %barrier3A_26 = arith.constant 0 : index
      tpu.barrier barrier_id(%barrier3A_26)
      %mul3A_27 = arith.constant 640 : i32
      %mul3A_28 = arith.muli %arg1, %mul3A_27 : i32
      %mul3A_29 = arith.constant 640 : i32
      %mul3A_30 = arith.muli %arg1, %mul3A_29 : i32
      "tpu.region"() ({
        %run_scoped3A = tpu.sem_alloc : memref<!tpu.dma_semaphore, #tpu.memory_space<semaphore_mem>>
        %dma_start3A = arith.constant 0 : i32
        %dma_start3A_32 = tpu.memref_slice %arg6[%add3A_7, %mul3A_30, %dma_start3A] : memref<4x10240x128xf32, #tpu.memory_space<hbm>> -> memref<1x640x128xf32, #tpu.memory_space<hbm>>
        %dma_start3A_33 = tpu.memref_squeeze %dma_start3A_32 : memref<1x640x128xf32, #tpu.memory_space<hbm>> -> memref<640x128xf32, #tpu.memory_space<hbm>>
        %dma_start3A_34 = arith.constant 0 : i32
        %dma_start3A_35 = tpu.memref_slice %arg11[%mul3A_28, %dma_start3A_34] : memref<10240x128xf32, #tpu.memory_space<vmem_shared>> -> memref<640x128xf32, #tpu.memory_space<vmem_shared>>
        tpu.enqueue_dma source(%dma_start3A_35 : memref<640x128xf32, #tpu.memory_space<vmem_shared>>) target(%dma_start3A_33 : memref<640x128xf32, #tpu.memory_space<hbm>>) target_semaphore(%run_scoped3A : memref<!tpu.dma_semaphore, #tpu.memory_space<semaphore_mem>>)
        %dma_wait3A = arith.constant 0 : i32
        %dma_wait3A_36 = tpu.memref_slice %arg6[%add3A_7, %mul3A_30, %dma_wait3A] : memref<4x10240x128xf32, #tpu.memory_space<hbm>> -> memref<1x640x128xf32, #tpu.memory_space<hbm>>
        %dma_wait3A_37 = tpu.memref_squeeze %dma_wait3A_36 : memref<1x640x128xf32, #tpu.memory_space<hbm>> -> memref<640x128xf32, #tpu.memory_space<hbm>>
        %dma_wait3A_38 = arith.constant 0 : i32
        %dma_wait3A_39 = tpu.memref_slice %arg11[%mul3A_28, %dma_wait3A_38] : memref<10240x128xf32, #tpu.memory_space<vmem_shared>> -> memref<640x128xf32, #tpu.memory_space<vmem_shared>>
        tpu.wait_dma2 semaphore(%run_scoped3A : memref<!tpu.dma_semaphore, #tpu.memory_space<semaphore_mem>>) src(%dma_wait3A_39 : memref<640x128xf32, #tpu.memory_space<vmem_shared>>) dst(%dma_wait3A_37 : memref<640x128xf32, #tpu.memory_space<hbm>>)
        tpu.yield
      }) : () -> ()
      %barrier3A_31 = arith.constant 0 : index
      tpu.barrier barrier_id(%barrier3A_31)
    } else {
    }
    return
  }
}

#map = affine_map<(d0, d1) -> (0, 0)>
#map1 = affine_map<(d0, d1) -> (0)>
#map2 = affine_map<(d0, d1) -> (0, 0, 0)>
module attributes {stable_mosaic.version = 14 : i64} {
  func.func @k(%arg0: i32, %arg1: i32, %arg2: memref<10000x128xf32, #tpu.memory_space<hbm>>, %arg3: memref<163840xi32, #tpu.memory_space<hbm>>, %arg4: memref<1280x128xi32, #tpu.memory_space<hbm>>, %arg5: memref<640x128xf32, #tpu.memory_space<hbm>>, %arg6: memref<1x10240x128xf32, #tpu.memory_space<hbm>>, %arg7: memref<10240xi32, #tpu.memory_space<vmem>>, %arg8: memref<10240xi32, #tpu.memory_space<vmem>>, %arg9: memref<80x128xi32, #tpu.memory_space<vmem>>, %arg10: memref<128x128xf32, #tpu.memory_space<vmem>>, %arg11: memref<10240x128xf32, #tpu.memory_space<vmem_shared>>, %arg12: memref<!tpu.dma_semaphore, #tpu.memory_space<semaphore_mem>>) attributes {dimension_semantics = [#tpu.dimension_semantics<core_parallel>, #tpu.dimension_semantics<subcore_parallel>], iteration_bounds = array<i64: 2, 16>, scalar_prefetch = 0 : i64, scratch_operands = 6 : i64, tpu.core_type = #tpu.core_type<sc_vector_subcore>, window_params = [{transform_indices = #map}, {transform_indices = #map1}, {transform_indices = #map}, {transform_indices = #map}, {transform_indices = #map2}]} {
    %mul3A = arith.constant 10240 : i32
    %mul3A_0 = arith.muli %arg1, %mul3A : i32
    "tpu.region"() ({
      %run_scoped3A = tpu.sem_alloc : memref<!tpu.dma_semaphore, #tpu.memory_space<semaphore_mem>>
      %dma_start3A = tpu.memref_slice %arg3[%mul3A_0] : memref<163840xi32, #tpu.memory_space<hbm>> -> memref<10240xi32, #tpu.memory_space<hbm>>
      %dma_start3A_6 = tpu.memref_slice %arg3[%mul3A_0] : memref<163840xi32, #tpu.memory_space<hbm>> -> memref<10240xi32, #tpu.memory_space<hbm>>
      tpu.enqueue_dma source(%dma_start3A_6 : memref<10240xi32, #tpu.memory_space<hbm>>) target(%arg7 : memref<10240xi32, #tpu.memory_space<vmem>>) target_semaphore(%run_scoped3A : memref<!tpu.dma_semaphore, #tpu.memory_space<semaphore_mem>>)
      %dma_wait3A = tpu.memref_slice %arg3[%mul3A_0] : memref<163840xi32, #tpu.memory_space<hbm>> -> memref<10240xi32, #tpu.memory_space<hbm>>
      %dma_wait3A_7 = tpu.memref_slice %arg3[%mul3A_0] : memref<163840xi32, #tpu.memory_space<hbm>> -> memref<10240xi32, #tpu.memory_space<hbm>>
      tpu.wait_dma2 semaphore(%run_scoped3A : memref<!tpu.dma_semaphore, #tpu.memory_space<semaphore_mem>>) src(%dma_wait3A_7 : memref<10240xi32, #tpu.memory_space<hbm>>) dst(%arg7 : memref<10240xi32, #tpu.memory_space<vmem>>)
      tpu.yield
    }) : () -> ()
    %mul3A_1 = arith.constant 80 : i32
    %mul3A_2 = arith.muli %arg1, %mul3A_1 : i32
    "tpu.region"() ({
      %run_scoped3A = tpu.sem_alloc : memref<!tpu.dma_semaphore, #tpu.memory_space<semaphore_mem>>
      %dma_start3A = arith.constant 0 : i32
      %dma_start3A_6 = tpu.memref_slice %arg4[%mul3A_2, %dma_start3A] : memref<1280x128xi32, #tpu.memory_space<hbm>> -> memref<80x128xi32, #tpu.memory_space<hbm>>
      %dma_start3A_7 = arith.constant 0 : i32
      %dma_start3A_8 = tpu.memref_slice %arg4[%mul3A_2, %dma_start3A_7] : memref<1280x128xi32, #tpu.memory_space<hbm>> -> memref<80x128xi32, #tpu.memory_space<hbm>>
      tpu.enqueue_dma source(%dma_start3A_8 : memref<80x128xi32, #tpu.memory_space<hbm>>) target(%arg9 : memref<80x128xi32, #tpu.memory_space<vmem>>) target_semaphore(%run_scoped3A : memref<!tpu.dma_semaphore, #tpu.memory_space<semaphore_mem>>)
      %dma_wait3A = arith.constant 0 : i32
      %dma_wait3A_9 = tpu.memref_slice %arg4[%mul3A_2, %dma_wait3A] : memref<1280x128xi32, #tpu.memory_space<hbm>> -> memref<80x128xi32, #tpu.memory_space<hbm>>
      %dma_wait3A_10 = arith.constant 0 : i32
      %dma_wait3A_11 = tpu.memref_slice %arg4[%mul3A_2, %dma_wait3A_10] : memref<1280x128xi32, #tpu.memory_space<hbm>> -> memref<80x128xi32, #tpu.memory_space<hbm>>
      tpu.wait_dma2 semaphore(%run_scoped3A : memref<!tpu.dma_semaphore, #tpu.memory_space<semaphore_mem>>) src(%dma_wait3A_11 : memref<80x128xi32, #tpu.memory_space<hbm>>) dst(%arg9 : memref<80x128xi32, #tpu.memory_space<vmem>>)
      tpu.yield
    }) : () -> ()
    %add3A = arith.constant 0 : i32
    %add3A_3 = arith.addi %arg0, %add3A : i32
    %lt3A = arith.constant 1 : i32
    %lt3A_4 = arith.cmpi slt, %add3A_3, %lt3A : i32
    %convert_element_type3A = arith.extui %lt3A_4 : i1 to i32
    %cond3A = arith.constant 0 : i32
    %cond3A_5 = arith.cmpi ne, %convert_element_type3A, %cond3A : i32
    scf.if %cond3A_5 {
      %mul3A_6 = arith.constant 640 : i32
      %mul3A_7 = arith.muli %arg1, %mul3A_6 : i32
      "tpu.region"() ({
        %run_scoped3A = tpu.sem_alloc : memref<!tpu.dma_semaphore, #tpu.memory_space<semaphore_mem>>
        %dma_start3A = arith.constant 0 : i32
        %dma_start3A_25 = tpu.memref_slice %arg11[%mul3A_7, %dma_start3A] : memref<10240x128xf32, #tpu.memory_space<vmem_shared>> -> memref<640x128xf32, #tpu.memory_space<vmem_shared>>
        tpu.enqueue_dma source(%arg5 : memref<640x128xf32, #tpu.memory_space<hbm>>) target(%dma_start3A_25 : memref<640x128xf32, #tpu.memory_space<vmem_shared>>) target_semaphore(%run_scoped3A : memref<!tpu.dma_semaphore, #tpu.memory_space<semaphore_mem>>)
        %dma_wait3A = arith.constant 0 : i32
        %dma_wait3A_26 = tpu.memref_slice %arg11[%mul3A_7, %dma_wait3A] : memref<10240x128xf32, #tpu.memory_space<vmem_shared>> -> memref<640x128xf32, #tpu.memory_space<vmem_shared>>
        tpu.wait_dma2 semaphore(%run_scoped3A : memref<!tpu.dma_semaphore, #tpu.memory_space<semaphore_mem>>) src(%arg5 : memref<640x128xf32, #tpu.memory_space<hbm>>) dst(%dma_wait3A_26 : memref<640x128xf32, #tpu.memory_space<vmem_shared>>)
        tpu.yield
      }) : () -> ()
      %scan3A = arith.constant 0 : i32
      %scan3A_8 = arith.constant 0 : i32
      %scan3A_9 = arith.constant 640 : i32
      %scan3A_10 = arith.addi %scan3A_8, %scan3A_9 : i32
      %scan3A_11 = arith.constant 1 : i32
      scf.for %scan3A_25 = %scan3A_8 to %scan3A_10 step %scan3A_11  : i32 {
        %mul3A_26 = arith.constant 16 : i32
        %mul3A_27 = arith.muli %scan3A_25, %mul3A_26 : i32
        %get3A = arith.index_cast %mul3A_27 : i32 to index
        %get3A_28 = tpu.vector_load %arg7[%get3A] {strides = array<i32>} : memref<10240xi32, #tpu.memory_space<vmem>>, vector<16xi32>,
        %get3A_29 = vector.shape_cast %get3A_28 : vector<16xi32> to vector<16xi32>
        %mul3A_30 = arith.constant 1 : i32
        %mul3A_31 = vector.broadcast %mul3A_30 : i32 to vector<16xi32>
        %mul3A_32 = arith.muli %get3A_29, %mul3A_31 : vector<16xi32>
        %add3A_33 = vector.broadcast %add3A_3 : i32 to vector<16xi32>
        %add3A_34 = arith.addi %mul3A_32, %add3A_33 : vector<16xi32>
        %mul3A_35 = arith.constant 16 : i32
        %mul3A_36 = arith.muli %scan3A_25, %mul3A_35 : i32
        %swap3A = arith.index_cast %mul3A_36 : i32 to index
        %swap3A_37 = tpu.vector_load %arg8[%swap3A] {strides = array<i32>} : memref<10240xi32, #tpu.memory_space<vmem>>, vector<16xi32>,
        %swap3A_38 = vector.shape_cast %swap3A_37 : vector<16xi32> to vector<16xi32>
        %swap3A_39 = vector.shape_cast %add3A_34 : vector<16xi32> to vector<16xi32>
        tpu.vector_store %arg8[%swap3A], %swap3A_39 {strides = array<i32>} : memref<10240xi32, #tpu.memory_space<vmem>>, vector<16xi32>,
      }
      %scan3A_12 = arith.constant 640 : i32
      %barrier3A = arith.constant 0 : index
      tpu.barrier barrier_id(%barrier3A)
      %scan3A_13 = arith.constant 0 : i32
      %scan3A_14 = arith.constant 0 : i32
      %scan3A_15 = arith.constant 80 : i32
      %scan3A_16 = arith.addi %scan3A_14, %scan3A_15 : i32
      %scan3A_17 = arith.constant 1 : i32
      scf.for %scan3A_25 = %scan3A_14 to %scan3A_16 step %scan3A_17  : i32 {
        %mul3A_26 = arith.constant 128 : i32
        %mul3A_27 = arith.muli %scan3A_25, %mul3A_26 : i32
        %dma_start3A = tpu.memref_slice %arg8[%mul3A_27] : memref<10240xi32, #tpu.memory_space<vmem>> -> memref<128xi32, #tpu.memory_space<vmem>>
        %dma_start3A_28 = arith.constant 0 : i32
        %dma_start3A_29 = arith.constant 0 : i32
        %dma_start3A_30 = tpu.memref_slice %arg2[%dma_start3A_28, %dma_start3A_29] : memref<10000x128xf32, #tpu.memory_space<hbm>> -> memref<10000x128xf32, #tpu.memory_space<hbm>>
        tpu.enqueue_indirect_dma source(%dma_start3A_30 : memref<10000x128xf32, #tpu.memory_space<hbm>>) target(%arg10 : memref<128x128xf32, #tpu.memory_space<vmem>>) offsets(%dma_start3A : memref<128xi32, #tpu.memory_space<vmem>>) semaphore(%arg12 : memref<!tpu.dma_semaphore, #tpu.memory_space<semaphore_mem>>)
        %dma_wait3A = tpu.memref_slice %arg8[%mul3A_27] : memref<10240xi32, #tpu.memory_space<vmem>> -> memref<128xi32, #tpu.memory_space<vmem>>
        %dma_wait3A_31 = arith.constant 0 : i32
        %dma_wait3A_32 = arith.constant 0 : i32
        %dma_wait3A_33 = tpu.memref_slice %arg2[%dma_wait3A_31, %dma_wait3A_32] : memref<10000x128xf32, #tpu.memory_space<hbm>> -> memref<10000x128xf32, #tpu.memory_space<hbm>>
        tpu.wait_indirect_dma semaphore(%arg12 : memref<!tpu.dma_semaphore, #tpu.memory_space<semaphore_mem>>) src(%dma_wait3A_33 : memref<10000x128xf32, #tpu.memory_space<hbm>>) dst(%arg10 : memref<128x128xf32, #tpu.memory_space<vmem>>)
        "tpu.region"() ({
          %run_scoped3A = tpu.sem_alloc : memref<!tpu.dma_semaphore, #tpu.memory_space<semaphore_mem>>
          %dma_start3A_34 = arith.constant 0 : i32
          %dma_start3A_35 = tpu.memref_slice %arg9[%scan3A_25, %dma_start3A_34] : memref<80x128xi32, #tpu.memory_space<vmem>> -> memref<1x128xi32, #tpu.memory_space<vmem>>
          %dma_start3A_36 = tpu.memref_squeeze %dma_start3A_35 : memref<1x128xi32, #tpu.memory_space<vmem>> -> memref<128xi32, #tpu.memory_space<vmem>>
          %dma_start3A_37 = arith.constant 0 : i32
          %dma_start3A_38 = arith.constant 0 : i32
          %dma_start3A_39 = tpu.memref_slice %arg11[%dma_start3A_37, %dma_start3A_38] : memref<10240x128xf32, #tpu.memory_space<vmem_shared>> -> memref<10240x128xf32, #tpu.memory_space<vmem_shared>>
          tpu.enqueue_indirect_dma source(%arg10 : memref<128x128xf32, #tpu.memory_space<vmem>>) target(%dma_start3A_39 : memref<10240x128xf32, #tpu.memory_space<vmem_shared>>) offsets(%dma_start3A_36 : memref<128xi32, #tpu.memory_space<vmem>>) semaphore(%run_scoped3A : memref<!tpu.dma_semaphore, #tpu.memory_space<semaphore_mem>>) {add = true}
          %dma_wait3A_40 = arith.constant 0 : i32
          %dma_wait3A_41 = tpu.memref_slice %arg9[%scan3A_25, %dma_wait3A_40] : memref<80x128xi32, #tpu.memory_space<vmem>> -> memref<1x128xi32, #tpu.memory_space<vmem>>
          %dma_wait3A_42 = tpu.memref_squeeze %dma_wait3A_41 : memref<1x128xi32, #tpu.memory_space<vmem>> -> memref<128xi32, #tpu.memory_space<vmem>>
          %dma_wait3A_43 = arith.constant 0 : i32
          %dma_wait3A_44 = arith.constant 0 : i32
          %dma_wait3A_45 = tpu.memref_slice %arg11[%dma_wait3A_43, %dma_wait3A_44] : memref<10240x128xf32, #tpu.memory_space<vmem_shared>> -> memref<10240x128xf32, #tpu.memory_space<vmem_shared>>
          tpu.wait_indirect_dma semaphore(%run_scoped3A : memref<!tpu.dma_semaphore, #tpu.memory_space<semaphore_mem>>) src(%arg10 : memref<128x128xf32, #tpu.memory_space<vmem>>) dst(%dma_wait3A_45 : memref<10240x128xf32, #tpu.memory_space<vmem_shared>>)
          tpu.yield
        }) : () -> ()
      }
      %scan3A_18 = arith.constant 80 : i32
      %barrier3A_19 = arith.constant 0 : index
      tpu.barrier barrier_id(%barrier3A_19)
      %mul3A_20 = arith.constant 640 : i32
      %mul3A_21 = arith.muli %arg1, %mul3A_20 : i32
      %mul3A_22 = arith.constant 640 : i32
      %mul3A_23 = arith.muli %arg1, %mul3A_22 : i32
      "tpu.region"() ({
        %run_scoped3A = tpu.sem_alloc : memref<!tpu.dma_semaphore, #tpu.memory_space<semaphore_mem>>
        %dma_start3A = arith.constant 0 : i32
        %dma_start3A_25 = tpu.memref_slice %arg6[%add3A_3, %mul3A_23, %dma_start3A] : memref<1x10240x128xf32, #tpu.memory_space<hbm>> -> memref<1x640x128xf32, #tpu.memory_space<hbm>>
        %dma_start3A_26 = tpu.memref_squeeze %dma_start3A_25 : memref<1x640x128xf32, #tpu.memory_space<hbm>> -> memref<640x128xf32, #tpu.memory_space<hbm>>
        %dma_start3A_27 = arith.constant 0 : i32
        %dma_start3A_28 = tpu.memref_slice %arg11[%mul3A_21, %dma_start3A_27] : memref<10240x128xf32, #tpu.memory_space<vmem_shared>> -> memref<640x128xf32, #tpu.memory_space<vmem_shared>>
        tpu.enqueue_dma source(%dma_start3A_28 : memref<640x128xf32, #tpu.memory_space<vmem_shared>>) target(%dma_start3A_26 : memref<640x128xf32, #tpu.memory_space<hbm>>) target_semaphore(%run_scoped3A : memref<!tpu.dma_semaphore, #tpu.memory_space<semaphore_mem>>)
        %dma_wait3A = arith.constant 0 : i32
        %dma_wait3A_29 = tpu.memref_slice %arg6[%add3A_3, %mul3A_23, %dma_wait3A] : memref<1x10240x128xf32, #tpu.memory_space<hbm>> -> memref<1x640x128xf32, #tpu.memory_space<hbm>>
        %dma_wait3A_30 = tpu.memref_squeeze %dma_wait3A_29 : memref<1x640x128xf32, #tpu.memory_space<hbm>> -> memref<640x128xf32, #tpu.memory_space<hbm>>
        %dma_wait3A_31 = arith.constant 0 : i32
        %dma_wait3A_32 = tpu.memref_slice %arg11[%mul3A_21, %dma_wait3A_31] : memref<10240x128xf32, #tpu.memory_space<vmem_shared>> -> memref<640x128xf32, #tpu.memory_space<vmem_shared>>
        tpu.wait_dma2 semaphore(%run_scoped3A : memref<!tpu.dma_semaphore, #tpu.memory_space<semaphore_mem>>) src(%dma_wait3A_32 : memref<640x128xf32, #tpu.memory_space<vmem_shared>>) dst(%dma_wait3A_30 : memref<640x128xf32, #tpu.memory_space<hbm>>)
        tpu.yield
      }) : () -> ()
      %barrier3A_24 = arith.constant 0 : index
      tpu.barrier barrier_id(%barrier3A_24)
    } else {
    }
    return
  }
}

module attributes {stable_mosaic.version = 14 : i64} {
  func.func @_tc_layer_body(%arg0: i32, %arg1: memref<2x1000x128xf32, #tpu.memory_space<vmem>>, %arg2: memref<1000x1xf32, #tpu.memory_space<vmem>>, %arg3: memref<1000x256xf32, #tpu.memory_space<vmem>>, %arg4: memref<2x128x512xf32, #tpu.memory_space<vmem>>, %arg5: memref<256x512xf32, #tpu.memory_space<vmem>>, %arg6: memref<1x512xf32, #tpu.memory_space<vmem>>, %arg7: memref<1000x512xf32, #tpu.memory_space<vmem>>) attributes {dimension_semantics = [#tpu.dimension_semantics<arbitrary>], iteration_bounds = array<i64: 10>, scalar_prefetch = 0 : i64, scratch_operands = 0 : i64, tpu.core_type = #tpu.core_type<tc>, window_params = [{transform_indices = @transform_0, window_bounds = array<i64: 2, 1000, 128>}, {transform_indices = @transform_1, window_bounds = array<i64: 1000, 1>}, {transform_indices = @transform_2, window_bounds = array<i64: 1000, 256>}, {pipeline_mode = #tpu.pipeline_mode<synchronous>, transform_indices = @transform_3, window_bounds = array<i64: 2, 128, 512>}, {pipeline_mode = #tpu.pipeline_mode<synchronous>, transform_indices = @transform_4, window_bounds = array<i64: 256, 512>}, {pipeline_mode = #tpu.pipeline_mode<synchronous>, transform_indices = @transform_5, window_bounds = array<i64: 1, 512>}, {transform_indices = @transform_6, window_bounds = array<i64: 1000, 512>}]} {
    %get3A = arith.constant 0 : index
    %get3A_0 = arith.constant 0 : index
    %get3A_1 = vector.load %arg2[%get3A, %get3A_0] : memref<1000x1xf32, #tpu.memory_space<vmem>>, vector<1000x1xf32>
    %max3A = arith.constant 1.000000e+00 : f32
    %max3A_2 = vector.broadcast %max3A : f32 to vector<1000x1xf32>
    %max3A_3 = arith.maximumf %get3A_1, %max3A_2 : vector<1000x1xf32>
    %div3A = arith.constant 1.000000e+00 : f32
    %div3A_4 = vector.broadcast %div3A : f32 to vector<1000x1xf32>
    %div3A_5 = arith.divf %div3A_4, %max3A_3 : vector<1000x1xf32>
    %get3A_6 = arith.constant 0 : index
    %get3A_7 = arith.constant 0 : index
    %get3A_8 = vector.load %arg3[%get3A_6, %get3A_7] : memref<1000x256xf32, #tpu.memory_space<vmem>>, vector<1000x256xf32>
    %get3A_9 = arith.constant 0 : index
    %get3A_10 = arith.constant 0 : index
    %get3A_11 = vector.load %arg5[%get3A_9, %get3A_10] : memref<256x512xf32, #tpu.memory_space<vmem>>, vector<256x512xf32>
    %dot_general3A = arith.constant dense<0.000000e+00> : vector<1000x512xf32>
    %dot_general3A_12 = tpu.matmul %get3A_8, %get3A_11, %dot_general3A {dimension_numbers = #tpu.dot_dimension_numbers<[1], [0], [0], [1], [0, 0, 1, 1], [], []>, transpose_lhs_hint = false} : vector<1000x256xf32>, vector<256x512xf32>, vector<1000x512xf32> -> vector<1000x512xf32>
    %get3A_13 = arith.constant 0 : index
    %get3A_14 = arith.constant 0 : index
    %get3A_15 = arith.constant 0 : index
    %get3A_16 = vector.load %arg1[%get3A_13, %get3A_14, %get3A_15] : memref<2x1000x128xf32, #tpu.memory_space<vmem>>, vector<1x1000x128xf32>
    %get3A_17 = vector.shape_cast %get3A_16 : vector<1x1000x128xf32> to vector<1000x128xf32>
    %mul3A = vector.broadcast %div3A_5 : vector<1000x1xf32> to vector<1000x128xf32>
    %mul3A_18 = arith.mulf %get3A_17, %mul3A : vector<1000x128xf32>
    %get3A_19 = arith.constant 0 : index
    %get3A_20 = arith.constant 0 : index
    %get3A_21 = arith.constant 0 : index
    %get3A_22 = vector.load %arg4[%get3A_19, %get3A_20, %get3A_21] : memref<2x128x512xf32, #tpu.memory_space<vmem>>, vector<1x128x512xf32>
    %get3A_23 = vector.shape_cast %get3A_22 : vector<1x128x512xf32> to vector<128x512xf32>
    %dot_general3A_24 = arith.constant dense<0.000000e+00> : vector<1000x512xf32>
    %dot_general3A_25 = tpu.matmul %mul3A_18, %get3A_23, %dot_general3A_24 {dimension_numbers = #tpu.dot_dimension_numbers<[1], [0], [0], [1], [0, 0, 1, 1], [], []>, transpose_lhs_hint = false} : vector<1000x128xf32>, vector<128x512xf32>, vector<1000x512xf32> -> vector<1000x512xf32>
    %add3A = arith.addf %dot_general3A_12, %dot_general3A_25 : vector<1000x512xf32>
    %get3A_26 = arith.constant 1 : index
    %get3A_27 = arith.constant 0 : index
    %get3A_28 = arith.constant 0 : index
    %get3A_29 = vector.load %arg1[%get3A_26, %get3A_27, %get3A_28] : memref<2x1000x128xf32, #tpu.memory_space<vmem>>, vector<1x1000x128xf32>
    %get3A_30 = vector.shape_cast %get3A_29 : vector<1x1000x128xf32> to vector<1000x128xf32>
    %mul3A_31 = vector.broadcast %div3A_5 : vector<1000x1xf32> to vector<1000x128xf32>
    %mul3A_32 = arith.mulf %get3A_30, %mul3A_31 : vector<1000x128xf32>
    %get3A_33 = arith.constant 1 : index
    %get3A_34 = arith.constant 0 : index
    %get3A_35 = arith.constant 0 : index
    %get3A_36 = vector.load %arg4[%get3A_33, %get3A_34, %get3A_35] : memref<2x128x512xf32, #tpu.memory_space<vmem>>, vector<1x128x512xf32>
    %get3A_37 = vector.shape_cast %get3A_36 : vector<1x128x512xf32> to vector<128x512xf32>
    %dot_general3A_38 = arith.constant dense<0.000000e+00> : vector<1000x512xf32>
    %dot_general3A_39 = tpu.matmul %mul3A_32, %get3A_37, %dot_general3A_38 {dimension_numbers = #tpu.dot_dimension_numbers<[1], [0], [0], [1], [0, 0, 1, 1], [], []>, transpose_lhs_hint = false} : vector<1000x128xf32>, vector<128x512xf32>, vector<1000x512xf32> -> vector<1000x512xf32>
    %add3A_40 = arith.addf %add3A, %dot_general3A_39 : vector<1000x512xf32>
    %get3A_41 = arith.constant 0 : index
    %get3A_42 = arith.constant 0 : index
    %get3A_43 = vector.load %arg6[%get3A_41, %get3A_42] : memref<1x512xf32, #tpu.memory_space<vmem>>, vector<1x512xf32>
    %add3A_44 = vector.broadcast %get3A_43 : vector<1x512xf32> to vector<1000x512xf32>
    %add3A_45 = arith.addf %add3A_40, %add3A_44 : vector<1000x512xf32>
    %gt3A = arith.constant 0.000000e+00 : f32
    %gt3A_46 = vector.broadcast %gt3A : f32 to vector<1000x512xf32>
    %gt3A_47 = arith.cmpf ogt, %add3A_45, %gt3A_46 : vector<1000x512xf32>
    %exp3A = math.exp %add3A_45 : vector<1000x512xf32>
    %sub3A = arith.constant 1.000000e+00 : f32
    %sub3A_48 = vector.broadcast %sub3A : f32 to vector<1000x512xf32>
    %sub3A_49 = arith.subf %exp3A, %sub3A_48 : vector<1000x512xf32>
    %select_n3A = arith.select %gt3A_47, %add3A_45, %sub3A_49 : vector<1000x512xi1>, vector<1000x512xf32>
    %swap3A = arith.constant 0 : index
    %swap3A_50 = arith.constant 0 : index
    %swap3A_51 = vector.load %arg7[%swap3A, %swap3A_50] : memref<1000x512xf32, #tpu.memory_space<vmem>>, vector<1000x512xf32>
    tpu.vector_store %arg7[%swap3A, %swap3A_50], %select_n3A {strides = array<i32>} : memref<1000x512xf32, #tpu.memory_space<vmem>>, vector<1000x512xf32>,
    return
  }
  func.func @transform_0(%arg0: i32) -> (i32, i32, i32) {
    %c0_i32 = arith.constant 0 : i32
    %c0_i32_0 = arith.constant 0 : i32
    %c0_i32_1 = arith.constant 0 : i32
    return %c0_i32, %arg0, %c0_i32_0 : i32, i32, i32
  }
  func.func @transform_1(%arg0: i32) -> (i32, i32) {
    %c0_i32 = arith.constant 0 : i32
    %c0_i32_0 = arith.constant 0 : i32
    return %arg0, %c0_i32 : i32, i32
  }
  func.func @transform_2(%arg0: i32) -> (i32, i32) {
    %c0_i32 = arith.constant 0 : i32
    %c0_i32_0 = arith.constant 0 : i32
    return %arg0, %c0_i32 : i32, i32
  }
  func.func @transform_3(%arg0: i32) -> (i32, i32, i32) {
    %c0_i32 = arith.constant 0 : i32
    %c0_i32_0 = arith.constant 0 : i32
    %c0_i32_1 = arith.constant 0 : i32
    %c0_i32_2 = arith.constant 0 : i32
    return %c0_i32, %c0_i32_0, %c0_i32_1 : i32, i32, i32
  }
  func.func @transform_4(%arg0: i32) -> (i32, i32) {
    %c0_i32 = arith.constant 0 : i32
    %c0_i32_0 = arith.constant 0 : i32
    %c0_i32_1 = arith.constant 0 : i32
    return %c0_i32, %c0_i32_0 : i32, i32
  }
  func.func @transform_5(%arg0: i32) -> (i32, i32) {
    %c0_i32 = arith.constant 0 : i32
    %c0_i32_0 = arith.constant 0 : i32
    %c0_i32_1 = arith.constant 0 : i32
    return %c0_i32, %c0_i32_0 : i32, i32
  }
  func.func @transform_6(%arg0: i32) -> (i32, i32) {
    %c0_i32 = arith.constant 0 : i32
    %c0_i32_0 = arith.constant 0 : i32
    return %arg0, %c0_i32 : i32, i32
  }
}

module attributes {stable_mosaic.version = 14 : i64} {
  func.func @_tc_layer_body(%arg0: i32, %arg1: memref<4x1000x128xf32, #tpu.memory_space<vmem>>, %arg2: memref<1000x1xf32, #tpu.memory_space<vmem>>, %arg3: memref<1000x512xf32, #tpu.memory_space<vmem>>, %arg4: memref<4x128x512xf32, #tpu.memory_space<vmem>>, %arg5: memref<512x512xf32, #tpu.memory_space<vmem>>, %arg6: memref<1x512xf32, #tpu.memory_space<vmem>>, %arg7: memref<1000x512xf32, #tpu.memory_space<vmem>>) attributes {dimension_semantics = [#tpu.dimension_semantics<arbitrary>], iteration_bounds = array<i64: 10>, scalar_prefetch = 0 : i64, scratch_operands = 0 : i64, tpu.core_type = #tpu.core_type<tc>, window_params = [{transform_indices = @transform_0, window_bounds = array<i64: 4, 1000, 128>}, {transform_indices = @transform_1, window_bounds = array<i64: 1000, 1>}, {transform_indices = @transform_2, window_bounds = array<i64: 1000, 512>}, {pipeline_mode = #tpu.pipeline_mode<synchronous>, transform_indices = @transform_3, window_bounds = array<i64: 4, 128, 512>}, {pipeline_mode = #tpu.pipeline_mode<synchronous>, transform_indices = @transform_4, window_bounds = array<i64: 512, 512>}, {pipeline_mode = #tpu.pipeline_mode<synchronous>, transform_indices = @transform_5, window_bounds = array<i64: 1, 512>}, {transform_indices = @transform_6, window_bounds = array<i64: 1000, 512>}]} {
    %get3A = arith.constant 0 : index
    %get3A_0 = arith.constant 0 : index
    %get3A_1 = vector.load %arg2[%get3A, %get3A_0] : memref<1000x1xf32, #tpu.memory_space<vmem>>, vector<1000x1xf32>
    %max3A = arith.constant 1.000000e+00 : f32
    %max3A_2 = vector.broadcast %max3A : f32 to vector<1000x1xf32>
    %max3A_3 = arith.maximumf %get3A_1, %max3A_2 : vector<1000x1xf32>
    %div3A = arith.constant 1.000000e+00 : f32
    %div3A_4 = vector.broadcast %div3A : f32 to vector<1000x1xf32>
    %div3A_5 = arith.divf %div3A_4, %max3A_3 : vector<1000x1xf32>
    %get3A_6 = arith.constant 0 : index
    %get3A_7 = arith.constant 0 : index
    %get3A_8 = vector.load %arg3[%get3A_6, %get3A_7] : memref<1000x512xf32, #tpu.memory_space<vmem>>, vector<1000x512xf32>
    %get3A_9 = arith.constant 0 : index
    %get3A_10 = arith.constant 0 : index
    %get3A_11 = vector.load %arg5[%get3A_9, %get3A_10] : memref<512x512xf32, #tpu.memory_space<vmem>>, vector<512x512xf32>
    %dot_general3A = arith.constant dense<0.000000e+00> : vector<1000x512xf32>
    %dot_general3A_12 = tpu.matmul %get3A_8, %get3A_11, %dot_general3A {dimension_numbers = #tpu.dot_dimension_numbers<[1], [0], [0], [1], [0, 0, 1, 1], [], []>, transpose_lhs_hint = false} : vector<1000x512xf32>, vector<512x512xf32>, vector<1000x512xf32> -> vector<1000x512xf32>
    %get3A_13 = arith.constant 0 : index
    %get3A_14 = arith.constant 0 : index
    %get3A_15 = arith.constant 0 : index
    %get3A_16 = vector.load %arg1[%get3A_13, %get3A_14, %get3A_15] : memref<4x1000x128xf32, #tpu.memory_space<vmem>>, vector<1x1000x128xf32>
    %get3A_17 = vector.shape_cast %get3A_16 : vector<1x1000x128xf32> to vector<1000x128xf32>
    %mul3A = vector.broadcast %div3A_5 : vector<1000x1xf32> to vector<1000x128xf32>
    %mul3A_18 = arith.mulf %get3A_17, %mul3A : vector<1000x128xf32>
    %get3A_19 = arith.constant 0 : index
    %get3A_20 = arith.constant 0 : index
    %get3A_21 = arith.constant 0 : index
    %get3A_22 = vector.load %arg4[%get3A_19, %get3A_20, %get3A_21] : memref<4x128x512xf32, #tpu.memory_space<vmem>>, vector<1x128x512xf32>
    %get3A_23 = vector.shape_cast %get3A_22 : vector<1x128x512xf32> to vector<128x512xf32>
    %dot_general3A_24 = arith.constant dense<0.000000e+00> : vector<1000x512xf32>
    %dot_general3A_25 = tpu.matmul %mul3A_18, %get3A_23, %dot_general3A_24 {dimension_numbers = #tpu.dot_dimension_numbers<[1], [0], [0], [1], [0, 0, 1, 1], [], []>, transpose_lhs_hint = false} : vector<1000x128xf32>, vector<128x512xf32>, vector<1000x512xf32> -> vector<1000x512xf32>
    %add3A = arith.addf %dot_general3A_12, %dot_general3A_25 : vector<1000x512xf32>
    %get3A_26 = arith.constant 1 : index
    %get3A_27 = arith.constant 0 : index
    %get3A_28 = arith.constant 0 : index
    %get3A_29 = vector.load %arg1[%get3A_26, %get3A_27, %get3A_28] : memref<4x1000x128xf32, #tpu.memory_space<vmem>>, vector<1x1000x128xf32>
    %get3A_30 = vector.shape_cast %get3A_29 : vector<1x1000x128xf32> to vector<1000x128xf32>
    %mul3A_31 = vector.broadcast %div3A_5 : vector<1000x1xf32> to vector<1000x128xf32>
    %mul3A_32 = arith.mulf %get3A_30, %mul3A_31 : vector<1000x128xf32>
    %get3A_33 = arith.constant 1 : index
    %get3A_34 = arith.constant 0 : index
    %get3A_35 = arith.constant 0 : index
    %get3A_36 = vector.load %arg4[%get3A_33, %get3A_34, %get3A_35] : memref<4x128x512xf32, #tpu.memory_space<vmem>>, vector<1x128x512xf32>
    %get3A_37 = vector.shape_cast %get3A_36 : vector<1x128x512xf32> to vector<128x512xf32>
    %dot_general3A_38 = arith.constant dense<0.000000e+00> : vector<1000x512xf32>
    %dot_general3A_39 = tpu.matmul %mul3A_32, %get3A_37, %dot_general3A_38 {dimension_numbers = #tpu.dot_dimension_numbers<[1], [0], [0], [1], [0, 0, 1, 1], [], []>, transpose_lhs_hint = false} : vector<1000x128xf32>, vector<128x512xf32>, vector<1000x512xf32> -> vector<1000x512xf32>
    %add3A_40 = arith.addf %add3A, %dot_general3A_39 : vector<1000x512xf32>
    %get3A_41 = arith.constant 2 : index
    %get3A_42 = arith.constant 0 : index
    %get3A_43 = arith.constant 0 : index
    %get3A_44 = vector.load %arg1[%get3A_41, %get3A_42, %get3A_43] : memref<4x1000x128xf32, #tpu.memory_space<vmem>>, vector<1x1000x128xf32>
    %get3A_45 = vector.shape_cast %get3A_44 : vector<1x1000x128xf32> to vector<1000x128xf32>
    %mul3A_46 = vector.broadcast %div3A_5 : vector<1000x1xf32> to vector<1000x128xf32>
    %mul3A_47 = arith.mulf %get3A_45, %mul3A_46 : vector<1000x128xf32>
    %get3A_48 = arith.constant 2 : index
    %get3A_49 = arith.constant 0 : index
    %get3A_50 = arith.constant 0 : index
    %get3A_51 = vector.load %arg4[%get3A_48, %get3A_49, %get3A_50] : memref<4x128x512xf32, #tpu.memory_space<vmem>>, vector<1x128x512xf32>
    %get3A_52 = vector.shape_cast %get3A_51 : vector<1x128x512xf32> to vector<128x512xf32>
    %dot_general3A_53 = arith.constant dense<0.000000e+00> : vector<1000x512xf32>
    %dot_general3A_54 = tpu.matmul %mul3A_47, %get3A_52, %dot_general3A_53 {dimension_numbers = #tpu.dot_dimension_numbers<[1], [0], [0], [1], [0, 0, 1, 1], [], []>, transpose_lhs_hint = false} : vector<1000x128xf32>, vector<128x512xf32>, vector<1000x512xf32> -> vector<1000x512xf32>
    %add3A_55 = arith.addf %add3A_40, %dot_general3A_54 : vector<1000x512xf32>
    %get3A_56 = arith.constant 3 : index
    %get3A_57 = arith.constant 0 : index
    %get3A_58 = arith.constant 0 : index
    %get3A_59 = vector.load %arg1[%get3A_56, %get3A_57, %get3A_58] : memref<4x1000x128xf32, #tpu.memory_space<vmem>>, vector<1x1000x128xf32>
    %get3A_60 = vector.shape_cast %get3A_59 : vector<1x1000x128xf32> to vector<1000x128xf32>
    %mul3A_61 = vector.broadcast %div3A_5 : vector<1000x1xf32> to vector<1000x128xf32>
    %mul3A_62 = arith.mulf %get3A_60, %mul3A_61 : vector<1000x128xf32>
    %get3A_63 = arith.constant 3 : index
    %get3A_64 = arith.constant 0 : index
    %get3A_65 = arith.constant 0 : index
    %get3A_66 = vector.load %arg4[%get3A_63, %get3A_64, %get3A_65] : memref<4x128x512xf32, #tpu.memory_space<vmem>>, vector<1x128x512xf32>
    %get3A_67 = vector.shape_cast %get3A_66 : vector<1x128x512xf32> to vector<128x512xf32>
    %dot_general3A_68 = arith.constant dense<0.000000e+00> : vector<1000x512xf32>
    %dot_general3A_69 = tpu.matmul %mul3A_62, %get3A_67, %dot_general3A_68 {dimension_numbers = #tpu.dot_dimension_numbers<[1], [0], [0], [1], [0, 0, 1, 1], [], []>, transpose_lhs_hint = false} : vector<1000x128xf32>, vector<128x512xf32>, vector<1000x512xf32> -> vector<1000x512xf32>
    %add3A_70 = arith.addf %add3A_55, %dot_general3A_69 : vector<1000x512xf32>
    %get3A_71 = arith.constant 0 : index
    %get3A_72 = arith.constant 0 : index
    %get3A_73 = vector.load %arg6[%get3A_71, %get3A_72] : memref<1x512xf32, #tpu.memory_space<vmem>>, vector<1x512xf32>
    %add3A_74 = vector.broadcast %get3A_73 : vector<1x512xf32> to vector<1000x512xf32>
    %add3A_75 = arith.addf %add3A_70, %add3A_74 : vector<1000x512xf32>
    %gt3A = arith.constant 0.000000e+00 : f32
    %gt3A_76 = vector.broadcast %gt3A : f32 to vector<1000x512xf32>
    %gt3A_77 = arith.cmpf ogt, %add3A_75, %gt3A_76 : vector<1000x512xf32>
    %exp3A = math.exp %add3A_75 : vector<1000x512xf32>
    %sub3A = arith.constant 1.000000e+00 : f32
    %sub3A_78 = vector.broadcast %sub3A : f32 to vector<1000x512xf32>
    %sub3A_79 = arith.subf %exp3A, %sub3A_78 : vector<1000x512xf32>
    %select_n3A = arith.select %gt3A_77, %add3A_75, %sub3A_79 : vector<1000x512xi1>, vector<1000x512xf32>
    %swap3A = arith.constant 0 : index
    %swap3A_80 = arith.constant 0 : index
    %swap3A_81 = vector.load %arg7[%swap3A, %swap3A_80] : memref<1000x512xf32, #tpu.memory_space<vmem>>, vector<1000x512xf32>
    tpu.vector_store %arg7[%swap3A, %swap3A_80], %select_n3A {strides = array<i32>} : memref<1000x512xf32, #tpu.memory_space<vmem>>, vector<1000x512xf32>,
    return
  }
  func.func @transform_0(%arg0: i32) -> (i32, i32, i32) {
    %c0_i32 = arith.constant 0 : i32
    %c0_i32_0 = arith.constant 0 : i32
    %c0_i32_1 = arith.constant 0 : i32
    return %c0_i32, %arg0, %c0_i32_0 : i32, i32, i32
  }
  func.func @transform_1(%arg0: i32) -> (i32, i32) {
    %c0_i32 = arith.constant 0 : i32
    %c0_i32_0 = arith.constant 0 : i32
    return %arg0, %c0_i32 : i32, i32
  }
  func.func @transform_2(%arg0: i32) -> (i32, i32) {
    %c0_i32 = arith.constant 0 : i32
    %c0_i32_0 = arith.constant 0 : i32
    return %arg0, %c0_i32 : i32, i32
  }
  func.func @transform_3(%arg0: i32) -> (i32, i32, i32) {
    %c0_i32 = arith.constant 0 : i32
    %c0_i32_0 = arith.constant 0 : i32
    %c0_i32_1 = arith.constant 0 : i32
    %c0_i32_2 = arith.constant 0 : i32
    return %c0_i32, %c0_i32_0, %c0_i32_1 : i32, i32, i32
  }
  func.func @transform_4(%arg0: i32) -> (i32, i32) {
    %c0_i32 = arith.constant 0 : i32
    %c0_i32_0 = arith.constant 0 : i32
    %c0_i32_1 = arith.constant 0 : i32
    return %c0_i32, %c0_i32_0 : i32, i32
  }
  func.func @transform_5(%arg0: i32) -> (i32, i32) {
    %c0_i32 = arith.constant 0 : i32
    %c0_i32_0 = arith.constant 0 : i32
    %c0_i32_1 = arith.constant 0 : i32
    return %c0_i32, %c0_i32_0 : i32, i32
  }
  func.func @transform_6(%arg0: i32) -> (i32, i32) {
    %c0_i32 = arith.constant 0 : i32
    %c0_i32_0 = arith.constant 0 : i32
    return %arg0, %c0_i32 : i32, i32
  }
}

module attributes {stable_mosaic.version = 14 : i64} {
  func.func @_mm_body(%arg0: i32, %arg1: memref<1000x512xf32, #tpu.memory_space<vmem>>, %arg2: memref<512x128xf32, #tpu.memory_space<vmem>>, %arg3: memref<1000x128xf32, #tpu.memory_space<vmem>>) attributes {dimension_semantics = [#tpu.dimension_semantics<arbitrary>], iteration_bounds = array<i64: 10>, scalar_prefetch = 0 : i64, scratch_operands = 0 : i64, tpu.core_type = #tpu.core_type<tc>, window_params = [{transform_indices = @transform_0, window_bounds = array<i64: 1000, 512>}, {pipeline_mode = #tpu.pipeline_mode<synchronous>, transform_indices = @transform_1, window_bounds = array<i64: 512, 128>}, {transform_indices = @transform_2, window_bounds = array<i64: 1000, 128>}]} {
    %get3A = arith.constant 0 : index
    %get3A_0 = arith.constant 0 : index
    %get3A_1 = vector.load %arg1[%get3A, %get3A_0] : memref<1000x512xf32, #tpu.memory_space<vmem>>, vector<1000x512xf32>
    %get3A_2 = arith.constant 0 : index
    %get3A_3 = arith.constant 0 : index
    %get3A_4 = vector.load %arg2[%get3A_2, %get3A_3] : memref<512x128xf32, #tpu.memory_space<vmem>>, vector<512x128xf32>
    %dot_general3A = arith.constant dense<0.000000e+00> : vector<1000x128xf32>
    %dot_general3A_5 = tpu.matmul %get3A_1, %get3A_4, %dot_general3A {dimension_numbers = #tpu.dot_dimension_numbers<[1], [0], [0], [1], [0, 0, 1, 1], [], []>, transpose_lhs_hint = false} : vector<1000x512xf32>, vector<512x128xf32>, vector<1000x128xf32> -> vector<1000x128xf32>
    %swap3A = arith.constant 0 : index
    %swap3A_6 = arith.constant 0 : index
    %swap3A_7 = vector.load %arg3[%swap3A, %swap3A_6] : memref<1000x128xf32, #tpu.memory_space<vmem>>, vector<1000x128xf32>
    tpu.vector_store %arg3[%swap3A, %swap3A_6], %dot_general3A_5 {strides = array<i32>} : memref<1000x128xf32, #tpu.memory_space<vmem>>, vector<1000x128xf32>,
    return
  }
  func.func @transform_0(%arg0: i32) -> (i32, i32) {
    %c0_i32 = arith.constant 0 : i32
    %c0_i32_0 = arith.constant 0 : i32
    return %arg0, %c0_i32 : i32, i32
  }
  func.func @transform_1(%arg0: i32) -> (i32, i32) {
    %c0_i32 = arith.constant 0 : i32
    %c0_i32_0 = arith.constant 0 : i32
    %c0_i32_1 = arith.constant 0 : i32
    return %c0_i32, %c0_i32_0 : i32, i32
  }
  func.func @transform_2(%arg0: i32) -> (i32, i32) {
    %c0_i32 = arith.constant 0 : i32
    %c0_i32_0 = arith.constant 0 : i32
    return %arg0, %c0_i32 : i32, i32
  }
}

module attributes {stable_mosaic.version = 14 : i64} {
  func.func @_tc_layer_body(%arg0: i32, %arg1: memref<1x1000x128xf32, #tpu.memory_space<vmem>>, %arg2: memref<1000x1xf32, #tpu.memory_space<vmem>>, %arg3: memref<1000x512xf32, #tpu.memory_space<vmem>>, %arg4: memref<1x128x64xf32, #tpu.memory_space<vmem>>, %arg5: memref<512x64xf32, #tpu.memory_space<vmem>>, %arg6: memref<1x64xf32, #tpu.memory_space<vmem>>, %arg7: memref<1000x64xf32, #tpu.memory_space<vmem>>) attributes {dimension_semantics = [#tpu.dimension_semantics<arbitrary>], iteration_bounds = array<i64: 10>, scalar_prefetch = 0 : i64, scratch_operands = 0 : i64, tpu.core_type = #tpu.core_type<tc>, window_params = [{transform_indices = @transform_0, window_bounds = array<i64: 1, 1000, 128>}, {transform_indices = @transform_1, window_bounds = array<i64: 1000, 1>}, {transform_indices = @transform_2, window_bounds = array<i64: 1000, 512>}, {pipeline_mode = #tpu.pipeline_mode<synchronous>, transform_indices = @transform_3, window_bounds = array<i64: 1, 128, 64>}, {pipeline_mode = #tpu.pipeline_mode<synchronous>, transform_indices = @transform_4, window_bounds = array<i64: 512, 64>}, {pipeline_mode = #tpu.pipeline_mode<synchronous>, transform_indices = @transform_5, window_bounds = array<i64: 1, 64>}, {transform_indices = @transform_6, window_bounds = array<i64: 1000, 64>}]} {
    %get3A = arith.constant 0 : index
    %get3A_0 = arith.constant 0 : index
    %get3A_1 = vector.load %arg2[%get3A, %get3A_0] : memref<1000x1xf32, #tpu.memory_space<vmem>>, vector<1000x1xf32>
    %max3A = arith.constant 1.000000e+00 : f32
    %max3A_2 = vector.broadcast %max3A : f32 to vector<1000x1xf32>
    %max3A_3 = arith.maximumf %get3A_1, %max3A_2 : vector<1000x1xf32>
    %div3A = arith.constant 1.000000e+00 : f32
    %div3A_4 = vector.broadcast %div3A : f32 to vector<1000x1xf32>
    %div3A_5 = arith.divf %div3A_4, %max3A_3 : vector<1000x1xf32>
    %get3A_6 = arith.constant 0 : index
    %get3A_7 = arith.constant 0 : index
    %get3A_8 = vector.load %arg3[%get3A_6, %get3A_7] : memref<1000x512xf32, #tpu.memory_space<vmem>>, vector<1000x512xf32>
    %get3A_9 = arith.constant 0 : index
    %get3A_10 = arith.constant 0 : index
    %get3A_11 = vector.load %arg5[%get3A_9, %get3A_10] : memref<512x64xf32, #tpu.memory_space<vmem>>, vector<512x64xf32>
    %dot_general3A = arith.constant dense<0.000000e+00> : vector<1000x64xf32>
    %dot_general3A_12 = tpu.matmul %get3A_8, %get3A_11, %dot_general3A {dimension_numbers = #tpu.dot_dimension_numbers<[1], [0], [0], [1], [0, 0, 1, 1], [], []>, transpose_lhs_hint = false} : vector<1000x512xf32>, vector<512x64xf32>, vector<1000x64xf32> -> vector<1000x64xf32>
    %get3A_13 = arith.constant 0 : index
    %get3A_14 = arith.constant 0 : index
    %get3A_15 = arith.constant 0 : index
    %get3A_16 = vector.load %arg1[%get3A_13, %get3A_14, %get3A_15] : memref<1x1000x128xf32, #tpu.memory_space<vmem>>, vector<1x1000x128xf32>
    %get3A_17 = vector.shape_cast %get3A_16 : vector<1x1000x128xf32> to vector<1000x128xf32>
    %mul3A = vector.broadcast %div3A_5 : vector<1000x1xf32> to vector<1000x128xf32>
    %mul3A_18 = arith.mulf %get3A_17, %mul3A : vector<1000x128xf32>
    %get3A_19 = arith.constant 0 : index
    %get3A_20 = arith.constant 0 : index
    %get3A_21 = arith.constant 0 : index
    %get3A_22 = vector.load %arg4[%get3A_19, %get3A_20, %get3A_21] : memref<1x128x64xf32, #tpu.memory_space<vmem>>, vector<1x128x64xf32>
    %get3A_23 = vector.shape_cast %get3A_22 : vector<1x128x64xf32> to vector<128x64xf32>
    %dot_general3A_24 = arith.constant dense<0.000000e+00> : vector<1000x64xf32>
    %dot_general3A_25 = tpu.matmul %mul3A_18, %get3A_23, %dot_general3A_24 {dimension_numbers = #tpu.dot_dimension_numbers<[1], [0], [0], [1], [0, 0, 1, 1], [], []>, transpose_lhs_hint = false} : vector<1000x128xf32>, vector<128x64xf32>, vector<1000x64xf32> -> vector<1000x64xf32>
    %add3A = arith.addf %dot_general3A_12, %dot_general3A_25 : vector<1000x64xf32>
    %get3A_26 = arith.constant 0 : index
    %get3A_27 = arith.constant 0 : index
    %get3A_28 = vector.load %arg6[%get3A_26, %get3A_27] : memref<1x64xf32, #tpu.memory_space<vmem>>, vector<1x64xf32>
    %add3A_29 = vector.broadcast %get3A_28 : vector<1x64xf32> to vector<1000x64xf32>
    %add3A_30 = arith.addf %add3A, %add3A_29 : vector<1000x64xf32>
    %swap3A = arith.constant 0 : index
    %swap3A_31 = arith.constant 0 : index
    %swap3A_32 = vector.load %arg7[%swap3A, %swap3A_31] : memref<1000x64xf32, #tpu.memory_space<vmem>>, vector<1000x64xf32>
    tpu.vector_store %arg7[%swap3A, %swap3A_31], %add3A_30 {strides = array<i32>} : memref<1000x64xf32, #tpu.memory_space<vmem>>, vector<1000x64xf32>,
    return
  }
  func.func @transform_0(%arg0: i32) -> (i32, i32, i32) {
    %c0_i32 = arith.constant 0 : i32
    %c0_i32_0 = arith.constant 0 : i32
    %c0_i32_1 = arith.constant 0 : i32
    return %c0_i32, %arg0, %c0_i32_0 : i32, i32, i32
  }
  func.func @transform_1(%arg0: i32) -> (i32, i32) {
    %c0_i32 = arith.constant 0 : i32
    %c0_i32_0 = arith.constant 0 : i32
    return %arg0, %c0_i32 : i32, i32
  }
  func.func @transform_2(%arg0: i32) -> (i32, i32) {
    %c0_i32 = arith.constant 0 : i32
    %c0_i32_0 = arith.constant 0 : i32
    return %arg0, %c0_i32 : i32, i32
  }
  func.func @transform_3(%arg0: i32) -> (i32, i32, i32) {
    %c0_i32 = arith.constant 0 : i32
    %c0_i32_0 = arith.constant 0 : i32
    %c0_i32_1 = arith.constant 0 : i32
    %c0_i32_2 = arith.constant 0 : i32
    return %c0_i32, %c0_i32_0, %c0_i32_1 : i32, i32, i32
  }
  func.func @transform_4(%arg0: i32) -> (i32, i32) {
    %c0_i32 = arith.constant 0 : i32
    %c0_i32_0 = arith.constant 0 : i32
    %c0_i32_1 = arith.constant 0 : i32
    return %c0_i32, %c0_i32_0 : i32, i32
  }
  func.func @transform_5(%arg0: i32) -> (i32, i32) {
    %c0_i32 = arith.constant 0 : i32
    %c0_i32_0 = arith.constant 0 : i32
    %c0_i32_1 = arith.constant 0 : i32
    return %c0_i32, %c0_i32_0 : i32, i32
  }
  func.func @transform_6(%arg0: i32) -> (i32, i32) {
    %c0_i32 = arith.constant 0 : i32
    %c0_i32_0 = arith.constant 0 : i32
    return %arg0, %c0_i32 : i32, i32
  }
}

</mosaic_0001>

<sc_bundles>
// kernel: kernel.22.cloned.1.call-start
scs
__scs_entry_jumppad:
0x0: {  	(pc) =	sbr.rel $0x88, $3  }
0x1: {  	(tag) =	ssettag $0x0;
	lr =	simm.s32 $0x1  }
0x2: {  	[smem:$0x3F84] =	sst lr;
	_ =	strace $0xD0000000  }
0x3: {  	_ = 	snop  }
0x4: {  	_ = 	snop  }
0x5: {  	_ = 	snop  }
0x6: {  	_ = 	snop  }
0x7: {  	_ = 	snop  }
__scs_overlays_trampoline_lowered:
0x8: {  	[smem:$0x3F93] =	sst s0  }
0x9: {  	[smem:$0x3F94] =	sst s1  }
0xa: {  	[smem:$0x3F95] =	sst s2  }
0xb: {  	[smem:$0x3F96] =	sst s3  }
0xc: {  	[smem:$0x3F97] =	sst s4  }
0xd: {  	[smem:$0x3F98] =	sst s5  }
0xe: {  	[smem:$0x3F99] =	sst s6  }
0xf: {  	[smem:$0x3F9A] =	sst s7  }
0x10: {  	[smem:$0x3F9B] =	sst s8  }
0x11: {  	[smem:$0x3F9C] =	sst s9;
	s0 =	simm.s32 @!p0 $0x0  }
0x12: {  	s1 =	sld [smem:$0x3F82];
	s0 =	simm.s32 @p0 $0x1  }
0x13: {  	[smem:$0x3F9D] =	sst s0;
	s0 =	simm.s32 @!p1 $0x0  }
0x14: {  	s2 =	sld [smem:$0x3F81];
	s0 =	simm.s32 @p1 $0x1  }
0x15: {  	[smem:$0x3F9E] =	sst s0;
	s0 =	simm.s32 @!p2 $0x0  }
0x16: {  	s3 =	sld [smem:$0x3FDB];
	s0 =	simm.s32 @p2 $0x1  }
0x17: {  	s4 =	simm.s32 $0x1BF5;
	[smem:$0x3FA0] =	sst s0  }
0x18: {  	s0 =	sld [smem:$0x3F83];
	_ =	swait.ge [sflag:s4], $0x0  }
0x19: {  	s7 =	sld [smem:$0x3F84]  }
0x1a: {  	s8 =	sadd.s32 $0xFFFFE003, lr  }
0x1b: {  	s9 =	sadd.s32 $0xFFFFFEF7, lr;
	s5 =	simm.s32 $0xFFFFFFFF;
	p2 =	slt.u32 s8, $0xFFFFF086  }
0x1c: {  	p1 =	slt.u32 s9, $0xF7A;
	s5 =	simm.s32 @!p2 $0x0  }
0x1d: {  	s5 =	simm.s32 @p1 $0x1;
	p0 =	seq.s32 s7, s2  }
0x1e: {  	s7 =	smul.u32 @!p0 $0xF7A, s2;
	p2 =	seq.s32 @!p0 s5, $0x0  }
0x1f: {  	s9 =	smul.u32 $0xF7A, s1;
	s8 =	simm.s32 @!p0 $0x1BF5;
	p2 =	por !p2, p0  }
0x20: {  	[sflag:s8] =	ssyncset.s32 @!p0 $0xFFFFF086;
	s6 =	sadd.s32 @!p0 s3, s7;
	s7 =	simm.s32 @!p0 $0x108  }
0x21: {  	s3 =	sadd.s32 s3, s9;
	s6 =	sadd.s32 @!p0 $0x88, s6;
	s7 =	simm.s32 @p2 $0x1082  }
0x22: {  	[simem:s7], [sflag:s8] =	dma.local @!p0 [hbm:s6], $0xF7A  }
0x23: {  	s9 =	sor.u32 $0xD0000000, s2;
	s6 =	simm.s32 $0x108;
	_ =	swait.ge @!p0 [sflag:s8], $0x0  }
0x24: {  	s3 =	sadd.s32 $0x88, s3;
	s6 =	simm.s32 @!p1 $0x1082;
	[sflag:s4] =	ssyncset.s32 $0xFFFFF086  }
0x25: {  	[simem:s6], [sflag:s4] =	dma.local [hbm:s3], $0xF7A  }
0x26: {  	[smem:$0x3F84] =	sst s1;
	(tag) =	ssettag s2;
	_ =	strace s9  }
0x27: {  	s1 =	sld [smem:$0x3F94]  }
0x28: {  	s2 =	sld [smem:$0x3F95]  }
0x29: {  	s4 =	sld [smem:$0x3F97]  }
0x2a: {  	p0 =	seq.s32 s5, $0x0;
	s5 =	sld [smem:$0x3F98]  }
0x2b: {  	s6 =	sld [smem:$0x3F99]  }
0x2c: {  	s7 =	sld [smem:$0x3F9A]  }
0x2d: {  	s3 =	simm.s32 $0x108;
	s8 =	sld [smem:$0x3F9B]  }
0x2e: {  	s3 =	simm.s32 @!p0 $0x1082;
	s9 =	sld [smem:$0x3F9C]  }
0x2f: {  	lr =	sadd.s32 s0, s3;
	s0 =	sld [smem:$0x3F93]  }
0x30: {  	s3 =	sld [smem:$0x3F96]  }
0x31: {  	[smem:$0x3F9F] =	sst s10  }
0x32: {  	s10 =	sld [smem:$0x3F9D];
	_ =	sdelay $0x3  }
0x33: {  	p0 =	seq.s32 s10, $0x1;
	s10 =	sld [smem:$0x3F9F];
	_ =	sdelay $0x3  }
0x34: {  	[smem:$0x3F9F] =	sst s10  }
0x35: {  	s10 =	sld [smem:$0x3F9E];
	_ =	sdelay $0x3  }
0x36: {  	p1 =	seq.s32 s10, $0x1;
	s10 =	sld [smem:$0x3F9F];
	_ =	sdelay $0x3  }
0x37: {  	[smem:$0x3F9F] =	sst s10  }
0x38: {  	s10 =	sld [smem:$0x3FA0]  }
0x39: {  	_ = 	snop;
	(pc) =	sbr.ind lr, $3  }
0x3a: {  	_ = 	snop  }
0x3b: {  	_ = 	snop  }
0x3c: {  	p2 =	seq.s32 s10, $0x1;
	s10 =	sld [smem:$0x3F9F]  }
0x3d: {  	_ =	shalt  }
0x3e: {  	_ =	shalt  }
0x3f: {  	_ =	shalt  }
0x40: {  	_ =	shalt  }
0x41: {  	_ =	shalt  }
0x42: {  	_ =	shalt  }
0x43: {  	_ =	shalt  }
0x44: {  	_ =	shalt  }
0x45: {  	_ =	shalt  }
0x46: {  	_ =	shalt  }
0x47: {  	_ =	shalt  }
0x48: {  	_ =	shalt  }
0x49: {  	_ =	shalt  }
0x4a: {  	_ =	shalt  }
0x4b: {  	_ =	shalt  }
0x4c: {  	_ =	shalt  }
0x4d: {  	_ =	shalt  }
0x4e: {  	_ =	shalt  }
0x4f: {  	_ =	shalt  }
0x50: {  	_ =	shalt  }
0x51: {  	_ =	shalt  }
0x52: {  	_ =	shalt  }
0x53: {  	_ =	shalt  }
0x54: {  	_ =	shalt  }
0x55: {  	_ =	shalt  }
0x56: {  	_ =	shalt  }
0x57: {  	_ =	shalt  }
0x58: {  	_ =	shalt  }
0x59: {  	_ =	shalt  }
0x5a: {  	_ =	shalt  }
0x5b: {  	_ =	shalt  }
0x5c: {  	_ =	shalt  }
0x5d: {  	_ =	shalt  }
0x5e: {  	_ =	shalt  }
0x5f: {  	_ =	shalt  }
0x60: {  	_ =	shalt  }
0x61: {  	_ =	shalt  }
0x62: {  	_ =	shalt  }
0x63: {  	_ =	shalt  }
0x64: {  	_ =	shalt  }
0x65: {  	_ =	shalt  }
0x66: {  	_ =	shalt  }
0x67: {  	_ =	shalt  }
0x68: {  	_ =	shalt  }
0x69: {  	_ =	shalt  }
0x6a: {  	_ =	shalt  }
0x6b: {  	_ =	shalt  }
0x6c: {  	_ =	shalt  }
0x6d: {  	_ =	shalt  }
0x6e: {  	_ =	shalt  }
0x6f: {  	_ =	shalt  }
0x70: {  	_ =	shalt  }
0x71: {  	_ =	shalt  }
0x72: {  	_ =	shalt  }
0x73: {  	_ =	shalt  }
0x74: {  	_ =	shalt  }
0x75: {  	_ =	shalt  }
0x76: {  	_ =	shalt  }
0x77: {  	_ =	shalt  }
0x78: {  	_ =	shalt  }
0x79: {  	_ =	shalt  }
0x7a: {  	_ =	shalt  }
0x7b: {  	_ =	shalt  }
0x7c: {  	_ =	shalt  }
0x7d: {  	_ =	shalt  }
0x7e: {  	_ =	shalt  }
0x7f: {  	_ =	shalt  }
0x80: {  	_ =	shalt  }
0x81: {  	_ =	shalt  }
0x82: {  	_ =	shalt  }
0x83: {  	_ =	shalt  }
0x84: {  	_ =	shalt  }
0x85: {  	_ =	shalt  }
0x86: {  	_ =	shalt  }
0x87: {  	_ =	shalt  }
.Lfunc_end0:
.L_simem_size_0:
called_computation_lowered:
.L_overlay_start_0:
0x88: {  	s2 =	sld [smem:$0x3FD9]  }
0x89: {  	s3 =	sld [smem:$0x3FFE];
	_ =	sdelay $0x1  }
0x8a: {  	s1 =	srdreg.scid  }
0x8b: {  	s0 =	sand.u32 $0x1, s1  }
0x8c: {  	s17 =	sshll.u32 s0, $0xA;
	s2 =	sadd.s32 s3, s2  }
0x8d: {  	s2 =	sadd.s32 s2, s17  }
0x8e: {  	[smem:$0x3FAB] =	sst s2  }
0x8f: {  	_ = 	snop  }
0x90: {  	s2 =	sld [smem:$0x3FD0];
	(tm) =	ssettm $0x1  }
0x91: {  	s18 =	sld [smem:$0x3FFB];
	_ =	sdelay $0x3  }
0x92: {  	_ =	strace s18  }
0x93: {  	s3 =	sld [smem:$0x3FFC];
	_ =	sdelay $0x3  }
0x94: {  	_ =	strace s3  }
0x95: {  	s3 =	sld [smem:$0x3FFD];
	_ =	sdelay $0x3  }
0x96: {  	_ =	strace s3  }
0x97: {  	_ =	strace $0x8FFFFFFF  }
0x98: {  	s19 =	sld [smem:$0x3FDB];
	_ =	sdelay $0x1  }
0x99: {  	s4 =	simm.s32 $_scs_section_size  }
0x9a: {  	s5 =	simm.s32 $_size__tile_overlayer_lowered;
	s6 =	simm.s32 $_tile_overlayer_lowered  }
0x9b: {  	s22 =	simm.s32 $0x1BFF;
	s21 =	sshll.u32 s6, $0x1;
	s3 =	sadd.s32 s4, s19  }
0x9c: {  	s7 =	simm.s32 $0x0;
	s20 =	sshll.u32 s5, $0x1;
	s5 =	sadd.s32 s21, s3  }
0x9d: {  	[timem:s7], [sflag:s22] =	dma.local [hbm:s5], s20  }
0x9e: {  	_ =	swait.ge [sflag:s22], s20  }
0x9f: {  	s4 =	ssub.s32 $0x0, s20;
	[sflag:s22] =	ssyncset.done $0x0  }
0xa0: {  	[sflag:s22] =	ssyncadd.s32 s4;
	_ =	sdelay $0x1  }
0xa1: {  	s23 =	simm.s32 $0x1B8B  }
0xa2: {  	_ =	swait.ge [sflag:s23], $0x1  }
0xa3: {  	[sflag:s23] =	ssyncset.done $0x0  }
0xa4: {  	s25 =	simm.s32 $0x1B8E;
	s24 =	sld [smem:$0x3FFE];
	[sflag:s23] =	ssyncadd.s32 $0xFFFFFFFF  }
0xa5: {  	s26 =	simm.s32 $execute0_lowered;
	[smem:$0x3FD2] =	sst s25  }
0xa6: {  	s5 =	sshll.u32 s26, $0x1;
	_ =	strace $0x80000046;
	[dreg:$0x1] =	wrdreg $0xFFFFFFFF  }
0xa7: {  	s28 =	simm.s32 $_size_execute0_lowered;
	s3 =	sadd.s32 s3, s5;
	[dreg:$0x0] =	wrdreg $0x0  }
0xa8: {  	s5 =	sshll.u32 s28, $0x1;
	[dreg:$0x2] =	wrdreg s3  }
0xa9: {  	[dreg:$0x3] =	wrdreg s5  }
0xaa: {  	[dreg:$0x4] =	wrdreg $0xC0  }
0xab: {  	_ =	task [dreg:s7], $0x5FFFF  }
0xac: {  	[dreg:$0x1] =	wrdreg $0xFFFFFFFF  }
0xad: {  	[dreg:$0x0] =	wrdreg $0x60  }
0xae: {  	[dreg:$0x2] =	wrdreg s24  }
0xaf: {  	[dreg:$0x3] =	wrdreg s2  }
0xb0: {  	[dreg:$0x4] =	wrdreg $0xB8000  }
0xb1: {  	[dreg:$0x5] =	wrdreg $0x9  }
0xb2: {  	_ =	task.clear_ibuf [dreg:s7], $0x6FFFF;
	_ =	strace $0x90000046  }
0xb3: {  	s29 =	simm.s32 $0x9;
	_ =	strace $0x80000048  }
0xb4: {  	_ =	swait.ge [sflag:s29], $0x1  }
0xb5: {  	[sflag:s29] =	ssyncadd.s32 $0xFFFFFFFF  }
0xb6: {  	_ =	strace $0x90000048  }
0xb7: {  	_ =	sfence  }
0xb8: {  	s30 =	sld [smem:$0x0];
	_ =	sdelay $0x2  }
0xb9: {  	s31 =	sshll.u32 s1, $0xD;
	s1 =	sshrl.u32 s1, $0x2  }
0xba: {  	s3 =	sand.u32 $0x4000, s31;
	s1 =	sadd.s32 s1, s30  }
0xbb: {  	s0 =	sor.u32 s3, s0;
	s1 =	sshll.u32 s1, $0x11  }
0xbc: {  	s0 =	sor.u32 s1, s0  }
0xbd: {  	s0 =	sadd.s32 $0x8F2B, s0  }
0xbe: {  	[sflag:s0] =	ssyncadd.remote.s32 $0x1  }
0xbf: {  	_ =	sfence.sel $0xFFFF  }
0xc0: {  	[dreg:$0x0] =	wrdreg $0xFFFFFFFF;
	(pc) =	sbr.abs _section_cstart, $3  }
0xc1: {  	[dreg:$0x1] =	wrdreg $0xFFFFFFFF  }
0xc2: {  	_ =	task.clear_ibuf [dreg:s7], $0x2FFFF;
	_ =	strace $0x9FFFFFFF  }
0xc3: {  	(tm) =	ssettm $0x7FFFFFFF  }
tec
execute0_lowered:
.L_overlay_start_1:
0x0: {  	(tag) =	ssettag $0x1  }
0x1: {  	s6 =	rddreg [dreg:$0x0]  }
0x2: {  	s7 =	rddreg [dreg:$0x1]  }
0x3: {  	s2 =	rddreg [dreg:$0x2]  }
0x4: {  	s0 =	rddreg [dreg:$0x3]  }
0x5: {  	s3 =	simm.s32 $0x0;
	s1 =	stileid.u32;
	s4 =	srdreg.scid  }
0x6: {  	s15 =	simm.s32 $0x7800;
	s16 =	simm.s32 $0x1;
	s8 =	smul.u32 $0x500, s1  }
0x7: {  	s17 =	simm.s32 $0x0;
	[smem:$0x7FF] =	sst s3;
	s9 =	smul.u32 $0x2800, s1  }
0x8: {  	s10 =	sand.u32 $0x1, s4;
	s4 =	sadd.s32 $0xDE00, s6;
	s12 =	smul.u32 $0x50000, s1  }
0x9: {  	s5 =	sadd.s32 $0xB600, s6;
	s31 =	sshll.u32 s1, $0x6;
	_ =	strace $0x80000047  }
0xa: {  	s11 =	ssub.s32 $0x2, s10;
	p0 =	sne.s32 s10, $0x0;
	s10 =	simm.s32 $0x2  }
.Ltmp0:
0xb: {  	s13 =	sadd.s32 s8, s6;
	s14 =	sshrl.u32 s11, $0x1;
	(pc) =	sbr.rel .LBB2_1-.Ltmp0, $4  }
0xc: {  	s9 =	sadd.s32 s9, s6;
	s12 =	sshrl.u32 s12, $0x2;
	s6 =	sadd.s32 s7, s8  }
0xd: {  	s11 =	ssub.s32 s11, s14;
	s7 =	sadd.s32 $0x6600, s13;
	s30 =	sadd.s32 s12, s2  }
0xe: {  	s8 =	sadd.s32 $0x35000, s9;
	s12 =	sor.u32 $0x1C02, s31;
	s14 =	simm.s32 $0x80  }
0xf: {  	s9 =	smax.u32 s11, $0x1;
	s11 =	simm.s32 $0x5000;
	s13 =	sshrl.u32 s30, $0x3  }
.LBB2_6:
0x10: {  	s19 =	sadd.s32 $0x2800, s18;
	[sflag:s10] =	ssyncadd.s32 $0xFFFFC000  }
0x11: {  	[tilespmem:s15], [sflag:$0x1] =	stream.indirect.gather [hbm4b:s4+s14], $0x80, s19, s14, $0xb8;
	[tilespmem:$0x1F800] =	vst v63  }
0x12: {  	_ =	swait.ge [sflag:s16], $0x4000  }
0x13: {  	[sflag:s16] =	ssyncset.done $0x0  }
0x14: {  	s31 =	sadd.s32 $0x5000, s18;
	[sflag:s16] =	ssyncadd.s32 $0xFFFFC000  }
0x15: {  	[spmem:s2] =	stream.indirect.scatter.add.f32 [tilespmem:s15], [sflag:$0x2], $0x80, s31, s14, $0xb8;
	[tilespmem:$0x1F800] =	vst v63  }
0x16: {  	_ =	swait.ge [sflag:s10], $0x4000  }
0x17: {  	[sflag:s10] =	ssyncset.done $0x0  }
0x18: {  	[sflag:s10] =	ssyncadd.s32 $0xFFFFC000  }
0x19: {  	[bflag:$0x0] =	sbarrier.arrive $0xFFFF  }
0x1a: {  	[hbm:s8], [sflag:s12] =	dma.local [spmem:s13], $0x2800  }
0x1b: {  	_ =	swait.ge [sflag:s10], $0x2800  }
0x1c: {  	[sflag:s10] =	ssyncset.done $0x0  }
0x1d: {  	[sflag:s10] =	ssyncadd.s32 $0xFFFFD800  }
0x1e: {  	[bflag:$0x0] =	sbarrier.arrive $0xFFFF  }
.LBB2_7:
0x1f: {  	s17 =	sadd.s32 $0x1, s17  }
0x20: {  	p1 =	sne.s32 s17, s9  }
.Ltmp1:
0x21: {  	_ = 	snop;
	(pc) =	sbr.rel @!p1 .LBB2_8-.Ltmp1, $1  }
0x22: {  	_ =	sdelay $0x3  }
.LBB2_1:
0x23: {  	[tilespmem:s3], [sflag:$0x2] =	stream.linear.gather [hbm4b:s6+s3], $0x2800, $0x38;
	[tilespmem:$0x1F800] =	vst v63  }
0x24: {  	_ =	swait.ge [sflag:s10], $0x2800  }
0x25: {  	[sflag:s10] =	ssyncset.done $0x0  }
.Ltmp2:
0x26: {  	[sflag:s10] =	ssyncadd.s32 $0xFFFFD800;
	(pc) =	sbr.rel @p0 .LBB2_7-.Ltmp2, $4  }
0x27: {  	[tilespmem:s11], [sflag:$0x2] =	stream.linear.gather [hbm4b:s7+s3], $0x2800, $0x38;
	[tilespmem:$0x1F800] =	vst v63  }
0x28: {  	_ =	swait.ge [sflag:s10], $0x2800  }
0x29: {  	[sflag:s10] =	ssyncset.done $0x0  }
0x2a: {  	[sflag:s10] =	ssyncadd.s32 $0xFFFFD800  }
0x2b: {  	[spmem:s13], [sflag:s12] =	dma.local [hbm:s5], $0x2800  }
0x2c: {  	_ =	swait.ge [sflag:s10], $0x2800  }
0x2d: {  	[sflag:s10] =	ssyncset.done $0x0  }
0x2e: {  	s18 =	simm.s32 $0x0;
	[sflag:s10] =	ssyncadd.s32 $0xFFFFD800  }
0x2f: {  	s19 =	simm.s32 $0x40;
	v0 =	vld [tilespmem:s18+$0x0]  }
.LBB2_3:
0x30: {  	p1 =	sne.s32 s19, $0x9FC0  }
.Ltmp3:
0x31: {  	_ = 	snop;
	(pc) =	sbr.rel @p1 .LBB2_3-.Ltmp3, $3  }
0x32: {  	_ =	sdelay $0x1  }
0x33: {  	[tilespmem:s18+$0x2800] =	vst v0;
	s18 =	sshra.s32 s19, $0x2;
	s19 =	sadd.s32 $0x40, s19  }
0x34: {  	v0 =	vld [tilespmem:s18+$0x0]  }
0x35: {  	_ =	sdelay $0x3  }
0x36: {  	[tilespmem:s18+$0x2800] =	vst v0  }
0x37: {  	s30 =	simm.s32 $0x2800;
	[bflag:$0x0] =	sbarrier.arrive $0xFFFF  }
0x38: {  	[tilespmem:s15], [sflag:$0x1] =	stream.indirect.gather [hbm4b:s4+s14], $0x80, s30, s14, $0xb8;
	[tilespmem:$0x1F800] =	vst v63  }
0x39: {  	_ =	swait.ge [sflag:s16], $0x4000  }
0x3a: {  	[sflag:s16] =	ssyncset.done $0x0  }
0x3b: {  	s31 =	simm.s32 $0x5000;
	[sflag:s16] =	ssyncadd.s32 $0xFFFFC000  }
0x3c: {  	[spmem:s2] =	stream.indirect.scatter.add.f32 [tilespmem:s15], [sflag:$0x2], $0x80, s31, s14, $0xb8;
	[tilespmem:$0x1F800] =	vst v63  }
0x3d: {  	_ =	swait.ge [sflag:s10], $0x4000  }
0x3e: {  	s19 =	simm.s32 $0x400;
	s18 =	simm.s32 $0x80;
	[sflag:s10] =	ssyncset.done $0x0  }
.LBB2_5:
0x3f: {  	s20 =	sadd.s32 $0x2800, s18  }
0x40: {  	[sflag:s10] =	ssyncadd.s32 $0xFFFFC000;
	s21 =	smov.u32 s19;
	s22 =	sadd.s32 $0x200, s19  }
0x41: {  	[tilespmem:s15], [sflag:$0x1] =	stream.indirect.gather [hbm4b:s4+s14], $0x80, s20, s14, $0xb8;
	[tilespmem:$0x1F800] =	vst v63  }
0x42: {  	p1 =	sne.s32 s19, $0x9E00;
	_ =	swait.ge [sflag:s16], $0x4000  }
.Ltmp4:
0x43: {  	[sflag:s16] =	ssyncset.done $0x0;
	(pc) =	sbr.rel @p1 .LBB2_5-.Ltmp4, $4  }
0x44: {  	s18 =	sadd.s32 $0x5000, s18;
	[sflag:s16] =	ssyncadd.s32 $0xFFFFC000  }
0x45: {  	[spmem:s2] =	stream.indirect.scatter.add.f32 [tilespmem:s15], [sflag:$0x2], $0x80, s18, s14, $0xb8;
	[tilespmem:$0x1F800] =	vst v63  }
0x46: {  	_ =	swait.ge [sflag:s10], $0x4000  }
0x47: {  	s19 =	smov.u32 s22;
	s18 =	sshra.s32 s21, $0x2;
	[sflag:s10] =	ssyncset.done $0x0  }
.Ltmp5:
0x48: {  	_ = 	snop;
	(pc) =	sbr.rel .LBB2_6-.Ltmp5, $1  }
0x49: {  	_ =	sdelay $0x3  }
.LBB2_8:
0x4a: {  	_ =	sfence.sel $0x180000  }
0x4b: {  	[bflag:$0x0] =	sbarrier.arrive $0xFFFF  }
0x4c: {  	p0 =	sne.s32 s1, $0x0;
	_ =	strace $0x90000047  }
0x4d: {  	s0 =	sadd.s32 @!p0 $0x100000, s0;
	[bflag:$0x2] =	sbarrier.arrive $0xFFFF  }
0x4e: {  	[sflag:s0] =	ssyncadd.tile.s32 @!p0 $0x1;
	_ =	shalt  }
.Lfunc_end2:
_tile_overlayer_lowered:
.L_overlay_start_2:
0x4f: {  	(tag) =	ssettag $0x2  }
0x50: {  	s0 =	rddreg [dreg:$0x0];
	s2 =	stileid.u32  }
0x51: {  	s1 =	rddreg [dreg:$0x1];
	p0 =	sne.s32 s2, $0x0  }
0x52: {  	s3 =	rddreg [dreg:$0x2];
	[bflag:$0x3] =	sbarrier.arrive $0xFFFF;
	s2 =	simm.s32 @!p0 $0x1C02  }
0x53: {  	[timem:s3], [sflag:s2] =	dma.local @!p0 [hbm:s0], s1  }
0x54: {  	s0 =	simm.s32 @!p0 $0x2  }
0x55: {  	_ =	swait.ge @!p0 [sflag:s0], s1  }
0x56: {  	s1 =	ssub.s32 @!p0 $0x0, s1;
	[sflag:s0] =	ssyncset.done @!p0 $0x0  }
0x57: {  	[sflag:s0] =	ssyncadd.s32 @!p0 s1  }
0x58: {  	[bflag:$0x3] =	sbarrier.arrive $0xFFFF  }
0x59: {  	_ =	shalt  }

// kernel: kernel.25.cloned.1.call-start
scs
__scs_entry_jumppad:
0x0: {  	(pc) =	sbr.rel $0x88, $3  }
0x1: {  	(tag) =	ssettag $0x0;
	lr =	simm.s32 $0x1  }
0x2: {  	[smem:$0x3F84] =	sst lr;
	_ =	strace $0xD0000000  }
0x3: {  	_ = 	snop  }
0x4: {  	_ = 	snop  }
0x5: {  	_ = 	snop  }
0x6: {  	_ = 	snop  }
0x7: {  	_ = 	snop  }
__scs_overlays_trampoline_lowered:
0x8: {  	[smem:$0x3F93] =	sst s0  }
0x9: {  	[smem:$0x3F94] =	sst s1  }
0xa: {  	[smem:$0x3F95] =	sst s2  }
0xb: {  	[smem:$0x3F96] =	sst s3  }
0xc: {  	[smem:$0x3F97] =	sst s4  }
0xd: {  	[smem:$0x3F98] =	sst s5  }
0xe: {  	[smem:$0x3F99] =	sst s6  }
0xf: {  	[smem:$0x3F9A] =	sst s7  }
0x10: {  	[smem:$0x3F9B] =	sst s8  }
0x11: {  	[smem:$0x3F9C] =	sst s9;
	s0 =	simm.s32 @!p0 $0x0  }
0x12: {  	s1 =	sld [smem:$0x3F82];
	s0 =	simm.s32 @p0 $0x1  }
0x13: {  	[smem:$0x3F9D] =	sst s0;
	s0 =	simm.s32 @!p1 $0x0  }
0x14: {  	s2 =	sld [smem:$0x3F81];
	s0 =	simm.s32 @p1 $0x1  }
0x15: {  	[smem:$0x3F9E] =	sst s0;
	s0 =	simm.s32 @!p2 $0x0  }
0x16: {  	s3 =	sld [smem:$0x3FDB];
	s0 =	simm.s32 @p2 $0x1  }
0x17: {  	s4 =	simm.s32 $0x1BF5;
	[smem:$0x3FA0] =	sst s0  }
0x18: {  	s0 =	sld [smem:$0x3F83];
	_ =	swait.ge [sflag:s4], $0x0  }
0x19: {  	s7 =	sld [smem:$0x3F84]  }
0x1a: {  	s8 =	sadd.s32 $0xFFFFE003, lr  }
0x1b: {  	s9 =	sadd.s32 $0xFFFFFEF7, lr;
	s5 =	simm.s32 $0xFFFFFFFF;
	p2 =	slt.u32 s8, $0xFFFFF086  }
0x1c: {  	p1 =	slt.u32 s9, $0xF7A;
	s5 =	simm.s32 @!p2 $0x0  }
0x1d: {  	s5 =	simm.s32 @p1 $0x1;
	p0 =	seq.s32 s7, s2  }
0x1e: {  	s7 =	smul.u32 @!p0 $0xF7A, s2;
	p2 =	seq.s32 @!p0 s5, $0x0  }
0x1f: {  	s9 =	smul.u32 $0xF7A, s1;
	s8 =	simm.s32 @!p0 $0x1BF5;
	p2 =	por !p2, p0  }
0x20: {  	[sflag:s8] =	ssyncset.s32 @!p0 $0xFFFFF086;
	s6 =	sadd.s32 @!p0 s3, s7;
	s7 =	simm.s32 @!p0 $0x108  }
0x21: {  	s3 =	sadd.s32 s3, s9;
	s6 =	sadd.s32 @!p0 $0x88, s6;
	s7 =	simm.s32 @p2 $0x1082  }
0x22: {  	[simem:s7], [sflag:s8] =	dma.local @!p0 [hbm:s6], $0xF7A  }
0x23: {  	s9 =	sor.u32 $0xD0000000, s2;
	s6 =	simm.s32 $0x108;
	_ =	swait.ge @!p0 [sflag:s8], $0x0  }
0x24: {  	s3 =	sadd.s32 $0x88, s3;
	s6 =	simm.s32 @!p1 $0x1082;
	[sflag:s4] =	ssyncset.s32 $0xFFFFF086  }
0x25: {  	[simem:s6], [sflag:s4] =	dma.local [hbm:s3], $0xF7A  }
0x26: {  	[smem:$0x3F84] =	sst s1;
	(tag) =	ssettag s2;
	_ =	strace s9  }
0x27: {  	s1 =	sld [smem:$0x3F94]  }
0x28: {  	s2 =	sld [smem:$0x3F95]  }
0x29: {  	s4 =	sld [smem:$0x3F97]  }
0x2a: {  	p0 =	seq.s32 s5, $0x0;
	s5 =	sld [smem:$0x3F98]  }
0x2b: {  	s6 =	sld [smem:$0x3F99]  }
0x2c: {  	s7 =	sld [smem:$0x3F9A]  }
0x2d: {  	s3 =	simm.s32 $0x108;
	s8 =	sld [smem:$0x3F9B]  }
0x2e: {  	s3 =	simm.s32 @!p0 $0x1082;
	s9 =	sld [smem:$0x3F9C]  }
0x2f: {  	lr =	sadd.s32 s0, s3;
	s0 =	sld [smem:$0x3F93]  }
0x30: {  	s3 =	sld [smem:$0x3F96]  }
0x31: {  	[smem:$0x3F9F] =	sst s10  }
0x32: {  	s10 =	sld [smem:$0x3F9D];
	_ =	sdelay $0x3  }
0x33: {  	p0 =	seq.s32 s10, $0x1;
	s10 =	sld [smem:$0x3F9F];
	_ =	sdelay $0x3  }
0x34: {  	[smem:$0x3F9F] =	sst s10  }
0x35: {  	s10 =	sld [smem:$0x3F9E];
	_ =	sdelay $0x3  }
0x36: {  	p1 =	seq.s32 s10, $0x1;
	s10 =	sld [smem:$0x3F9F];
	_ =	sdelay $0x3  }
0x37: {  	[smem:$0x3F9F] =	sst s10  }
0x38: {  	s10 =	sld [smem:$0x3FA0]  }
0x39: {  	_ = 	snop;
	(pc) =	sbr.ind lr, $3  }
0x3a: {  	_ = 	snop  }
0x3b: {  	_ = 	snop  }
0x3c: {  	p2 =	seq.s32 s10, $0x1;
	s10 =	sld [smem:$0x3F9F]  }
0x3d: {  	_ =	shalt  }
0x3e: {  	_ =	shalt  }
0x3f: {  	_ =	shalt  }
0x40: {  	_ =	shalt  }
0x41: {  	_ =	shalt  }
0x42: {  	_ =	shalt  }
0x43: {  	_ =	shalt  }
0x44: {  	_ =	shalt  }
0x45: {  	_ =	shalt  }
0x46: {  	_ =	shalt  }
0x47: {  	_ =	shalt  }
0x48: {  	_ =	shalt  }
0x49: {  	_ =	shalt  }
0x4a: {  	_ =	shalt  }
0x4b: {  	_ =	shalt  }
0x4c: {  	_ =	shalt  }
0x4d: {  	_ =	shalt  }
0x4e: {  	_ =	shalt  }
0x4f: {  	_ =	shalt  }
0x50: {  	_ =	shalt  }
0x51: {  	_ =	shalt  }
0x52: {  	_ =	shalt  }
0x53: {  	_ =	shalt  }
0x54: {  	_ =	shalt  }
0x55: {  	_ =	shalt  }
0x56: {  	_ =	shalt  }
0x57: {  	_ =	shalt  }
0x58: {  	_ =	shalt  }
0x59: {  	_ =	shalt  }
0x5a: {  	_ =	shalt  }
0x5b: {  	_ =	shalt  }
0x5c: {  	_ =	shalt  }
0x5d: {  	_ =	shalt  }
0x5e: {  	_ =	shalt  }
0x5f: {  	_ =	shalt  }
0x60: {  	_ =	shalt  }
0x61: {  	_ =	shalt  }
0x62: {  	_ =	shalt  }
0x63: {  	_ =	shalt  }
0x64: {  	_ =	shalt  }
0x65: {  	_ =	shalt  }
0x66: {  	_ =	shalt  }
0x67: {  	_ =	shalt  }
0x68: {  	_ =	shalt  }
0x69: {  	_ =	shalt  }
0x6a: {  	_ =	shalt  }
0x6b: {  	_ =	shalt  }
0x6c: {  	_ =	shalt  }
0x6d: {  	_ =	shalt  }
0x6e: {  	_ =	shalt  }
0x6f: {  	_ =	shalt  }
0x70: {  	_ =	shalt  }
0x71: {  	_ =	shalt  }
0x72: {  	_ =	shalt  }
0x73: {  	_ =	shalt  }
0x74: {  	_ =	shalt  }
0x75: {  	_ =	shalt  }
0x76: {  	_ =	shalt  }
0x77: {  	_ =	shalt  }
0x78: {  	_ =	shalt  }
0x79: {  	_ =	shalt  }
0x7a: {  	_ =	shalt  }
0x7b: {  	_ =	shalt  }
0x7c: {  	_ =	shalt  }
0x7d: {  	_ =	shalt  }
0x7e: {  	_ =	shalt  }
0x7f: {  	_ =	shalt  }
0x80: {  	_ =	shalt  }
0x81: {  	_ =	shalt  }
0x82: {  	_ =	shalt  }
0x83: {  	_ =	shalt  }
0x84: {  	_ =	shalt  }
0x85: {  	_ =	shalt  }
0x86: {  	_ =	shalt  }
0x87: {  	_ =	shalt  }
.Lfunc_end0:
.L_simem_size_0:
called_computation.1_lowered:
.L_overlay_start_0:
0x88: {  	s2 =	sld [smem:$0x3FD9]  }
0x89: {  	s3 =	sld [smem:$0x3FFE];
	_ =	sdelay $0x1  }
0x8a: {  	s1 =	srdreg.scid  }
0x8b: {  	s0 =	sand.u32 $0x1, s1  }
0x8c: {  	s17 =	sshll.u32 s0, $0xA;
	s2 =	sadd.s32 s3, s2  }
0x8d: {  	s2 =	sadd.s32 s2, s17  }
0x8e: {  	[smem:$0x3FAB] =	sst s2  }
0x8f: {  	_ = 	snop  }
0x90: {  	s18 =	sld [smem:$0x3FD0];
	(tm) =	ssettm $0x1  }
0x91: {  	s19 =	sld [smem:$0x3FFB];
	_ =	sdelay $0x3  }
0x92: {  	_ =	strace s19  }
0x93: {  	s2 =	sld [smem:$0x3FFC];
	_ =	sdelay $0x3  }
0x94: {  	_ =	strace s2  }
0x95: {  	s2 =	sld [smem:$0x3FFD];
	_ =	sdelay $0x3  }
0x96: {  	_ =	strace s2  }
0x97: {  	_ =	strace $0x8FFFFFFF  }
0x98: {  	s20 =	sld [smem:$0x3FDB];
	_ =	sdelay $0x1  }
0x99: {  	s4 =	simm.s32 $_scs_section_size  }
0x9a: {  	s5 =	simm.s32 $_size__tile_overlayer_lowered;
	s6 =	simm.s32 $_tile_overlayer_lowered  }
0x9b: {  	s7 =	simm.s32 $0x1BFF;
	s21 =	sshll.u32 s6, $0x1;
	s4 =	sadd.s32 s4, s20  }
0x9c: {  	s22 =	simm.s32 $0x0;
	s5 =	sshll.u32 s5, $0x1;
	s6 =	sadd.s32 s21, s4  }
0x9d: {  	[timem:s22], [sflag:s7] =	dma.local [hbm:s6], s5  }
0x9e: {  	_ =	swait.ge [sflag:s7], s5  }
0x9f: {  	s5 =	ssub.s32 $0x0, s5;
	[sflag:s7] =	ssyncset.done $0x0  }
0xa0: {  	[sflag:s7] =	ssyncadd.s32 s5;
	_ =	sdelay $0x1  }
0xa1: {  	s23 =	simm.s32 $0x1B8B  }
0xa2: {  	_ =	swait.ge [sflag:s23], $0x1  }
0xa3: {  	[sflag:s23] =	ssyncset.done $0x0  }
0xa4: {  	[sflag:s23] =	ssyncadd.s32 $0xFFFFFFFF  }
0xa5: {  	s5 =	sld [smem:$0x0]  }
0xa6: {  	s6 =	sand.u32 $0xFFFFFFFE, s1  }
0xa7: {  	p0 =	sne.s32 s1, s6  }
0xa8: {  	s6 =	sshll.u32 @p0 s6, $0xE  }
0xa9: {  	s6 =	sadd.s32 @p0 $0x11B8D, s6;
	s7 =	sshll.u32 @p0 s5, $0x11  }
0xaa: {  	s6 =	sor.u32 @p0 s7, s6  }
0xab: {  	[sflag:s6] =	ssyncadd.remote.s32 @p0 $0x1;
	_ =	sdelay $0x1  }
0xac: {  	s6 =	simm.s32 @p0 $0x1B8D  }
0xad: {  	_ =	swait.eq @p0 [sflag:s6], $0x1  }
0xae: {  	[sflag:s6] =	ssyncadd.s32 @p0 $0xFFFFFFFF  }
0xaf: {  	s7 =	sshll.u32 @!p0 s1, $0xE  }
0xb0: {  	s7 =	sor.u32 @!p0 $0x4000, s7;
	s6 =	simm.s32 @!p0 $0x1B8D  }
0xb1: {  	s5 =	sshll.u32 @!p0 s5, $0x11;
	s7 =	sadd.s32 @!p0 $0x11B8D, s7;
	_ =	swait.eq @!p0 [sflag:s6], $0x1  }
0xb2: {  	s5 =	sor.u32 @!p0 s5, s7;
	[sflag:s6] =	ssyncadd.s32 @!p0 $0xFFFFFFFF  }
0xb3: {  	s25 =	simm.s32 $0x1B8E;
	s24 =	sld [smem:$0x3FFE];
	[sflag:s5] =	ssyncadd.remote.s32 @!p0 $0x1  }
0xb4: {  	s26 =	simm.s32 $execute0_lowered;
	[smem:$0x3FD2] =	sst s25  }
0xb5: {  	s6 =	sshll.u32 s26, $0x1;
	_ =	strace $0x80000049;
	[dreg:$0x1] =	wrdreg $0xFFFFFFFF  }
0xb6: {  	s28 =	simm.s32 $_size_execute0_lowered;
	s4 =	sadd.s32 s4, s6;
	[dreg:$0x0] =	wrdreg $0x0  }
0xb7: {  	s6 =	sshll.u32 s28, $0x1;
	[dreg:$0x2] =	wrdreg s4  }
0xb8: {  	[dreg:$0x3] =	wrdreg s6  }
0xb9: {  	[dreg:$0x4] =	wrdreg $0xC0  }
0xba: {  	_ =	task [dreg:s22], $0x5FFFF  }
0xbb: {  	[dreg:$0x1] =	wrdreg $0xFFFFFFFF  }
0xbc: {  	[dreg:$0x0] =	wrdreg $0x60  }
0xbd: {  	[dreg:$0x2] =	wrdreg s24  }
0xbe: {  	[dreg:$0x3] =	wrdreg s18  }
0xbf: {  	[dreg:$0x4] =	wrdreg $0xB8000  }
0xc0: {  	[dreg:$0x5] =	wrdreg $0xA  }
0xc1: {  	_ =	task.clear_ibuf [dreg:s22], $0x6FFFF;
	_ =	strace $0x90000049  }
0xc2: {  	s29 =	simm.s32 $0xA;
	_ =	strace $0x8000004B  }
0xc3: {  	_ =	swait.ge [sflag:s29], $0x1  }
0xc4: {  	[sflag:s29] =	ssyncadd.s32 $0xFFFFFFFF  }
0xc5: {  	_ =	strace $0x9000004B  }
0xc6: {  	_ =	sfence  }
0xc7: {  	s30 =	sld [smem:$0x0];
	_ =	sdelay $0x2  }
0xc8: {  	s31 =	sshll.u32 s1, $0xD;
	s1 =	sshrl.u32 s1, $0x2  }
0xc9: {  	s4 =	sand.u32 $0x4000, s31;
	s1 =	sadd.s32 s1, s30  }
0xca: {  	s0 =	sor.u32 s4, s0;
	s1 =	sshll.u32 s1, $0x11  }
0xcb: {  	s0 =	sor.u32 s1, s0  }
0xcc: {  	s0 =	sadd.s32 $0x8F2B, s0  }
0xcd: {  	[sflag:s0] =	ssyncadd.remote.s32 $0x1  }
0xce: {  	_ =	sfence.sel $0xFFFF  }
0xcf: {  	[dreg:$0x0] =	wrdreg $0xFFFFFFFF;
	(pc) =	sbr.abs _section_cstart, $3  }
0xd0: {  	[dreg:$0x1] =	wrdreg $0xFFFFFFFF  }
0xd1: {  	_ =	task.clear_ibuf [dreg:s22], $0x2FFFF;
	_ =	strace $0x9FFFFFFF  }
0xd2: {  	(tm) =	ssettm $0x7FFFFFFF  }
0xd3: {  	_ =	shalt  }
tec
execute0_lowered:
.L_overlay_start_1:
0x0: {  	(tag) =	ssettag $0x1  }
0x1: {  	s6 =	rddreg [dreg:$0x0]  }
0x2: {  	s7 =	rddreg [dreg:$0x1];
	s0 =	stileid.u32  }
0x3: {  	s1 =	srdreg.scid;
	s2 =	rddreg [dreg:$0x2]  }
0x4: {  	s3 =	simm.s32 $0x0;
	s14 =	simm.s32 $0x80;
	s16 =	simm.s32 $0x1  }
0x5: {  	s8 =	smul.u32 $0x500, s0;
	s15 =	sand.u32 $0x1, s1;
	s1 =	rddreg [dreg:$0x3]  }
0x6: {  	s17 =	simm.s32 $0x0;
	[smem:$0x7FF] =	sst s3;
	s9 =	smul.u32 $0x14000, s0  }
0x7: {  	s4 =	sadd.s32 $0x5D000, s6;
	s13 =	smul.u32 $0x50000, s0;
	s31 =	sshll.u32 s0, $0x6  }
0x8: {  	s5 =	smul.u32 $0x140000, s15;
	_ =	strace $0x8000004A;
	s29 =	ssub.s32 $0x2, s15  }
0x9: {  	v0 =	vmov s15;
	s15 =	simm.s32 $0x7800;
	s10 =	sadd.s32 s8, s6;
	s12 =	sshrl.u32 s29, $0x1  }
0xa: {  	s30 =	sshrl.u32 s13, $0x2;
	s5 =	sadd.s32 s9, s5;
	s9 =	ssub.s32 s29, s12  }
0xb: {  	s13 =	sadd.s32 s30, s2;
	s12 =	sor.u32 $0x1C02, s31;
	s11 =	sshrl.u32 s5, $0x3  }
0xc: {  	s5 =	sadd.s32 $0xB600, s6;
	s9 =	smax.u32 s9, $0x1;
	s13 =	sshrl.u32 s13, $0x3  }
0xd: {  	s11 =	sadd.s32 s11, s6;
	s6 =	sadd.s32 s7, s8;
	s7 =	sadd.s32 $0x6600, s10  }
0xe: {  	s10 =	simm.s32 $0x2;
	s8 =	sadd.s32 $0xAB200, s11;
	s11 =	simm.s32 $0x5000  }
.LBB2_1:
0xf: {  	[tilespmem:s3], [sflag:$0x2] =	stream.linear.gather [hbm4b:s6+s3], $0x2800, $0x38;
	[tilespmem:$0x1F800] =	vst v63  }
0x10: {  	_ =	swait.ge [sflag:s10], $0x2800  }
0x11: {  	[sflag:s10] =	ssyncset.done $0x0  }
0x12: {  	[sflag:s10] =	ssyncadd.s32 $0xFFFFD800  }
0x13: {  	[tilespmem:s11], [sflag:$0x2] =	stream.linear.gather [hbm4b:s7+s3], $0x2800, $0x38;
	[tilespmem:$0x1F800] =	vst v63  }
0x14: {  	_ =	swait.ge [sflag:s10], $0x2800  }
0x15: {  	[sflag:s10] =	ssyncset.done $0x0  }
0x16: {  	[sflag:s10] =	ssyncadd.s32 $0xFFFFD800  }
0x17: {  	[spmem:s13], [sflag:s12] =	dma.local [hbm:s5], $0x2800  }
0x18: {  	_ =	swait.ge [sflag:s10], $0x2800  }
0x19: {  	[sflag:s10] =	ssyncset.done $0x0  }
0x1a: {  	s18 =	simm.s32 $0x0;
	[sflag:s10] =	ssyncadd.s32 $0xFFFFD800  }
0x1b: {  	v1 =	vld [tilespmem:s18+$0x0]  }
0x1c: {  	s19 =	simm.s32 $0x40  }
.LBB2_2:
0x1d: {  	p0 =	sne.s32 s19, $0x9FC0  }
.Ltmp0:
0x1e: {  	_ = 	snop;
	(pc) =	sbr.rel @p0 .LBB2_2-.Ltmp0, $4  }
0x1f: {  	_ = 	snop  }
0x20: {  	s20 =	sshra.s32 s19, $0x2;
	s19 =	sadd.s32 $0x40, s19;
	v2 =	vshll.u32 v1, $0x1  }
0x21: {  	v1 =	vld [tilespmem:s20+$0x0];
	v2 =	vor.u32 v0, v2  }
0x22: {  	[tilespmem:s18+$0x2800] =	vst v2;
	s18 =	smov.u32 s20  }
0x23: {  	_ =	sdelay $0x2  }
0x24: {  	v1 =	vshll.u32 v1, $0x1  }
0x25: {  	v1 =	vor.u32 v0, v1  }
0x26: {  	[tilespmem:s18+$0x2800] =	vst v1  }
0x27: {  	s30 =	simm.s32 $0x2800;
	[bflag:$0x0] =	sbarrier.arrive $0xFFFF  }
0x28: {  	[tilespmem:s15], [sflag:$0x1] =	stream.indirect.gather [hbm4b:s4+s14], $0x80, s30, s14, $0xb8;
	[tilespmem:$0x1F800] =	vst v63  }
0x29: {  	_ =	swait.ge [sflag:s16], $0x4000  }
0x2a: {  	[sflag:s16] =	ssyncset.done $0x0  }
0x2b: {  	s31 =	simm.s32 $0x5000;
	[sflag:s16] =	ssyncadd.s32 $0xFFFFC000  }
0x2c: {  	[spmem:s2] =	stream.indirect.scatter.add.f32 [tilespmem:s15], [sflag:$0x2], $0x80, s31, s14, $0xb8;
	[tilespmem:$0x1F800] =	vst v63  }
0x2d: {  	_ =	swait.ge [sflag:s10], $0x4000  }
0x2e: {  	s19 =	simm.s32 $0x400;
	s18 =	simm.s32 $0x80;
	[sflag:s10] =	ssyncset.done $0x0  }
.LBB2_4:
0x2f: {  	s20 =	sadd.s32 $0x2800, s18  }
0x30: {  	[sflag:s10] =	ssyncadd.s32 $0xFFFFC000;
	s21 =	smov.u32 s19;
	s22 =	sadd.s32 $0x200, s19  }
0x31: {  	[tilespmem:s15], [sflag:$0x1] =	stream.indirect.gather [hbm4b:s4+s14], $0x80, s20, s14, $0xb8;
	[tilespmem:$0x1F800] =	vst v63  }
0x32: {  	p0 =	sne.s32 s19, $0x9E00;
	_ =	swait.ge [sflag:s16], $0x4000  }
.Ltmp1:
0x33: {  	[sflag:s16] =	ssyncset.done $0x0;
	(pc) =	sbr.rel @p0 .LBB2_4-.Ltmp1, $4  }
0x34: {  	s18 =	sadd.s32 $0x5000, s18;
	[sflag:s16] =	ssyncadd.s32 $0xFFFFC000  }
0x35: {  	[spmem:s2] =	stream.indirect.scatter.add.f32 [tilespmem:s15], [sflag:$0x2], $0x80, s18, s14, $0xb8;
	[tilespmem:$0x1F800] =	vst v63  }
0x36: {  	_ =	swait.ge [sflag:s10], $0x4000  }
0x37: {  	s19 =	smov.u32 s22;
	s18 =	sshra.s32 s21, $0x2;
	[sflag:s10] =	ssyncset.done $0x0  }
0x38: {  	s19 =	sadd.s32 $0x2800, s18;
	[sflag:s10] =	ssyncadd.s32 $0xFFFFC000  }
0x39: {  	[tilespmem:s15], [sflag:$0x1] =	stream.indirect.gather [hbm4b:s4+s14], $0x80, s19, s14, $0xb8;
	[tilespmem:$0x1F800] =	vst v63  }
0x3a: {  	_ =	swait.ge [sflag:s16], $0x4000  }
0x3b: {  	[sflag:s16] =	ssyncset.done $0x0  }
0x3c: {  	s31 =	sadd.s32 $0x5000, s18;
	[sflag:s16] =	ssyncadd.s32 $0xFFFFC000  }
0x3d: {  	[spmem:s2] =	stream.indirect.scatter.add.f32 [tilespmem:s15], [sflag:$0x2], $0x80, s31, s14, $0xb8;
	[tilespmem:$0x1F800] =	vst v63  }
0x3e: {  	_ =	swait.ge [sflag:s10], $0x4000  }
0x3f: {  	[sflag:s10] =	ssyncset.done $0x0  }
0x40: {  	s17 =	sadd.s32 $0x1, s17;
	[sflag:s10] =	ssyncadd.s32 $0xFFFFC000  }
0x41: {  	p0 =	sne.s32 s17, s9;
	[bflag:$0x0] =	sbarrier.arrive $0xFFFF  }
0x42: {  	[hbm:s8], [sflag:s12] =	dma.local [spmem:s13], $0x2800  }
.Ltmp2:
0x43: {  	_ =	swait.ge [sflag:s10], $0x2800;
	(pc) =	sbr.rel @p0 .LBB2_1-.Ltmp2, $3  }
0x44: {  	[sflag:s10] =	ssyncset.done $0x0  }
0x45: {  	[sflag:s10] =	ssyncadd.s32 $0xFFFFD800  }
0x46: {  	[bflag:$0x0] =	sbarrier.arrive $0xFFFF;
	_ =	sdelay $0x1  }
0x47: {  	_ =	sfence.sel $0x180000  }
0x48: {  	[bflag:$0x0] =	sbarrier.arrive $0xFFFF  }
0x49: {  	p0 =	sne.s32 s0, $0x0;
	_ =	strace $0x9000004A  }
0x4a: {  	s0 =	sadd.s32 @!p0 $0x100000, s1;
	[bflag:$0x2] =	sbarrier.arrive $0xFFFF  }
0x4b: {  	[sflag:s0] =	ssyncadd.tile.s32 @!p0 $0x1;
	_ =	shalt  }
.Lfunc_end2:
_tile_overlayer_lowered:
.L_overlay_start_2:
0x4c: {  	(tag) =	ssettag $0x2  }
0x4d: {  	s0 =	rddreg [dreg:$0x0];
	s2 =	stileid.u32  }
0x4e: {  	s1 =	rddreg [dreg:$0x1];
	p0 =	sne.s32 s2, $0x0  }
0x4f: {  	s3 =	rddreg [dreg:$0x2];
	[bflag:$0x3] =	sbarrier.arrive $0xFFFF;
	s2 =	simm.s32 @!p0 $0x1C02  }
0x50: {  	[timem:s3], [sflag:s2] =	dma.local @!p0 [hbm:s0], s1  }
0x51: {  	s0 =	simm.s32 @!p0 $0x2  }
0x52: {  	_ =	swait.ge @!p0 [sflag:s0], s1  }
0x53: {  	s1 =	ssub.s32 @!p0 $0x0, s1;
	[sflag:s0] =	ssyncset.done @!p0 $0x0  }
0x54: {  	[sflag:s0] =	ssyncadd.s32 @!p0 s1  }
0x55: {  	[bflag:$0x3] =	sbarrier.arrive $0xFFFF  }
0x56: {  	_ =	shalt  }

// kernel: kernel.28.cloned.1.call-start
scs
__scs_entry_jumppad:
0x0: {  	(pc) =	sbr.rel $0x88, $3  }
0x1: {  	(tag) =	ssettag $0x0;
	lr =	simm.s32 $0x1  }
0x2: {  	[smem:$0x3F84] =	sst lr;
	_ =	strace $0xD0000000  }
0x3: {  	_ = 	snop  }
0x4: {  	_ = 	snop  }
0x5: {  	_ = 	snop  }
0x6: {  	_ = 	snop  }
0x7: {  	_ = 	snop  }
__scs_overlays_trampoline_lowered:
0x8: {  	[smem:$0x3F93] =	sst s0  }
0x9: {  	[smem:$0x3F94] =	sst s1  }
0xa: {  	[smem:$0x3F95] =	sst s2  }
0xb: {  	[smem:$0x3F96] =	sst s3  }
0xc: {  	[smem:$0x3F97] =	sst s4  }
0xd: {  	[smem:$0x3F98] =	sst s5  }
0xe: {  	[smem:$0x3F99] =	sst s6  }
0xf: {  	[smem:$0x3F9A] =	sst s7  }
0x10: {  	[smem:$0x3F9B] =	sst s8  }
0x11: {  	[smem:$0x3F9C] =	sst s9;
	s0 =	simm.s32 @!p0 $0x0  }
0x12: {  	s1 =	sld [smem:$0x3F82];
	s0 =	simm.s32 @p0 $0x1  }
0x13: {  	[smem:$0x3F9D] =	sst s0;
	s0 =	simm.s32 @!p1 $0x0  }
0x14: {  	s2 =	sld [smem:$0x3F81];
	s0 =	simm.s32 @p1 $0x1  }
0x15: {  	[smem:$0x3F9E] =	sst s0;
	s0 =	simm.s32 @!p2 $0x0  }
0x16: {  	s3 =	sld [smem:$0x3FDB];
	s0 =	simm.s32 @p2 $0x1  }
0x17: {  	s4 =	simm.s32 $0x1BF5;
	[smem:$0x3FA0] =	sst s0  }
0x18: {  	s0 =	sld [smem:$0x3F83];
	_ =	swait.ge [sflag:s4], $0x0  }
0x19: {  	s7 =	sld [smem:$0x3F84]  }
0x1a: {  	s8 =	sadd.s32 $0xFFFFE003, lr  }
0x1b: {  	s9 =	sadd.s32 $0xFFFFFEF7, lr;
	s5 =	simm.s32 $0xFFFFFFFF;
	p2 =	slt.u32 s8, $0xFFFFF086  }
0x1c: {  	p1 =	slt.u32 s9, $0xF7A;
	s5 =	simm.s32 @!p2 $0x0  }
0x1d: {  	s5 =	simm.s32 @p1 $0x1;
	p0 =	seq.s32 s7, s2  }
0x1e: {  	s7 =	smul.u32 @!p0 $0xF7A, s2;
	p2 =	seq.s32 @!p0 s5, $0x0  }
0x1f: {  	s9 =	smul.u32 $0xF7A, s1;
	s8 =	simm.s32 @!p0 $0x1BF5;
	p2 =	por !p2, p0  }
0x20: {  	[sflag:s8] =	ssyncset.s32 @!p0 $0xFFFFF086;
	s6 =	sadd.s32 @!p0 s3, s7;
	s7 =	simm.s32 @!p0 $0x108  }
0x21: {  	s3 =	sadd.s32 s3, s9;
	s6 =	sadd.s32 @!p0 $0x88, s6;
	s7 =	simm.s32 @p2 $0x1082  }
0x22: {  	[simem:s7], [sflag:s8] =	dma.local @!p0 [hbm:s6], $0xF7A  }
0x23: {  	s9 =	sor.u32 $0xD0000000, s2;
	s6 =	simm.s32 $0x108;
	_ =	swait.ge @!p0 [sflag:s8], $0x0  }
0x24: {  	s3 =	sadd.s32 $0x88, s3;
	s6 =	simm.s32 @!p1 $0x1082;
	[sflag:s4] =	ssyncset.s32 $0xFFFFF086  }
0x25: {  	[simem:s6], [sflag:s4] =	dma.local [hbm:s3], $0xF7A  }
0x26: {  	[smem:$0x3F84] =	sst s1;
	(tag) =	ssettag s2;
	_ =	strace s9  }
0x27: {  	s1 =	sld [smem:$0x3F94]  }
0x28: {  	s2 =	sld [smem:$0x3F95]  }
0x29: {  	s4 =	sld [smem:$0x3F97]  }
0x2a: {  	p0 =	seq.s32 s5, $0x0;
	s5 =	sld [smem:$0x3F98]  }
0x2b: {  	s6 =	sld [smem:$0x3F99]  }
0x2c: {  	s7 =	sld [smem:$0x3F9A]  }
0x2d: {  	s3 =	simm.s32 $0x108;
	s8 =	sld [smem:$0x3F9B]  }
0x2e: {  	s3 =	simm.s32 @!p0 $0x1082;
	s9 =	sld [smem:$0x3F9C]  }
0x2f: {  	lr =	sadd.s32 s0, s3;
	s0 =	sld [smem:$0x3F93]  }
0x30: {  	s3 =	sld [smem:$0x3F96]  }
0x31: {  	[smem:$0x3F9F] =	sst s10  }
0x32: {  	s10 =	sld [smem:$0x3F9D];
	_ =	sdelay $0x3  }
0x33: {  	p0 =	seq.s32 s10, $0x1;
	s10 =	sld [smem:$0x3F9F];
	_ =	sdelay $0x3  }
0x34: {  	[smem:$0x3F9F] =	sst s10  }
0x35: {  	s10 =	sld [smem:$0x3F9E];
	_ =	sdelay $0x3  }
0x36: {  	p1 =	seq.s32 s10, $0x1;
	s10 =	sld [smem:$0x3F9F];
	_ =	sdelay $0x3  }
0x37: {  	[smem:$0x3F9F] =	sst s10  }
0x38: {  	s10 =	sld [smem:$0x3FA0]  }
0x39: {  	_ = 	snop;
	(pc) =	sbr.ind lr, $3  }
0x3a: {  	_ = 	snop  }
0x3b: {  	_ = 	snop  }
0x3c: {  	p2 =	seq.s32 s10, $0x1;
	s10 =	sld [smem:$0x3F9F]  }
0x3d: {  	_ =	shalt  }
0x3e: {  	_ =	shalt  }
0x3f: {  	_ =	shalt  }
0x40: {  	_ =	shalt  }
0x41: {  	_ =	shalt  }
0x42: {  	_ =	shalt  }
0x43: {  	_ =	shalt  }
0x44: {  	_ =	shalt  }
0x45: {  	_ =	shalt  }
0x46: {  	_ =	shalt  }
0x47: {  	_ =	shalt  }
0x48: {  	_ =	shalt  }
0x49: {  	_ =	shalt  }
0x4a: {  	_ =	shalt  }
0x4b: {  	_ =	shalt  }
0x4c: {  	_ =	shalt  }
0x4d: {  	_ =	shalt  }
0x4e: {  	_ =	shalt  }
0x4f: {  	_ =	shalt  }
0x50: {  	_ =	shalt  }
0x51: {  	_ =	shalt  }
0x52: {  	_ =	shalt  }
0x53: {  	_ =	shalt  }
0x54: {  	_ =	shalt  }
0x55: {  	_ =	shalt  }
0x56: {  	_ =	shalt  }
0x57: {  	_ =	shalt  }
0x58: {  	_ =	shalt  }
0x59: {  	_ =	shalt  }
0x5a: {  	_ =	shalt  }
0x5b: {  	_ =	shalt  }
0x5c: {  	_ =	shalt  }
0x5d: {  	_ =	shalt  }
0x5e: {  	_ =	shalt  }
0x5f: {  	_ =	shalt  }
0x60: {  	_ =	shalt  }
0x61: {  	_ =	shalt  }
0x62: {  	_ =	shalt  }
0x63: {  	_ =	shalt  }
0x64: {  	_ =	shalt  }
0x65: {  	_ =	shalt  }
0x66: {  	_ =	shalt  }
0x67: {  	_ =	shalt  }
0x68: {  	_ =	shalt  }
0x69: {  	_ =	shalt  }
0x6a: {  	_ =	shalt  }
0x6b: {  	_ =	shalt  }
0x6c: {  	_ =	shalt  }
0x6d: {  	_ =	shalt  }
0x6e: {  	_ =	shalt  }
0x6f: {  	_ =	shalt  }
0x70: {  	_ =	shalt  }
0x71: {  	_ =	shalt  }
0x72: {  	_ =	shalt  }
0x73: {  	_ =	shalt  }
0x74: {  	_ =	shalt  }
0x75: {  	_ =	shalt  }
0x76: {  	_ =	shalt  }
0x77: {  	_ =	shalt  }
0x78: {  	_ =	shalt  }
0x79: {  	_ =	shalt  }
0x7a: {  	_ =	shalt  }
0x7b: {  	_ =	shalt  }
0x7c: {  	_ =	shalt  }
0x7d: {  	_ =	shalt  }
0x7e: {  	_ =	shalt  }
0x7f: {  	_ =	shalt  }
0x80: {  	_ =	shalt  }
0x81: {  	_ =	shalt  }
0x82: {  	_ =	shalt  }
0x83: {  	_ =	shalt  }
0x84: {  	_ =	shalt  }
0x85: {  	_ =	shalt  }
0x86: {  	_ =	shalt  }
0x87: {  	_ =	shalt  }
.Lfunc_end0:
.L_simem_size_0:
called_computation.2_lowered:
.L_overlay_start_0:
0x88: {  	s2 =	sld [smem:$0x3FD9]  }
0x89: {  	s3 =	sld [smem:$0x3FFE];
	_ =	sdelay $0x1  }
0x8a: {  	s1 =	srdreg.scid  }
0x8b: {  	s0 =	sand.u32 $0x1, s1  }
0x8c: {  	s17 =	sshll.u32 s0, $0xA;
	s2 =	sadd.s32 s3, s2  }
0x8d: {  	s2 =	sadd.s32 s2, s17  }
0x8e: {  	[smem:$0x3FAB] =	sst s2  }
0x8f: {  	_ = 	snop  }
0x90: {  	s2 =	sld [smem:$0x3FD0];
	(tm) =	ssettm $0x1  }
0x91: {  	s18 =	sld [smem:$0x3FFB];
	_ =	sdelay $0x3  }
0x92: {  	_ =	strace s18  }
0x93: {  	s3 =	sld [smem:$0x3FFC];
	_ =	sdelay $0x3  }
0x94: {  	_ =	strace s3  }
0x95: {  	s3 =	sld [smem:$0x3FFD];
	_ =	sdelay $0x3  }
0x96: {  	_ =	strace s3  }
0x97: {  	_ =	strace $0x8FFFFFFF  }
0x98: {  	s19 =	sld [smem:$0x3FDB];
	_ =	sdelay $0x1  }
0x99: {  	s4 =	simm.s32 $_scs_section_size  }
0x9a: {  	s5 =	simm.s32 $_size__tile_overlayer_lowered;
	s6 =	simm.s32 $_tile_overlayer_lowered  }
0x9b: {  	s22 =	simm.s32 $0x1BFF;
	s21 =	sshll.u32 s6, $0x1;
	s3 =	sadd.s32 s4, s19  }
0x9c: {  	s7 =	simm.s32 $0x0;
	s20 =	sshll.u32 s5, $0x1;
	s5 =	sadd.s32 s21, s3  }
0x9d: {  	[timem:s7], [sflag:s22] =	dma.local [hbm:s5], s20  }
0x9e: {  	_ =	swait.ge [sflag:s22], s20  }
0x9f: {  	s4 =	ssub.s32 $0x0, s20;
	[sflag:s22] =	ssyncset.done $0x0  }
0xa0: {  	[sflag:s22] =	ssyncadd.s32 s4;
	_ =	sdelay $0x1  }
0xa1: {  	s23 =	simm.s32 $0x1B8B  }
0xa2: {  	_ =	swait.ge [sflag:s23], $0x1  }
0xa3: {  	[sflag:s23] =	ssyncset.done $0x0  }
0xa4: {  	s25 =	simm.s32 $0x1B8E;
	s24 =	sld [smem:$0x3FFE];
	[sflag:s23] =	ssyncadd.s32 $0xFFFFFFFF  }
0xa5: {  	s26 =	simm.s32 $execute0_lowered;
	[smem:$0x3FD2] =	sst s25  }
0xa6: {  	s5 =	sshll.u32 s26, $0x1;
	_ =	strace $0x8000004C;
	[dreg:$0x1] =	wrdreg $0xFFFFFFFF  }
0xa7: {  	s28 =	simm.s32 $_size_execute0_lowered;
	s3 =	sadd.s32 s3, s5;
	[dreg:$0x0] =	wrdreg $0x0  }
0xa8: {  	s5 =	sshll.u32 s28, $0x1;
	[dreg:$0x2] =	wrdreg s3  }
0xa9: {  	[dreg:$0x3] =	wrdreg s5  }
0xaa: {  	[dreg:$0x4] =	wrdreg $0xC0  }
0xab: {  	_ =	task [dreg:s7], $0x5FFFF  }
0xac: {  	[dreg:$0x1] =	wrdreg $0xFFFFFFFF  }
0xad: {  	[dreg:$0x0] =	wrdreg $0x60  }
0xae: {  	[dreg:$0x2] =	wrdreg s24  }
0xaf: {  	[dreg:$0x3] =	wrdreg s2  }
0xb0: {  	[dreg:$0x4] =	wrdreg $0xB8000  }
0xb1: {  	[dreg:$0x5] =	wrdreg $0x9  }
0xb2: {  	_ =	task.clear_ibuf [dreg:s7], $0x6FFFF;
	_ =	strace $0x9000004C  }
0xb3: {  	s29 =	simm.s32 $0x9;
	_ =	strace $0x8000004E  }
0xb4: {  	_ =	swait.ge [sflag:s29], $0x1  }
0xb5: {  	[sflag:s29] =	ssyncadd.s32 $0xFFFFFFFF  }
0xb6: {  	_ =	strace $0x9000004E  }
0xb7: {  	_ =	sfence  }
0xb8: {  	s30 =	sld [smem:$0x0];
	_ =	sdelay $0x2  }
0xb9: {  	s31 =	sshll.u32 s1, $0xD;
	s1 =	sshrl.u32 s1, $0x2  }
0xba: {  	s3 =	sand.u32 $0x4000, s31;
	s1 =	sadd.s32 s1, s30  }
0xbb: {  	s0 =	sor.u32 s3, s0;
	s1 =	sshll.u32 s1, $0x11  }
0xbc: {  	s0 =	sor.u32 s1, s0  }
0xbd: {  	s0 =	sadd.s32 $0x8F2B, s0  }
0xbe: {  	[sflag:s0] =	ssyncadd.remote.s32 $0x1  }
0xbf: {  	_ =	sfence.sel $0xFFFF  }
0xc0: {  	[dreg:$0x0] =	wrdreg $0xFFFFFFFF;
	(pc) =	sbr.abs _section_cstart, $3  }
0xc1: {  	[dreg:$0x1] =	wrdreg $0xFFFFFFFF  }
0xc2: {  	_ =	task.clear_ibuf [dreg:s7], $0x2FFFF;
	_ =	strace $0x9FFFFFFF  }
0xc3: {  	(tm) =	ssettm $0x7FFFFFFF  }
tec
execute0_lowered:
.L_overlay_start_1:
0x0: {  	(tag) =	ssettag $0x1  }
0x1: {  	s6 =	rddreg [dreg:$0x0]  }
0x2: {  	s7 =	rddreg [dreg:$0x1]  }
0x3: {  	s2 =	rddreg [dreg:$0x2]  }
0x4: {  	s0 =	rddreg [dreg:$0x3]  }
0x5: {  	s3 =	simm.s32 $0x0;
	s1 =	stileid.u32;
	s5 =	srdreg.scid  }
0x6: {  	s18 =	simm.s32 $0x0;
	[smem:$0x7FF] =	sst s3;
	s8 =	smul.u32 $0x500, s1  }
0x7: {  	s4 =	sadd.s32 $0xAA200, s6;
	s16 =	sand.u32 $0x1, s5;
	s9 =	smul.u32 $0x50000, s1  }
0x8: {  	s5 =	sadd.s32 $0xB600, s6;
	s13 =	smul.u32 $0x14000, s1;
	s14 =	sadd.s32 $0x146600, s6  }
0x9: {  	s31 =	sshll.u32 s1, $0x6;
	_ =	strace $0x8000004D;
	s11 =	smul.u32 $0x140000, s16  }
0xa: {  	s12 =	ssub.s32 $0x2, s16;
	s17 =	sor.u32 $0x2, s16;
	v0 =	vmov s16;
	s16 =	simm.s32 $0x7800  }
0xb: {  	s10 =	sadd.s32 s8, s6;
	s23 =	sshrl.u32 s12, $0x1;
	s15 =	smul.u32 $0x140000, s17  }
0xc: {  	s6 =	sadd.s32 s7, s8;
	s24 =	sshrl.u32 s9, $0x2;
	v1 =	vmov s17;
	s17 =	simm.s32 $0x1  }
0xd: {  	s12 =	ssub.s32 s12, s23;
	s7 =	sadd.s32 $0x6600, s10;
	s25 =	sadd.s32 s13, s11  }
0xe: {  	s28 =	sadd.s32 s24, s2;
	s11 =	simm.s32 $0x2;
	s26 =	sadd.s32 s13, s15  }
0xf: {  	s29 =	sshrl.u32 s25, $0x3;
	s10 =	smax.u32 s12, $0x1;
	s12 =	simm.s32 $0x5000  }
0x10: {  	s13 =	sor.u32 $0x1C02, s31;
	s15 =	simm.s32 $0x80;
	s30 =	sshrl.u32 s26, $0x3  }
0x11: {  	s8 =	sadd.s32 s14, s29;
	s9 =	sadd.s32 s14, s30;
	s14 =	sshrl.u32 s28, $0x3  }
.LBB2_1:
0x12: {  	[tilespmem:s3], [sflag:$0x2] =	stream.linear.gather [hbm4b:s6+s3], $0x2800, $0x38;
	[tilespmem:$0x1F800] =	vst v63  }
0x13: {  	_ =	swait.ge [sflag:s11], $0x2800  }
0x14: {  	[sflag:s11] =	ssyncset.done $0x0  }
0x15: {  	[sflag:s11] =	ssyncadd.s32 $0xFFFFD800  }
0x16: {  	[tilespmem:s12], [sflag:$0x2] =	stream.linear.gather [hbm4b:s7+s3], $0x2800, $0x38;
	[tilespmem:$0x1F800] =	vst v63  }
0x17: {  	_ =	swait.ge [sflag:s11], $0x2800  }
0x18: {  	[sflag:s11] =	ssyncset.done $0x0  }
0x19: {  	[sflag:s11] =	ssyncadd.s32 $0xFFFFD800  }
0x1a: {  	[spmem:s14], [sflag:s13] =	dma.local [hbm:s5], $0x2800  }
0x1b: {  	_ =	swait.ge [sflag:s11], $0x2800  }
0x1c: {  	[sflag:s11] =	ssyncset.done $0x0  }
0x1d: {  	s19 =	simm.s32 $0x0;
	[sflag:s11] =	ssyncadd.s32 $0xFFFFD800  }
0x1e: {  	v2 =	vld [tilespmem:s19+$0x0]  }
0x1f: {  	s20 =	simm.s32 $0x40  }
.LBB2_2:
0x20: {  	p0 =	sne.s32 s20, $0x9FC0  }
.Ltmp0:
0x21: {  	_ = 	snop;
	(pc) =	sbr.rel @p0 .LBB2_2-.Ltmp0, $4  }
0x22: {  	_ = 	snop  }
0x23: {  	s21 =	sshra.s32 s20, $0x2;
	s20 =	sadd.s32 $0x40, s20;
	v3 =	vshll.u32 v2, $0x2  }
0x24: {  	v2 =	vld [tilespmem:s21+$0x0];
	v3 =	vor.u32 v0, v3  }
0x25: {  	[tilespmem:s19+$0x2800] =	vst v3;
	s19 =	smov.u32 s21  }
0x26: {  	_ =	sdelay $0x2  }
0x27: {  	v2 =	vshll.u32 v2, $0x2  }
0x28: {  	v2 =	vor.u32 v0, v2  }
0x29: {  	[tilespmem:s19+$0x2800] =	vst v2  }
0x2a: {  	s30 =	simm.s32 $0x2800;
	[bflag:$0x0] =	sbarrier.arrive $0xFFFF  }
0x2b: {  	[tilespmem:s16], [sflag:$0x1] =	stream.indirect.gather [hbm4b:s4+s15], $0x80, s30, s15, $0xb8;
	[tilespmem:$0x1F800] =	vst v63  }
0x2c: {  	_ =	swait.ge [sflag:s17], $0x4000  }
0x2d: {  	[sflag:s17] =	ssyncset.done $0x0  }
0x2e: {  	s31 =	simm.s32 $0x5000;
	[sflag:s17] =	ssyncadd.s32 $0xFFFFC000  }
0x2f: {  	[spmem:s2] =	stream.indirect.scatter.add.f32 [tilespmem:s16], [sflag:$0x2], $0x80, s31, s15, $0xb8;
	[tilespmem:$0x1F800] =	vst v63  }
0x30: {  	_ =	swait.ge [sflag:s11], $0x4000  }
0x31: {  	s20 =	simm.s32 $0x400;
	s19 =	simm.s32 $0x80;
	[sflag:s11] =	ssyncset.done $0x0  }
.LBB2_4:
0x32: {  	s21 =	sadd.s32 $0x2800, s19  }
0x33: {  	[sflag:s11] =	ssyncadd.s32 $0xFFFFC000;
	s22 =	smov.u32 s20;
	s23 =	sadd.s32 $0x200, s20  }
0x34: {  	[tilespmem:s16], [sflag:$0x1] =	stream.indirect.gather [hbm4b:s4+s15], $0x80, s21, s15, $0xb8;
	[tilespmem:$0x1F800] =	vst v63  }
0x35: {  	p0 =	sne.s32 s20, $0x9E00;
	_ =	swait.ge [sflag:s17], $0x4000  }
.Ltmp1:
0x36: {  	[sflag:s17] =	ssyncset.done $0x0;
	(pc) =	sbr.rel @p0 .LBB2_4-.Ltmp1, $4  }
0x37: {  	s19 =	sadd.s32 $0x5000, s19;
	[sflag:s17] =	ssyncadd.s32 $0xFFFFC000  }
0x38: {  	[spmem:s2] =	stream.indirect.scatter.add.f32 [tilespmem:s16], [sflag:$0x2], $0x80, s19, s15, $0xb8;
	[tilespmem:$0x1F800] =	vst v63  }
0x39: {  	_ =	swait.ge [sflag:s11], $0x4000  }
0x3a: {  	s20 =	smov.u32 s23;
	s19 =	sshra.s32 s22, $0x2;
	[sflag:s11] =	ssyncset.done $0x0  }
0x3b: {  	s20 =	sadd.s32 $0x2800, s19;
	[sflag:s11] =	ssyncadd.s32 $0xFFFFC000  }
0x3c: {  	[tilespmem:s16], [sflag:$0x1] =	stream.indirect.gather [hbm4b:s4+s15], $0x80, s20, s15, $0xb8;
	[tilespmem:$0x1F800] =	vst v63  }
0x3d: {  	_ =	swait.ge [sflag:s17], $0x4000  }
0x3e: {  	[sflag:s17] =	ssyncset.done $0x0  }
0x3f: {  	s31 =	sadd.s32 $0x5000, s19;
	[sflag:s17] =	ssyncadd.s32 $0xFFFFC000  }
0x40: {  	[spmem:s2] =	stream.indirect.scatter.add.f32 [tilespmem:s16], [sflag:$0x2], $0x80, s31, s15, $0xb8;
	[tilespmem:$0x1F800] =	vst v63  }
0x41: {  	_ =	swait.ge [sflag:s11], $0x4000  }
0x42: {  	[sflag:s11] =	ssyncset.done $0x0  }
0x43: {  	[sflag:s11] =	ssyncadd.s32 $0xFFFFC000  }
0x44: {  	[bflag:$0x0] =	sbarrier.arrive $0xFFFF  }
0x45: {  	[hbm:s8], [sflag:s13] =	dma.local [spmem:s14], $0x2800  }
0x46: {  	_ =	swait.ge [sflag:s11], $0x2800  }
0x47: {  	[sflag:s11] =	ssyncset.done $0x0  }
0x48: {  	[sflag:s11] =	ssyncadd.s32 $0xFFFFD800  }
0x49: {  	[bflag:$0x0] =	sbarrier.arrive $0xFFFF  }
0x4a: {  	[spmem:s14], [sflag:s13] =	dma.local [hbm:s5], $0x2800  }
0x4b: {  	_ =	swait.ge [sflag:s11], $0x2800  }
0x4c: {  	[sflag:s11] =	ssyncset.done $0x0  }
0x4d: {  	s19 =	simm.s32 $0x0;
	[sflag:s11] =	ssyncadd.s32 $0xFFFFD800  }
0x4e: {  	v2 =	vld [tilespmem:s19+$0x0]  }
0x4f: {  	s20 =	simm.s32 $0x40  }
.LBB2_6:
0x50: {  	p0 =	sne.s32 s20, $0x9FC0  }
.Ltmp2:
0x51: {  	_ = 	snop;
	(pc) =	sbr.rel @p0 .LBB2_6-.Ltmp2, $4  }
0x52: {  	_ = 	snop  }
0x53: {  	s21 =	sshra.s32 s20, $0x2;
	s20 =	sadd.s32 $0x40, s20;
	v3 =	vshll.u32 v2, $0x2  }
0x54: {  	v2 =	vld [tilespmem:s21+$0x0];
	v3 =	vor.u32 v1, v3  }
0x55: {  	[tilespmem:s19+$0x2800] =	vst v3;
	s19 =	smov.u32 s21  }
0x56: {  	_ =	sdelay $0x2  }
0x57: {  	v2 =	vshll.u32 v2, $0x2  }
0x58: {  	v2 =	vor.u32 v1, v2  }
0x59: {  	[tilespmem:s19+$0x2800] =	vst v2  }
0x5a: {  	s30 =	simm.s32 $0x2800;
	[bflag:$0x0] =	sbarrier.arrive $0xFFFF  }
0x5b: {  	[tilespmem:s16], [sflag:$0x1] =	stream.indirect.gather [hbm4b:s4+s15], $0x80, s30, s15, $0xb8;
	[tilespmem:$0x1F800] =	vst v63  }
0x5c: {  	_ =	swait.ge [sflag:s17], $0x4000  }
0x5d: {  	[sflag:s17] =	ssyncset.done $0x0  }
0x5e: {  	s31 =	simm.s32 $0x5000;
	[sflag:s17] =	ssyncadd.s32 $0xFFFFC000  }
0x5f: {  	[spmem:s2] =	stream.indirect.scatter.add.f32 [tilespmem:s16], [sflag:$0x2], $0x80, s31, s15, $0xb8;
	[tilespmem:$0x1F800] =	vst v63  }
0x60: {  	_ =	swait.ge [sflag:s11], $0x4000  }
0x61: {  	s20 =	simm.s32 $0x400;
	s19 =	simm.s32 $0x80;
	[sflag:s11] =	ssyncset.done $0x0  }
.LBB2_8:
0x62: {  	s21 =	sadd.s32 $0x2800, s19  }
0x63: {  	[sflag:s11] =	ssyncadd.s32 $0xFFFFC000;
	s22 =	smov.u32 s20;
	s23 =	sadd.s32 $0x200, s20  }
0x64: {  	[tilespmem:s16], [sflag:$0x1] =	stream.indirect.gather [hbm4b:s4+s15], $0x80, s21, s15, $0xb8;
	[tilespmem:$0x1F800] =	vst v63  }
0x65: {  	p0 =	sne.s32 s20, $0x9E00;
	_ =	swait.ge [sflag:s17], $0x4000  }
.Ltmp3:
0x66: {  	[sflag:s17] =	ssyncset.done $0x0;
	(pc) =	sbr.rel @p0 .LBB2_8-.Ltmp3, $4  }
0x67: {  	s19 =	sadd.s32 $0x5000, s19;
	[sflag:s17] =	ssyncadd.s32 $0xFFFFC000  }
0x68: {  	[spmem:s2] =	stream.indirect.scatter.add.f32 [tilespmem:s16], [sflag:$0x2], $0x80, s19, s15, $0xb8;
	[tilespmem:$0x1F800] =	vst v63  }
0x69: {  	_ =	swait.ge [sflag:s11], $0x4000  }
0x6a: {  	s20 =	smov.u32 s23;
	s19 =	sshra.s32 s22, $0x2;
	[sflag:s11] =	ssyncset.done $0x0  }
0x6b: {  	s20 =	sadd.s32 $0x2800, s19;
	[sflag:s11] =	ssyncadd.s32 $0xFFFFC000  }
0x6c: {  	[tilespmem:s16], [sflag:$0x1] =	stream.indirect.gather [hbm4b:s4+s15], $0x80, s20, s15, $0xb8;
	[tilespmem:$0x1F800] =	vst v63  }
0x6d: {  	_ =	swait.ge [sflag:s17], $0x4000  }
0x6e: {  	[sflag:s17] =	ssyncset.done $0x0  }
0x6f: {  	s31 =	sadd.s32 $0x5000, s19;
	[sflag:s17] =	ssyncadd.s32 $0xFFFFC000  }
0x70: {  	[spmem:s2] =	stream.indirect.scatter.add.f32 [tilespmem:s16], [sflag:$0x2], $0x80, s31, s15, $0xb8;
	[tilespmem:$0x1F800] =	vst v63  }
0x71: {  	_ =	swait.ge [sflag:s11], $0x4000  }
0x72: {  	[sflag:s11] =	ssyncset.done $0x0  }
0x73: {  	s18 =	sadd.s32 $0x1, s18;
	[sflag:s11] =	ssyncadd.s32 $0xFFFFC000  }
0x74: {  	p0 =	sne.s32 s18, s10;
	[bflag:$0x0] =	sbarrier.arrive $0xFFFF  }
0x75: {  	[hbm:s9], [sflag:s13] =	dma.local [spmem:s14], $0x2800  }
.Ltmp4:
0x76: {  	_ =	swait.ge [sflag:s11], $0x2800;
	(pc) =	sbr.rel @p0 .LBB2_1-.Ltmp4, $3  }
0x77: {  	[sflag:s11] =	ssyncset.done $0x0  }
0x78: {  	[sflag:s11] =	ssyncadd.s32 $0xFFFFD800  }
0x79: {  	[bflag:$0x0] =	sbarrier.arrive $0xFFFF;
	_ =	sdelay $0x1  }
0x7a: {  	_ =	sfence.sel $0x180000  }
0x7b: {  	[bflag:$0x0] =	sbarrier.arrive $0xFFFF  }
0x7c: {  	p0 =	sne.s32 s1, $0x0;
	_ =	strace $0x9000004D  }
0x7d: {  	s0 =	sadd.s32 @!p0 $0x100000, s0;
	[bflag:$0x2] =	sbarrier.arrive $0xFFFF  }
0x7e: {  	[sflag:s0] =	ssyncadd.tile.s32 @!p0 $0x1;
	_ =	shalt  }
.Lfunc_end2:
_tile_overlayer_lowered:
.L_overlay_start_2:
0x7f: {  	(tag) =	ssettag $0x2  }
0x80: {  	s0 =	rddreg [dreg:$0x0];
	s2 =	stileid.u32  }
0x81: {  	s1 =	rddreg [dreg:$0x1];
	p0 =	sne.s32 s2, $0x0  }
0x82: {  	s3 =	rddreg [dreg:$0x2];
	[bflag:$0x3] =	sbarrier.arrive $0xFFFF;
	s2 =	simm.s32 @!p0 $0x1C02  }
0x83: {  	[timem:s3], [sflag:s2] =	dma.local @!p0 [hbm:s0], s1  }
0x84: {  	s0 =	simm.s32 @!p0 $0x2  }
0x85: {  	_ =	swait.ge @!p0 [sflag:s0], s1  }
0x86: {  	s1 =	ssub.s32 @!p0 $0x0, s1;
	[sflag:s0] =	ssyncset.done @!p0 $0x0  }
0x87: {  	[sflag:s0] =	ssyncadd.s32 @!p0 s1  }
0x88: {  	[bflag:$0x3] =	sbarrier.arrive $0xFFFF  }
0x89: {  	_ =	shalt  }

// kernel: kernel.31.cloned.1.call-start
scs
__scs_entry_jumppad:
0x0: {  	(pc) =	sbr.rel $0x88, $3  }
0x1: {  	(tag) =	ssettag $0x0;
	lr =	simm.s32 $0x1  }
0x2: {  	[smem:$0x3F84] =	sst lr;
	_ =	strace $0xD0000000  }
0x3: {  	_ = 	snop  }
0x4: {  	_ = 	snop  }
0x5: {  	_ = 	snop  }
0x6: {  	_ = 	snop  }
0x7: {  	_ = 	snop  }
__scs_overlays_trampoline_lowered:
0x8: {  	[smem:$0x3F93] =	sst s0  }
0x9: {  	[smem:$0x3F94] =	sst s1  }
0xa: {  	[smem:$0x3F95] =	sst s2  }
0xb: {  	[smem:$0x3F96] =	sst s3  }
0xc: {  	[smem:$0x3F97] =	sst s4  }
0xd: {  	[smem:$0x3F98] =	sst s5  }
0xe: {  	[smem:$0x3F99] =	sst s6  }
0xf: {  	[smem:$0x3F9A] =	sst s7  }
0x10: {  	[smem:$0x3F9B] =	sst s8  }
0x11: {  	[smem:$0x3F9C] =	sst s9;
	s0 =	simm.s32 @!p0 $0x0  }
0x12: {  	s1 =	sld [smem:$0x3F82];
	s0 =	simm.s32 @p0 $0x1  }
0x13: {  	[smem:$0x3F9D] =	sst s0;
	s0 =	simm.s32 @!p1 $0x0  }
0x14: {  	s2 =	sld [smem:$0x3F81];
	s0 =	simm.s32 @p1 $0x1  }
0x15: {  	[smem:$0x3F9E] =	sst s0;
	s0 =	simm.s32 @!p2 $0x0  }
0x16: {  	s3 =	sld [smem:$0x3FDB];
	s0 =	simm.s32 @p2 $0x1  }
0x17: {  	s4 =	simm.s32 $0x1BF5;
	[smem:$0x3FA0] =	sst s0  }
0x18: {  	s0 =	sld [smem:$0x3F83];
	_ =	swait.ge [sflag:s4], $0x0  }
0x19: {  	s7 =	sld [smem:$0x3F84]  }
0x1a: {  	s8 =	sadd.s32 $0xFFFFE003, lr  }
0x1b: {  	s9 =	sadd.s32 $0xFFFFFEF7, lr;
	s5 =	simm.s32 $0xFFFFFFFF;
	p2 =	slt.u32 s8, $0xFFFFF086  }
0x1c: {  	p1 =	slt.u32 s9, $0xF7A;
	s5 =	simm.s32 @!p2 $0x0  }
0x1d: {  	s5 =	simm.s32 @p1 $0x1;
	p0 =	seq.s32 s7, s2  }
0x1e: {  	s7 =	smul.u32 @!p0 $0xF7A, s2;
	p2 =	seq.s32 @!p0 s5, $0x0  }
0x1f: {  	s9 =	smul.u32 $0xF7A, s1;
	s8 =	simm.s32 @!p0 $0x1BF5;
	p2 =	por !p2, p0  }
0x20: {  	[sflag:s8] =	ssyncset.s32 @!p0 $0xFFFFF086;
	s6 =	sadd.s32 @!p0 s3, s7;
	s7 =	simm.s32 @!p0 $0x108  }
0x21: {  	s3 =	sadd.s32 s3, s9;
	s6 =	sadd.s32 @!p0 $0x88, s6;
	s7 =	simm.s32 @p2 $0x1082  }
0x22: {  	[simem:s7], [sflag:s8] =	dma.local @!p0 [hbm:s6], $0xF7A  }
0x23: {  	s9 =	sor.u32 $0xD0000000, s2;
	s6 =	simm.s32 $0x108;
	_ =	swait.ge @!p0 [sflag:s8], $0x0  }
0x24: {  	s3 =	sadd.s32 $0x88, s3;
	s6 =	simm.s32 @!p1 $0x1082;
	[sflag:s4] =	ssyncset.s32 $0xFFFFF086  }
0x25: {  	[simem:s6], [sflag:s4] =	dma.local [hbm:s3], $0xF7A  }
0x26: {  	[smem:$0x3F84] =	sst s1;
	(tag) =	ssettag s2;
	_ =	strace s9  }
0x27: {  	s1 =	sld [smem:$0x3F94]  }
0x28: {  	s2 =	sld [smem:$0x3F95]  }
0x29: {  	s4 =	sld [smem:$0x3F97]  }
0x2a: {  	p0 =	seq.s32 s5, $0x0;
	s5 =	sld [smem:$0x3F98]  }
0x2b: {  	s6 =	sld [smem:$0x3F99]  }
0x2c: {  	s7 =	sld [smem:$0x3F9A]  }
0x2d: {  	s3 =	simm.s32 $0x108;
	s8 =	sld [smem:$0x3F9B]  }
0x2e: {  	s3 =	simm.s32 @!p0 $0x1082;
	s9 =	sld [smem:$0x3F9C]  }
0x2f: {  	lr =	sadd.s32 s0, s3;
	s0 =	sld [smem:$0x3F93]  }
0x30: {  	s3 =	sld [smem:$0x3F96]  }
0x31: {  	[smem:$0x3F9F] =	sst s10  }
0x32: {  	s10 =	sld [smem:$0x3F9D];
	_ =	sdelay $0x3  }
0x33: {  	p0 =	seq.s32 s10, $0x1;
	s10 =	sld [smem:$0x3F9F];
	_ =	sdelay $0x3  }
0x34: {  	[smem:$0x3F9F] =	sst s10  }
0x35: {  	s10 =	sld [smem:$0x3F9E];
	_ =	sdelay $0x3  }
0x36: {  	p1 =	seq.s32 s10, $0x1;
	s10 =	sld [smem:$0x3F9F];
	_ =	sdelay $0x3  }
0x37: {  	[smem:$0x3F9F] =	sst s10  }
0x38: {  	s10 =	sld [smem:$0x3FA0]  }
0x39: {  	_ = 	snop;
	(pc) =	sbr.ind lr, $3  }
0x3a: {  	_ = 	snop  }
0x3b: {  	_ = 	snop  }
0x3c: {  	p2 =	seq.s32 s10, $0x1;
	s10 =	sld [smem:$0x3F9F]  }
0x3d: {  	_ =	shalt  }
0x3e: {  	_ =	shalt  }
0x3f: {  	_ =	shalt  }
0x40: {  	_ =	shalt  }
0x41: {  	_ =	shalt  }
0x42: {  	_ =	shalt  }
0x43: {  	_ =	shalt  }
0x44: {  	_ =	shalt  }
0x45: {  	_ =	shalt  }
0x46: {  	_ =	shalt  }
0x47: {  	_ =	shalt  }
0x48: {  	_ =	shalt  }
0x49: {  	_ =	shalt  }
0x4a: {  	_ =	shalt  }
0x4b: {  	_ =	shalt  }
0x4c: {  	_ =	shalt  }
0x4d: {  	_ =	shalt  }
0x4e: {  	_ =	shalt  }
0x4f: {  	_ =	shalt  }
0x50: {  	_ =	shalt  }
0x51: {  	_ =	shalt  }
0x52: {  	_ =	shalt  }
0x53: {  	_ =	shalt  }
0x54: {  	_ =	shalt  }
0x55: {  	_ =	shalt  }
0x56: {  	_ =	shalt  }
0x57: {  	_ =	shalt  }
0x58: {  	_ =	shalt  }
0x59: {  	_ =	shalt  }
0x5a: {  	_ =	shalt  }
0x5b: {  	_ =	shalt  }
0x5c: {  	_ =	shalt  }
0x5d: {  	_ =	shalt  }
0x5e: {  	_ =	shalt  }
0x5f: {  	_ =	shalt  }
0x60: {  	_ =	shalt  }
0x61: {  	_ =	shalt  }
0x62: {  	_ =	shalt  }
0x63: {  	_ =	shalt  }
0x64: {  	_ =	shalt  }
0x65: {  	_ =	shalt  }
0x66: {  	_ =	shalt  }
0x67: {  	_ =	shalt  }
0x68: {  	_ =	shalt  }
0x69: {  	_ =	shalt  }
0x6a: {  	_ =	shalt  }
0x6b: {  	_ =	shalt  }
0x6c: {  	_ =	shalt  }
0x6d: {  	_ =	shalt  }
0x6e: {  	_ =	shalt  }
0x6f: {  	_ =	shalt  }
0x70: {  	_ =	shalt  }
0x71: {  	_ =	shalt  }
0x72: {  	_ =	shalt  }
0x73: {  	_ =	shalt  }
0x74: {  	_ =	shalt  }
0x75: {  	_ =	shalt  }
0x76: {  	_ =	shalt  }
0x77: {  	_ =	shalt  }
0x78: {  	_ =	shalt  }
0x79: {  	_ =	shalt  }
0x7a: {  	_ =	shalt  }
0x7b: {  	_ =	shalt  }
0x7c: {  	_ =	shalt  }
0x7d: {  	_ =	shalt  }
0x7e: {  	_ =	shalt  }
0x7f: {  	_ =	shalt  }
0x80: {  	_ =	shalt  }
0x81: {  	_ =	shalt  }
0x82: {  	_ =	shalt  }
0x83: {  	_ =	shalt  }
0x84: {  	_ =	shalt  }
0x85: {  	_ =	shalt  }
0x86: {  	_ =	shalt  }
0x87: {  	_ =	shalt  }
.Lfunc_end0:
.L_simem_size_0:
called_computation.3_lowered:
.L_overlay_start_0:
0x88: {  	s2 =	sld [smem:$0x3FD9]  }
0x89: {  	s3 =	sld [smem:$0x3FFE];
	_ =	sdelay $0x1  }
0x8a: {  	s1 =	srdreg.scid  }
0x8b: {  	s0 =	sand.u32 $0x1, s1  }
0x8c: {  	s17 =	sshll.u32 s0, $0xA;
	s2 =	sadd.s32 s3, s2  }
0x8d: {  	s2 =	sadd.s32 s2, s17  }
0x8e: {  	[smem:$0x3FAB] =	sst s2  }
0x8f: {  	_ = 	snop  }
0x90: {  	s2 =	sld [smem:$0x3FD0];
	(tm) =	ssettm $0x1  }
0x91: {  	s18 =	sld [smem:$0x3FFB];
	_ =	sdelay $0x3  }
0x92: {  	_ =	strace s18  }
0x93: {  	s3 =	sld [smem:$0x3FFC];
	_ =	sdelay $0x3  }
0x94: {  	_ =	strace s3  }
0x95: {  	s3 =	sld [smem:$0x3FFD];
	_ =	sdelay $0x3  }
0x96: {  	_ =	strace s3  }
0x97: {  	_ =	strace $0x8FFFFFFF  }
0x98: {  	s19 =	sld [smem:$0x3FDB];
	_ =	sdelay $0x1  }
0x99: {  	s4 =	simm.s32 $_scs_section_size  }
0x9a: {  	s5 =	simm.s32 $_size__tile_overlayer_lowered;
	s6 =	simm.s32 $_tile_overlayer_lowered  }
0x9b: {  	s22 =	simm.s32 $0x1BFF;
	s21 =	sshll.u32 s6, $0x1;
	s3 =	sadd.s32 s4, s19  }
0x9c: {  	s7 =	simm.s32 $0x0;
	s20 =	sshll.u32 s5, $0x1;
	s5 =	sadd.s32 s21, s3  }
0x9d: {  	[timem:s7], [sflag:s22] =	dma.local [hbm:s5], s20  }
0x9e: {  	_ =	swait.ge [sflag:s22], s20  }
0x9f: {  	s4 =	ssub.s32 $0x0, s20;
	[sflag:s22] =	ssyncset.done $0x0  }
0xa0: {  	[sflag:s22] =	ssyncadd.s32 s4;
	_ =	sdelay $0x1  }
0xa1: {  	s23 =	simm.s32 $0x1B8B  }
0xa2: {  	_ =	swait.ge [sflag:s23], $0x1  }
0xa3: {  	[sflag:s23] =	ssyncset.done $0x0  }
0xa4: {  	s25 =	simm.s32 $0x1B8E;
	s24 =	sld [smem:$0x3FFE];
	[sflag:s23] =	ssyncadd.s32 $0xFFFFFFFF  }
0xa5: {  	s26 =	simm.s32 $execute0_lowered;
	[smem:$0x3FD2] =	sst s25  }
0xa6: {  	s5 =	sshll.u32 s26, $0x1;
	_ =	strace $0x8000004F;
	[dreg:$0x1] =	wrdreg $0xFFFFFFFF  }
0xa7: {  	s28 =	simm.s32 $_size_execute0_lowered;
	s3 =	sadd.s32 s3, s5;
	[dreg:$0x0] =	wrdreg $0x0  }
0xa8: {  	s5 =	sshll.u32 s28, $0x1;
	[dreg:$0x2] =	wrdreg s3  }
0xa9: {  	[dreg:$0x3] =	wrdreg s5  }
0xaa: {  	[dreg:$0x4] =	wrdreg $0xC0  }
0xab: {  	_ =	task [dreg:s7], $0x5FFFF  }
0xac: {  	[dreg:$0x1] =	wrdreg $0xFFFFFFFF  }
0xad: {  	[dreg:$0x0] =	wrdreg $0x60  }
0xae: {  	[dreg:$0x2] =	wrdreg s24  }
0xaf: {  	[dreg:$0x3] =	wrdreg s2  }
0xb0: {  	[dreg:$0x4] =	wrdreg $0xB8000  }
0xb1: {  	[dreg:$0x5] =	wrdreg $0x9  }
0xb2: {  	_ =	task.clear_ibuf [dreg:s7], $0x6FFFF;
	_ =	strace $0x9000004F  }
0xb3: {  	s29 =	simm.s32 $0x9;
	_ =	strace $0x80000051  }
0xb4: {  	_ =	swait.ge [sflag:s29], $0x1  }
0xb5: {  	[sflag:s29] =	ssyncadd.s32 $0xFFFFFFFF  }
0xb6: {  	_ =	strace $0x90000051  }
0xb7: {  	_ =	sfence  }
0xb8: {  	s30 =	sld [smem:$0x0];
	_ =	sdelay $0x2  }
0xb9: {  	s31 =	sshll.u32 s1, $0xD;
	s1 =	sshrl.u32 s1, $0x2  }
0xba: {  	s3 =	sand.u32 $0x4000, s31;
	s1 =	sadd.s32 s1, s30  }
0xbb: {  	s0 =	sor.u32 s3, s0;
	s1 =	sshll.u32 s1, $0x11  }
0xbc: {  	s0 =	sor.u32 s1, s0  }
0xbd: {  	s0 =	sadd.s32 $0x8F2B, s0  }
0xbe: {  	[sflag:s0] =	ssyncadd.remote.s32 $0x1  }
0xbf: {  	_ =	sfence.sel $0xFFFF  }
0xc0: {  	[dreg:$0x0] =	wrdreg $0xFFFFFFFF;
	(pc) =	sbr.abs _section_cstart, $3  }
0xc1: {  	[dreg:$0x1] =	wrdreg $0xFFFFFFFF  }
0xc2: {  	_ =	task.clear_ibuf [dreg:s7], $0x2FFFF;
	_ =	strace $0x9FFFFFFF  }
0xc3: {  	(tm) =	ssettm $0x7FFFFFFF  }
tec
execute0_lowered:
.L_overlay_start_1:
0x0: {  	(tag) =	ssettag $0x1  }
0x1: {  	s6 =	rddreg [dreg:$0x0]  }
0x2: {  	s7 =	rddreg [dreg:$0x1]  }
0x3: {  	s2 =	rddreg [dreg:$0x2]  }
0x4: {  	s0 =	rddreg [dreg:$0x3]  }
0x5: {  	s3 =	simm.s32 $0x0;
	s1 =	stileid.u32;
	s5 =	srdreg.scid  }
0x6: {  	s18 =	simm.s32 $0x0;
	[smem:$0x7FF] =	sst s3;
	s8 =	smul.u32 $0x500, s1  }
0x7: {  	s4 =	sadd.s32 $0xDE00, s6;
	s16 =	sand.u32 $0x1, s5;
	s9 =	smul.u32 $0x50000, s1  }
0x8: {  	s5 =	sadd.s32 $0xB600, s6;
	s13 =	smul.u32 $0x14000, s1;
	s14 =	sadd.s32 $0x146600, s6  }
0x9: {  	s31 =	sshll.u32 s1, $0x6;
	_ =	strace $0x80000050;
	s11 =	smul.u32 $0x140000, s16  }
0xa: {  	s12 =	ssub.s32 $0x2, s16;
	s17 =	sor.u32 $0x2, s16;
	v0 =	vmov s16;
	s16 =	simm.s32 $0x7800  }
0xb: {  	s10 =	sadd.s32 s8, s6;
	s23 =	sshrl.u32 s12, $0x1;
	s15 =	smul.u32 $0x140000, s17  }
0xc: {  	s6 =	sadd.s32 s7, s8;
	s24 =	sshrl.u32 s9, $0x2;
	v1 =	vmov s17;
	s17 =	simm.s32 $0x1  }
0xd: {  	s12 =	ssub.s32 s12, s23;
	s7 =	sadd.s32 $0x6600, s10;
	s25 =	sadd.s32 s13, s11  }
0xe: {  	s28 =	sadd.s32 s24, s2;
	s11 =	simm.s32 $0x2;
	s26 =	sadd.s32 s13, s15  }
0xf: {  	s29 =	sshrl.u32 s25, $0x3;
	s10 =	smax.u32 s12, $0x1;
	s12 =	simm.s32 $0x5000  }
0x10: {  	s13 =	sor.u32 $0x1C02, s31;
	s15 =	simm.s32 $0x80;
	s30 =	sshrl.u32 s26, $0x3  }
0x11: {  	s8 =	sadd.s32 s14, s29;
	s9 =	sadd.s32 s14, s30;
	s14 =	sshrl.u32 s28, $0x3  }
.LBB2_1:
0x12: {  	[tilespmem:s3], [sflag:$0x2] =	stream.linear.gather [hbm4b:s6+s3], $0x2800, $0x38;
	[tilespmem:$0x1F800] =	vst v63  }
0x13: {  	_ =	swait.ge [sflag:s11], $0x2800  }
0x14: {  	[sflag:s11] =	ssyncset.done $0x0  }
0x15: {  	[sflag:s11] =	ssyncadd.s32 $0xFFFFD800  }
0x16: {  	[tilespmem:s12], [sflag:$0x2] =	stream.linear.gather [hbm4b:s7+s3], $0x2800, $0x38;
	[tilespmem:$0x1F800] =	vst v63  }
0x17: {  	_ =	swait.ge [sflag:s11], $0x2800  }
0x18: {  	[sflag:s11] =	ssyncset.done $0x0  }
0x19: {  	[sflag:s11] =	ssyncadd.s32 $0xFFFFD800  }
0x1a: {  	[spmem:s14], [sflag:s13] =	dma.local [hbm:s5], $0x2800  }
0x1b: {  	_ =	swait.ge [sflag:s11], $0x2800  }
0x1c: {  	[sflag:s11] =	ssyncset.done $0x0  }
0x1d: {  	s19 =	simm.s32 $0x0;
	[sflag:s11] =	ssyncadd.s32 $0xFFFFD800  }
0x1e: {  	v2 =	vld [tilespmem:s19+$0x0]  }
0x1f: {  	s20 =	simm.s32 $0x40  }
.LBB2_2:
0x20: {  	p0 =	sne.s32 s20, $0x9FC0  }
.Ltmp0:
0x21: {  	_ = 	snop;
	(pc) =	sbr.rel @p0 .LBB2_2-.Ltmp0, $4  }
0x22: {  	_ = 	snop  }
0x23: {  	s21 =	sshra.s32 s20, $0x2;
	s20 =	sadd.s32 $0x40, s20;
	v3 =	vshll.u32 v2, $0x2  }
0x24: {  	v2 =	vld [tilespmem:s21+$0x0];
	v3 =	vor.u32 v0, v3  }
0x25: {  	[tilespmem:s19+$0x2800] =	vst v3;
	s19 =	smov.u32 s21  }
0x26: {  	_ =	sdelay $0x2  }
0x27: {  	v2 =	vshll.u32 v2, $0x2  }
0x28: {  	v2 =	vor.u32 v0, v2  }
0x29: {  	[tilespmem:s19+$0x2800] =	vst v2  }
0x2a: {  	s30 =	simm.s32 $0x2800;
	[bflag:$0x0] =	sbarrier.arrive $0xFFFF  }
0x2b: {  	[tilespmem:s16], [sflag:$0x1] =	stream.indirect.gather [hbm4b:s4+s15], $0x80, s30, s15, $0xb8;
	[tilespmem:$0x1F800] =	vst v63  }
0x2c: {  	_ =	swait.ge [sflag:s17], $0x4000  }
0x2d: {  	[sflag:s17] =	ssyncset.done $0x0  }
0x2e: {  	s31 =	simm.s32 $0x5000;
	[sflag:s17] =	ssyncadd.s32 $0xFFFFC000  }
0x2f: {  	[spmem:s2] =	stream.indirect.scatter.add.f32 [tilespmem:s16], [sflag:$0x2], $0x80, s31, s15, $0xb8;
	[tilespmem:$0x1F800] =	vst v63  }
0x30: {  	_ =	swait.ge [sflag:s11], $0x4000  }
0x31: {  	s20 =	simm.s32 $0x400;
	s19 =	simm.s32 $0x80;
	[sflag:s11] =	ssyncset.done $0x0  }
.LBB2_4:
0x32: {  	s21 =	sadd.s32 $0x2800, s19  }
0x33: {  	[sflag:s11] =	ssyncadd.s32 $0xFFFFC000;
	s22 =	smov.u32 s20;
	s23 =	sadd.s32 $0x200, s20  }
0x34: {  	[tilespmem:s16], [sflag:$0x1] =	stream.indirect.gather [hbm4b:s4+s15], $0x80, s21, s15, $0xb8;
	[tilespmem:$0x1F800] =	vst v63  }
0x35: {  	p0 =	sne.s32 s20, $0x9E00;
	_ =	swait.ge [sflag:s17], $0x4000  }
.Ltmp1:
0x36: {  	[sflag:s17] =	ssyncset.done $0x0;
	(pc) =	sbr.rel @p0 .LBB2_4-.Ltmp1, $4  }
0x37: {  	s19 =	sadd.s32 $0x5000, s19;
	[sflag:s17] =	ssyncadd.s32 $0xFFFFC000  }
0x38: {  	[spmem:s2] =	stream.indirect.scatter.add.f32 [tilespmem:s16], [sflag:$0x2], $0x80, s19, s15, $0xb8;
	[tilespmem:$0x1F800] =	vst v63  }
0x39: {  	_ =	swait.ge [sflag:s11], $0x4000  }
0x3a: {  	s20 =	smov.u32 s23;
	s19 =	sshra.s32 s22, $0x2;
	[sflag:s11] =	ssyncset.done $0x0  }
0x3b: {  	s20 =	sadd.s32 $0x2800, s19;
	[sflag:s11] =	ssyncadd.s32 $0xFFFFC000  }
0x3c: {  	[tilespmem:s16], [sflag:$0x1] =	stream.indirect.gather [hbm4b:s4+s15], $0x80, s20, s15, $0xb8;
	[tilespmem:$0x1F800] =	vst v63  }
0x3d: {  	_ =	swait.ge [sflag:s17], $0x4000  }
0x3e: {  	[sflag:s17] =	ssyncset.done $0x0  }
0x3f: {  	s31 =	sadd.s32 $0x5000, s19;
	[sflag:s17] =	ssyncadd.s32 $0xFFFFC000  }
0x40: {  	[spmem:s2] =	stream.indirect.scatter.add.f32 [tilespmem:s16], [sflag:$0x2], $0x80, s31, s15, $0xb8;
	[tilespmem:$0x1F800] =	vst v63  }
0x41: {  	_ =	swait.ge [sflag:s11], $0x4000  }
0x42: {  	[sflag:s11] =	ssyncset.done $0x0  }
0x43: {  	[sflag:s11] =	ssyncadd.s32 $0xFFFFC000  }
0x44: {  	[bflag:$0x0] =	sbarrier.arrive $0xFFFF  }
0x45: {  	[hbm:s8], [sflag:s13] =	dma.local [spmem:s14], $0x2800  }
0x46: {  	_ =	swait.ge [sflag:s11], $0x2800  }
0x47: {  	[sflag:s11] =	ssyncset.done $0x0  }
0x48: {  	[sflag:s11] =	ssyncadd.s32 $0xFFFFD800  }
0x49: {  	[bflag:$0x0] =	sbarrier.arrive $0xFFFF  }
0x4a: {  	[spmem:s14], [sflag:s13] =	dma.local [hbm:s5], $0x2800  }
0x4b: {  	_ =	swait.ge [sflag:s11], $0x2800  }
0x4c: {  	[sflag:s11] =	ssyncset.done $0x0  }
0x4d: {  	s19 =	simm.s32 $0x0;
	[sflag:s11] =	ssyncadd.s32 $0xFFFFD800  }
0x4e: {  	v2 =	vld [tilespmem:s19+$0x0]  }
0x4f: {  	s20 =	simm.s32 $0x40  }
.LBB2_6:
0x50: {  	p0 =	sne.s32 s20, $0x9FC0  }
.Ltmp2:
0x51: {  	_ = 	snop;
	(pc) =	sbr.rel @p0 .LBB2_6-.Ltmp2, $4  }
0x52: {  	_ = 	snop  }
0x53: {  	s21 =	sshra.s32 s20, $0x2;
	s20 =	sadd.s32 $0x40, s20;
	v3 =	vshll.u32 v2, $0x2  }
0x54: {  	v2 =	vld [tilespmem:s21+$0x0];
	v3 =	vor.u32 v1, v3  }
0x55: {  	[tilespmem:s19+$0x2800] =	vst v3;
	s19 =	smov.u32 s21  }
0x56: {  	_ =	sdelay $0x2  }
0x57: {  	v2 =	vshll.u32 v2, $0x2  }
0x58: {  	v2 =	vor.u32 v1, v2  }
0x59: {  	[tilespmem:s19+$0x2800] =	vst v2  }
0x5a: {  	s30 =	simm.s32 $0x2800;
	[bflag:$0x0] =	sbarrier.arrive $0xFFFF  }
0x5b: {  	[tilespmem:s16], [sflag:$0x1] =	stream.indirect.gather [hbm4b:s4+s15], $0x80, s30, s15, $0xb8;
	[tilespmem:$0x1F800] =	vst v63  }
0x5c: {  	_ =	swait.ge [sflag:s17], $0x4000  }
0x5d: {  	[sflag:s17] =	ssyncset.done $0x0  }
0x5e: {  	s31 =	simm.s32 $0x5000;
	[sflag:s17] =	ssyncadd.s32 $0xFFFFC000  }
0x5f: {  	[spmem:s2] =	stream.indirect.scatter.add.f32 [tilespmem:s16], [sflag:$0x2], $0x80, s31, s15, $0xb8;
	[tilespmem:$0x1F800] =	vst v63  }
0x60: {  	_ =	swait.ge [sflag:s11], $0x4000  }
0x61: {  	s20 =	simm.s32 $0x400;
	s19 =	simm.s32 $0x80;
	[sflag:s11] =	ssyncset.done $0x0  }
.LBB2_8:
0x62: {  	s21 =	sadd.s32 $0x2800, s19  }
0x63: {  	[sflag:s11] =	ssyncadd.s32 $0xFFFFC000;
	s22 =	smov.u32 s20;
	s23 =	sadd.s32 $0x200, s20  }
0x64: {  	[tilespmem:s16], [sflag:$0x1] =	stream.indirect.gather [hbm4b:s4+s15], $0x80, s21, s15, $0xb8;
	[tilespmem:$0x1F800] =	vst v63  }
0x65: {  	p0 =	sne.s32 s20, $0x9E00;
	_ =	swait.ge [sflag:s17], $0x4000  }
.Ltmp3:
0x66: {  	[sflag:s17] =	ssyncset.done $0x0;
	(pc) =	sbr.rel @p0 .LBB2_8-.Ltmp3, $4  }
0x67: {  	s19 =	sadd.s32 $0x5000, s19;
	[sflag:s17] =	ssyncadd.s32 $0xFFFFC000  }
0x68: {  	[spmem:s2] =	stream.indirect.scatter.add.f32 [tilespmem:s16], [sflag:$0x2], $0x80, s19, s15, $0xb8;
	[tilespmem:$0x1F800] =	vst v63  }
0x69: {  	_ =	swait.ge [sflag:s11], $0x4000  }
0x6a: {  	s20 =	smov.u32 s23;
	s19 =	sshra.s32 s22, $0x2;
	[sflag:s11] =	ssyncset.done $0x0  }
0x6b: {  	s20 =	sadd.s32 $0x2800, s19;
	[sflag:s11] =	ssyncadd.s32 $0xFFFFC000  }
0x6c: {  	[tilespmem:s16], [sflag:$0x1] =	stream.indirect.gather [hbm4b:s4+s15], $0x80, s20, s15, $0xb8;
	[tilespmem:$0x1F800] =	vst v63  }
0x6d: {  	_ =	swait.ge [sflag:s17], $0x4000  }
0x6e: {  	[sflag:s17] =	ssyncset.done $0x0  }
0x6f: {  	s31 =	sadd.s32 $0x5000, s19;
	[sflag:s17] =	ssyncadd.s32 $0xFFFFC000  }
0x70: {  	[spmem:s2] =	stream.indirect.scatter.add.f32 [tilespmem:s16], [sflag:$0x2], $0x80, s31, s15, $0xb8;
	[tilespmem:$0x1F800] =	vst v63  }
0x71: {  	_ =	swait.ge [sflag:s11], $0x4000  }
0x72: {  	[sflag:s11] =	ssyncset.done $0x0  }
0x73: {  	s18 =	sadd.s32 $0x1, s18;
	[sflag:s11] =	ssyncadd.s32 $0xFFFFC000  }
0x74: {  	p0 =	sne.s32 s18, s10;
	[bflag:$0x0] =	sbarrier.arrive $0xFFFF  }
0x75: {  	[hbm:s9], [sflag:s13] =	dma.local [spmem:s14], $0x2800  }
.Ltmp4:
0x76: {  	_ =	swait.ge [sflag:s11], $0x2800;
	(pc) =	sbr.rel @p0 .LBB2_1-.Ltmp4, $3  }
0x77: {  	[sflag:s11] =	ssyncset.done $0x0  }
0x78: {  	[sflag:s11] =	ssyncadd.s32 $0xFFFFD800  }
0x79: {  	[bflag:$0x0] =	sbarrier.arrive $0xFFFF;
	_ =	sdelay $0x1  }
0x7a: {  	_ =	sfence.sel $0x180000  }
0x7b: {  	[bflag:$0x0] =	sbarrier.arrive $0xFFFF  }
0x7c: {  	p0 =	sne.s32 s1, $0x0;
	_ =	strace $0x90000050  }
0x7d: {  	s0 =	sadd.s32 @!p0 $0x100000, s0;
	[bflag:$0x2] =	sbarrier.arrive $0xFFFF  }
0x7e: {  	[sflag:s0] =	ssyncadd.tile.s32 @!p0 $0x1;
	_ =	shalt  }
.Lfunc_end2:
_tile_overlayer_lowered:
.L_overlay_start_2:
0x7f: {  	(tag) =	ssettag $0x2  }
0x80: {  	s0 =	rddreg [dreg:$0x0];
	s2 =	stileid.u32  }
0x81: {  	s1 =	rddreg [dreg:$0x1];
	p0 =	sne.s32 s2, $0x0  }
0x82: {  	s3 =	rddreg [dreg:$0x2];
	[bflag:$0x3] =	sbarrier.arrive $0xFFFF;
	s2 =	simm.s32 @!p0 $0x1C02  }
0x83: {  	[timem:s3], [sflag:s2] =	dma.local @!p0 [hbm:s0], s1  }
0x84: {  	s0 =	simm.s32 @!p0 $0x2  }
0x85: {  	_ =	swait.ge @!p0 [sflag:s0], s1  }
0x86: {  	s1 =	ssub.s32 @!p0 $0x0, s1;
	[sflag:s0] =	ssyncset.done @!p0 $0x0  }
0x87: {  	[sflag:s0] =	ssyncadd.s32 @!p0 s1  }
0x88: {  	[bflag:$0x3] =	sbarrier.arrive $0xFFFF  }
0x89: {  	_ =	shalt  }

// kernel: kernel.34.cloned.1.call-start
scs
__scs_entry_jumppad:
0x0: {  	(pc) =	sbr.rel $0x88, $3  }
0x1: {  	(tag) =	ssettag $0x0;
	lr =	simm.s32 $0x1  }
0x2: {  	[smem:$0x3F84] =	sst lr;
	_ =	strace $0xD0000000  }
0x3: {  	_ = 	snop  }
0x4: {  	_ = 	snop  }
0x5: {  	_ = 	snop  }
0x6: {  	_ = 	snop  }
0x7: {  	_ = 	snop  }
__scs_overlays_trampoline_lowered:
0x8: {  	[smem:$0x3F93] =	sst s0  }
0x9: {  	[smem:$0x3F94] =	sst s1  }
0xa: {  	[smem:$0x3F95] =	sst s2  }
0xb: {  	[smem:$0x3F96] =	sst s3  }
0xc: {  	[smem:$0x3F97] =	sst s4  }
0xd: {  	[smem:$0x3F98] =	sst s5  }
0xe: {  	[smem:$0x3F99] =	sst s6  }
0xf: {  	[smem:$0x3F9A] =	sst s7  }
0x10: {  	[smem:$0x3F9B] =	sst s8  }
0x11: {  	[smem:$0x3F9C] =	sst s9;
	s0 =	simm.s32 @!p0 $0x0  }
0x12: {  	s1 =	sld [smem:$0x3F82];
	s0 =	simm.s32 @p0 $0x1  }
0x13: {  	[smem:$0x3F9D] =	sst s0;
	s0 =	simm.s32 @!p1 $0x0  }
0x14: {  	s2 =	sld [smem:$0x3F81];
	s0 =	simm.s32 @p1 $0x1  }
0x15: {  	[smem:$0x3F9E] =	sst s0;
	s0 =	simm.s32 @!p2 $0x0  }
0x16: {  	s3 =	sld [smem:$0x3FDB];
	s0 =	simm.s32 @p2 $0x1  }
0x17: {  	s4 =	simm.s32 $0x1BF5;
	[smem:$0x3FA0] =	sst s0  }
0x18: {  	s0 =	sld [smem:$0x3F83];
	_ =	swait.ge [sflag:s4], $0x0  }
0x19: {  	s7 =	sld [smem:$0x3F84]  }
0x1a: {  	s8 =	sadd.s32 $0xFFFFE003, lr  }
0x1b: {  	s9 =	sadd.s32 $0xFFFFFEF7, lr;
	s5 =	simm.s32 $0xFFFFFFFF;
	p2 =	slt.u32 s8, $0xFFFFF086  }
0x1c: {  	p1 =	slt.u32 s9, $0xF7A;
	s5 =	simm.s32 @!p2 $0x0  }
0x1d: {  	s5 =	simm.s32 @p1 $0x1;
	p0 =	seq.s32 s7, s2  }
0x1e: {  	s7 =	smul.u32 @!p0 $0xF7A, s2;
	p2 =	seq.s32 @!p0 s5, $0x0  }
0x1f: {  	s9 =	smul.u32 $0xF7A, s1;
	s8 =	simm.s32 @!p0 $0x1BF5;
	p2 =	por !p2, p0  }
0x20: {  	[sflag:s8] =	ssyncset.s32 @!p0 $0xFFFFF086;
	s6 =	sadd.s32 @!p0 s3, s7;
	s7 =	simm.s32 @!p0 $0x108  }
0x21: {  	s3 =	sadd.s32 s3, s9;
	s6 =	sadd.s32 @!p0 $0x88, s6;
	s7 =	simm.s32 @p2 $0x1082  }
0x22: {  	[simem:s7], [sflag:s8] =	dma.local @!p0 [hbm:s6], $0xF7A  }
0x23: {  	s9 =	sor.u32 $0xD0000000, s2;
	s6 =	simm.s32 $0x108;
	_ =	swait.ge @!p0 [sflag:s8], $0x0  }
0x24: {  	s3 =	sadd.s32 $0x88, s3;
	s6 =	simm.s32 @!p1 $0x1082;
	[sflag:s4] =	ssyncset.s32 $0xFFFFF086  }
0x25: {  	[simem:s6], [sflag:s4] =	dma.local [hbm:s3], $0xF7A  }
0x26: {  	[smem:$0x3F84] =	sst s1;
	(tag) =	ssettag s2;
	_ =	strace s9  }
0x27: {  	s1 =	sld [smem:$0x3F94]  }
0x28: {  	s2 =	sld [smem:$0x3F95]  }
0x29: {  	s4 =	sld [smem:$0x3F97]  }
0x2a: {  	p0 =	seq.s32 s5, $0x0;
	s5 =	sld [smem:$0x3F98]  }
0x2b: {  	s6 =	sld [smem:$0x3F99]  }
0x2c: {  	s7 =	sld [smem:$0x3F9A]  }
0x2d: {  	s3 =	simm.s32 $0x108;
	s8 =	sld [smem:$0x3F9B]  }
0x2e: {  	s3 =	simm.s32 @!p0 $0x1082;
	s9 =	sld [smem:$0x3F9C]  }
0x2f: {  	lr =	sadd.s32 s0, s3;
	s0 =	sld [smem:$0x3F93]  }
0x30: {  	s3 =	sld [smem:$0x3F96]  }
0x31: {  	[smem:$0x3F9F] =	sst s10  }
0x32: {  	s10 =	sld [smem:$0x3F9D];
	_ =	sdelay $0x3  }
0x33: {  	p0 =	seq.s32 s10, $0x1;
	s10 =	sld [smem:$0x3F9F];
	_ =	sdelay $0x3  }
0x34: {  	[smem:$0x3F9F] =	sst s10  }
0x35: {  	s10 =	sld [smem:$0x3F9E];
	_ =	sdelay $0x3  }
0x36: {  	p1 =	seq.s32 s10, $0x1;
	s10 =	sld [smem:$0x3F9F];
	_ =	sdelay $0x3  }
0x37: {  	[smem:$0x3F9F] =	sst s10  }
0x38: {  	s10 =	sld [smem:$0x3FA0]  }
0x39: {  	_ = 	snop;
	(pc) =	sbr.ind lr, $3  }
0x3a: {  	_ = 	snop  }
0x3b: {  	_ = 	snop  }
0x3c: {  	p2 =	seq.s32 s10, $0x1;
	s10 =	sld [smem:$0x3F9F]  }
0x3d: {  	_ =	shalt  }
0x3e: {  	_ =	shalt  }
0x3f: {  	_ =	shalt  }
0x40: {  	_ =	shalt  }
0x41: {  	_ =	shalt  }
0x42: {  	_ =	shalt  }
0x43: {  	_ =	shalt  }
0x44: {  	_ =	shalt  }
0x45: {  	_ =	shalt  }
0x46: {  	_ =	shalt  }
0x47: {  	_ =	shalt  }
0x48: {  	_ =	shalt  }
0x49: {  	_ =	shalt  }
0x4a: {  	_ =	shalt  }
0x4b: {  	_ =	shalt  }
0x4c: {  	_ =	shalt  }
0x4d: {  	_ =	shalt  }
0x4e: {  	_ =	shalt  }
0x4f: {  	_ =	shalt  }
0x50: {  	_ =	shalt  }
0x51: {  	_ =	shalt  }
0x52: {  	_ =	shalt  }
0x53: {  	_ =	shalt  }
0x54: {  	_ =	shalt  }
0x55: {  	_ =	shalt  }
0x56: {  	_ =	shalt  }
0x57: {  	_ =	shalt  }
0x58: {  	_ =	shalt  }
0x59: {  	_ =	shalt  }
0x5a: {  	_ =	shalt  }
0x5b: {  	_ =	shalt  }
0x5c: {  	_ =	shalt  }
0x5d: {  	_ =	shalt  }
0x5e: {  	_ =	shalt  }
0x5f: {  	_ =	shalt  }
0x60: {  	_ =	shalt  }
0x61: {  	_ =	shalt  }
0x62: {  	_ =	shalt  }
0x63: {  	_ =	shalt  }
0x64: {  	_ =	shalt  }
0x65: {  	_ =	shalt  }
0x66: {  	_ =	shalt  }
0x67: {  	_ =	shalt  }
0x68: {  	_ =	shalt  }
0x69: {  	_ =	shalt  }
0x6a: {  	_ =	shalt  }
0x6b: {  	_ =	shalt  }
0x6c: {  	_ =	shalt  }
0x6d: {  	_ =	shalt  }
0x6e: {  	_ =	shalt  }
0x6f: {  	_ =	shalt  }
0x70: {  	_ =	shalt  }
0x71: {  	_ =	shalt  }
0x72: {  	_ =	shalt  }
0x73: {  	_ =	shalt  }
0x74: {  	_ =	shalt  }
0x75: {  	_ =	shalt  }
0x76: {  	_ =	shalt  }
0x77: {  	_ =	shalt  }
0x78: {  	_ =	shalt  }
0x79: {  	_ =	shalt  }
0x7a: {  	_ =	shalt  }
0x7b: {  	_ =	shalt  }
0x7c: {  	_ =	shalt  }
0x7d: {  	_ =	shalt  }
0x7e: {  	_ =	shalt  }
0x7f: {  	_ =	shalt  }
0x80: {  	_ =	shalt  }
0x81: {  	_ =	shalt  }
0x82: {  	_ =	shalt  }
0x83: {  	_ =	shalt  }
0x84: {  	_ =	shalt  }
0x85: {  	_ =	shalt  }
0x86: {  	_ =	shalt  }
0x87: {  	_ =	shalt  }
.Lfunc_end0:
.L_simem_size_0:
called_computation.4_lowered:
.L_overlay_start_0:
0x88: {  	s2 =	sld [smem:$0x3FD9]  }
0x89: {  	s3 =	sld [smem:$0x3FFE];
	_ =	sdelay $0x1  }
0x8a: {  	s1 =	srdreg.scid  }
0x8b: {  	s0 =	sand.u32 $0x1, s1  }
0x8c: {  	s17 =	sshll.u32 s0, $0xA;
	s2 =	sadd.s32 s3, s2  }
0x8d: {  	s2 =	sadd.s32 s2, s17  }
0x8e: {  	[smem:$0x3FAB] =	sst s2  }
0x8f: {  	_ = 	snop  }
0x90: {  	s2 =	sld [smem:$0x3FD0];
	(tm) =	ssettm $0x1  }
0x91: {  	s18 =	sld [smem:$0x3FFB];
	_ =	sdelay $0x3  }
0x92: {  	_ =	strace s18  }
0x93: {  	s3 =	sld [smem:$0x3FFC];
	_ =	sdelay $0x3  }
0x94: {  	_ =	strace s3  }
0x95: {  	s3 =	sld [smem:$0x3FFD];
	_ =	sdelay $0x3  }
0x96: {  	_ =	strace s3  }
0x97: {  	_ =	strace $0x8FFFFFFF  }
0x98: {  	s19 =	sld [smem:$0x3FDB];
	_ =	sdelay $0x1  }
0x99: {  	s4 =	simm.s32 $_scs_section_size  }
0x9a: {  	s5 =	simm.s32 $_size__tile_overlayer_lowered;
	s6 =	simm.s32 $_tile_overlayer_lowered  }
0x9b: {  	s22 =	simm.s32 $0x1BFF;
	s21 =	sshll.u32 s6, $0x1;
	s3 =	sadd.s32 s4, s19  }
0x9c: {  	s7 =	simm.s32 $0x0;
	s20 =	sshll.u32 s5, $0x1;
	s5 =	sadd.s32 s21, s3  }
0x9d: {  	[timem:s7], [sflag:s22] =	dma.local [hbm:s5], s20  }
0x9e: {  	_ =	swait.ge [sflag:s22], s20  }
0x9f: {  	s4 =	ssub.s32 $0x0, s20;
	[sflag:s22] =	ssyncset.done $0x0  }
0xa0: {  	[sflag:s22] =	ssyncadd.s32 s4;
	_ =	sdelay $0x1  }
0xa1: {  	s23 =	simm.s32 $0x1B8B  }
0xa2: {  	_ =	swait.ge [sflag:s23], $0x1  }
0xa3: {  	[sflag:s23] =	ssyncset.done $0x0  }
0xa4: {  	s25 =	simm.s32 $0x1B8E;
	s24 =	sld [smem:$0x3FFE];
	[sflag:s23] =	ssyncadd.s32 $0xFFFFFFFF  }
0xa5: {  	s26 =	simm.s32 $execute0_lowered;
	[smem:$0x3FD2] =	sst s25  }
0xa6: {  	s5 =	sshll.u32 s26, $0x1;
	_ =	strace $0x80000052;
	[dreg:$0x1] =	wrdreg $0xFFFFFFFF  }
0xa7: {  	s28 =	simm.s32 $_size_execute0_lowered;
	s3 =	sadd.s32 s3, s5;
	[dreg:$0x0] =	wrdreg $0x0  }
0xa8: {  	s5 =	sshll.u32 s28, $0x1;
	[dreg:$0x2] =	wrdreg s3  }
0xa9: {  	[dreg:$0x3] =	wrdreg s5  }
0xaa: {  	[dreg:$0x4] =	wrdreg $0xC0  }
0xab: {  	_ =	task [dreg:s7], $0x5FFFF  }
0xac: {  	[dreg:$0x1] =	wrdreg $0xFFFFFFFF  }
0xad: {  	[dreg:$0x0] =	wrdreg $0x60  }
0xae: {  	[dreg:$0x2] =	wrdreg s24  }
0xaf: {  	[dreg:$0x3] =	wrdreg s2  }
0xb0: {  	[dreg:$0x4] =	wrdreg $0xB8000  }
0xb1: {  	[dreg:$0x5] =	wrdreg $0x9  }
0xb2: {  	_ =	task.clear_ibuf [dreg:s7], $0x6FFFF;
	_ =	strace $0x90000052  }
0xb3: {  	s29 =	simm.s32 $0x9;
	_ =	strace $0x80000054  }
0xb4: {  	_ =	swait.ge [sflag:s29], $0x1  }
0xb5: {  	[sflag:s29] =	ssyncadd.s32 $0xFFFFFFFF  }
0xb6: {  	_ =	strace $0x90000054  }
0xb7: {  	_ =	sfence  }
0xb8: {  	s30 =	sld [smem:$0x0];
	_ =	sdelay $0x2  }
0xb9: {  	s31 =	sshll.u32 s1, $0xD;
	s1 =	sshrl.u32 s1, $0x2  }
0xba: {  	s3 =	sand.u32 $0x4000, s31;
	s1 =	sadd.s32 s1, s30  }
0xbb: {  	s0 =	sor.u32 s3, s0;
	s1 =	sshll.u32 s1, $0x11  }
0xbc: {  	s0 =	sor.u32 s1, s0  }
0xbd: {  	s0 =	sadd.s32 $0x8F2B, s0  }
0xbe: {  	[sflag:s0] =	ssyncadd.remote.s32 $0x1  }
0xbf: {  	_ =	sfence.sel $0xFFFF  }
0xc0: {  	[dreg:$0x0] =	wrdreg $0xFFFFFFFF;
	(pc) =	sbr.abs _section_cstart, $3  }
0xc1: {  	[dreg:$0x1] =	wrdreg $0xFFFFFFFF  }
0xc2: {  	_ =	task.clear_ibuf [dreg:s7], $0x2FFFF;
	_ =	strace $0x9FFFFFFF  }
0xc3: {  	(tm) =	ssettm $0x7FFFFFFF  }
tec
execute0_lowered:
.L_overlay_start_1:
0x0: {  	(tag) =	ssettag $0x1  }
0x1: {  	s6 =	rddreg [dreg:$0x0]  }
0x2: {  	s7 =	rddreg [dreg:$0x1]  }
0x3: {  	s2 =	rddreg [dreg:$0x2]  }
0x4: {  	s0 =	rddreg [dreg:$0x3]  }
0x5: {  	s3 =	simm.s32 $0x0;
	s1 =	stileid.u32;
	s5 =	srdreg.scid  }
0x6: {  	s18 =	simm.s32 $0x0;
	[smem:$0x7FF] =	sst s3;
	s8 =	smul.u32 $0x500, s1  }
0x7: {  	s4 =	sadd.s32 $0xAA200, s6;
	s16 =	sand.u32 $0x1, s5;
	s9 =	smul.u32 $0x50000, s1  }
0x8: {  	s5 =	sadd.s32 $0xB600, s6;
	s13 =	smul.u32 $0x14000, s1;
	s14 =	sadd.s32 $0x146600, s6  }
0x9: {  	s31 =	sshll.u32 s1, $0x6;
	_ =	strace $0x80000053;
	s11 =	smul.u32 $0x140000, s16  }
0xa: {  	s12 =	ssub.s32 $0x2, s16;
	s17 =	sor.u32 $0x2, s16;
	v0 =	vmov s16;
	s16 =	simm.s32 $0x7800  }
0xb: {  	s10 =	sadd.s32 s8, s6;
	s23 =	sshrl.u32 s12, $0x1;
	s15 =	smul.u32 $0x140000, s17  }
0xc: {  	s6 =	sadd.s32 s7, s8;
	s24 =	sshrl.u32 s9, $0x2;
	v1 =	vmov s17;
	s17 =	simm.s32 $0x1  }
0xd: {  	s12 =	ssub.s32 s12, s23;
	s7 =	sadd.s32 $0x6600, s10;
	s25 =	sadd.s32 s13, s11  }
0xe: {  	s28 =	sadd.s32 s24, s2;
	s11 =	simm.s32 $0x2;
	s26 =	sadd.s32 s13, s15  }
0xf: {  	s29 =	sshrl.u32 s25, $0x3;
	s10 =	smax.u32 s12, $0x1;
	s12 =	simm.s32 $0x5000  }
0x10: {  	s13 =	sor.u32 $0x1C02, s31;
	s15 =	simm.s32 $0x80;
	s30 =	sshrl.u32 s26, $0x3  }
0x11: {  	s8 =	sadd.s32 s14, s29;
	s9 =	sadd.s32 s14, s30;
	s14 =	sshrl.u32 s28, $0x3  }
.LBB2_1:
0x12: {  	[tilespmem:s3], [sflag:$0x2] =	stream.linear.gather [hbm4b:s6+s3], $0x2800, $0x38;
	[tilespmem:$0x1F800] =	vst v63  }
0x13: {  	_ =	swait.ge [sflag:s11], $0x2800  }
0x14: {  	[sflag:s11] =	ssyncset.done $0x0  }
0x15: {  	[sflag:s11] =	ssyncadd.s32 $0xFFFFD800  }
0x16: {  	[tilespmem:s12], [sflag:$0x2] =	stream.linear.gather [hbm4b:s7+s3], $0x2800, $0x38;
	[tilespmem:$0x1F800] =	vst v63  }
0x17: {  	_ =	swait.ge [sflag:s11], $0x2800  }
0x18: {  	[sflag:s11] =	ssyncset.done $0x0  }
0x19: {  	[sflag:s11] =	ssyncadd.s32 $0xFFFFD800  }
0x1a: {  	[spmem:s14], [sflag:s13] =	dma.local [hbm:s5], $0x2800  }
0x1b: {  	_ =	swait.ge [sflag:s11], $0x2800  }
0x1c: {  	[sflag:s11] =	ssyncset.done $0x0  }
0x1d: {  	s19 =	simm.s32 $0x0;
	[sflag:s11] =	ssyncadd.s32 $0xFFFFD800  }
0x1e: {  	v2 =	vld [tilespmem:s19+$0x0]  }
0x1f: {  	s20 =	simm.s32 $0x40  }
.LBB2_2:
0x20: {  	p0 =	sne.s32 s20, $0x9FC0  }
.Ltmp0:
0x21: {  	_ = 	snop;
	(pc) =	sbr.rel @p0 .LBB2_2-.Ltmp0, $4  }
0x22: {  	_ = 	snop  }
0x23: {  	s21 =	sshra.s32 s20, $0x2;
	s20 =	sadd.s32 $0x40, s20;
	v3 =	vshll.u32 v2, $0x2  }
0x24: {  	v2 =	vld [tilespmem:s21+$0x0];
	v3 =	vor.u32 v0, v3  }
0x25: {  	[tilespmem:s19+$0x2800] =	vst v3;
	s19 =	smov.u32 s21  }
0x26: {  	_ =	sdelay $0x2  }
0x27: {  	v2 =	vshll.u32 v2, $0x2  }
0x28: {  	v2 =	vor.u32 v0, v2  }
0x29: {  	[tilespmem:s19+$0x2800] =	vst v2  }
0x2a: {  	s30 =	simm.s32 $0x2800;
	[bflag:$0x0] =	sbarrier.arrive $0xFFFF  }
0x2b: {  	[tilespmem:s16], [sflag:$0x1] =	stream.indirect.gather [hbm4b:s4+s15], $0x80, s30, s15, $0xb8;
	[tilespmem:$0x1F800] =	vst v63  }
0x2c: {  	_ =	swait.ge [sflag:s17], $0x4000  }
0x2d: {  	[sflag:s17] =	ssyncset.done $0x0  }
0x2e: {  	s31 =	simm.s32 $0x5000;
	[sflag:s17] =	ssyncadd.s32 $0xFFFFC000  }
0x2f: {  	[spmem:s2] =	stream.indirect.scatter.add.f32 [tilespmem:s16], [sflag:$0x2], $0x80, s31, s15, $0xb8;
	[tilespmem:$0x1F800] =	vst v63  }
0x30: {  	_ =	swait.ge [sflag:s11], $0x4000  }
0x31: {  	s20 =	simm.s32 $0x400;
	s19 =	simm.s32 $0x80;
	[sflag:s11] =	ssyncset.done $0x0  }
.LBB2_4:
0x32: {  	s21 =	sadd.s32 $0x2800, s19  }
0x33: {  	[sflag:s11] =	ssyncadd.s32 $0xFFFFC000;
	s22 =	smov.u32 s20;
	s23 =	sadd.s32 $0x200, s20  }
0x34: {  	[tilespmem:s16], [sflag:$0x1] =	stream.indirect.gather [hbm4b:s4+s15], $0x80, s21, s15, $0xb8;
	[tilespmem:$0x1F800] =	vst v63  }
0x35: {  	p0 =	sne.s32 s20, $0x9E00;
	_ =	swait.ge [sflag:s17], $0x4000  }
.Ltmp1:
0x36: {  	[sflag:s17] =	ssyncset.done $0x0;
	(pc) =	sbr.rel @p0 .LBB2_4-.Ltmp1, $4  }
0x37: {  	s19 =	sadd.s32 $0x5000, s19;
	[sflag:s17] =	ssyncadd.s32 $0xFFFFC000  }
0x38: {  	[spmem:s2] =	stream.indirect.scatter.add.f32 [tilespmem:s16], [sflag:$0x2], $0x80, s19, s15, $0xb8;
	[tilespmem:$0x1F800] =	vst v63  }
0x39: {  	_ =	swait.ge [sflag:s11], $0x4000  }
0x3a: {  	s20 =	smov.u32 s23;
	s19 =	sshra.s32 s22, $0x2;
	[sflag:s11] =	ssyncset.done $0x0  }
0x3b: {  	s20 =	sadd.s32 $0x2800, s19;
	[sflag:s11] =	ssyncadd.s32 $0xFFFFC000  }
0x3c: {  	[tilespmem:s16], [sflag:$0x1] =	stream.indirect.gather [hbm4b:s4+s15], $0x80, s20, s15, $0xb8;
	[tilespmem:$0x1F800] =	vst v63  }
0x3d: {  	_ =	swait.ge [sflag:s17], $0x4000  }
0x3e: {  	[sflag:s17] =	ssyncset.done $0x0  }
0x3f: {  	s31 =	sadd.s32 $0x5000, s19;
	[sflag:s17] =	ssyncadd.s32 $0xFFFFC000  }
0x40: {  	[spmem:s2] =	stream.indirect.scatter.add.f32 [tilespmem:s16], [sflag:$0x2], $0x80, s31, s15, $0xb8;
	[tilespmem:$0x1F800] =	vst v63  }
0x41: {  	_ =	swait.ge [sflag:s11], $0x4000  }
0x42: {  	[sflag:s11] =	ssyncset.done $0x0  }
0x43: {  	[sflag:s11] =	ssyncadd.s32 $0xFFFFC000  }
0x44: {  	[bflag:$0x0] =	sbarrier.arrive $0xFFFF  }
0x45: {  	[hbm:s8], [sflag:s13] =	dma.local [spmem:s14], $0x2800  }
0x46: {  	_ =	swait.ge [sflag:s11], $0x2800  }
0x47: {  	[sflag:s11] =	ssyncset.done $0x0  }
0x48: {  	[sflag:s11] =	ssyncadd.s32 $0xFFFFD800  }
0x49: {  	[bflag:$0x0] =	sbarrier.arrive $0xFFFF  }
0x4a: {  	[spmem:s14], [sflag:s13] =	dma.local [hbm:s5], $0x2800  }
0x4b: {  	_ =	swait.ge [sflag:s11], $0x2800  }
0x4c: {  	[sflag:s11] =	ssyncset.done $0x0  }
0x4d: {  	s19 =	simm.s32 $0x0;
	[sflag:s11] =	ssyncadd.s32 $0xFFFFD800  }
0x4e: {  	v2 =	vld [tilespmem:s19+$0x0]  }
0x4f: {  	s20 =	simm.s32 $0x40  }
.LBB2_6:
0x50: {  	p0 =	sne.s32 s20, $0x9FC0  }
.Ltmp2:
0x51: {  	_ = 	snop;
	(pc) =	sbr.rel @p0 .LBB2_6-.Ltmp2, $4  }
0x52: {  	_ = 	snop  }
0x53: {  	s21 =	sshra.s32 s20, $0x2;
	s20 =	sadd.s32 $0x40, s20;
	v3 =	vshll.u32 v2, $0x2  }
0x54: {  	v2 =	vld [tilespmem:s21+$0x0];
	v3 =	vor.u32 v1, v3  }
0x55: {  	[tilespmem:s19+$0x2800] =	vst v3;
	s19 =	smov.u32 s21  }
0x56: {  	_ =	sdelay $0x2  }
0x57: {  	v2 =	vshll.u32 v2, $0x2  }
0x58: {  	v2 =	vor.u32 v1, v2  }
0x59: {  	[tilespmem:s19+$0x2800] =	vst v2  }
0x5a: {  	s30 =	simm.s32 $0x2800;
	[bflag:$0x0] =	sbarrier.arrive $0xFFFF  }
0x5b: {  	[tilespmem:s16], [sflag:$0x1] =	stream.indirect.gather [hbm4b:s4+s15], $0x80, s30, s15, $0xb8;
	[tilespmem:$0x1F800] =	vst v63  }
0x5c: {  	_ =	swait.ge [sflag:s17], $0x4000  }
0x5d: {  	[sflag:s17] =	ssyncset.done $0x0  }
0x5e: {  	s31 =	simm.s32 $0x5000;
	[sflag:s17] =	ssyncadd.s32 $0xFFFFC000  }
0x5f: {  	[spmem:s2] =	stream.indirect.scatter.add.f32 [tilespmem:s16], [sflag:$0x2], $0x80, s31, s15, $0xb8;
	[tilespmem:$0x1F800] =	vst v63  }
0x60: {  	_ =	swait.ge [sflag:s11], $0x4000  }
0x61: {  	s20 =	simm.s32 $0x400;
	s19 =	simm.s32 $0x80;
	[sflag:s11] =	ssyncset.done $0x0  }
.LBB2_8:
0x62: {  	s21 =	sadd.s32 $0x2800, s19  }
0x63: {  	[sflag:s11] =	ssyncadd.s32 $0xFFFFC000;
	s22 =	smov.u32 s20;
	s23 =	sadd.s32 $0x200, s20  }
0x64: {  	[tilespmem:s16], [sflag:$0x1] =	stream.indirect.gather [hbm4b:s4+s15], $0x80, s21, s15, $0xb8;
	[tilespmem:$0x1F800] =	vst v63  }
0x65: {  	p0 =	sne.s32 s20, $0x9E00;
	_ =	swait.ge [sflag:s17], $0x4000  }
.Ltmp3:
0x66: {  	[sflag:s17] =	ssyncset.done $0x0;
	(pc) =	sbr.rel @p0 .LBB2_8-.Ltmp3, $4  }
0x67: {  	s19 =	sadd.s32 $0x5000, s19;
	[sflag:s17] =	ssyncadd.s32 $0xFFFFC000  }
0x68: {  	[spmem:s2] =	stream.indirect.scatter.add.f32 [tilespmem:s16], [sflag:$0x2], $0x80, s19, s15, $0xb8;
	[tilespmem:$0x1F800] =	vst v63  }
0x69: {  	_ =	swait.ge [sflag:s11], $0x4000  }
0x6a: {  	s20 =	smov.u32 s23;
	s19 =	sshra.s32 s22, $0x2;
	[sflag:s11] =	ssyncset.done $0x0  }
0x6b: {  	s20 =	sadd.s32 $0x2800, s19;
	[sflag:s11] =	ssyncadd.s32 $0xFFFFC000  }
0x6c: {  	[tilespmem:s16], [sflag:$0x1] =	stream.indirect.gather [hbm4b:s4+s15], $0x80, s20, s15, $0xb8;
	[tilespmem:$0x1F800] =	vst v63  }
0x6d: {  	_ =	swait.ge [sflag:s17], $0x4000  }
0x6e: {  	[sflag:s17] =	ssyncset.done $0x0  }
0x6f: {  	s31 =	sadd.s32 $0x5000, s19;
	[sflag:s17] =	ssyncadd.s32 $0xFFFFC000  }
0x70: {  	[spmem:s2] =	stream.indirect.scatter.add.f32 [tilespmem:s16], [sflag:$0x2], $0x80, s31, s15, $0xb8;
	[tilespmem:$0x1F800] =	vst v63  }
0x71: {  	_ =	swait.ge [sflag:s11], $0x4000  }
0x72: {  	[sflag:s11] =	ssyncset.done $0x0  }
0x73: {  	s18 =	sadd.s32 $0x1, s18;
	[sflag:s11] =	ssyncadd.s32 $0xFFFFC000  }
0x74: {  	p0 =	sne.s32 s18, s10;
	[bflag:$0x0] =	sbarrier.arrive $0xFFFF  }
0x75: {  	[hbm:s9], [sflag:s13] =	dma.local [spmem:s14], $0x2800  }
.Ltmp4:
0x76: {  	_ =	swait.ge [sflag:s11], $0x2800;
	(pc) =	sbr.rel @p0 .LBB2_1-.Ltmp4, $3  }
0x77: {  	[sflag:s11] =	ssyncset.done $0x0  }
0x78: {  	[sflag:s11] =	ssyncadd.s32 $0xFFFFD800  }
0x79: {  	[bflag:$0x0] =	sbarrier.arrive $0xFFFF;
	_ =	sdelay $0x1  }
0x7a: {  	_ =	sfence.sel $0x180000  }
0x7b: {  	[bflag:$0x0] =	sbarrier.arrive $0xFFFF  }
0x7c: {  	p0 =	sne.s32 s1, $0x0;
	_ =	strace $0x90000053  }
0x7d: {  	s0 =	sadd.s32 @!p0 $0x100000, s0;
	[bflag:$0x2] =	sbarrier.arrive $0xFFFF  }
0x7e: {  	[sflag:s0] =	ssyncadd.tile.s32 @!p0 $0x1;
	_ =	shalt  }
.Lfunc_end2:
_tile_overlayer_lowered:
.L_overlay_start_2:
0x7f: {  	(tag) =	ssettag $0x2  }
0x80: {  	s0 =	rddreg [dreg:$0x0];
	s2 =	stileid.u32  }
0x81: {  	s1 =	rddreg [dreg:$0x1];
	p0 =	sne.s32 s2, $0x0  }
0x82: {  	s3 =	rddreg [dreg:$0x2];
	[bflag:$0x3] =	sbarrier.arrive $0xFFFF;
	s2 =	simm.s32 @!p0 $0x1C02  }
0x83: {  	[timem:s3], [sflag:s2] =	dma.local @!p0 [hbm:s0], s1  }
0x84: {  	s0 =	simm.s32 @!p0 $0x2  }
0x85: {  	_ =	swait.ge @!p0 [sflag:s0], s1  }
0x86: {  	s1 =	ssub.s32 @!p0 $0x0, s1;
	[sflag:s0] =	ssyncset.done @!p0 $0x0  }
0x87: {  	[sflag:s0] =	ssyncadd.s32 @!p0 s1  }
0x88: {  	[bflag:$0x3] =	sbarrier.arrive $0xFFFF  }
0x89: {  	_ =	shalt  }

// kernel: kernel.37.cloned.1.call-start
scs
__scs_entry_jumppad:
0x0: {  	(pc) =	sbr.rel $0x88, $3  }
0x1: {  	(tag) =	ssettag $0x0;
	lr =	simm.s32 $0x1  }
0x2: {  	[smem:$0x3F84] =	sst lr;
	_ =	strace $0xD0000000  }
0x3: {  	_ = 	snop  }
0x4: {  	_ = 	snop  }
0x5: {  	_ = 	snop  }
0x6: {  	_ = 	snop  }
0x7: {  	_ = 	snop  }
__scs_overlays_trampoline_lowered:
0x8: {  	[smem:$0x3F93] =	sst s0  }
0x9: {  	[smem:$0x3F94] =	sst s1  }
0xa: {  	[smem:$0x3F95] =	sst s2  }
0xb: {  	[smem:$0x3F96] =	sst s3  }
0xc: {  	[smem:$0x3F97] =	sst s4  }
0xd: {  	[smem:$0x3F98] =	sst s5  }
0xe: {  	[smem:$0x3F99] =	sst s6  }
0xf: {  	[smem:$0x3F9A] =	sst s7  }
0x10: {  	[smem:$0x3F9B] =	sst s8  }
0x11: {  	[smem:$0x3F9C] =	sst s9;
	s0 =	simm.s32 @!p0 $0x0  }
0x12: {  	s1 =	sld [smem:$0x3F82];
	s0 =	simm.s32 @p0 $0x1  }
0x13: {  	[smem:$0x3F9D] =	sst s0;
	s0 =	simm.s32 @!p1 $0x0  }
0x14: {  	s2 =	sld [smem:$0x3F81];
	s0 =	simm.s32 @p1 $0x1  }
0x15: {  	[smem:$0x3F9E] =	sst s0;
	s0 =	simm.s32 @!p2 $0x0  }
0x16: {  	s3 =	sld [smem:$0x3FDB];
	s0 =	simm.s32 @p2 $0x1  }
0x17: {  	s4 =	simm.s32 $0x1BF5;
	[smem:$0x3FA0] =	sst s0  }
0x18: {  	s0 =	sld [smem:$0x3F83];
	_ =	swait.ge [sflag:s4], $0x0  }
0x19: {  	s7 =	sld [smem:$0x3F84]  }
0x1a: {  	s8 =	sadd.s32 $0xFFFFE003, lr  }
0x1b: {  	s9 =	sadd.s32 $0xFFFFFEF7, lr;
	s5 =	simm.s32 $0xFFFFFFFF;
	p2 =	slt.u32 s8, $0xFFFFF086  }
0x1c: {  	p1 =	slt.u32 s9, $0xF7A;
	s5 =	simm.s32 @!p2 $0x0  }
0x1d: {  	s5 =	simm.s32 @p1 $0x1;
	p0 =	seq.s32 s7, s2  }
0x1e: {  	s7 =	smul.u32 @!p0 $0xF7A, s2;
	p2 =	seq.s32 @!p0 s5, $0x0  }
0x1f: {  	s9 =	smul.u32 $0xF7A, s1;
	s8 =	simm.s32 @!p0 $0x1BF5;
	p2 =	por !p2, p0  }
0x20: {  	[sflag:s8] =	ssyncset.s32 @!p0 $0xFFFFF086;
	s6 =	sadd.s32 @!p0 s3, s7;
	s7 =	simm.s32 @!p0 $0x108  }
0x21: {  	s3 =	sadd.s32 s3, s9;
	s6 =	sadd.s32 @!p0 $0x88, s6;
	s7 =	simm.s32 @p2 $0x1082  }
0x22: {  	[simem:s7], [sflag:s8] =	dma.local @!p0 [hbm:s6], $0xF7A  }
0x23: {  	s9 =	sor.u32 $0xD0000000, s2;
	s6 =	simm.s32 $0x108;
	_ =	swait.ge @!p0 [sflag:s8], $0x0  }
0x24: {  	s3 =	sadd.s32 $0x88, s3;
	s6 =	simm.s32 @!p1 $0x1082;
	[sflag:s4] =	ssyncset.s32 $0xFFFFF086  }
0x25: {  	[simem:s6], [sflag:s4] =	dma.local [hbm:s3], $0xF7A  }
0x26: {  	[smem:$0x3F84] =	sst s1;
	(tag) =	ssettag s2;
	_ =	strace s9  }
0x27: {  	s1 =	sld [smem:$0x3F94]  }
0x28: {  	s2 =	sld [smem:$0x3F95]  }
0x29: {  	s4 =	sld [smem:$0x3F97]  }
0x2a: {  	p0 =	seq.s32 s5, $0x0;
	s5 =	sld [smem:$0x3F98]  }
0x2b: {  	s6 =	sld [smem:$0x3F99]  }
0x2c: {  	s7 =	sld [smem:$0x3F9A]  }
0x2d: {  	s3 =	simm.s32 $0x108;
	s8 =	sld [smem:$0x3F9B]  }
0x2e: {  	s3 =	simm.s32 @!p0 $0x1082;
	s9 =	sld [smem:$0x3F9C]  }
0x2f: {  	lr =	sadd.s32 s0, s3;
	s0 =	sld [smem:$0x3F93]  }
0x30: {  	s3 =	sld [smem:$0x3F96]  }
0x31: {  	[smem:$0x3F9F] =	sst s10  }
0x32: {  	s10 =	sld [smem:$0x3F9D];
	_ =	sdelay $0x3  }
0x33: {  	p0 =	seq.s32 s10, $0x1;
	s10 =	sld [smem:$0x3F9F];
	_ =	sdelay $0x3  }
0x34: {  	[smem:$0x3F9F] =	sst s10  }
0x35: {  	s10 =	sld [smem:$0x3F9E];
	_ =	sdelay $0x3  }
0x36: {  	p1 =	seq.s32 s10, $0x1;
	s10 =	sld [smem:$0x3F9F];
	_ =	sdelay $0x3  }
0x37: {  	[smem:$0x3F9F] =	sst s10  }
0x38: {  	s10 =	sld [smem:$0x3FA0]  }
0x39: {  	_ = 	snop;
	(pc) =	sbr.ind lr, $3  }
0x3a: {  	_ = 	snop  }
0x3b: {  	_ = 	snop  }
0x3c: {  	p2 =	seq.s32 s10, $0x1;
	s10 =	sld [smem:$0x3F9F]  }
0x3d: {  	_ =	shalt  }
0x3e: {  	_ =	shalt  }
0x3f: {  	_ =	shalt  }
0x40: {  	_ =	shalt  }
0x41: {  	_ =	shalt  }
0x42: {  	_ =	shalt  }
0x43: {  	_ =	shalt  }
0x44: {  	_ =	shalt  }
0x45: {  	_ =	shalt  }
0x46: {  	_ =	shalt  }
0x47: {  	_ =	shalt  }
0x48: {  	_ =	shalt  }
0x49: {  	_ =	shalt  }
0x4a: {  	_ =	shalt  }
0x4b: {  	_ =	shalt  }
0x4c: {  	_ =	shalt  }
0x4d: {  	_ =	shalt  }
0x4e: {  	_ =	shalt  }
0x4f: {  	_ =	shalt  }
0x50: {  	_ =	shalt  }
0x51: {  	_ =	shalt  }
0x52: {  	_ =	shalt  }
0x53: {  	_ =	shalt  }
0x54: {  	_ =	shalt  }
0x55: {  	_ =	shalt  }
0x56: {  	_ =	shalt  }
0x57: {  	_ =	shalt  }
0x58: {  	_ =	shalt  }
0x59: {  	_ =	shalt  }
0x5a: {  	_ =	shalt  }
0x5b: {  	_ =	shalt  }
0x5c: {  	_ =	shalt  }
0x5d: {  	_ =	shalt  }
0x5e: {  	_ =	shalt  }
0x5f: {  	_ =	shalt  }
0x60: {  	_ =	shalt  }
0x61: {  	_ =	shalt  }
0x62: {  	_ =	shalt  }
0x63: {  	_ =	shalt  }
0x64: {  	_ =	shalt  }
0x65: {  	_ =	shalt  }
0x66: {  	_ =	shalt  }
0x67: {  	_ =	shalt  }
0x68: {  	_ =	shalt  }
0x69: {  	_ =	shalt  }
0x6a: {  	_ =	shalt  }
0x6b: {  	_ =	shalt  }
0x6c: {  	_ =	shalt  }
0x6d: {  	_ =	shalt  }
0x6e: {  	_ =	shalt  }
0x6f: {  	_ =	shalt  }
0x70: {  	_ =	shalt  }
0x71: {  	_ =	shalt  }
0x72: {  	_ =	shalt  }
0x73: {  	_ =	shalt  }
0x74: {  	_ =	shalt  }
0x75: {  	_ =	shalt  }
0x76: {  	_ =	shalt  }
0x77: {  	_ =	shalt  }
0x78: {  	_ =	shalt  }
0x79: {  	_ =	shalt  }
0x7a: {  	_ =	shalt  }
0x7b: {  	_ =	shalt  }
0x7c: {  	_ =	shalt  }
0x7d: {  	_ =	shalt  }
0x7e: {  	_ =	shalt  }
0x7f: {  	_ =	shalt  }
0x80: {  	_ =	shalt  }
0x81: {  	_ =	shalt  }
0x82: {  	_ =	shalt  }
0x83: {  	_ =	shalt  }
0x84: {  	_ =	shalt  }
0x85: {  	_ =	shalt  }
0x86: {  	_ =	shalt  }
0x87: {  	_ =	shalt  }
.Lfunc_end0:
.L_simem_size_0:
called_computation.5_lowered:
.L_overlay_start_0:
0x88: {  	s2 =	sld [smem:$0x3FD9]  }
0x89: {  	s3 =	sld [smem:$0x3FFE];
	_ =	sdelay $0x1  }
0x8a: {  	s1 =	srdreg.scid  }
0x8b: {  	s0 =	sand.u32 $0x1, s1  }
0x8c: {  	s17 =	sshll.u32 s0, $0xA;
	s2 =	sadd.s32 s3, s2  }
0x8d: {  	s2 =	sadd.s32 s2, s17  }
0x8e: {  	[smem:$0x3FAB] =	sst s2  }
0x8f: {  	_ = 	snop  }
0x90: {  	s2 =	sld [smem:$0x3FD0];
	(tm) =	ssettm $0x1  }
0x91: {  	s18 =	sld [smem:$0x3FFB];
	_ =	sdelay $0x3  }
0x92: {  	_ =	strace s18  }
0x93: {  	s3 =	sld [smem:$0x3FFC];
	_ =	sdelay $0x3  }
0x94: {  	_ =	strace s3  }
0x95: {  	s3 =	sld [smem:$0x3FFD];
	_ =	sdelay $0x3  }
0x96: {  	_ =	strace s3  }
0x97: {  	_ =	strace $0x8FFFFFFF  }
0x98: {  	s19 =	sld [smem:$0x3FDB];
	_ =	sdelay $0x1  }
0x99: {  	s4 =	simm.s32 $_scs_section_size  }
0x9a: {  	s5 =	simm.s32 $_size__tile_overlayer_lowered;
	s6 =	simm.s32 $_tile_overlayer_lowered  }
0x9b: {  	s22 =	simm.s32 $0x1BFF;
	s21 =	sshll.u32 s6, $0x1;
	s3 =	sadd.s32 s4, s19  }
0x9c: {  	s7 =	simm.s32 $0x0;
	s20 =	sshll.u32 s5, $0x1;
	s5 =	sadd.s32 s21, s3  }
0x9d: {  	[timem:s7], [sflag:s22] =	dma.local [hbm:s5], s20  }
0x9e: {  	_ =	swait.ge [sflag:s22], s20  }
0x9f: {  	s4 =	ssub.s32 $0x0, s20;
	[sflag:s22] =	ssyncset.done $0x0  }
0xa0: {  	[sflag:s22] =	ssyncadd.s32 s4;
	_ =	sdelay $0x1  }
0xa1: {  	s23 =	simm.s32 $0x1B8B  }
0xa2: {  	_ =	swait.ge [sflag:s23], $0x1  }
0xa3: {  	[sflag:s23] =	ssyncset.done $0x0  }
0xa4: {  	s25 =	simm.s32 $0x1B8E;
	s24 =	sld [smem:$0x3FFE];
	[sflag:s23] =	ssyncadd.s32 $0xFFFFFFFF  }
0xa5: {  	s26 =	simm.s32 $execute0_lowered;
	[smem:$0x3FD2] =	sst s25  }
0xa6: {  	s5 =	sshll.u32 s26, $0x1;
	_ =	strace $0x80000055;
	[dreg:$0x1] =	wrdreg $0xFFFFFFFF  }
0xa7: {  	s28 =	simm.s32 $_size_execute0_lowered;
	s3 =	sadd.s32 s3, s5;
	[dreg:$0x0] =	wrdreg $0x0  }
0xa8: {  	s5 =	sshll.u32 s28, $0x1;
	[dreg:$0x2] =	wrdreg s3  }
0xa9: {  	[dreg:$0x3] =	wrdreg s5  }
0xaa: {  	[dreg:$0x4] =	wrdreg $0xC0  }
0xab: {  	_ =	task [dreg:s7], $0x5FFFF  }
0xac: {  	[dreg:$0x1] =	wrdreg $0xFFFFFFFF  }
0xad: {  	[dreg:$0x0] =	wrdreg $0x60  }
0xae: {  	[dreg:$0x2] =	wrdreg s24  }
0xaf: {  	[dreg:$0x3] =	wrdreg s2  }
0xb0: {  	[dreg:$0x4] =	wrdreg $0xB8000  }
0xb1: {  	[dreg:$0x5] =	wrdreg $0x9  }
0xb2: {  	_ =	task.clear_ibuf [dreg:s7], $0x6FFFF;
	_ =	strace $0x90000055  }
0xb3: {  	s29 =	simm.s32 $0x9;
	_ =	strace $0x80000057  }
0xb4: {  	_ =	swait.ge [sflag:s29], $0x1  }
0xb5: {  	[sflag:s29] =	ssyncadd.s32 $0xFFFFFFFF  }
0xb6: {  	_ =	strace $0x90000057  }
0xb7: {  	_ =	sfence  }
0xb8: {  	s30 =	sld [smem:$0x0];
	_ =	sdelay $0x2  }
0xb9: {  	s31 =	sshll.u32 s1, $0xD;
	s1 =	sshrl.u32 s1, $0x2  }
0xba: {  	s3 =	sand.u32 $0x4000, s31;
	s1 =	sadd.s32 s1, s30  }
0xbb: {  	s0 =	sor.u32 s3, s0;
	s1 =	sshll.u32 s1, $0x11  }
0xbc: {  	s0 =	sor.u32 s1, s0  }
0xbd: {  	s0 =	sadd.s32 $0x8F2B, s0  }
0xbe: {  	[sflag:s0] =	ssyncadd.remote.s32 $0x1  }
0xbf: {  	_ =	sfence.sel $0xFFFF  }
0xc0: {  	[dreg:$0x0] =	wrdreg $0xFFFFFFFF;
	(pc) =	sbr.abs _section_cstart, $3  }
0xc1: {  	[dreg:$0x1] =	wrdreg $0xFFFFFFFF  }
0xc2: {  	_ =	task.clear_ibuf [dreg:s7], $0x2FFFF;
	_ =	strace $0x9FFFFFFF  }
0xc3: {  	(tm) =	ssettm $0x7FFFFFFF  }
tec
execute0_lowered:
.L_overlay_start_1:
0x0: {  	(tag) =	ssettag $0x1  }
0x1: {  	s6 =	rddreg [dreg:$0x0]  }
0x2: {  	s7 =	rddreg [dreg:$0x1]  }
0x3: {  	s2 =	rddreg [dreg:$0x2]  }
0x4: {  	s0 =	rddreg [dreg:$0x3]  }
0x5: {  	s3 =	simm.s32 $0x0;
	s1 =	stileid.u32;
	s5 =	srdreg.scid  }
0x6: {  	s18 =	simm.s32 $0x0;
	[smem:$0x7FF] =	sst s3;
	s8 =	smul.u32 $0x500, s1  }
0x7: {  	s4 =	sadd.s32 $0xDE00, s6;
	s16 =	sand.u32 $0x1, s5;
	s9 =	smul.u32 $0x50000, s1  }
0x8: {  	s5 =	sadd.s32 $0xB600, s6;
	s13 =	smul.u32 $0x14000, s1;
	s14 =	sadd.s32 $0x146600, s6  }
0x9: {  	s31 =	sshll.u32 s1, $0x6;
	_ =	strace $0x80000056;
	s11 =	smul.u32 $0x140000, s16  }
0xa: {  	s12 =	ssub.s32 $0x2, s16;
	s17 =	sor.u32 $0x2, s16;
	v0 =	vmov s16;
	s16 =	simm.s32 $0x7800  }
0xb: {  	s10 =	sadd.s32 s8, s6;
	s23 =	sshrl.u32 s12, $0x1;
	s15 =	smul.u32 $0x140000, s17  }
0xc: {  	s6 =	sadd.s32 s7, s8;
	s24 =	sshrl.u32 s9, $0x2;
	v1 =	vmov s17;
	s17 =	simm.s32 $0x1  }
0xd: {  	s12 =	ssub.s32 s12, s23;
	s7 =	sadd.s32 $0x6600, s10;
	s25 =	sadd.s32 s13, s11  }
0xe: {  	s28 =	sadd.s32 s24, s2;
	s11 =	simm.s32 $0x2;
	s26 =	sadd.s32 s13, s15  }
0xf: {  	s29 =	sshrl.u32 s25, $0x3;
	s10 =	smax.u32 s12, $0x1;
	s12 =	simm.s32 $0x5000  }
0x10: {  	s13 =	sor.u32 $0x1C02, s31;
	s15 =	simm.s32 $0x80;
	s30 =	sshrl.u32 s26, $0x3  }
0x11: {  	s8 =	sadd.s32 s14, s29;
	s9 =	sadd.s32 s14, s30;
	s14 =	sshrl.u32 s28, $0x3  }
.LBB2_1:
0x12: {  	[tilespmem:s3], [sflag:$0x2] =	stream.linear.gather [hbm4b:s6+s3], $0x2800, $0x38;
	[tilespmem:$0x1F800] =	vst v63  }
0x13: {  	_ =	swait.ge [sflag:s11], $0x2800  }
0x14: {  	[sflag:s11] =	ssyncset.done $0x0  }
0x15: {  	[sflag:s11] =	ssyncadd.s32 $0xFFFFD800  }
0x16: {  	[tilespmem:s12], [sflag:$0x2] =	stream.linear.gather [hbm4b:s7+s3], $0x2800, $0x38;
	[tilespmem:$0x1F800] =	vst v63  }
0x17: {  	_ =	swait.ge [sflag:s11], $0x2800  }
0x18: {  	[sflag:s11] =	ssyncset.done $0x0  }
0x19: {  	[sflag:s11] =	ssyncadd.s32 $0xFFFFD800  }
0x1a: {  	[spmem:s14], [sflag:s13] =	dma.local [hbm:s5], $0x2800  }
0x1b: {  	_ =	swait.ge [sflag:s11], $0x2800  }
0x1c: {  	[sflag:s11] =	ssyncset.done $0x0  }
0x1d: {  	s19 =	simm.s32 $0x0;
	[sflag:s11] =	ssyncadd.s32 $0xFFFFD800  }
0x1e: {  	v2 =	vld [tilespmem:s19+$0x0]  }
0x1f: {  	s20 =	simm.s32 $0x40  }
.LBB2_2:
0x20: {  	p0 =	sne.s32 s20, $0x9FC0  }
.Ltmp0:
0x21: {  	_ = 	snop;
	(pc) =	sbr.rel @p0 .LBB2_2-.Ltmp0, $4  }
0x22: {  	_ = 	snop  }
0x23: {  	s21 =	sshra.s32 s20, $0x2;
	s20 =	sadd.s32 $0x40, s20;
	v3 =	vshll.u32 v2, $0x2  }
0x24: {  	v2 =	vld [tilespmem:s21+$0x0];
	v3 =	vor.u32 v0, v3  }
0x25: {  	[tilespmem:s19+$0x2800] =	vst v3;
	s19 =	smov.u32 s21  }
0x26: {  	_ =	sdelay $0x2  }
0x27: {  	v2 =	vshll.u32 v2, $0x2  }
0x28: {  	v2 =	vor.u32 v0, v2  }
0x29: {  	[tilespmem:s19+$0x2800] =	vst v2  }
0x2a: {  	s30 =	simm.s32 $0x2800;
	[bflag:$0x0] =	sbarrier.arrive $0xFFFF  }
0x2b: {  	[tilespmem:s16], [sflag:$0x1] =	stream.indirect.gather [hbm4b:s4+s15], $0x80, s30, s15, $0xb8;
	[tilespmem:$0x1F800] =	vst v63  }
0x2c: {  	_ =	swait.ge [sflag:s17], $0x4000  }
0x2d: {  	[sflag:s17] =	ssyncset.done $0x0  }
0x2e: {  	s31 =	simm.s32 $0x5000;
	[sflag:s17] =	ssyncadd.s32 $0xFFFFC000  }
0x2f: {  	[spmem:s2] =	stream.indirect.scatter.add.f32 [tilespmem:s16], [sflag:$0x2], $0x80, s31, s15, $0xb8;
	[tilespmem:$0x1F800] =	vst v63  }
0x30: {  	_ =	swait.ge [sflag:s11], $0x4000  }
0x31: {  	s20 =	simm.s32 $0x400;
	s19 =	simm.s32 $0x80;
	[sflag:s11] =	ssyncset.done $0x0  }
.LBB2_4:
0x32: {  	s21 =	sadd.s32 $0x2800, s19  }
0x33: {  	[sflag:s11] =	ssyncadd.s32 $0xFFFFC000;
	s22 =	smov.u32 s20;
	s23 =	sadd.s32 $0x200, s20  }
0x34: {  	[tilespmem:s16], [sflag:$0x1] =	stream.indirect.gather [hbm4b:s4+s15], $0x80, s21, s15, $0xb8;
	[tilespmem:$0x1F800] =	vst v63  }
0x35: {  	p0 =	sne.s32 s20, $0x9E00;
	_ =	swait.ge [sflag:s17], $0x4000  }
.Ltmp1:
0x36: {  	[sflag:s17] =	ssyncset.done $0x0;
	(pc) =	sbr.rel @p0 .LBB2_4-.Ltmp1, $4  }
0x37: {  	s19 =	sadd.s32 $0x5000, s19;
	[sflag:s17] =	ssyncadd.s32 $0xFFFFC000  }
0x38: {  	[spmem:s2] =	stream.indirect.scatter.add.f32 [tilespmem:s16], [sflag:$0x2], $0x80, s19, s15, $0xb8;
	[tilespmem:$0x1F800] =	vst v63  }
0x39: {  	_ =	swait.ge [sflag:s11], $0x4000  }
0x3a: {  	s20 =	smov.u32 s23;
	s19 =	sshra.s32 s22, $0x2;
	[sflag:s11] =	ssyncset.done $0x0  }
0x3b: {  	s20 =	sadd.s32 $0x2800, s19;
	[sflag:s11] =	ssyncadd.s32 $0xFFFFC000  }
0x3c: {  	[tilespmem:s16], [sflag:$0x1] =	stream.indirect.gather [hbm4b:s4+s15], $0x80, s20, s15, $0xb8;
	[tilespmem:$0x1F800] =	vst v63  }
0x3d: {  	_ =	swait.ge [sflag:s17], $0x4000  }
0x3e: {  	[sflag:s17] =	ssyncset.done $0x0  }
0x3f: {  	s31 =	sadd.s32 $0x5000, s19;
	[sflag:s17] =	ssyncadd.s32 $0xFFFFC000  }
0x40: {  	[spmem:s2] =	stream.indirect.scatter.add.f32 [tilespmem:s16], [sflag:$0x2], $0x80, s31, s15, $0xb8;
	[tilespmem:$0x1F800] =	vst v63  }
0x41: {  	_ =	swait.ge [sflag:s11], $0x4000  }
0x42: {  	[sflag:s11] =	ssyncset.done $0x0  }
0x43: {  	[sflag:s11] =	ssyncadd.s32 $0xFFFFC000  }
0x44: {  	[bflag:$0x0] =	sbarrier.arrive $0xFFFF  }
0x45: {  	[hbm:s8], [sflag:s13] =	dma.local [spmem:s14], $0x2800  }
0x46: {  	_ =	swait.ge [sflag:s11], $0x2800  }
0x47: {  	[sflag:s11] =	ssyncset.done $0x0  }
0x48: {  	[sflag:s11] =	ssyncadd.s32 $0xFFFFD800  }
0x49: {  	[bflag:$0x0] =	sbarrier.arrive $0xFFFF  }
0x4a: {  	[spmem:s14], [sflag:s13] =	dma.local [hbm:s5], $0x2800  }
0x4b: {  	_ =	swait.ge [sflag:s11], $0x2800  }
0x4c: {  	[sflag:s11] =	ssyncset.done $0x0  }
0x4d: {  	s19 =	simm.s32 $0x0;
	[sflag:s11] =	ssyncadd.s32 $0xFFFFD800  }
0x4e: {  	v2 =	vld [tilespmem:s19+$0x0]  }
0x4f: {  	s20 =	simm.s32 $0x40  }
.LBB2_6:
0x50: {  	p0 =	sne.s32 s20, $0x9FC0  }
.Ltmp2:
0x51: {  	_ = 	snop;
	(pc) =	sbr.rel @p0 .LBB2_6-.Ltmp2, $4  }
0x52: {  	_ = 	snop  }
0x53: {  	s21 =	sshra.s32 s20, $0x2;
	s20 =	sadd.s32 $0x40, s20;
	v3 =	vshll.u32 v2, $0x2  }
0x54: {  	v2 =	vld [tilespmem:s21+$0x0];
	v3 =	vor.u32 v1, v3  }
0x55: {  	[tilespmem:s19+$0x2800] =	vst v3;
	s19 =	smov.u32 s21  }
0x56: {  	_ =	sdelay $0x2  }
0x57: {  	v2 =	vshll.u32 v2, $0x2  }
0x58: {  	v2 =	vor.u32 v1, v2  }
0x59: {  	[tilespmem:s19+$0x2800] =	vst v2  }
0x5a: {  	s30 =	simm.s32 $0x2800;
	[bflag:$0x0] =	sbarrier.arrive $0xFFFF  }
0x5b: {  	[tilespmem:s16], [sflag:$0x1] =	stream.indirect.gather [hbm4b:s4+s15], $0x80, s30, s15, $0xb8;
	[tilespmem:$0x1F800] =	vst v63  }
0x5c: {  	_ =	swait.ge [sflag:s17], $0x4000  }
0x5d: {  	[sflag:s17] =	ssyncset.done $0x0  }
0x5e: {  	s31 =	simm.s32 $0x5000;
	[sflag:s17] =	ssyncadd.s32 $0xFFFFC000  }
0x5f: {  	[spmem:s2] =	stream.indirect.scatter.add.f32 [tilespmem:s16], [sflag:$0x2], $0x80, s31, s15, $0xb8;
	[tilespmem:$0x1F800] =	vst v63  }
0x60: {  	_ =	swait.ge [sflag:s11], $0x4000  }
0x61: {  	s20 =	simm.s32 $0x400;
	s19 =	simm.s32 $0x80;
	[sflag:s11] =	ssyncset.done $0x0  }
.LBB2_8:
0x62: {  	s21 =	sadd.s32 $0x2800, s19  }
0x63: {  	[sflag:s11] =	ssyncadd.s32 $0xFFFFC000;
	s22 =	smov.u32 s20;
	s23 =	sadd.s32 $0x200, s20  }
0x64: {  	[tilespmem:s16], [sflag:$0x1] =	stream.indirect.gather [hbm4b:s4+s15], $0x80, s21, s15, $0xb8;
	[tilespmem:$0x1F800] =	vst v63  }
0x65: {  	p0 =	sne.s32 s20, $0x9E00;
	_ =	swait.ge [sflag:s17], $0x4000  }
.Ltmp3:
0x66: {  	[sflag:s17] =	ssyncset.done $0x0;
	(pc) =	sbr.rel @p0 .LBB2_8-.Ltmp3, $4  }
0x67: {  	s19 =	sadd.s32 $0x5000, s19;
	[sflag:s17] =	ssyncadd.s32 $0xFFFFC000  }
0x68: {  	[spmem:s2] =	stream.indirect.scatter.add.f32 [tilespmem:s16], [sflag:$0x2], $0x80, s19, s15, $0xb8;
	[tilespmem:$0x1F800] =	vst v63  }
0x69: {  	_ =	swait.ge [sflag:s11], $0x4000  }
0x6a: {  	s20 =	smov.u32 s23;
	s19 =	sshra.s32 s22, $0x2;
	[sflag:s11] =	ssyncset.done $0x0  }
0x6b: {  	s20 =	sadd.s32 $0x2800, s19;
	[sflag:s11] =	ssyncadd.s32 $0xFFFFC000  }
0x6c: {  	[tilespmem:s16], [sflag:$0x1] =	stream.indirect.gather [hbm4b:s4+s15], $0x80, s20, s15, $0xb8;
	[tilespmem:$0x1F800] =	vst v63  }
0x6d: {  	_ =	swait.ge [sflag:s17], $0x4000  }
0x6e: {  	[sflag:s17] =	ssyncset.done $0x0  }
0x6f: {  	s31 =	sadd.s32 $0x5000, s19;
	[sflag:s17] =	ssyncadd.s32 $0xFFFFC000  }
0x70: {  	[spmem:s2] =	stream.indirect.scatter.add.f32 [tilespmem:s16], [sflag:$0x2], $0x80, s31, s15, $0xb8;
	[tilespmem:$0x1F800] =	vst v63  }
0x71: {  	_ =	swait.ge [sflag:s11], $0x4000  }
0x72: {  	[sflag:s11] =	ssyncset.done $0x0  }
0x73: {  	s18 =	sadd.s32 $0x1, s18;
	[sflag:s11] =	ssyncadd.s32 $0xFFFFC000  }
0x74: {  	p0 =	sne.s32 s18, s10;
	[bflag:$0x0] =	sbarrier.arrive $0xFFFF  }
0x75: {  	[hbm:s9], [sflag:s13] =	dma.local [spmem:s14], $0x2800  }
.Ltmp4:
0x76: {  	_ =	swait.ge [sflag:s11], $0x2800;
	(pc) =	sbr.rel @p0 .LBB2_1-.Ltmp4, $3  }
0x77: {  	[sflag:s11] =	ssyncset.done $0x0  }
0x78: {  	[sflag:s11] =	ssyncadd.s32 $0xFFFFD800  }
0x79: {  	[bflag:$0x0] =	sbarrier.arrive $0xFFFF;
	_ =	sdelay $0x1  }
0x7a: {  	_ =	sfence.sel $0x180000  }
0x7b: {  	[bflag:$0x0] =	sbarrier.arrive $0xFFFF  }
0x7c: {  	p0 =	sne.s32 s1, $0x0;
	_ =	strace $0x90000056  }
0x7d: {  	s0 =	sadd.s32 @!p0 $0x100000, s0;
	[bflag:$0x2] =	sbarrier.arrive $0xFFFF  }
0x7e: {  	[sflag:s0] =	ssyncadd.tile.s32 @!p0 $0x1;
	_ =	shalt  }
.Lfunc_end2:
_tile_overlayer_lowered:
.L_overlay_start_2:
0x7f: {  	(tag) =	ssettag $0x2  }
0x80: {  	s0 =	rddreg [dreg:$0x0];
	s2 =	stileid.u32  }
0x81: {  	s1 =	rddreg [dreg:$0x1];
	p0 =	sne.s32 s2, $0x0  }
0x82: {  	s3 =	rddreg [dreg:$0x2];
	[bflag:$0x3] =	sbarrier.arrive $0xFFFF;
	s2 =	simm.s32 @!p0 $0x1C02  }
0x83: {  	[timem:s3], [sflag:s2] =	dma.local @!p0 [hbm:s0], s1  }
0x84: {  	s0 =	simm.s32 @!p0 $0x2  }
0x85: {  	_ =	swait.ge @!p0 [sflag:s0], s1  }
0x86: {  	s1 =	ssub.s32 @!p0 $0x0, s1;
	[sflag:s0] =	ssyncset.done @!p0 $0x0  }
0x87: {  	[sflag:s0] =	ssyncadd.s32 @!p0 s1  }
0x88: {  	[bflag:$0x3] =	sbarrier.arrive $0xFFFF  }
0x89: {  	_ =	shalt  }

// kernel: kernel.40.cloned.1.call-start
scs
__scs_entry_jumppad:
0x0: {  	(pc) =	sbr.rel $0x88, $3  }
0x1: {  	(tag) =	ssettag $0x0;
	lr =	simm.s32 $0x1  }
0x2: {  	[smem:$0x3F84] =	sst lr;
	_ =	strace $0xD0000000  }
0x3: {  	_ = 	snop  }
0x4: {  	_ = 	snop  }
0x5: {  	_ = 	snop  }
0x6: {  	_ = 	snop  }
0x7: {  	_ = 	snop  }
__scs_overlays_trampoline_lowered:
0x8: {  	[smem:$0x3F93] =	sst s0  }
0x9: {  	[smem:$0x3F94] =	sst s1  }
0xa: {  	[smem:$0x3F95] =	sst s2  }
0xb: {  	[smem:$0x3F96] =	sst s3  }
0xc: {  	[smem:$0x3F97] =	sst s4  }
0xd: {  	[smem:$0x3F98] =	sst s5  }
0xe: {  	[smem:$0x3F99] =	sst s6  }
0xf: {  	[smem:$0x3F9A] =	sst s7  }
0x10: {  	[smem:$0x3F9B] =	sst s8  }
0x11: {  	[smem:$0x3F9C] =	sst s9;
	s0 =	simm.s32 @!p0 $0x0  }
0x12: {  	s1 =	sld [smem:$0x3F82];
	s0 =	simm.s32 @p0 $0x1  }
0x13: {  	[smem:$0x3F9D] =	sst s0;
	s0 =	simm.s32 @!p1 $0x0  }
0x14: {  	s2 =	sld [smem:$0x3F81];
	s0 =	simm.s32 @p1 $0x1  }
0x15: {  	[smem:$0x3F9E] =	sst s0;
	s0 =	simm.s32 @!p2 $0x0  }
0x16: {  	s3 =	sld [smem:$0x3FDB];
	s0 =	simm.s32 @p2 $0x1  }
0x17: {  	s4 =	simm.s32 $0x1BF5;
	[smem:$0x3FA0] =	sst s0  }
0x18: {  	s0 =	sld [smem:$0x3F83];
	_ =	swait.ge [sflag:s4], $0x0  }
0x19: {  	s7 =	sld [smem:$0x3F84]  }
0x1a: {  	s8 =	sadd.s32 $0xFFFFE003, lr  }
0x1b: {  	s9 =	sadd.s32 $0xFFFFFEF7, lr;
	s5 =	simm.s32 $0xFFFFFFFF;
	p2 =	slt.u32 s8, $0xFFFFF086  }
0x1c: {  	p1 =	slt.u32 s9, $0xF7A;
	s5 =	simm.s32 @!p2 $0x0  }
0x1d: {  	s5 =	simm.s32 @p1 $0x1;
	p0 =	seq.s32 s7, s2  }
0x1e: {  	s7 =	smul.u32 @!p0 $0xF7A, s2;
	p2 =	seq.s32 @!p0 s5, $0x0  }
0x1f: {  	s9 =	smul.u32 $0xF7A, s1;
	s8 =	simm.s32 @!p0 $0x1BF5;
	p2 =	por !p2, p0  }
0x20: {  	[sflag:s8] =	ssyncset.s32 @!p0 $0xFFFFF086;
	s6 =	sadd.s32 @!p0 s3, s7;
	s7 =	simm.s32 @!p0 $0x108  }
0x21: {  	s3 =	sadd.s32 s3, s9;
	s6 =	sadd.s32 @!p0 $0x88, s6;
	s7 =	simm.s32 @p2 $0x1082  }
0x22: {  	[simem:s7], [sflag:s8] =	dma.local @!p0 [hbm:s6], $0xF7A  }
0x23: {  	s9 =	sor.u32 $0xD0000000, s2;
	s6 =	simm.s32 $0x108;
	_ =	swait.ge @!p0 [sflag:s8], $0x0  }
0x24: {  	s3 =	sadd.s32 $0x88, s3;
	s6 =	simm.s32 @!p1 $0x1082;
	[sflag:s4] =	ssyncset.s32 $0xFFFFF086  }
0x25: {  	[simem:s6], [sflag:s4] =	dma.local [hbm:s3], $0xF7A  }
0x26: {  	[smem:$0x3F84] =	sst s1;
	(tag) =	ssettag s2;
	_ =	strace s9  }
0x27: {  	s1 =	sld [smem:$0x3F94]  }
0x28: {  	s2 =	sld [smem:$0x3F95]  }
0x29: {  	s4 =	sld [smem:$0x3F97]  }
0x2a: {  	p0 =	seq.s32 s5, $0x0;
	s5 =	sld [smem:$0x3F98]  }
0x2b: {  	s6 =	sld [smem:$0x3F99]  }
0x2c: {  	s7 =	sld [smem:$0x3F9A]  }
0x2d: {  	s3 =	simm.s32 $0x108;
	s8 =	sld [smem:$0x3F9B]  }
0x2e: {  	s3 =	simm.s32 @!p0 $0x1082;
	s9 =	sld [smem:$0x3F9C]  }
0x2f: {  	lr =	sadd.s32 s0, s3;
	s0 =	sld [smem:$0x3F93]  }
0x30: {  	s3 =	sld [smem:$0x3F96]  }
0x31: {  	[smem:$0x3F9F] =	sst s10  }
0x32: {  	s10 =	sld [smem:$0x3F9D];
	_ =	sdelay $0x3  }
0x33: {  	p0 =	seq.s32 s10, $0x1;
	s10 =	sld [smem:$0x3F9F];
	_ =	sdelay $0x3  }
0x34: {  	[smem:$0x3F9F] =	sst s10  }
0x35: {  	s10 =	sld [smem:$0x3F9E];
	_ =	sdelay $0x3  }
0x36: {  	p1 =	seq.s32 s10, $0x1;
	s10 =	sld [smem:$0x3F9F];
	_ =	sdelay $0x3  }
0x37: {  	[smem:$0x3F9F] =	sst s10  }
0x38: {  	s10 =	sld [smem:$0x3FA0]  }
0x39: {  	_ = 	snop;
	(pc) =	sbr.ind lr, $3  }
0x3a: {  	_ = 	snop  }
0x3b: {  	_ = 	snop  }
0x3c: {  	p2 =	seq.s32 s10, $0x1;
	s10 =	sld [smem:$0x3F9F]  }
0x3d: {  	_ =	shalt  }
0x3e: {  	_ =	shalt  }
0x3f: {  	_ =	shalt  }
0x40: {  	_ =	shalt  }
0x41: {  	_ =	shalt  }
0x42: {  	_ =	shalt  }
0x43: {  	_ =	shalt  }
0x44: {  	_ =	shalt  }
0x45: {  	_ =	shalt  }
0x46: {  	_ =	shalt  }
0x47: {  	_ =	shalt  }
0x48: {  	_ =	shalt  }
0x49: {  	_ =	shalt  }
0x4a: {  	_ =	shalt  }
0x4b: {  	_ =	shalt  }
0x4c: {  	_ =	shalt  }
0x4d: {  	_ =	shalt  }
0x4e: {  	_ =	shalt  }
0x4f: {  	_ =	shalt  }
0x50: {  	_ =	shalt  }
0x51: {  	_ =	shalt  }
0x52: {  	_ =	shalt  }
0x53: {  	_ =	shalt  }
0x54: {  	_ =	shalt  }
0x55: {  	_ =	shalt  }
0x56: {  	_ =	shalt  }
0x57: {  	_ =	shalt  }
0x58: {  	_ =	shalt  }
0x59: {  	_ =	shalt  }
0x5a: {  	_ =	shalt  }
0x5b: {  	_ =	shalt  }
0x5c: {  	_ =	shalt  }
0x5d: {  	_ =	shalt  }
0x5e: {  	_ =	shalt  }
0x5f: {  	_ =	shalt  }
0x60: {  	_ =	shalt  }
0x61: {  	_ =	shalt  }
0x62: {  	_ =	shalt  }
0x63: {  	_ =	shalt  }
0x64: {  	_ =	shalt  }
0x65: {  	_ =	shalt  }
0x66: {  	_ =	shalt  }
0x67: {  	_ =	shalt  }
0x68: {  	_ =	shalt  }
0x69: {  	_ =	shalt  }
0x6a: {  	_ =	shalt  }
0x6b: {  	_ =	shalt  }
0x6c: {  	_ =	shalt  }
0x6d: {  	_ =	shalt  }
0x6e: {  	_ =	shalt  }
0x6f: {  	_ =	shalt  }
0x70: {  	_ =	shalt  }
0x71: {  	_ =	shalt  }
0x72: {  	_ =	shalt  }
0x73: {  	_ =	shalt  }
0x74: {  	_ =	shalt  }
0x75: {  	_ =	shalt  }
0x76: {  	_ =	shalt  }
0x77: {  	_ =	shalt  }
0x78: {  	_ =	shalt  }
0x79: {  	_ =	shalt  }
0x7a: {  	_ =	shalt  }
0x7b: {  	_ =	shalt  }
0x7c: {  	_ =	shalt  }
0x7d: {  	_ =	shalt  }
0x7e: {  	_ =	shalt  }
0x7f: {  	_ =	shalt  }
0x80: {  	_ =	shalt  }
0x81: {  	_ =	shalt  }
0x82: {  	_ =	shalt  }
0x83: {  	_ =	shalt  }
0x84: {  	_ =	shalt  }
0x85: {  	_ =	shalt  }
0x86: {  	_ =	shalt  }
0x87: {  	_ =	shalt  }
.Lfunc_end0:
.L_simem_size_0:
called_computation.6_lowered:
.L_overlay_start_0:
0x88: {  	s2 =	sld [smem:$0x3FD9]  }
0x89: {  	s3 =	sld [smem:$0x3FFE];
	_ =	sdelay $0x1  }
0x8a: {  	s1 =	srdreg.scid  }
0x8b: {  	s0 =	sand.u32 $0x1, s1  }
0x8c: {  	s17 =	sshll.u32 s0, $0xA;
	s2 =	sadd.s32 s3, s2  }
0x8d: {  	s2 =	sadd.s32 s2, s17  }
0x8e: {  	[smem:$0x3FAB] =	sst s2  }
0x8f: {  	_ = 	snop  }
0x90: {  	s2 =	sld [smem:$0x3FD0];
	(tm) =	ssettm $0x1  }
0x91: {  	s18 =	sld [smem:$0x3FFB];
	_ =	sdelay $0x3  }
0x92: {  	_ =	strace s18  }
0x93: {  	s3 =	sld [smem:$0x3FFC];
	_ =	sdelay $0x3  }
0x94: {  	_ =	strace s3  }
0x95: {  	s3 =	sld [smem:$0x3FFD];
	_ =	sdelay $0x3  }
0x96: {  	_ =	strace s3  }
0x97: {  	_ =	strace $0x8FFFFFFF  }
0x98: {  	s19 =	sld [smem:$0x3FDB];
	_ =	sdelay $0x1  }
0x99: {  	s4 =	simm.s32 $_scs_section_size  }
0x9a: {  	s5 =	simm.s32 $_size__tile_overlayer_lowered;
	s6 =	simm.s32 $_tile_overlayer_lowered  }
0x9b: {  	s22 =	simm.s32 $0x1BFF;
	s21 =	sshll.u32 s6, $0x1;
	s3 =	sadd.s32 s4, s19  }
0x9c: {  	s7 =	simm.s32 $0x0;
	s20 =	sshll.u32 s5, $0x1;
	s5 =	sadd.s32 s21, s3  }
0x9d: {  	[timem:s7], [sflag:s22] =	dma.local [hbm:s5], s20  }
0x9e: {  	_ =	swait.ge [sflag:s22], s20  }
0x9f: {  	s4 =	ssub.s32 $0x0, s20;
	[sflag:s22] =	ssyncset.done $0x0  }
0xa0: {  	[sflag:s22] =	ssyncadd.s32 s4;
	_ =	sdelay $0x1  }
0xa1: {  	s23 =	simm.s32 $0x1B8B  }
0xa2: {  	_ =	swait.ge [sflag:s23], $0x1  }
0xa3: {  	[sflag:s23] =	ssyncset.done $0x0  }
0xa4: {  	s25 =	simm.s32 $0x1B8E;
	s24 =	sld [smem:$0x3FFE];
	[sflag:s23] =	ssyncadd.s32 $0xFFFFFFFF  }
0xa5: {  	s26 =	simm.s32 $execute0_lowered;
	[smem:$0x3FD2] =	sst s25  }
0xa6: {  	s5 =	sshll.u32 s26, $0x1;
	_ =	strace $0x80000058;
	[dreg:$0x1] =	wrdreg $0xFFFFFFFF  }
0xa7: {  	s28 =	simm.s32 $_size_execute0_lowered;
	s3 =	sadd.s32 s3, s5;
	[dreg:$0x0] =	wrdreg $0x0  }
0xa8: {  	s5 =	sshll.u32 s28, $0x1;
	[dreg:$0x2] =	wrdreg s3  }
0xa9: {  	[dreg:$0x3] =	wrdreg s5  }
0xaa: {  	[dreg:$0x4] =	wrdreg $0xC0  }
0xab: {  	_ =	task [dreg:s7], $0x5FFFF  }
0xac: {  	[dreg:$0x1] =	wrdreg $0xFFFFFFFF  }
0xad: {  	[dreg:$0x0] =	wrdreg $0x60  }
0xae: {  	[dreg:$0x2] =	wrdreg s24  }
0xaf: {  	[dreg:$0x3] =	wrdreg s2  }
0xb0: {  	[dreg:$0x4] =	wrdreg $0xB8000  }
0xb1: {  	[dreg:$0x5] =	wrdreg $0x9  }
0xb2: {  	_ =	task.clear_ibuf [dreg:s7], $0x6FFFF;
	_ =	strace $0x90000058  }
0xb3: {  	s29 =	simm.s32 $0x9;
	_ =	strace $0x8000005A  }
0xb4: {  	_ =	swait.ge [sflag:s29], $0x1  }
0xb5: {  	[sflag:s29] =	ssyncadd.s32 $0xFFFFFFFF  }
0xb6: {  	_ =	strace $0x9000005A  }
0xb7: {  	_ =	sfence  }
0xb8: {  	s30 =	sld [smem:$0x0];
	_ =	sdelay $0x2  }
0xb9: {  	s31 =	sshll.u32 s1, $0xD;
	s1 =	sshrl.u32 s1, $0x2  }
0xba: {  	s3 =	sand.u32 $0x4000, s31;
	s1 =	sadd.s32 s1, s30  }
0xbb: {  	s0 =	sor.u32 s3, s0;
	s1 =	sshll.u32 s1, $0x11  }
0xbc: {  	s0 =	sor.u32 s1, s0  }
0xbd: {  	s0 =	sadd.s32 $0x8F2B, s0  }
0xbe: {  	[sflag:s0] =	ssyncadd.remote.s32 $0x1  }
0xbf: {  	_ =	sfence.sel $0xFFFF  }
0xc0: {  	[dreg:$0x0] =	wrdreg $0xFFFFFFFF;
	(pc) =	sbr.abs _section_cstart, $3  }
0xc1: {  	[dreg:$0x1] =	wrdreg $0xFFFFFFFF  }
0xc2: {  	_ =	task.clear_ibuf [dreg:s7], $0x2FFFF;
	_ =	strace $0x9FFFFFFF  }
0xc3: {  	(tm) =	ssettm $0x7FFFFFFF  }
tec
execute0_lowered:
.L_overlay_start_1:
0x0: {  	(tag) =	ssettag $0x1  }
0x1: {  	s6 =	rddreg [dreg:$0x0]  }
0x2: {  	s7 =	rddreg [dreg:$0x1]  }
0x3: {  	s2 =	rddreg [dreg:$0x2]  }
0x4: {  	s0 =	rddreg [dreg:$0x3]  }
0x5: {  	s3 =	simm.s32 $0x0;
	s1 =	stileid.u32;
	s5 =	srdreg.scid  }
0x6: {  	s18 =	simm.s32 $0x0;
	[smem:$0x7FF] =	sst s3;
	s8 =	smul.u32 $0x500, s1  }
0x7: {  	s4 =	sadd.s32 $0xAA200, s6;
	s16 =	sand.u32 $0x1, s5;
	s9 =	smul.u32 $0x50000, s1  }
0x8: {  	s5 =	sadd.s32 $0xB600, s6;
	s13 =	smul.u32 $0x14000, s1;
	s14 =	sadd.s32 $0x146600, s6  }
0x9: {  	s31 =	sshll.u32 s1, $0x6;
	_ =	strace $0x80000059;
	s11 =	smul.u32 $0x140000, s16  }
0xa: {  	s12 =	ssub.s32 $0x2, s16;
	s17 =	sor.u32 $0x2, s16;
	v0 =	vmov s16;
	s16 =	simm.s32 $0x7800  }
0xb: {  	s10 =	sadd.s32 s8, s6;
	s23 =	sshrl.u32 s12, $0x1;
	s15 =	smul.u32 $0x140000, s17  }
0xc: {  	s6 =	sadd.s32 s7, s8;
	s24 =	sshrl.u32 s9, $0x2;
	v1 =	vmov s17;
	s17 =	simm.s32 $0x1  }
0xd: {  	s12 =	ssub.s32 s12, s23;
	s7 =	sadd.s32 $0x6600, s10;
	s25 =	sadd.s32 s13, s11  }
0xe: {  	s28 =	sadd.s32 s24, s2;
	s11 =	simm.s32 $0x2;
	s26 =	sadd.s32 s13, s15  }
0xf: {  	s29 =	sshrl.u32 s25, $0x3;
	s10 =	smax.u32 s12, $0x1;
	s12 =	simm.s32 $0x5000  }
0x10: {  	s13 =	sor.u32 $0x1C02, s31;
	s15 =	simm.s32 $0x80;
	s30 =	sshrl.u32 s26, $0x3  }
0x11: {  	s8 =	sadd.s32 s14, s29;
	s9 =	sadd.s32 s14, s30;
	s14 =	sshrl.u32 s28, $0x3  }
.LBB2_1:
0x12: {  	[tilespmem:s3], [sflag:$0x2] =	stream.linear.gather [hbm4b:s6+s3], $0x2800, $0x38;
	[tilespmem:$0x1F800] =	vst v63  }
0x13: {  	_ =	swait.ge [sflag:s11], $0x2800  }
0x14: {  	[sflag:s11] =	ssyncset.done $0x0  }
0x15: {  	[sflag:s11] =	ssyncadd.s32 $0xFFFFD800  }
0x16: {  	[tilespmem:s12], [sflag:$0x2] =	stream.linear.gather [hbm4b:s7+s3], $0x2800, $0x38;
	[tilespmem:$0x1F800] =	vst v63  }
0x17: {  	_ =	swait.ge [sflag:s11], $0x2800  }
0x18: {  	[sflag:s11] =	ssyncset.done $0x0  }
0x19: {  	[sflag:s11] =	ssyncadd.s32 $0xFFFFD800  }
0x1a: {  	[spmem:s14], [sflag:s13] =	dma.local [hbm:s5], $0x2800  }
0x1b: {  	_ =	swait.ge [sflag:s11], $0x2800  }
0x1c: {  	[sflag:s11] =	ssyncset.done $0x0  }
0x1d: {  	s19 =	simm.s32 $0x0;
	[sflag:s11] =	ssyncadd.s32 $0xFFFFD800  }
0x1e: {  	v2 =	vld [tilespmem:s19+$0x0]  }
0x1f: {  	s20 =	simm.s32 $0x40  }
.LBB2_2:
0x20: {  	p0 =	sne.s32 s20, $0x9FC0  }
.Ltmp0:
0x21: {  	_ = 	snop;
	(pc) =	sbr.rel @p0 .LBB2_2-.Ltmp0, $4  }
0x22: {  	_ = 	snop  }
0x23: {  	s21 =	sshra.s32 s20, $0x2;
	s20 =	sadd.s32 $0x40, s20;
	v3 =	vshll.u32 v2, $0x2  }
0x24: {  	v2 =	vld [tilespmem:s21+$0x0];
	v3 =	vor.u32 v0, v3  }
0x25: {  	[tilespmem:s19+$0x2800] =	vst v3;
	s19 =	smov.u32 s21  }
0x26: {  	_ =	sdelay $0x2  }
0x27: {  	v2 =	vshll.u32 v2, $0x2  }
0x28: {  	v2 =	vor.u32 v0, v2  }
0x29: {  	[tilespmem:s19+$0x2800] =	vst v2  }
0x2a: {  	s30 =	simm.s32 $0x2800;
	[bflag:$0x0] =	sbarrier.arrive $0xFFFF  }
0x2b: {  	[tilespmem:s16], [sflag:$0x1] =	stream.indirect.gather [hbm4b:s4+s15], $0x80, s30, s15, $0xb8;
	[tilespmem:$0x1F800] =	vst v63  }
0x2c: {  	_ =	swait.ge [sflag:s17], $0x4000  }
0x2d: {  	[sflag:s17] =	ssyncset.done $0x0  }
0x2e: {  	s31 =	simm.s32 $0x5000;
	[sflag:s17] =	ssyncadd.s32 $0xFFFFC000  }
0x2f: {  	[spmem:s2] =	stream.indirect.scatter.add.f32 [tilespmem:s16], [sflag:$0x2], $0x80, s31, s15, $0xb8;
	[tilespmem:$0x1F800] =	vst v63  }
0x30: {  	_ =	swait.ge [sflag:s11], $0x4000  }
0x31: {  	s20 =	simm.s32 $0x400;
	s19 =	simm.s32 $0x80;
	[sflag:s11] =	ssyncset.done $0x0  }
.LBB2_4:
0x32: {  	s21 =	sadd.s32 $0x2800, s19  }
0x33: {  	[sflag:s11] =	ssyncadd.s32 $0xFFFFC000;
	s22 =	smov.u32 s20;
	s23 =	sadd.s32 $0x200, s20  }
0x34: {  	[tilespmem:s16], [sflag:$0x1] =	stream.indirect.gather [hbm4b:s4+s15], $0x80, s21, s15, $0xb8;
	[tilespmem:$0x1F800] =	vst v63  }
0x35: {  	p0 =	sne.s32 s20, $0x9E00;
	_ =	swait.ge [sflag:s17], $0x4000  }
.Ltmp1:
0x36: {  	[sflag:s17] =	ssyncset.done $0x0;
	(pc) =	sbr.rel @p0 .LBB2_4-.Ltmp1, $4  }
0x37: {  	s19 =	sadd.s32 $0x5000, s19;
	[sflag:s17] =	ssyncadd.s32 $0xFFFFC000  }
0x38: {  	[spmem:s2] =	stream.indirect.scatter.add.f32 [tilespmem:s16], [sflag:$0x2], $0x80, s19, s15, $0xb8;
	[tilespmem:$0x1F800] =	vst v63  }
0x39: {  	_ =	swait.ge [sflag:s11], $0x4000  }
0x3a: {  	s20 =	smov.u32 s23;
	s19 =	sshra.s32 s22, $0x2;
	[sflag:s11] =	ssyncset.done $0x0  }
0x3b: {  	s20 =	sadd.s32 $0x2800, s19;
	[sflag:s11] =	ssyncadd.s32 $0xFFFFC000  }
0x3c: {  	[tilespmem:s16], [sflag:$0x1] =	stream.indirect.gather [hbm4b:s4+s15], $0x80, s20, s15, $0xb8;
	[tilespmem:$0x1F800] =	vst v63  }
0x3d: {  	_ =	swait.ge [sflag:s17], $0x4000  }
0x3e: {  	[sflag:s17] =	ssyncset.done $0x0  }
0x3f: {  	s31 =	sadd.s32 $0x5000, s19;
	[sflag:s17] =	ssyncadd.s32 $0xFFFFC000  }
0x40: {  	[spmem:s2] =	stream.indirect.scatter.add.f32 [tilespmem:s16], [sflag:$0x2], $0x80, s31, s15, $0xb8;
	[tilespmem:$0x1F800] =	vst v63  }
0x41: {  	_ =	swait.ge [sflag:s11], $0x4000  }
0x42: {  	[sflag:s11] =	ssyncset.done $0x0  }
0x43: {  	[sflag:s11] =	ssyncadd.s32 $0xFFFFC000  }
0x44: {  	[bflag:$0x0] =	sbarrier.arrive $0xFFFF  }
0x45: {  	[hbm:s8], [sflag:s13] =	dma.local [spmem:s14], $0x2800  }
0x46: {  	_ =	swait.ge [sflag:s11], $0x2800  }
0x47: {  	[sflag:s11] =	ssyncset.done $0x0  }
0x48: {  	[sflag:s11] =	ssyncadd.s32 $0xFFFFD800  }
0x49: {  	[bflag:$0x0] =	sbarrier.arrive $0xFFFF  }
0x4a: {  	[spmem:s14], [sflag:s13] =	dma.local [hbm:s5], $0x2800  }
0x4b: {  	_ =	swait.ge [sflag:s11], $0x2800  }
0x4c: {  	[sflag:s11] =	ssyncset.done $0x0  }
0x4d: {  	s19 =	simm.s32 $0x0;
	[sflag:s11] =	ssyncadd.s32 $0xFFFFD800  }
0x4e: {  	v2 =	vld [tilespmem:s19+$0x0]  }
0x4f: {  	s20 =	simm.s32 $0x40  }
.LBB2_6:
0x50: {  	p0 =	sne.s32 s20, $0x9FC0  }
.Ltmp2:
0x51: {  	_ = 	snop;
	(pc) =	sbr.rel @p0 .LBB2_6-.Ltmp2, $4  }
0x52: {  	_ = 	snop  }
0x53: {  	s21 =	sshra.s32 s20, $0x2;
	s20 =	sadd.s32 $0x40, s20;
	v3 =	vshll.u32 v2, $0x2  }
0x54: {  	v2 =	vld [tilespmem:s21+$0x0];
	v3 =	vor.u32 v1, v3  }
0x55: {  	[tilespmem:s19+$0x2800] =	vst v3;
	s19 =	smov.u32 s21  }
0x56: {  	_ =	sdelay $0x2  }
0x57: {  	v2 =	vshll.u32 v2, $0x2  }
0x58: {  	v2 =	vor.u32 v1, v2  }
0x59: {  	[tilespmem:s19+$0x2800] =	vst v2  }
0x5a: {  	s30 =	simm.s32 $0x2800;
	[bflag:$0x0] =	sbarrier.arrive $0xFFFF  }
0x5b: {  	[tilespmem:s16], [sflag:$0x1] =	stream.indirect.gather [hbm4b:s4+s15], $0x80, s30, s15, $0xb8;
	[tilespmem:$0x1F800] =	vst v63  }
0x5c: {  	_ =	swait.ge [sflag:s17], $0x4000  }
0x5d: {  	[sflag:s17] =	ssyncset.done $0x0  }
0x5e: {  	s31 =	simm.s32 $0x5000;
	[sflag:s17] =	ssyncadd.s32 $0xFFFFC000  }
0x5f: {  	[spmem:s2] =	stream.indirect.scatter.add.f32 [tilespmem:s16], [sflag:$0x2], $0x80, s31, s15, $0xb8;
	[tilespmem:$0x1F800] =	vst v63  }
0x60: {  	_ =	swait.ge [sflag:s11], $0x4000  }
0x61: {  	s20 =	simm.s32 $0x400;
	s19 =	simm.s32 $0x80;
	[sflag:s11] =	ssyncset.done $0x0  }
.LBB2_8:
0x62: {  	s21 =	sadd.s32 $0x2800, s19  }
0x63: {  	[sflag:s11] =	ssyncadd.s32 $0xFFFFC000;
	s22 =	smov.u32 s20;
	s23 =	sadd.s32 $0x200, s20  }
0x64: {  	[tilespmem:s16], [sflag:$0x1] =	stream.indirect.gather [hbm4b:s4+s15], $0x80, s21, s15, $0xb8;
	[tilespmem:$0x1F800] =	vst v63  }
0x65: {  	p0 =	sne.s32 s20, $0x9E00;
	_ =	swait.ge [sflag:s17], $0x4000  }
.Ltmp3:
0x66: {  	[sflag:s17] =	ssyncset.done $0x0;
	(pc) =	sbr.rel @p0 .LBB2_8-.Ltmp3, $4  }
0x67: {  	s19 =	sadd.s32 $0x5000, s19;
	[sflag:s17] =	ssyncadd.s32 $0xFFFFC000  }
0x68: {  	[spmem:s2] =	stream.indirect.scatter.add.f32 [tilespmem:s16], [sflag:$0x2], $0x80, s19, s15, $0xb8;
	[tilespmem:$0x1F800] =	vst v63  }
0x69: {  	_ =	swait.ge [sflag:s11], $0x4000  }
0x6a: {  	s20 =	smov.u32 s23;
	s19 =	sshra.s32 s22, $0x2;
	[sflag:s11] =	ssyncset.done $0x0  }
0x6b: {  	s20 =	sadd.s32 $0x2800, s19;
	[sflag:s11] =	ssyncadd.s32 $0xFFFFC000  }
0x6c: {  	[tilespmem:s16], [sflag:$0x1] =	stream.indirect.gather [hbm4b:s4+s15], $0x80, s20, s15, $0xb8;
	[tilespmem:$0x1F800] =	vst v63  }
0x6d: {  	_ =	swait.ge [sflag:s17], $0x4000  }
0x6e: {  	[sflag:s17] =	ssyncset.done $0x0  }
0x6f: {  	s31 =	sadd.s32 $0x5000, s19;
	[sflag:s17] =	ssyncadd.s32 $0xFFFFC000  }
0x70: {  	[spmem:s2] =	stream.indirect.scatter.add.f32 [tilespmem:s16], [sflag:$0x2], $0x80, s31, s15, $0xb8;
	[tilespmem:$0x1F800] =	vst v63  }
0x71: {  	_ =	swait.ge [sflag:s11], $0x4000  }
0x72: {  	[sflag:s11] =	ssyncset.done $0x0  }
0x73: {  	s18 =	sadd.s32 $0x1, s18;
	[sflag:s11] =	ssyncadd.s32 $0xFFFFC000  }
0x74: {  	p0 =	sne.s32 s18, s10;
	[bflag:$0x0] =	sbarrier.arrive $0xFFFF  }
0x75: {  	[hbm:s9], [sflag:s13] =	dma.local [spmem:s14], $0x2800  }
.Ltmp4:
0x76: {  	_ =	swait.ge [sflag:s11], $0x2800;
	(pc) =	sbr.rel @p0 .LBB2_1-.Ltmp4, $3  }
0x77: {  	[sflag:s11] =	ssyncset.done $0x0  }
0x78: {  	[sflag:s11] =	ssyncadd.s32 $0xFFFFD800  }
0x79: {  	[bflag:$0x0] =	sbarrier.arrive $0xFFFF;
	_ =	sdelay $0x1  }
0x7a: {  	_ =	sfence.sel $0x180000  }
0x7b: {  	[bflag:$0x0] =	sbarrier.arrive $0xFFFF  }
0x7c: {  	p0 =	sne.s32 s1, $0x0;
	_ =	strace $0x90000059  }
0x7d: {  	s0 =	sadd.s32 @!p0 $0x100000, s0;
	[bflag:$0x2] =	sbarrier.arrive $0xFFFF  }
0x7e: {  	[sflag:s0] =	ssyncadd.tile.s32 @!p0 $0x1;
	_ =	shalt  }
.Lfunc_end2:
_tile_overlayer_lowered:
.L_overlay_start_2:
0x7f: {  	(tag) =	ssettag $0x2  }
0x80: {  	s0 =	rddreg [dreg:$0x0];
	s2 =	stileid.u32  }
0x81: {  	s1 =	rddreg [dreg:$0x1];
	p0 =	sne.s32 s2, $0x0  }
0x82: {  	s3 =	rddreg [dreg:$0x2];
	[bflag:$0x3] =	sbarrier.arrive $0xFFFF;
	s2 =	simm.s32 @!p0 $0x1C02  }
0x83: {  	[timem:s3], [sflag:s2] =	dma.local @!p0 [hbm:s0], s1  }
0x84: {  	s0 =	simm.s32 @!p0 $0x2  }
0x85: {  	_ =	swait.ge @!p0 [sflag:s0], s1  }
0x86: {  	s1 =	ssub.s32 @!p0 $0x0, s1;
	[sflag:s0] =	ssyncset.done @!p0 $0x0  }
0x87: {  	[sflag:s0] =	ssyncadd.s32 @!p0 s1  }
0x88: {  	[bflag:$0x3] =	sbarrier.arrive $0xFFFF  }
0x89: {  	_ =	shalt  }

// kernel: kernel.43.cloned.1.call-start
scs
__scs_entry_jumppad:
0x0: {  	(pc) =	sbr.rel $0x88, $3  }
0x1: {  	(tag) =	ssettag $0x0;
	lr =	simm.s32 $0x1  }
0x2: {  	[smem:$0x3F84] =	sst lr;
	_ =	strace $0xD0000000  }
0x3: {  	_ = 	snop  }
0x4: {  	_ = 	snop  }
0x5: {  	_ = 	snop  }
0x6: {  	_ = 	snop  }
0x7: {  	_ = 	snop  }
__scs_overlays_trampoline_lowered:
0x8: {  	[smem:$0x3F93] =	sst s0  }
0x9: {  	[smem:$0x3F94] =	sst s1  }
0xa: {  	[smem:$0x3F95] =	sst s2  }
0xb: {  	[smem:$0x3F96] =	sst s3  }
0xc: {  	[smem:$0x3F97] =	sst s4  }
0xd: {  	[smem:$0x3F98] =	sst s5  }
0xe: {  	[smem:$0x3F99] =	sst s6  }
0xf: {  	[smem:$0x3F9A] =	sst s7  }
0x10: {  	[smem:$0x3F9B] =	sst s8  }
0x11: {  	[smem:$0x3F9C] =	sst s9;
	s0 =	simm.s32 @!p0 $0x0  }
0x12: {  	s1 =	sld [smem:$0x3F82];
	s0 =	simm.s32 @p0 $0x1  }
0x13: {  	[smem:$0x3F9D] =	sst s0;
	s0 =	simm.s32 @!p1 $0x0  }
0x14: {  	s2 =	sld [smem:$0x3F81];
	s0 =	simm.s32 @p1 $0x1  }
0x15: {  	[smem:$0x3F9E] =	sst s0;
	s0 =	simm.s32 @!p2 $0x0  }
0x16: {  	s3 =	sld [smem:$0x3FDB];
	s0 =	simm.s32 @p2 $0x1  }
0x17: {  	s4 =	simm.s32 $0x1BF5;
	[smem:$0x3FA0] =	sst s0  }
0x18: {  	s0 =	sld [smem:$0x3F83];
	_ =	swait.ge [sflag:s4], $0x0  }
0x19: {  	s7 =	sld [smem:$0x3F84]  }
0x1a: {  	s8 =	sadd.s32 $0xFFFFE003, lr  }
0x1b: {  	s9 =	sadd.s32 $0xFFFFFEF7, lr;
	s5 =	simm.s32 $0xFFFFFFFF;
	p2 =	slt.u32 s8, $0xFFFFF086  }
0x1c: {  	p1 =	slt.u32 s9, $0xF7A;
	s5 =	simm.s32 @!p2 $0x0  }
0x1d: {  	s5 =	simm.s32 @p1 $0x1;
	p0 =	seq.s32 s7, s2  }
0x1e: {  	s7 =	smul.u32 @!p0 $0xF7A, s2;
	p2 =	seq.s32 @!p0 s5, $0x0  }
0x1f: {  	s9 =	smul.u32 $0xF7A, s1;
	s8 =	simm.s32 @!p0 $0x1BF5;
	p2 =	por !p2, p0  }
0x20: {  	[sflag:s8] =	ssyncset.s32 @!p0 $0xFFFFF086;
	s6 =	sadd.s32 @!p0 s3, s7;
	s7 =	simm.s32 @!p0 $0x108  }
0x21: {  	s3 =	sadd.s32 s3, s9;
	s6 =	sadd.s32 @!p0 $0x88, s6;
	s7 =	simm.s32 @p2 $0x1082  }
0x22: {  	[simem:s7], [sflag:s8] =	dma.local @!p0 [hbm:s6], $0xF7A  }
0x23: {  	s9 =	sor.u32 $0xD0000000, s2;
	s6 =	simm.s32 $0x108;
	_ =	swait.ge @!p0 [sflag:s8], $0x0  }
0x24: {  	s3 =	sadd.s32 $0x88, s3;
	s6 =	simm.s32 @!p1 $0x1082;
	[sflag:s4] =	ssyncset.s32 $0xFFFFF086  }
0x25: {  	[simem:s6], [sflag:s4] =	dma.local [hbm:s3], $0xF7A  }
0x26: {  	[smem:$0x3F84] =	sst s1;
	(tag) =	ssettag s2;
	_ =	strace s9  }
0x27: {  	s1 =	sld [smem:$0x3F94]  }
0x28: {  	s2 =	sld [smem:$0x3F95]  }
0x29: {  	s4 =	sld [smem:$0x3F97]  }
0x2a: {  	p0 =	seq.s32 s5, $0x0;
	s5 =	sld [smem:$0x3F98]  }
0x2b: {  	s6 =	sld [smem:$0x3F99]  }
0x2c: {  	s7 =	sld [smem:$0x3F9A]  }
0x2d: {  	s3 =	simm.s32 $0x108;
	s8 =	sld [smem:$0x3F9B]  }
0x2e: {  	s3 =	simm.s32 @!p0 $0x1082;
	s9 =	sld [smem:$0x3F9C]  }
0x2f: {  	lr =	sadd.s32 s0, s3;
	s0 =	sld [smem:$0x3F93]  }
0x30: {  	s3 =	sld [smem:$0x3F96]  }
0x31: {  	[smem:$0x3F9F] =	sst s10  }
0x32: {  	s10 =	sld [smem:$0x3F9D];
	_ =	sdelay $0x3  }
0x33: {  	p0 =	seq.s32 s10, $0x1;
	s10 =	sld [smem:$0x3F9F];
	_ =	sdelay $0x3  }
0x34: {  	[smem:$0x3F9F] =	sst s10  }
0x35: {  	s10 =	sld [smem:$0x3F9E];
	_ =	sdelay $0x3  }
0x36: {  	p1 =	seq.s32 s10, $0x1;
	s10 =	sld [smem:$0x3F9F];
	_ =	sdelay $0x3  }
0x37: {  	[smem:$0x3F9F] =	sst s10  }
0x38: {  	s10 =	sld [smem:$0x3FA0]  }
0x39: {  	_ = 	snop;
	(pc) =	sbr.ind lr, $3  }
0x3a: {  	_ = 	snop  }
0x3b: {  	_ = 	snop  }
0x3c: {  	p2 =	seq.s32 s10, $0x1;
	s10 =	sld [smem:$0x3F9F]  }
0x3d: {  	_ =	shalt  }
0x3e: {  	_ =	shalt  }
0x3f: {  	_ =	shalt  }
0x40: {  	_ =	shalt  }
0x41: {  	_ =	shalt  }
0x42: {  	_ =	shalt  }
0x43: {  	_ =	shalt  }
0x44: {  	_ =	shalt  }
0x45: {  	_ =	shalt  }
0x46: {  	_ =	shalt  }
0x47: {  	_ =	shalt  }
0x48: {  	_ =	shalt  }
0x49: {  	_ =	shalt  }
0x4a: {  	_ =	shalt  }
0x4b: {  	_ =	shalt  }
0x4c: {  	_ =	shalt  }
0x4d: {  	_ =	shalt  }
0x4e: {  	_ =	shalt  }
0x4f: {  	_ =	shalt  }
0x50: {  	_ =	shalt  }
0x51: {  	_ =	shalt  }
0x52: {  	_ =	shalt  }
0x53: {  	_ =	shalt  }
0x54: {  	_ =	shalt  }
0x55: {  	_ =	shalt  }
0x56: {  	_ =	shalt  }
0x57: {  	_ =	shalt  }
0x58: {  	_ =	shalt  }
0x59: {  	_ =	shalt  }
0x5a: {  	_ =	shalt  }
0x5b: {  	_ =	shalt  }
0x5c: {  	_ =	shalt  }
0x5d: {  	_ =	shalt  }
0x5e: {  	_ =	shalt  }
0x5f: {  	_ =	shalt  }
0x60: {  	_ =	shalt  }
0x61: {  	_ =	shalt  }
0x62: {  	_ =	shalt  }
0x63: {  	_ =	shalt  }
0x64: {  	_ =	shalt  }
0x65: {  	_ =	shalt  }
0x66: {  	_ =	shalt  }
0x67: {  	_ =	shalt  }
0x68: {  	_ =	shalt  }
0x69: {  	_ =	shalt  }
0x6a: {  	_ =	shalt  }
0x6b: {  	_ =	shalt  }
0x6c: {  	_ =	shalt  }
0x6d: {  	_ =	shalt  }
0x6e: {  	_ =	shalt  }
0x6f: {  	_ =	shalt  }
0x70: {  	_ =	shalt  }
0x71: {  	_ =	shalt  }
0x72: {  	_ =	shalt  }
0x73: {  	_ =	shalt  }
0x74: {  	_ =	shalt  }
0x75: {  	_ =	shalt  }
0x76: {  	_ =	shalt  }
0x77: {  	_ =	shalt  }
0x78: {  	_ =	shalt  }
0x79: {  	_ =	shalt  }
0x7a: {  	_ =	shalt  }
0x7b: {  	_ =	shalt  }
0x7c: {  	_ =	shalt  }
0x7d: {  	_ =	shalt  }
0x7e: {  	_ =	shalt  }
0x7f: {  	_ =	shalt  }
0x80: {  	_ =	shalt  }
0x81: {  	_ =	shalt  }
0x82: {  	_ =	shalt  }
0x83: {  	_ =	shalt  }
0x84: {  	_ =	shalt  }
0x85: {  	_ =	shalt  }
0x86: {  	_ =	shalt  }
0x87: {  	_ =	shalt  }
.Lfunc_end0:
.L_simem_size_0:
called_computation.7_lowered:
.L_overlay_start_0:
0x88: {  	s2 =	sld [smem:$0x3FD9]  }
0x89: {  	s3 =	sld [smem:$0x3FFE];
	_ =	sdelay $0x1  }
0x8a: {  	s1 =	srdreg.scid  }
0x8b: {  	s0 =	sand.u32 $0x1, s1  }
0x8c: {  	s17 =	sshll.u32 s0, $0xA;
	s2 =	sadd.s32 s3, s2  }
0x8d: {  	s2 =	sadd.s32 s2, s17  }
0x8e: {  	[smem:$0x3FAB] =	sst s2  }
0x8f: {  	_ = 	snop  }
0x90: {  	s2 =	sld [smem:$0x3FD0];
	(tm) =	ssettm $0x1  }
0x91: {  	s18 =	sld [smem:$0x3FFB];
	_ =	sdelay $0x3  }
0x92: {  	_ =	strace s18  }
0x93: {  	s3 =	sld [smem:$0x3FFC];
	_ =	sdelay $0x3  }
0x94: {  	_ =	strace s3  }
0x95: {  	s3 =	sld [smem:$0x3FFD];
	_ =	sdelay $0x3  }
0x96: {  	_ =	strace s3  }
0x97: {  	_ =	strace $0x8FFFFFFF  }
0x98: {  	s19 =	sld [smem:$0x3FDB];
	_ =	sdelay $0x1  }
0x99: {  	s4 =	simm.s32 $_scs_section_size  }
0x9a: {  	s5 =	simm.s32 $_size__tile_overlayer_lowered;
	s6 =	simm.s32 $_tile_overlayer_lowered  }
0x9b: {  	s22 =	simm.s32 $0x1BFF;
	s21 =	sshll.u32 s6, $0x1;
	s3 =	sadd.s32 s4, s19  }
0x9c: {  	s7 =	simm.s32 $0x0;
	s20 =	sshll.u32 s5, $0x1;
	s5 =	sadd.s32 s21, s3  }
0x9d: {  	[timem:s7], [sflag:s22] =	dma.local [hbm:s5], s20  }
0x9e: {  	_ =	swait.ge [sflag:s22], s20  }
0x9f: {  	s4 =	ssub.s32 $0x0, s20;
	[sflag:s22] =	ssyncset.done $0x0  }
0xa0: {  	[sflag:s22] =	ssyncadd.s32 s4;
	_ =	sdelay $0x1  }
0xa1: {  	s23 =	simm.s32 $0x1B8B  }
0xa2: {  	_ =	swait.ge [sflag:s23], $0x1  }
0xa3: {  	[sflag:s23] =	ssyncset.done $0x0  }
0xa4: {  	s25 =	simm.s32 $0x1B8E;
	s24 =	sld [smem:$0x3FFE];
	[sflag:s23] =	ssyncadd.s32 $0xFFFFFFFF  }
0xa5: {  	s26 =	simm.s32 $execute0_lowered;
	[smem:$0x3FD2] =	sst s25  }
0xa6: {  	s5 =	sshll.u32 s26, $0x1;
	_ =	strace $0x8000005B;
	[dreg:$0x1] =	wrdreg $0xFFFFFFFF  }
0xa7: {  	s28 =	simm.s32 $_size_execute0_lowered;
	s3 =	sadd.s32 s3, s5;
	[dreg:$0x0] =	wrdreg $0x0  }
0xa8: {  	s5 =	sshll.u32 s28, $0x1;
	[dreg:$0x2] =	wrdreg s3  }
0xa9: {  	[dreg:$0x3] =	wrdreg s5  }
0xaa: {  	[dreg:$0x4] =	wrdreg $0xC0  }
0xab: {  	_ =	task [dreg:s7], $0x5FFFF  }
0xac: {  	[dreg:$0x1] =	wrdreg $0xFFFFFFFF  }
0xad: {  	[dreg:$0x0] =	wrdreg $0x60  }
0xae: {  	[dreg:$0x2] =	wrdreg s24  }
0xaf: {  	[dreg:$0x3] =	wrdreg s2  }
0xb0: {  	[dreg:$0x4] =	wrdreg $0xB8000  }
0xb1: {  	[dreg:$0x5] =	wrdreg $0x9  }
0xb2: {  	_ =	task.clear_ibuf [dreg:s7], $0x6FFFF;
	_ =	strace $0x9000005B  }
0xb3: {  	s29 =	simm.s32 $0x9;
	_ =	strace $0x8000005D  }
0xb4: {  	_ =	swait.ge [sflag:s29], $0x1  }
0xb5: {  	[sflag:s29] =	ssyncadd.s32 $0xFFFFFFFF  }
0xb6: {  	_ =	strace $0x9000005D  }
0xb7: {  	_ =	sfence  }
0xb8: {  	s30 =	sld [smem:$0x0];
	_ =	sdelay $0x2  }
0xb9: {  	s31 =	sshll.u32 s1, $0xD;
	s1 =	sshrl.u32 s1, $0x2  }
0xba: {  	s3 =	sand.u32 $0x4000, s31;
	s1 =	sadd.s32 s1, s30  }
0xbb: {  	s0 =	sor.u32 s3, s0;
	s1 =	sshll.u32 s1, $0x11  }
0xbc: {  	s0 =	sor.u32 s1, s0  }
0xbd: {  	s0 =	sadd.s32 $0x8F2B, s0  }
0xbe: {  	[sflag:s0] =	ssyncadd.remote.s32 $0x1  }
0xbf: {  	_ =	sfence.sel $0xFFFF  }
0xc0: {  	[dreg:$0x0] =	wrdreg $0xFFFFFFFF;
	(pc) =	sbr.abs _section_cstart, $3  }
0xc1: {  	[dreg:$0x1] =	wrdreg $0xFFFFFFFF  }
0xc2: {  	_ =	task.clear_ibuf [dreg:s7], $0x2FFFF;
	_ =	strace $0x9FFFFFFF  }
0xc3: {  	(tm) =	ssettm $0x7FFFFFFF  }
tec
execute0_lowered:
.L_overlay_start_1:
0x0: {  	(tag) =	ssettag $0x1  }
0x1: {  	s6 =	rddreg [dreg:$0x0]  }
0x2: {  	s7 =	rddreg [dreg:$0x1]  }
0x3: {  	s2 =	rddreg [dreg:$0x2]  }
0x4: {  	s0 =	rddreg [dreg:$0x3]  }
0x5: {  	s3 =	simm.s32 $0x0;
	s1 =	stileid.u32;
	s5 =	srdreg.scid  }
0x6: {  	s18 =	simm.s32 $0x0;
	[smem:$0x7FF] =	sst s3;
	s8 =	smul.u32 $0x500, s1  }
0x7: {  	s4 =	sadd.s32 $0xDE00, s6;
	s16 =	sand.u32 $0x1, s5;
	s9 =	smul.u32 $0x50000, s1  }
0x8: {  	s5 =	sadd.s32 $0xB600, s6;
	s13 =	smul.u32 $0x14000, s1;
	s14 =	sadd.s32 $0x146600, s6  }
0x9: {  	s31 =	sshll.u32 s1, $0x6;
	_ =	strace $0x8000005C;
	s11 =	smul.u32 $0x140000, s16  }
0xa: {  	s12 =	ssub.s32 $0x2, s16;
	s17 =	sor.u32 $0x2, s16;
	v0 =	vmov s16;
	s16 =	simm.s32 $0x7800  }
0xb: {  	s10 =	sadd.s32 s8, s6;
	s23 =	sshrl.u32 s12, $0x1;
	s15 =	smul.u32 $0x140000, s17  }
0xc: {  	s6 =	sadd.s32 s7, s8;
	s24 =	sshrl.u32 s9, $0x2;
	v1 =	vmov s17;
	s17 =	simm.s32 $0x1  }
0xd: {  	s12 =	ssub.s32 s12, s23;
	s7 =	sadd.s32 $0x6600, s10;
	s25 =	sadd.s32 s13, s11  }
0xe: {  	s28 =	sadd.s32 s24, s2;
	s11 =	simm.s32 $0x2;
	s26 =	sadd.s32 s13, s15  }
0xf: {  	s29 =	sshrl.u32 s25, $0x3;
	s10 =	smax.u32 s12, $0x1;
	s12 =	simm.s32 $0x5000  }
0x10: {  	s13 =	sor.u32 $0x1C02, s31;
	s15 =	simm.s32 $0x80;
	s30 =	sshrl.u32 s26, $0x3  }
0x11: {  	s8 =	sadd.s32 s14, s29;
	s9 =	sadd.s32 s14, s30;
	s14 =	sshrl.u32 s28, $0x3  }
.LBB2_1:
0x12: {  	[tilespmem:s3], [sflag:$0x2] =	stream.linear.gather [hbm4b:s6+s3], $0x2800, $0x38;
	[tilespmem:$0x1F800] =	vst v63  }
0x13: {  	_ =	swait.ge [sflag:s11], $0x2800  }
0x14: {  	[sflag:s11] =	ssyncset.done $0x0  }
0x15: {  	[sflag:s11] =	ssyncadd.s32 $0xFFFFD800  }
0x16: {  	[tilespmem:s12], [sflag:$0x2] =	stream.linear.gather [hbm4b:s7+s3], $0x2800, $0x38;
	[tilespmem:$0x1F800] =	vst v63  }
0x17: {  	_ =	swait.ge [sflag:s11], $0x2800  }
0x18: {  	[sflag:s11] =	ssyncset.done $0x0  }
0x19: {  	[sflag:s11] =	ssyncadd.s32 $0xFFFFD800  }
0x1a: {  	[spmem:s14], [sflag:s13] =	dma.local [hbm:s5], $0x2800  }
0x1b: {  	_ =	swait.ge [sflag:s11], $0x2800  }
0x1c: {  	[sflag:s11] =	ssyncset.done $0x0  }
0x1d: {  	s19 =	simm.s32 $0x0;
	[sflag:s11] =	ssyncadd.s32 $0xFFFFD800  }
0x1e: {  	v2 =	vld [tilespmem:s19+$0x0]  }
0x1f: {  	s20 =	simm.s32 $0x40  }
.LBB2_2:
0x20: {  	p0 =	sne.s32 s20, $0x9FC0  }
.Ltmp0:
0x21: {  	_ = 	snop;
	(pc) =	sbr.rel @p0 .LBB2_2-.Ltmp0, $4  }
0x22: {  	_ = 	snop  }
0x23: {  	s21 =	sshra.s32 s20, $0x2;
	s20 =	sadd.s32 $0x40, s20;
	v3 =	vshll.u32 v2, $0x2  }
0x24: {  	v2 =	vld [tilespmem:s21+$0x0];
	v3 =	vor.u32 v0, v3  }
0x25: {  	[tilespmem:s19+$0x2800] =	vst v3;
	s19 =	smov.u32 s21  }
0x26: {  	_ =	sdelay $0x2  }
0x27: {  	v2 =	vshll.u32 v2, $0x2  }
0x28: {  	v2 =	vor.u32 v0, v2  }
0x29: {  	[tilespmem:s19+$0x2800] =	vst v2  }
0x2a: {  	s30 =	simm.s32 $0x2800;
	[bflag:$0x0] =	sbarrier.arrive $0xFFFF  }
0x2b: {  	[tilespmem:s16], [sflag:$0x1] =	stream.indirect.gather [hbm4b:s4+s15], $0x80, s30, s15, $0xb8;
	[tilespmem:$0x1F800] =	vst v63  }
0x2c: {  	_ =	swait.ge [sflag:s17], $0x4000  }
0x2d: {  	[sflag:s17] =	ssyncset.done $0x0  }
0x2e: {  	s31 =	simm.s32 $0x5000;
	[sflag:s17] =	ssyncadd.s32 $0xFFFFC000  }
0x2f: {  	[spmem:s2] =	stream.indirect.scatter.add.f32 [tilespmem:s16], [sflag:$0x2], $0x80, s31, s15, $0xb8;
	[tilespmem:$0x1F800] =	vst v63  }
0x30: {  	_ =	swait.ge [sflag:s11], $0x4000  }
0x31: {  	s20 =	simm.s32 $0x400;
	s19 =	simm.s32 $0x80;
	[sflag:s11] =	ssyncset.done $0x0  }
.LBB2_4:
0x32: {  	s21 =	sadd.s32 $0x2800, s19  }
0x33: {  	[sflag:s11] =	ssyncadd.s32 $0xFFFFC000;
	s22 =	smov.u32 s20;
	s23 =	sadd.s32 $0x200, s20  }
0x34: {  	[tilespmem:s16], [sflag:$0x1] =	stream.indirect.gather [hbm4b:s4+s15], $0x80, s21, s15, $0xb8;
	[tilespmem:$0x1F800] =	vst v63  }
0x35: {  	p0 =	sne.s32 s20, $0x9E00;
	_ =	swait.ge [sflag:s17], $0x4000  }
.Ltmp1:
0x36: {  	[sflag:s17] =	ssyncset.done $0x0;
	(pc) =	sbr.rel @p0 .LBB2_4-.Ltmp1, $4  }
0x37: {  	s19 =	sadd.s32 $0x5000, s19;
	[sflag:s17] =	ssyncadd.s32 $0xFFFFC000  }
0x38: {  	[spmem:s2] =	stream.indirect.scatter.add.f32 [tilespmem:s16], [sflag:$0x2], $0x80, s19, s15, $0xb8;
	[tilespmem:$0x1F800] =	vst v63  }
0x39: {  	_ =	swait.ge [sflag:s11], $0x4000  }
0x3a: {  	s20 =	smov.u32 s23;
	s19 =	sshra.s32 s22, $0x2;
	[sflag:s11] =	ssyncset.done $0x0  }
0x3b: {  	s20 =	sadd.s32 $0x2800, s19;
	[sflag:s11] =	ssyncadd.s32 $0xFFFFC000  }
0x3c: {  	[tilespmem:s16], [sflag:$0x1] =	stream.indirect.gather [hbm4b:s4+s15], $0x80, s20, s15, $0xb8;
	[tilespmem:$0x1F800] =	vst v63  }
0x3d: {  	_ =	swait.ge [sflag:s17], $0x4000  }
0x3e: {  	[sflag:s17] =	ssyncset.done $0x0  }
0x3f: {  	s31 =	sadd.s32 $0x5000, s19;
	[sflag:s17] =	ssyncadd.s32 $0xFFFFC000  }
0x40: {  	[spmem:s2] =	stream.indirect.scatter.add.f32 [tilespmem:s16], [sflag:$0x2], $0x80, s31, s15, $0xb8;
	[tilespmem:$0x1F800] =	vst v63  }
0x41: {  	_ =	swait.ge [sflag:s11], $0x4000  }
0x42: {  	[sflag:s11] =	ssyncset.done $0x0  }
0x43: {  	[sflag:s11] =	ssyncadd.s32 $0xFFFFC000  }
0x44: {  	[bflag:$0x0] =	sbarrier.arrive $0xFFFF  }
0x45: {  	[hbm:s8], [sflag:s13] =	dma.local [spmem:s14], $0x2800  }
0x46: {  	_ =	swait.ge [sflag:s11], $0x2800  }
0x47: {  	[sflag:s11] =	ssyncset.done $0x0  }
0x48: {  	[sflag:s11] =	ssyncadd.s32 $0xFFFFD800  }
0x49: {  	[bflag:$0x0] =	sbarrier.arrive $0xFFFF  }
0x4a: {  	[spmem:s14], [sflag:s13] =	dma.local [hbm:s5], $0x2800  }
0x4b: {  	_ =	swait.ge [sflag:s11], $0x2800  }
0x4c: {  	[sflag:s11] =	ssyncset.done $0x0  }
0x4d: {  	s19 =	simm.s32 $0x0;
	[sflag:s11] =	ssyncadd.s32 $0xFFFFD800  }
0x4e: {  	v2 =	vld [tilespmem:s19+$0x0]  }
0x4f: {  	s20 =	simm.s32 $0x40  }
.LBB2_6:
0x50: {  	p0 =	sne.s32 s20, $0x9FC0  }
.Ltmp2:
0x51: {  	_ = 	snop;
	(pc) =	sbr.rel @p0 .LBB2_6-.Ltmp2, $4  }
0x52: {  	_ = 	snop  }
0x53: {  	s21 =	sshra.s32 s20, $0x2;
	s20 =	sadd.s32 $0x40, s20;
	v3 =	vshll.u32 v2, $0x2  }
0x54: {  	v2 =	vld [tilespmem:s21+$0x0];
	v3 =	vor.u32 v1, v3  }
0x55: {  	[tilespmem:s19+$0x2800] =	vst v3;
	s19 =	smov.u32 s21  }
0x56: {  	_ =	sdelay $0x2  }
0x57: {  	v2 =	vshll.u32 v2, $0x2  }
0x58: {  	v2 =	vor.u32 v1, v2  }
0x59: {  	[tilespmem:s19+$0x2800] =	vst v2  }
0x5a: {  	s30 =	simm.s32 $0x2800;
	[bflag:$0x0] =	sbarrier.arrive $0xFFFF  }
0x5b: {  	[tilespmem:s16], [sflag:$0x1] =	stream.indirect.gather [hbm4b:s4+s15], $0x80, s30, s15, $0xb8;
	[tilespmem:$0x1F800] =	vst v63  }
0x5c: {  	_ =	swait.ge [sflag:s17], $0x4000  }
0x5d: {  	[sflag:s17] =	ssyncset.done $0x0  }
0x5e: {  	s31 =	simm.s32 $0x5000;
	[sflag:s17] =	ssyncadd.s32 $0xFFFFC000  }
0x5f: {  	[spmem:s2] =	stream.indirect.scatter.add.f32 [tilespmem:s16], [sflag:$0x2], $0x80, s31, s15, $0xb8;
	[tilespmem:$0x1F800] =	vst v63  }
0x60: {  	_ =	swait.ge [sflag:s11], $0x4000  }
0x61: {  	s20 =	simm.s32 $0x400;
	s19 =	simm.s32 $0x80;
	[sflag:s11] =	ssyncset.done $0x0  }
.LBB2_8:
0x62: {  	s21 =	sadd.s32 $0x2800, s19  }
0x63: {  	[sflag:s11] =	ssyncadd.s32 $0xFFFFC000;
	s22 =	smov.u32 s20;
	s23 =	sadd.s32 $0x200, s20  }
0x64: {  	[tilespmem:s16], [sflag:$0x1] =	stream.indirect.gather [hbm4b:s4+s15], $0x80, s21, s15, $0xb8;
	[tilespmem:$0x1F800] =	vst v63  }
0x65: {  	p0 =	sne.s32 s20, $0x9E00;
	_ =	swait.ge [sflag:s17], $0x4000  }
.Ltmp3:
0x66: {  	[sflag:s17] =	ssyncset.done $0x0;
	(pc) =	sbr.rel @p0 .LBB2_8-.Ltmp3, $4  }
0x67: {  	s19 =	sadd.s32 $0x5000, s19;
	[sflag:s17] =	ssyncadd.s32 $0xFFFFC000  }
0x68: {  	[spmem:s2] =	stream.indirect.scatter.add.f32 [tilespmem:s16], [sflag:$0x2], $0x80, s19, s15, $0xb8;
	[tilespmem:$0x1F800] =	vst v63  }
0x69: {  	_ =	swait.ge [sflag:s11], $0x4000  }
0x6a: {  	s20 =	smov.u32 s23;
	s19 =	sshra.s32 s22, $0x2;
	[sflag:s11] =	ssyncset.done $0x0  }
0x6b: {  	s20 =	sadd.s32 $0x2800, s19;
	[sflag:s11] =	ssyncadd.s32 $0xFFFFC000  }
0x6c: {  	[tilespmem:s16], [sflag:$0x1] =	stream.indirect.gather [hbm4b:s4+s15], $0x80, s20, s15, $0xb8;
	[tilespmem:$0x1F800] =	vst v63  }
0x6d: {  	_ =	swait.ge [sflag:s17], $0x4000  }
0x6e: {  	[sflag:s17] =	ssyncset.done $0x0  }
0x6f: {  	s31 =	sadd.s32 $0x5000, s19;
	[sflag:s17] =	ssyncadd.s32 $0xFFFFC000  }
0x70: {  	[spmem:s2] =	stream.indirect.scatter.add.f32 [tilespmem:s16], [sflag:$0x2], $0x80, s31, s15, $0xb8;
	[tilespmem:$0x1F800] =	vst v63  }
0x71: {  	_ =	swait.ge [sflag:s11], $0x4000  }
0x72: {  	[sflag:s11] =	ssyncset.done $0x0  }
0x73: {  	s18 =	sadd.s32 $0x1, s18;
	[sflag:s11] =	ssyncadd.s32 $0xFFFFC000  }
0x74: {  	p0 =	sne.s32 s18, s10;
	[bflag:$0x0] =	sbarrier.arrive $0xFFFF  }
0x75: {  	[hbm:s9], [sflag:s13] =	dma.local [spmem:s14], $0x2800  }
.Ltmp4:
0x76: {  	_ =	swait.ge [sflag:s11], $0x2800;
	(pc) =	sbr.rel @p0 .LBB2_1-.Ltmp4, $3  }
0x77: {  	[sflag:s11] =	ssyncset.done $0x0  }
0x78: {  	[sflag:s11] =	ssyncadd.s32 $0xFFFFD800  }
0x79: {  	[bflag:$0x0] =	sbarrier.arrive $0xFFFF;
	_ =	sdelay $0x1  }
0x7a: {  	_ =	sfence.sel $0x180000  }
0x7b: {  	[bflag:$0x0] =	sbarrier.arrive $0xFFFF  }
0x7c: {  	p0 =	sne.s32 s1, $0x0;
	_ =	strace $0x9000005C  }
0x7d: {  	s0 =	sadd.s32 @!p0 $0x100000, s0;
	[bflag:$0x2] =	sbarrier.arrive $0xFFFF  }
0x7e: {  	[sflag:s0] =	ssyncadd.tile.s32 @!p0 $0x1;
	_ =	shalt  }
.Lfunc_end2:
_tile_overlayer_lowered:
.L_overlay_start_2:
0x7f: {  	(tag) =	ssettag $0x2  }
0x80: {  	s0 =	rddreg [dreg:$0x0];
	s2 =	stileid.u32  }
0x81: {  	s1 =	rddreg [dreg:$0x1];
	p0 =	sne.s32 s2, $0x0  }
0x82: {  	s3 =	rddreg [dreg:$0x2];
	[bflag:$0x3] =	sbarrier.arrive $0xFFFF;
	s2 =	simm.s32 @!p0 $0x1C02  }
0x83: {  	[timem:s3], [sflag:s2] =	dma.local @!p0 [hbm:s0], s1  }
0x84: {  	s0 =	simm.s32 @!p0 $0x2  }
0x85: {  	_ =	swait.ge @!p0 [sflag:s0], s1  }
0x86: {  	s1 =	ssub.s32 @!p0 $0x0, s1;
	[sflag:s0] =	ssyncset.done @!p0 $0x0  }
0x87: {  	[sflag:s0] =	ssyncadd.s32 @!p0 s1  }
0x88: {  	[bflag:$0x3] =	sbarrier.arrive $0xFFFF  }
0x89: {  	_ =	shalt  }

// kernel: kernel.46.cloned.1.call-start
scs
__scs_entry_jumppad:
0x0: {  	(pc) =	sbr.rel $0x88, $3  }
0x1: {  	(tag) =	ssettag $0x0;
	lr =	simm.s32 $0x1  }
0x2: {  	[smem:$0x3F84] =	sst lr;
	_ =	strace $0xD0000000  }
0x3: {  	_ = 	snop  }
0x4: {  	_ = 	snop  }
0x5: {  	_ = 	snop  }
0x6: {  	_ = 	snop  }
0x7: {  	_ = 	snop  }
__scs_overlays_trampoline_lowered:
0x8: {  	[smem:$0x3F93] =	sst s0  }
0x9: {  	[smem:$0x3F94] =	sst s1  }
0xa: {  	[smem:$0x3F95] =	sst s2  }
0xb: {  	[smem:$0x3F96] =	sst s3  }
0xc: {  	[smem:$0x3F97] =	sst s4  }
0xd: {  	[smem:$0x3F98] =	sst s5  }
0xe: {  	[smem:$0x3F99] =	sst s6  }
0xf: {  	[smem:$0x3F9A] =	sst s7  }
0x10: {  	[smem:$0x3F9B] =	sst s8  }
0x11: {  	[smem:$0x3F9C] =	sst s9;
	s0 =	simm.s32 @!p0 $0x0  }
0x12: {  	s1 =	sld [smem:$0x3F82];
	s0 =	simm.s32 @p0 $0x1  }
0x13: {  	[smem:$0x3F9D] =	sst s0;
	s0 =	simm.s32 @!p1 $0x0  }
0x14: {  	s2 =	sld [smem:$0x3F81];
	s0 =	simm.s32 @p1 $0x1  }
0x15: {  	[smem:$0x3F9E] =	sst s0;
	s0 =	simm.s32 @!p2 $0x0  }
0x16: {  	s3 =	sld [smem:$0x3FDB];
	s0 =	simm.s32 @p2 $0x1  }
0x17: {  	s4 =	simm.s32 $0x1BF5;
	[smem:$0x3FA0] =	sst s0  }
0x18: {  	s0 =	sld [smem:$0x3F83];
	_ =	swait.ge [sflag:s4], $0x0  }
0x19: {  	s7 =	sld [smem:$0x3F84]  }
0x1a: {  	s8 =	sadd.s32 $0xFFFFE003, lr  }
0x1b: {  	s9 =	sadd.s32 $0xFFFFFEF7, lr;
	s5 =	simm.s32 $0xFFFFFFFF;
	p2 =	slt.u32 s8, $0xFFFFF086  }
0x1c: {  	p1 =	slt.u32 s9, $0xF7A;
	s5 =	simm.s32 @!p2 $0x0  }
0x1d: {  	s5 =	simm.s32 @p1 $0x1;
	p0 =	seq.s32 s7, s2  }
0x1e: {  	s7 =	smul.u32 @!p0 $0xF7A, s2;
	p2 =	seq.s32 @!p0 s5, $0x0  }
0x1f: {  	s9 =	smul.u32 $0xF7A, s1;
	s8 =	simm.s32 @!p0 $0x1BF5;
	p2 =	por !p2, p0  }
0x20: {  	[sflag:s8] =	ssyncset.s32 @!p0 $0xFFFFF086;
	s6 =	sadd.s32 @!p0 s3, s7;
	s7 =	simm.s32 @!p0 $0x108  }
0x21: {  	s3 =	sadd.s32 s3, s9;
	s6 =	sadd.s32 @!p0 $0x88, s6;
	s7 =	simm.s32 @p2 $0x1082  }
0x22: {  	[simem:s7], [sflag:s8] =	dma.local @!p0 [hbm:s6], $0xF7A  }
0x23: {  	s9 =	sor.u32 $0xD0000000, s2;
	s6 =	simm.s32 $0x108;
	_ =	swait.ge @!p0 [sflag:s8], $0x0  }
0x24: {  	s3 =	sadd.s32 $0x88, s3;
	s6 =	simm.s32 @!p1 $0x1082;
	[sflag:s4] =	ssyncset.s32 $0xFFFFF086  }
0x25: {  	[simem:s6], [sflag:s4] =	dma.local [hbm:s3], $0xF7A  }
0x26: {  	[smem:$0x3F84] =	sst s1;
	(tag) =	ssettag s2;
	_ =	strace s9  }
0x27: {  	s1 =	sld [smem:$0x3F94]  }
0x28: {  	s2 =	sld [smem:$0x3F95]  }
0x29: {  	s4 =	sld [smem:$0x3F97]  }
0x2a: {  	p0 =	seq.s32 s5, $0x0;
	s5 =	sld [smem:$0x3F98]  }
0x2b: {  	s6 =	sld [smem:$0x3F99]  }
0x2c: {  	s7 =	sld [smem:$0x3F9A]  }
0x2d: {  	s3 =	simm.s32 $0x108;
	s8 =	sld [smem:$0x3F9B]  }
0x2e: {  	s3 =	simm.s32 @!p0 $0x1082;
	s9 =	sld [smem:$0x3F9C]  }
0x2f: {  	lr =	sadd.s32 s0, s3;
	s0 =	sld [smem:$0x3F93]  }
0x30: {  	s3 =	sld [smem:$0x3F96]  }
0x31: {  	[smem:$0x3F9F] =	sst s10  }
0x32: {  	s10 =	sld [smem:$0x3F9D];
	_ =	sdelay $0x3  }
0x33: {  	p0 =	seq.s32 s10, $0x1;
	s10 =	sld [smem:$0x3F9F];
	_ =	sdelay $0x3  }
0x34: {  	[smem:$0x3F9F] =	sst s10  }
0x35: {  	s10 =	sld [smem:$0x3F9E];
	_ =	sdelay $0x3  }
0x36: {  	p1 =	seq.s32 s10, $0x1;
	s10 =	sld [smem:$0x3F9F];
	_ =	sdelay $0x3  }
0x37: {  	[smem:$0x3F9F] =	sst s10  }
0x38: {  	s10 =	sld [smem:$0x3FA0]  }
0x39: {  	_ = 	snop;
	(pc) =	sbr.ind lr, $3  }
0x3a: {  	_ = 	snop  }
0x3b: {  	_ = 	snop  }
0x3c: {  	p2 =	seq.s32 s10, $0x1;
	s10 =	sld [smem:$0x3F9F]  }
0x3d: {  	_ =	shalt  }
0x3e: {  	_ =	shalt  }
0x3f: {  	_ =	shalt  }
0x40: {  	_ =	shalt  }
0x41: {  	_ =	shalt  }
0x42: {  	_ =	shalt  }
0x43: {  	_ =	shalt  }
0x44: {  	_ =	shalt  }
0x45: {  	_ =	shalt  }
0x46: {  	_ =	shalt  }
0x47: {  	_ =	shalt  }
0x48: {  	_ =	shalt  }
0x49: {  	_ =	shalt  }
0x4a: {  	_ =	shalt  }
0x4b: {  	_ =	shalt  }
0x4c: {  	_ =	shalt  }
0x4d: {  	_ =	shalt  }
0x4e: {  	_ =	shalt  }
0x4f: {  	_ =	shalt  }
0x50: {  	_ =	shalt  }
0x51: {  	_ =	shalt  }
0x52: {  	_ =	shalt  }
0x53: {  	_ =	shalt  }
0x54: {  	_ =	shalt  }
0x55: {  	_ =	shalt  }
0x56: {  	_ =	shalt  }
0x57: {  	_ =	shalt  }
0x58: {  	_ =	shalt  }
0x59: {  	_ =	shalt  }
0x5a: {  	_ =	shalt  }
0x5b: {  	_ =	shalt  }
0x5c: {  	_ =	shalt  }
0x5d: {  	_ =	shalt  }
0x5e: {  	_ =	shalt  }
0x5f: {  	_ =	shalt  }
0x60: {  	_ =	shalt  }
0x61: {  	_ =	shalt  }
0x62: {  	_ =	shalt  }
0x63: {  	_ =	shalt  }
0x64: {  	_ =	shalt  }
0x65: {  	_ =	shalt  }
0x66: {  	_ =	shalt  }
0x67: {  	_ =	shalt  }
0x68: {  	_ =	shalt  }
0x69: {  	_ =	shalt  }
0x6a: {  	_ =	shalt  }
0x6b: {  	_ =	shalt  }
0x6c: {  	_ =	shalt  }
0x6d: {  	_ =	shalt  }
0x6e: {  	_ =	shalt  }
0x6f: {  	_ =	shalt  }
0x70: {  	_ =	shalt  }
0x71: {  	_ =	shalt  }
0x72: {  	_ =	shalt  }
0x73: {  	_ =	shalt  }
0x74: {  	_ =	shalt  }
0x75: {  	_ =	shalt  }
0x76: {  	_ =	shalt  }
0x77: {  	_ =	shalt  }
0x78: {  	_ =	shalt  }
0x79: {  	_ =	shalt  }
0x7a: {  	_ =	shalt  }
0x7b: {  	_ =	shalt  }
0x7c: {  	_ =	shalt  }
0x7d: {  	_ =	shalt  }
0x7e: {  	_ =	shalt  }
0x7f: {  	_ =	shalt  }
0x80: {  	_ =	shalt  }
0x81: {  	_ =	shalt  }
0x82: {  	_ =	shalt  }
0x83: {  	_ =	shalt  }
0x84: {  	_ =	shalt  }
0x85: {  	_ =	shalt  }
0x86: {  	_ =	shalt  }
0x87: {  	_ =	shalt  }
.Lfunc_end0:
.L_simem_size_0:
called_computation.8_lowered:
.L_overlay_start_0:
0x88: {  	s2 =	sld [smem:$0x3FD9]  }
0x89: {  	s3 =	sld [smem:$0x3FFE];
	_ =	sdelay $0x1  }
0x8a: {  	s1 =	srdreg.scid  }
0x8b: {  	s0 =	sand.u32 $0x1, s1  }
0x8c: {  	s17 =	sshll.u32 s0, $0xA;
	s2 =	sadd.s32 s3, s2  }
0x8d: {  	s2 =	sadd.s32 s2, s17  }
0x8e: {  	[smem:$0x3FAB] =	sst s2  }
0x8f: {  	_ = 	snop  }
0x90: {  	s2 =	sld [smem:$0x3FD0];
	(tm) =	ssettm $0x1  }
0x91: {  	s18 =	sld [smem:$0x3FFB];
	_ =	sdelay $0x3  }
0x92: {  	_ =	strace s18  }
0x93: {  	s3 =	sld [smem:$0x3FFC];
	_ =	sdelay $0x3  }
0x94: {  	_ =	strace s3  }
0x95: {  	s3 =	sld [smem:$0x3FFD];
	_ =	sdelay $0x3  }
0x96: {  	_ =	strace s3  }
0x97: {  	_ =	strace $0x8FFFFFFF  }
0x98: {  	s19 =	sld [smem:$0x3FDB];
	_ =	sdelay $0x1  }
0x99: {  	s4 =	simm.s32 $_scs_section_size  }
0x9a: {  	s5 =	simm.s32 $_size__tile_overlayer_lowered;
	s6 =	simm.s32 $_tile_overlayer_lowered  }
0x9b: {  	s22 =	simm.s32 $0x1BFF;
	s21 =	sshll.u32 s6, $0x1;
	s3 =	sadd.s32 s4, s19  }
0x9c: {  	s7 =	simm.s32 $0x0;
	s20 =	sshll.u32 s5, $0x1;
	s5 =	sadd.s32 s21, s3  }
0x9d: {  	[timem:s7], [sflag:s22] =	dma.local [hbm:s5], s20  }
0x9e: {  	_ =	swait.ge [sflag:s22], s20  }
0x9f: {  	s4 =	ssub.s32 $0x0, s20;
	[sflag:s22] =	ssyncset.done $0x0  }
0xa0: {  	[sflag:s22] =	ssyncadd.s32 s4;
	_ =	sdelay $0x1  }
0xa1: {  	s23 =	simm.s32 $0x1B8B  }
0xa2: {  	_ =	swait.ge [sflag:s23], $0x1  }
0xa3: {  	[sflag:s23] =	ssyncset.done $0x0  }
0xa4: {  	s25 =	simm.s32 $0x1B8E;
	s24 =	sld [smem:$0x3FFE];
	[sflag:s23] =	ssyncadd.s32 $0xFFFFFFFF  }
0xa5: {  	s26 =	simm.s32 $execute0_lowered;
	[smem:$0x3FD2] =	sst s25  }
0xa6: {  	s5 =	sshll.u32 s26, $0x1;
	_ =	strace $0x8000005E;
	[dreg:$0x1] =	wrdreg $0xFFFFFFFF  }
0xa7: {  	s28 =	simm.s32 $_size_execute0_lowered;
	s3 =	sadd.s32 s3, s5;
	[dreg:$0x0] =	wrdreg $0x0  }
0xa8: {  	s5 =	sshll.u32 s28, $0x1;
	[dreg:$0x2] =	wrdreg s3  }
0xa9: {  	[dreg:$0x3] =	wrdreg s5  }
0xaa: {  	[dreg:$0x4] =	wrdreg $0xC0  }
0xab: {  	_ =	task [dreg:s7], $0x5FFFF  }
0xac: {  	[dreg:$0x1] =	wrdreg $0xFFFFFFFF  }
0xad: {  	[dreg:$0x0] =	wrdreg $0x60  }
0xae: {  	[dreg:$0x2] =	wrdreg s24  }
0xaf: {  	[dreg:$0x3] =	wrdreg s2  }
0xb0: {  	[dreg:$0x4] =	wrdreg $0xB8000  }
0xb1: {  	[dreg:$0x5] =	wrdreg $0x9  }
0xb2: {  	_ =	task.clear_ibuf [dreg:s7], $0x6FFFF;
	_ =	strace $0x9000005E  }
0xb3: {  	s29 =	simm.s32 $0x9;
	_ =	strace $0x80000060  }
0xb4: {  	_ =	swait.ge [sflag:s29], $0x1  }
0xb5: {  	[sflag:s29] =	ssyncadd.s32 $0xFFFFFFFF  }
0xb6: {  	_ =	strace $0x90000060  }
0xb7: {  	_ =	sfence  }
0xb8: {  	s30 =	sld [smem:$0x0];
	_ =	sdelay $0x2  }
0xb9: {  	s31 =	sshll.u32 s1, $0xD;
	s1 =	sshrl.u32 s1, $0x2  }
0xba: {  	s3 =	sand.u32 $0x4000, s31;
	s1 =	sadd.s32 s1, s30  }
0xbb: {  	s0 =	sor.u32 s3, s0;
	s1 =	sshll.u32 s1, $0x11  }
0xbc: {  	s0 =	sor.u32 s1, s0  }
0xbd: {  	s0 =	sadd.s32 $0x8F2B, s0  }
0xbe: {  	[sflag:s0] =	ssyncadd.remote.s32 $0x1  }
0xbf: {  	_ =	sfence.sel $0xFFFF  }
0xc0: {  	[dreg:$0x0] =	wrdreg $0xFFFFFFFF;
	(pc) =	sbr.abs _section_cstart, $3  }
0xc1: {  	[dreg:$0x1] =	wrdreg $0xFFFFFFFF  }
0xc2: {  	_ =	task.clear_ibuf [dreg:s7], $0x2FFFF;
	_ =	strace $0x9FFFFFFF  }
0xc3: {  	(tm) =	ssettm $0x7FFFFFFF  }
tec
execute0_lowered:
.L_overlay_start_1:
0x0: {  	(tag) =	ssettag $0x1  }
0x1: {  	s6 =	rddreg [dreg:$0x0]  }
0x2: {  	s7 =	rddreg [dreg:$0x1]  }
0x3: {  	s2 =	rddreg [dreg:$0x2]  }
0x4: {  	s0 =	rddreg [dreg:$0x3]  }
0x5: {  	s3 =	simm.s32 $0x0;
	s1 =	stileid.u32;
	s5 =	srdreg.scid  }
0x6: {  	s18 =	simm.s32 $0x0;
	[smem:$0x7FF] =	sst s3;
	s8 =	smul.u32 $0x500, s1  }
0x7: {  	s4 =	sadd.s32 $0xAA200, s6;
	s16 =	sand.u32 $0x1, s5;
	s9 =	smul.u32 $0x50000, s1  }
0x8: {  	s5 =	sadd.s32 $0xB600, s6;
	s13 =	smul.u32 $0x14000, s1;
	s14 =	sadd.s32 $0x146600, s6  }
0x9: {  	s31 =	sshll.u32 s1, $0x6;
	_ =	strace $0x8000005F;
	s11 =	smul.u32 $0x140000, s16  }
0xa: {  	s12 =	ssub.s32 $0x2, s16;
	s17 =	sor.u32 $0x2, s16;
	v0 =	vmov s16;
	s16 =	simm.s32 $0x7800  }
0xb: {  	s10 =	sadd.s32 s8, s6;
	s23 =	sshrl.u32 s12, $0x1;
	s15 =	smul.u32 $0x140000, s17  }
0xc: {  	s6 =	sadd.s32 s7, s8;
	s24 =	sshrl.u32 s9, $0x2;
	v1 =	vmov s17;
	s17 =	simm.s32 $0x1  }
0xd: {  	s12 =	ssub.s32 s12, s23;
	s7 =	sadd.s32 $0x6600, s10;
	s25 =	sadd.s32 s13, s11  }
0xe: {  	s28 =	sadd.s32 s24, s2;
	s11 =	simm.s32 $0x2;
	s26 =	sadd.s32 s13, s15  }
0xf: {  	s29 =	sshrl.u32 s25, $0x3;
	s10 =	smax.u32 s12, $0x1;
	s12 =	simm.s32 $0x5000  }
0x10: {  	s13 =	sor.u32 $0x1C02, s31;
	s15 =	simm.s32 $0x80;
	s30 =	sshrl.u32 s26, $0x3  }
0x11: {  	s8 =	sadd.s32 s14, s29;
	s9 =	sadd.s32 s14, s30;
	s14 =	sshrl.u32 s28, $0x3  }
.LBB2_1:
0x12: {  	[tilespmem:s3], [sflag:$0x2] =	stream.linear.gather [hbm4b:s6+s3], $0x2800, $0x38;
	[tilespmem:$0x1F800] =	vst v63  }
0x13: {  	_ =	swait.ge [sflag:s11], $0x2800  }
0x14: {  	[sflag:s11] =	ssyncset.done $0x0  }
0x15: {  	[sflag:s11] =	ssyncadd.s32 $0xFFFFD800  }
0x16: {  	[tilespmem:s12], [sflag:$0x2] =	stream.linear.gather [hbm4b:s7+s3], $0x2800, $0x38;
	[tilespmem:$0x1F800] =	vst v63  }
0x17: {  	_ =	swait.ge [sflag:s11], $0x2800  }
0x18: {  	[sflag:s11] =	ssyncset.done $0x0  }
0x19: {  	[sflag:s11] =	ssyncadd.s32 $0xFFFFD800  }
0x1a: {  	[spmem:s14], [sflag:s13] =	dma.local [hbm:s5], $0x2800  }
0x1b: {  	_ =	swait.ge [sflag:s11], $0x2800  }
0x1c: {  	[sflag:s11] =	ssyncset.done $0x0  }
0x1d: {  	s19 =	simm.s32 $0x0;
	[sflag:s11] =	ssyncadd.s32 $0xFFFFD800  }
0x1e: {  	v2 =	vld [tilespmem:s19+$0x0]  }
0x1f: {  	s20 =	simm.s32 $0x40  }
.LBB2_2:
0x20: {  	p0 =	sne.s32 s20, $0x9FC0  }
.Ltmp0:
0x21: {  	_ = 	snop;
	(pc) =	sbr.rel @p0 .LBB2_2-.Ltmp0, $4  }
0x22: {  	_ = 	snop  }
0x23: {  	s21 =	sshra.s32 s20, $0x2;
	s20 =	sadd.s32 $0x40, s20;
	v3 =	vshll.u32 v2, $0x2  }
0x24: {  	v2 =	vld [tilespmem:s21+$0x0];
	v3 =	vor.u32 v0, v3  }
0x25: {  	[tilespmem:s19+$0x2800] =	vst v3;
	s19 =	smov.u32 s21  }
0x26: {  	_ =	sdelay $0x2  }
0x27: {  	v2 =	vshll.u32 v2, $0x2  }
0x28: {  	v2 =	vor.u32 v0, v2  }
0x29: {  	[tilespmem:s19+$0x2800] =	vst v2  }
0x2a: {  	s30 =	simm.s32 $0x2800;
	[bflag:$0x0] =	sbarrier.arrive $0xFFFF  }
0x2b: {  	[tilespmem:s16], [sflag:$0x1] =	stream.indirect.gather [hbm4b:s4+s15], $0x80, s30, s15, $0xb8;
	[tilespmem:$0x1F800] =	vst v63  }
0x2c: {  	_ =	swait.ge [sflag:s17], $0x4000  }
0x2d: {  	[sflag:s17] =	ssyncset.done $0x0  }
0x2e: {  	s31 =	simm.s32 $0x5000;
	[sflag:s17] =	ssyncadd.s32 $0xFFFFC000  }
0x2f: {  	[spmem:s2] =	stream.indirect.scatter.add.f32 [tilespmem:s16], [sflag:$0x2], $0x80, s31, s15, $0xb8;
	[tilespmem:$0x1F800] =	vst v63  }
0x30: {  	_ =	swait.ge [sflag:s11], $0x4000  }
0x31: {  	s20 =	simm.s32 $0x400;
	s19 =	simm.s32 $0x80;
	[sflag:s11] =	ssyncset.done $0x0  }
.LBB2_4:
0x32: {  	s21 =	sadd.s32 $0x2800, s19  }
0x33: {  	[sflag:s11] =	ssyncadd.s32 $0xFFFFC000;
	s22 =	smov.u32 s20;
	s23 =	sadd.s32 $0x200, s20  }
0x34: {  	[tilespmem:s16], [sflag:$0x1] =	stream.indirect.gather [hbm4b:s4+s15], $0x80, s21, s15, $0xb8;
	[tilespmem:$0x1F800] =	vst v63  }
0x35: {  	p0 =	sne.s32 s20, $0x9E00;
	_ =	swait.ge [sflag:s17], $0x4000  }
.Ltmp1:
0x36: {  	[sflag:s17] =	ssyncset.done $0x0;
	(pc) =	sbr.rel @p0 .LBB2_4-.Ltmp1, $4  }
0x37: {  	s19 =	sadd.s32 $0x5000, s19;
	[sflag:s17] =	ssyncadd.s32 $0xFFFFC000  }
0x38: {  	[spmem:s2] =	stream.indirect.scatter.add.f32 [tilespmem:s16], [sflag:$0x2], $0x80, s19, s15, $0xb8;
	[tilespmem:$0x1F800] =	vst v63  }
0x39: {  	_ =	swait.ge [sflag:s11], $0x4000  }
0x3a: {  	s20 =	smov.u32 s23;
	s19 =	sshra.s32 s22, $0x2;
	[sflag:s11] =	ssyncset.done $0x0  }
0x3b: {  	s20 =	sadd.s32 $0x2800, s19;
	[sflag:s11] =	ssyncadd.s32 $0xFFFFC000  }
0x3c: {  	[tilespmem:s16], [sflag:$0x1] =	stream.indirect.gather [hbm4b:s4+s15], $0x80, s20, s15, $0xb8;
	[tilespmem:$0x1F800] =	vst v63  }
0x3d: {  	_ =	swait.ge [sflag:s17], $0x4000  }
0x3e: {  	[sflag:s17] =	ssyncset.done $0x0  }
0x3f: {  	s31 =	sadd.s32 $0x5000, s19;
	[sflag:s17] =	ssyncadd.s32 $0xFFFFC000  }
0x40: {  	[spmem:s2] =	stream.indirect.scatter.add.f32 [tilespmem:s16], [sflag:$0x2], $0x80, s31, s15, $0xb8;
	[tilespmem:$0x1F800] =	vst v63  }
0x41: {  	_ =	swait.ge [sflag:s11], $0x4000  }
0x42: {  	[sflag:s11] =	ssyncset.done $0x0  }
0x43: {  	[sflag:s11] =	ssyncadd.s32 $0xFFFFC000  }
0x44: {  	[bflag:$0x0] =	sbarrier.arrive $0xFFFF  }
0x45: {  	[hbm:s8], [sflag:s13] =	dma.local [spmem:s14], $0x2800  }
0x46: {  	_ =	swait.ge [sflag:s11], $0x2800  }
0x47: {  	[sflag:s11] =	ssyncset.done $0x0  }
0x48: {  	[sflag:s11] =	ssyncadd.s32 $0xFFFFD800  }
0x49: {  	[bflag:$0x0] =	sbarrier.arrive $0xFFFF  }
0x4a: {  	[spmem:s14], [sflag:s13] =	dma.local [hbm:s5], $0x2800  }
0x4b: {  	_ =	swait.ge [sflag:s11], $0x2800  }
0x4c: {  	[sflag:s11] =	ssyncset.done $0x0  }
0x4d: {  	s19 =	simm.s32 $0x0;
	[sflag:s11] =	ssyncadd.s32 $0xFFFFD800  }
0x4e: {  	v2 =	vld [tilespmem:s19+$0x0]  }
0x4f: {  	s20 =	simm.s32 $0x40  }
.LBB2_6:
0x50: {  	p0 =	sne.s32 s20, $0x9FC0  }
.Ltmp2:
0x51: {  	_ = 	snop;
	(pc) =	sbr.rel @p0 .LBB2_6-.Ltmp2, $4  }
0x52: {  	_ = 	snop  }
0x53: {  	s21 =	sshra.s32 s20, $0x2;
	s20 =	sadd.s32 $0x40, s20;
	v3 =	vshll.u32 v2, $0x2  }
0x54: {  	v2 =	vld [tilespmem:s21+$0x0];
	v3 =	vor.u32 v1, v3  }
0x55: {  	[tilespmem:s19+$0x2800] =	vst v3;
	s19 =	smov.u32 s21  }
0x56: {  	_ =	sdelay $0x2  }
0x57: {  	v2 =	vshll.u32 v2, $0x2  }
0x58: {  	v2 =	vor.u32 v1, v2  }
0x59: {  	[tilespmem:s19+$0x2800] =	vst v2  }
0x5a: {  	s30 =	simm.s32 $0x2800;
	[bflag:$0x0] =	sbarrier.arrive $0xFFFF  }
0x5b: {  	[tilespmem:s16], [sflag:$0x1] =	stream.indirect.gather [hbm4b:s4+s15], $0x80, s30, s15, $0xb8;
	[tilespmem:$0x1F800] =	vst v63  }
0x5c: {  	_ =	swait.ge [sflag:s17], $0x4000  }
0x5d: {  	[sflag:s17] =	ssyncset.done $0x0  }
0x5e: {  	s31 =	simm.s32 $0x5000;
	[sflag:s17] =	ssyncadd.s32 $0xFFFFC000  }
0x5f: {  	[spmem:s2] =	stream.indirect.scatter.add.f32 [tilespmem:s16], [sflag:$0x2], $0x80, s31, s15, $0xb8;
	[tilespmem:$0x1F800] =	vst v63  }
0x60: {  	_ =	swait.ge [sflag:s11], $0x4000  }
0x61: {  	s20 =	simm.s32 $0x400;
	s19 =	simm.s32 $0x80;
	[sflag:s11] =	ssyncset.done $0x0  }
.LBB2_8:
0x62: {  	s21 =	sadd.s32 $0x2800, s19  }
0x63: {  	[sflag:s11] =	ssyncadd.s32 $0xFFFFC000;
	s22 =	smov.u32 s20;
	s23 =	sadd.s32 $0x200, s20  }
0x64: {  	[tilespmem:s16], [sflag:$0x1] =	stream.indirect.gather [hbm4b:s4+s15], $0x80, s21, s15, $0xb8;
	[tilespmem:$0x1F800] =	vst v63  }
0x65: {  	p0 =	sne.s32 s20, $0x9E00;
	_ =	swait.ge [sflag:s17], $0x4000  }
.Ltmp3:
0x66: {  	[sflag:s17] =	ssyncset.done $0x0;
	(pc) =	sbr.rel @p0 .LBB2_8-.Ltmp3, $4  }
0x67: {  	s19 =	sadd.s32 $0x5000, s19;
	[sflag:s17] =	ssyncadd.s32 $0xFFFFC000  }
0x68: {  	[spmem:s2] =	stream.indirect.scatter.add.f32 [tilespmem:s16], [sflag:$0x2], $0x80, s19, s15, $0xb8;
	[tilespmem:$0x1F800] =	vst v63  }
0x69: {  	_ =	swait.ge [sflag:s11], $0x4000  }
0x6a: {  	s20 =	smov.u32 s23;
	s19 =	sshra.s32 s22, $0x2;
	[sflag:s11] =	ssyncset.done $0x0  }
0x6b: {  	s20 =	sadd.s32 $0x2800, s19;
	[sflag:s11] =	ssyncadd.s32 $0xFFFFC000  }
0x6c: {  	[tilespmem:s16], [sflag:$0x1] =	stream.indirect.gather [hbm4b:s4+s15], $0x80, s20, s15, $0xb8;
	[tilespmem:$0x1F800] =	vst v63  }
0x6d: {  	_ =	swait.ge [sflag:s17], $0x4000  }
0x6e: {  	[sflag:s17] =	ssyncset.done $0x0  }
0x6f: {  	s31 =	sadd.s32 $0x5000, s19;
	[sflag:s17] =	ssyncadd.s32 $0xFFFFC000  }
0x70: {  	[spmem:s2] =	stream.indirect.scatter.add.f32 [tilespmem:s16], [sflag:$0x2], $0x80, s31, s15, $0xb8;
	[tilespmem:$0x1F800] =	vst v63  }
0x71: {  	_ =	swait.ge [sflag:s11], $0x4000  }
0x72: {  	[sflag:s11] =	ssyncset.done $0x0  }
0x73: {  	s18 =	sadd.s32 $0x1, s18;
	[sflag:s11] =	ssyncadd.s32 $0xFFFFC000  }
0x74: {  	p0 =	sne.s32 s18, s10;
	[bflag:$0x0] =	sbarrier.arrive $0xFFFF  }
0x75: {  	[hbm:s9], [sflag:s13] =	dma.local [spmem:s14], $0x2800  }
.Ltmp4:
0x76: {  	_ =	swait.ge [sflag:s11], $0x2800;
	(pc) =	sbr.rel @p0 .LBB2_1-.Ltmp4, $3  }
0x77: {  	[sflag:s11] =	ssyncset.done $0x0  }
0x78: {  	[sflag:s11] =	ssyncadd.s32 $0xFFFFD800  }
0x79: {  	[bflag:$0x0] =	sbarrier.arrive $0xFFFF;
	_ =	sdelay $0x1  }
0x7a: {  	_ =	sfence.sel $0x180000  }
0x7b: {  	[bflag:$0x0] =	sbarrier.arrive $0xFFFF  }
0x7c: {  	p0 =	sne.s32 s1, $0x0;
	_ =	strace $0x9000005F  }
0x7d: {  	s0 =	sadd.s32 @!p0 $0x100000, s0;
	[bflag:$0x2] =	sbarrier.arrive $0xFFFF  }
0x7e: {  	[sflag:s0] =	ssyncadd.tile.s32 @!p0 $0x1;
	_ =	shalt  }
.Lfunc_end2:
_tile_overlayer_lowered:
.L_overlay_start_2:
0x7f: {  	(tag) =	ssettag $0x2  }
0x80: {  	s0 =	rddreg [dreg:$0x0];
	s2 =	stileid.u32  }
0x81: {  	s1 =	rddreg [dreg:$0x1];
	p0 =	sne.s32 s2, $0x0  }
0x82: {  	s3 =	rddreg [dreg:$0x2];
	[bflag:$0x3] =	sbarrier.arrive $0xFFFF;
	s2 =	simm.s32 @!p0 $0x1C02  }
0x83: {  	[timem:s3], [sflag:s2] =	dma.local @!p0 [hbm:s0], s1  }
0x84: {  	s0 =	simm.s32 @!p0 $0x2  }
0x85: {  	_ =	swait.ge @!p0 [sflag:s0], s1  }
0x86: {  	s1 =	ssub.s32 @!p0 $0x0, s1;
	[sflag:s0] =	ssyncset.done @!p0 $0x0  }
0x87: {  	[sflag:s0] =	ssyncadd.s32 @!p0 s1  }
0x88: {  	[bflag:$0x3] =	sbarrier.arrive $0xFFFF  }
0x89: {  	_ =	shalt  }

// kernel: kernel.49.cloned.1.call-start
scs
__scs_entry_jumppad:
0x0: {  	(pc) =	sbr.rel $0x88, $3  }
0x1: {  	(tag) =	ssettag $0x0;
	lr =	simm.s32 $0x1  }
0x2: {  	[smem:$0x3F84] =	sst lr;
	_ =	strace $0xD0000000  }
0x3: {  	_ = 	snop  }
0x4: {  	_ = 	snop  }
0x5: {  	_ = 	snop  }
0x6: {  	_ = 	snop  }
0x7: {  	_ = 	snop  }
__scs_overlays_trampoline_lowered:
0x8: {  	[smem:$0x3F93] =	sst s0  }
0x9: {  	[smem:$0x3F94] =	sst s1  }
0xa: {  	[smem:$0x3F95] =	sst s2  }
0xb: {  	[smem:$0x3F96] =	sst s3  }
0xc: {  	[smem:$0x3F97] =	sst s4  }
0xd: {  	[smem:$0x3F98] =	sst s5  }
0xe: {  	[smem:$0x3F99] =	sst s6  }
0xf: {  	[smem:$0x3F9A] =	sst s7  }
0x10: {  	[smem:$0x3F9B] =	sst s8  }
0x11: {  	[smem:$0x3F9C] =	sst s9;
	s0 =	simm.s32 @!p0 $0x0  }
0x12: {  	s1 =	sld [smem:$0x3F82];
	s0 =	simm.s32 @p0 $0x1  }
0x13: {  	[smem:$0x3F9D] =	sst s0;
	s0 =	simm.s32 @!p1 $0x0  }
0x14: {  	s2 =	sld [smem:$0x3F81];
	s0 =	simm.s32 @p1 $0x1  }
0x15: {  	[smem:$0x3F9E] =	sst s0;
	s0 =	simm.s32 @!p2 $0x0  }
0x16: {  	s3 =	sld [smem:$0x3FDB];
	s0 =	simm.s32 @p2 $0x1  }
0x17: {  	s4 =	simm.s32 $0x1BF5;
	[smem:$0x3FA0] =	sst s0  }
0x18: {  	s0 =	sld [smem:$0x3F83];
	_ =	swait.ge [sflag:s4], $0x0  }
0x19: {  	s7 =	sld [smem:$0x3F84]  }
0x1a: {  	s8 =	sadd.s32 $0xFFFFE003, lr  }
0x1b: {  	s9 =	sadd.s32 $0xFFFFFEF7, lr;
	s5 =	simm.s32 $0xFFFFFFFF;
	p2 =	slt.u32 s8, $0xFFFFF086  }
0x1c: {  	p1 =	slt.u32 s9, $0xF7A;
	s5 =	simm.s32 @!p2 $0x0  }
0x1d: {  	s5 =	simm.s32 @p1 $0x1;
	p0 =	seq.s32 s7, s2  }
0x1e: {  	s7 =	smul.u32 @!p0 $0xF7A, s2;
	p2 =	seq.s32 @!p0 s5, $0x0  }
0x1f: {  	s9 =	smul.u32 $0xF7A, s1;
	s8 =	simm.s32 @!p0 $0x1BF5;
	p2 =	por !p2, p0  }
0x20: {  	[sflag:s8] =	ssyncset.s32 @!p0 $0xFFFFF086;
	s6 =	sadd.s32 @!p0 s3, s7;
	s7 =	simm.s32 @!p0 $0x108  }
0x21: {  	s3 =	sadd.s32 s3, s9;
	s6 =	sadd.s32 @!p0 $0x88, s6;
	s7 =	simm.s32 @p2 $0x1082  }
0x22: {  	[simem:s7], [sflag:s8] =	dma.local @!p0 [hbm:s6], $0xF7A  }
0x23: {  	s9 =	sor.u32 $0xD0000000, s2;
	s6 =	simm.s32 $0x108;
	_ =	swait.ge @!p0 [sflag:s8], $0x0  }
0x24: {  	s3 =	sadd.s32 $0x88, s3;
	s6 =	simm.s32 @!p1 $0x1082;
	[sflag:s4] =	ssyncset.s32 $0xFFFFF086  }
0x25: {  	[simem:s6], [sflag:s4] =	dma.local [hbm:s3], $0xF7A  }
0x26: {  	[smem:$0x3F84] =	sst s1;
	(tag) =	ssettag s2;
	_ =	strace s9  }
0x27: {  	s1 =	sld [smem:$0x3F94]  }
0x28: {  	s2 =	sld [smem:$0x3F95]  }
0x29: {  	s4 =	sld [smem:$0x3F97]  }
0x2a: {  	p0 =	seq.s32 s5, $0x0;
	s5 =	sld [smem:$0x3F98]  }
0x2b: {  	s6 =	sld [smem:$0x3F99]  }
0x2c: {  	s7 =	sld [smem:$0x3F9A]  }
0x2d: {  	s3 =	simm.s32 $0x108;
	s8 =	sld [smem:$0x3F9B]  }
0x2e: {  	s3 =	simm.s32 @!p0 $0x1082;
	s9 =	sld [smem:$0x3F9C]  }
0x2f: {  	lr =	sadd.s32 s0, s3;
	s0 =	sld [smem:$0x3F93]  }
0x30: {  	s3 =	sld [smem:$0x3F96]  }
0x31: {  	[smem:$0x3F9F] =	sst s10  }
0x32: {  	s10 =	sld [smem:$0x3F9D];
	_ =	sdelay $0x3  }
0x33: {  	p0 =	seq.s32 s10, $0x1;
	s10 =	sld [smem:$0x3F9F];
	_ =	sdelay $0x3  }
0x34: {  	[smem:$0x3F9F] =	sst s10  }
0x35: {  	s10 =	sld [smem:$0x3F9E];
	_ =	sdelay $0x3  }
0x36: {  	p1 =	seq.s32 s10, $0x1;
	s10 =	sld [smem:$0x3F9F];
	_ =	sdelay $0x3  }
0x37: {  	[smem:$0x3F9F] =	sst s10  }
0x38: {  	s10 =	sld [smem:$0x3FA0]  }
0x39: {  	_ = 	snop;
	(pc) =	sbr.ind lr, $3  }
0x3a: {  	_ = 	snop  }
0x3b: {  	_ = 	snop  }
0x3c: {  	p2 =	seq.s32 s10, $0x1;
	s10 =	sld [smem:$0x3F9F]  }
0x3d: {  	_ =	shalt  }
0x3e: {  	_ =	shalt  }
0x3f: {  	_ =	shalt  }
0x40: {  	_ =	shalt  }
0x41: {  	_ =	shalt  }
0x42: {  	_ =	shalt  }
0x43: {  	_ =	shalt  }
0x44: {  	_ =	shalt  }
0x45: {  	_ =	shalt  }
0x46: {  	_ =	shalt  }
0x47: {  	_ =	shalt  }
0x48: {  	_ =	shalt  }
0x49: {  	_ =	shalt  }
0x4a: {  	_ =	shalt  }
0x4b: {  	_ =	shalt  }
0x4c: {  	_ =	shalt  }
0x4d: {  	_ =	shalt  }
0x4e: {  	_ =	shalt  }
0x4f: {  	_ =	shalt  }
0x50: {  	_ =	shalt  }
0x51: {  	_ =	shalt  }
0x52: {  	_ =	shalt  }
0x53: {  	_ =	shalt  }
0x54: {  	_ =	shalt  }
0x55: {  	_ =	shalt  }
0x56: {  	_ =	shalt  }
0x57: {  	_ =	shalt  }
0x58: {  	_ =	shalt  }
0x59: {  	_ =	shalt  }
0x5a: {  	_ =	shalt  }
0x5b: {  	_ =	shalt  }
0x5c: {  	_ =	shalt  }
0x5d: {  	_ =	shalt  }
0x5e: {  	_ =	shalt  }
0x5f: {  	_ =	shalt  }
0x60: {  	_ =	shalt  }
0x61: {  	_ =	shalt  }
0x62: {  	_ =	shalt  }
0x63: {  	_ =	shalt  }
0x64: {  	_ =	shalt  }
0x65: {  	_ =	shalt  }
0x66: {  	_ =	shalt  }
0x67: {  	_ =	shalt  }
0x68: {  	_ =	shalt  }
0x69: {  	_ =	shalt  }
0x6a: {  	_ =	shalt  }
0x6b: {  	_ =	shalt  }
0x6c: {  	_ =	shalt  }
0x6d: {  	_ =	shalt  }
0x6e: {  	_ =	shalt  }
0x6f: {  	_ =	shalt  }
0x70: {  	_ =	shalt  }
0x71: {  	_ =	shalt  }
0x72: {  	_ =	shalt  }
0x73: {  	_ =	shalt  }
0x74: {  	_ =	shalt  }
0x75: {  	_ =	shalt  }
0x76: {  	_ =	shalt  }
0x77: {  	_ =	shalt  }
0x78: {  	_ =	shalt  }
0x79: {  	_ =	shalt  }
0x7a: {  	_ =	shalt  }
0x7b: {  	_ =	shalt  }
0x7c: {  	_ =	shalt  }
0x7d: {  	_ =	shalt  }
0x7e: {  	_ =	shalt  }
0x7f: {  	_ =	shalt  }
0x80: {  	_ =	shalt  }
0x81: {  	_ =	shalt  }
0x82: {  	_ =	shalt  }
0x83: {  	_ =	shalt  }
0x84: {  	_ =	shalt  }
0x85: {  	_ =	shalt  }
0x86: {  	_ =	shalt  }
0x87: {  	_ =	shalt  }
.Lfunc_end0:
.L_simem_size_0:
called_computation.9_lowered:
.L_overlay_start_0:
0x88: {  	s2 =	sld [smem:$0x3FD9]  }
0x89: {  	s3 =	sld [smem:$0x3FFE];
	_ =	sdelay $0x1  }
0x8a: {  	s1 =	srdreg.scid  }
0x8b: {  	s0 =	sand.u32 $0x1, s1  }
0x8c: {  	s17 =	sshll.u32 s0, $0xA;
	s2 =	sadd.s32 s3, s2  }
0x8d: {  	s2 =	sadd.s32 s2, s17  }
0x8e: {  	[smem:$0x3FAB] =	sst s2  }
0x8f: {  	_ = 	snop  }
0x90: {  	s2 =	sld [smem:$0x3FD0];
	(tm) =	ssettm $0x1  }
0x91: {  	s18 =	sld [smem:$0x3FFB];
	_ =	sdelay $0x3  }
0x92: {  	_ =	strace s18  }
0x93: {  	s3 =	sld [smem:$0x3FFC];
	_ =	sdelay $0x3  }
0x94: {  	_ =	strace s3  }
0x95: {  	s3 =	sld [smem:$0x3FFD];
	_ =	sdelay $0x3  }
0x96: {  	_ =	strace s3  }
0x97: {  	_ =	strace $0x8FFFFFFF  }
0x98: {  	s19 =	sld [smem:$0x3FDB];
	_ =	sdelay $0x1  }
0x99: {  	s4 =	simm.s32 $_scs_section_size  }
0x9a: {  	s5 =	simm.s32 $_size__tile_overlayer_lowered;
	s6 =	simm.s32 $_tile_overlayer_lowered  }
0x9b: {  	s22 =	simm.s32 $0x1BFF;
	s21 =	sshll.u32 s6, $0x1;
	s3 =	sadd.s32 s4, s19  }
0x9c: {  	s7 =	simm.s32 $0x0;
	s20 =	sshll.u32 s5, $0x1;
	s5 =	sadd.s32 s21, s3  }
0x9d: {  	[timem:s7], [sflag:s22] =	dma.local [hbm:s5], s20  }
0x9e: {  	_ =	swait.ge [sflag:s22], s20  }
0x9f: {  	s4 =	ssub.s32 $0x0, s20;
	[sflag:s22] =	ssyncset.done $0x0  }
0xa0: {  	[sflag:s22] =	ssyncadd.s32 s4;
	_ =	sdelay $0x1  }
0xa1: {  	s23 =	simm.s32 $0x1B8B  }
0xa2: {  	_ =	swait.ge [sflag:s23], $0x1  }
0xa3: {  	[sflag:s23] =	ssyncset.done $0x0  }
0xa4: {  	s25 =	simm.s32 $0x1B8E;
	s24 =	sld [smem:$0x3FFE];
	[sflag:s23] =	ssyncadd.s32 $0xFFFFFFFF  }
0xa5: {  	s26 =	simm.s32 $execute0_lowered;
	[smem:$0x3FD2] =	sst s25  }
0xa6: {  	s5 =	sshll.u32 s26, $0x1;
	_ =	strace $0x80000061;
	[dreg:$0x1] =	wrdreg $0xFFFFFFFF  }
0xa7: {  	s28 =	simm.s32 $_size_execute0_lowered;
	s3 =	sadd.s32 s3, s5;
	[dreg:$0x0] =	wrdreg $0x0  }
0xa8: {  	s5 =	sshll.u32 s28, $0x1;
	[dreg:$0x2] =	wrdreg s3  }
0xa9: {  	[dreg:$0x3] =	wrdreg s5  }
0xaa: {  	[dreg:$0x4] =	wrdreg $0xC0  }
0xab: {  	_ =	task [dreg:s7], $0x5FFFF  }
0xac: {  	[dreg:$0x1] =	wrdreg $0xFFFFFFFF  }
0xad: {  	[dreg:$0x0] =	wrdreg $0x60  }
0xae: {  	[dreg:$0x2] =	wrdreg s24  }
0xaf: {  	[dreg:$0x3] =	wrdreg s2  }
0xb0: {  	[dreg:$0x4] =	wrdreg $0xB8000  }
0xb1: {  	[dreg:$0x5] =	wrdreg $0x9  }
0xb2: {  	_ =	task.clear_ibuf [dreg:s7], $0x6FFFF;
	_ =	strace $0x90000061  }
0xb3: {  	s29 =	simm.s32 $0x9;
	_ =	strace $0x80000063  }
0xb4: {  	_ =	swait.ge [sflag:s29], $0x1  }
0xb5: {  	[sflag:s29] =	ssyncadd.s32 $0xFFFFFFFF  }
0xb6: {  	_ =	strace $0x90000063  }
0xb7: {  	_ =	sfence  }
0xb8: {  	s30 =	sld [smem:$0x0];
	_ =	sdelay $0x2  }
0xb9: {  	s31 =	sshll.u32 s1, $0xD;
	s1 =	sshrl.u32 s1, $0x2  }
0xba: {  	s3 =	sand.u32 $0x4000, s31;
	s1 =	sadd.s32 s1, s30  }
0xbb: {  	s0 =	sor.u32 s3, s0;
	s1 =	sshll.u32 s1, $0x11  }
0xbc: {  	s0 =	sor.u32 s1, s0  }
0xbd: {  	s0 =	sadd.s32 $0x8F2B, s0  }
0xbe: {  	[sflag:s0] =	ssyncadd.remote.s32 $0x1  }
0xbf: {  	_ =	sfence.sel $0xFFFF  }
0xc0: {  	[dreg:$0x0] =	wrdreg $0xFFFFFFFF;
	(pc) =	sbr.abs _section_cstart, $3  }
0xc1: {  	[dreg:$0x1] =	wrdreg $0xFFFFFFFF  }
0xc2: {  	_ =	task.clear_ibuf [dreg:s7], $0x2FFFF;
	_ =	strace $0x9FFFFFFF  }
0xc3: {  	(tm) =	ssettm $0x7FFFFFFF  }
tec
execute0_lowered:
.L_overlay_start_1:
0x0: {  	(tag) =	ssettag $0x1  }
0x1: {  	s6 =	rddreg [dreg:$0x0]  }
0x2: {  	s7 =	rddreg [dreg:$0x1]  }
0x3: {  	s2 =	rddreg [dreg:$0x2]  }
0x4: {  	s0 =	rddreg [dreg:$0x3]  }
0x5: {  	s3 =	simm.s32 $0x0;
	s1 =	stileid.u32;
	s4 =	srdreg.scid  }
0x6: {  	s15 =	simm.s32 $0x7800;
	s16 =	simm.s32 $0x1;
	s8 =	smul.u32 $0x500, s1  }
0x7: {  	s17 =	simm.s32 $0x0;
	[smem:$0x7FF] =	sst s3;
	s9 =	smul.u32 $0x2800, s1  }
0x8: {  	s10 =	sand.u32 $0x1, s4;
	s4 =	sadd.s32 $0xDE00, s6;
	s12 =	smul.u32 $0x50000, s1  }
0x9: {  	s5 =	sadd.s32 $0xB600, s6;
	s31 =	sshll.u32 s1, $0x6;
	_ =	strace $0x80000062  }
0xa: {  	s11 =	ssub.s32 $0x2, s10;
	p0 =	sne.s32 s10, $0x0;
	s10 =	simm.s32 $0x2  }
.Ltmp0:
0xb: {  	s13 =	sadd.s32 s8, s6;
	s14 =	sshrl.u32 s11, $0x1;
	(pc) =	sbr.rel .LBB2_1-.Ltmp0, $4  }
0xc: {  	s9 =	sadd.s32 s9, s6;
	s12 =	sshrl.u32 s12, $0x2;
	s6 =	sadd.s32 s7, s8  }
0xd: {  	s11 =	ssub.s32 s11, s14;
	s7 =	sadd.s32 $0x6600, s13;
	s30 =	sadd.s32 s12, s2  }
0xe: {  	s8 =	sadd.s32 $0x35000, s9;
	s12 =	sor.u32 $0x1C02, s31;
	s14 =	simm.s32 $0x80  }
0xf: {  	s9 =	smax.u32 s11, $0x1;
	s11 =	simm.s32 $0x5000;
	s13 =	sshrl.u32 s30, $0x3  }
.LBB2_6:
0x10: {  	s19 =	sadd.s32 $0x2800, s18;
	[sflag:s10] =	ssyncadd.s32 $0xFFFFC000  }
0x11: {  	[tilespmem:s15], [sflag:$0x1] =	stream.indirect.gather [hbm4b:s4+s14], $0x80, s19, s14, $0xb8;
	[tilespmem:$0x1F800] =	vst v63  }
0x12: {  	_ =	swait.ge [sflag:s16], $0x4000  }
0x13: {  	[sflag:s16] =	ssyncset.done $0x0  }
0x14: {  	s31 =	sadd.s32 $0x5000, s18;
	[sflag:s16] =	ssyncadd.s32 $0xFFFFC000  }
0x15: {  	[spmem:s2] =	stream.indirect.scatter.add.f32 [tilespmem:s15], [sflag:$0x2], $0x80, s31, s14, $0xb8;
	[tilespmem:$0x1F800] =	vst v63  }
0x16: {  	_ =	swait.ge [sflag:s10], $0x4000  }
0x17: {  	[sflag:s10] =	ssyncset.done $0x0  }
0x18: {  	[sflag:s10] =	ssyncadd.s32 $0xFFFFC000  }
0x19: {  	[bflag:$0x0] =	sbarrier.arrive $0xFFFF  }
0x1a: {  	[hbm:s8], [sflag:s12] =	dma.local [spmem:s13], $0x2800  }
0x1b: {  	_ =	swait.ge [sflag:s10], $0x2800  }
0x1c: {  	[sflag:s10] =	ssyncset.done $0x0  }
0x1d: {  	[sflag:s10] =	ssyncadd.s32 $0xFFFFD800  }
0x1e: {  	[bflag:$0x0] =	sbarrier.arrive $0xFFFF  }
.LBB2_7:
0x1f: {  	s17 =	sadd.s32 $0x1, s17  }
0x20: {  	p1 =	sne.s32 s17, s9  }
.Ltmp1:
0x21: {  	_ = 	snop;
	(pc) =	sbr.rel @!p1 .LBB2_8-.Ltmp1, $1  }
0x22: {  	_ =	sdelay $0x3  }
.LBB2_1:
0x23: {  	[tilespmem:s3], [sflag:$0x2] =	stream.linear.gather [hbm4b:s6+s3], $0x2800, $0x38;
	[tilespmem:$0x1F800] =	vst v63  }
0x24: {  	_ =	swait.ge [sflag:s10], $0x2800  }
0x25: {  	[sflag:s10] =	ssyncset.done $0x0  }
.Ltmp2:
0x26: {  	[sflag:s10] =	ssyncadd.s32 $0xFFFFD800;
	(pc) =	sbr.rel @p0 .LBB2_7-.Ltmp2, $4  }
0x27: {  	[tilespmem:s11], [sflag:$0x2] =	stream.linear.gather [hbm4b:s7+s3], $0x2800, $0x38;
	[tilespmem:$0x1F800] =	vst v63  }
0x28: {  	_ =	swait.ge [sflag:s10], $0x2800  }
0x29: {  	[sflag:s10] =	ssyncset.done $0x0  }
0x2a: {  	[sflag:s10] =	ssyncadd.s32 $0xFFFFD800  }
0x2b: {  	[spmem:s13], [sflag:s12] =	dma.local [hbm:s5], $0x2800  }
0x2c: {  	_ =	swait.ge [sflag:s10], $0x2800  }
0x2d: {  	[sflag:s10] =	ssyncset.done $0x0  }
0x2e: {  	s18 =	simm.s32 $0x0;
	[sflag:s10] =	ssyncadd.s32 $0xFFFFD800  }
0x2f: {  	s19 =	simm.s32 $0x40;
	v0 =	vld [tilespmem:s18+$0x0]  }
.LBB2_3:
0x30: {  	p1 =	sne.s32 s19, $0x9FC0  }
.Ltmp3:
0x31: {  	_ = 	snop;
	(pc) =	sbr.rel @p1 .LBB2_3-.Ltmp3, $3  }
0x32: {  	_ =	sdelay $0x1  }
0x33: {  	[tilespmem:s18+$0x2800] =	vst v0;
	s18 =	sshra.s32 s19, $0x2;
	s19 =	sadd.s32 $0x40, s19  }
0x34: {  	v0 =	vld [tilespmem:s18+$0x0]  }
0x35: {  	_ =	sdelay $0x3  }
0x36: {  	[tilespmem:s18+$0x2800] =	vst v0  }
0x37: {  	s30 =	simm.s32 $0x2800;
	[bflag:$0x0] =	sbarrier.arrive $0xFFFF  }
0x38: {  	[tilespmem:s15], [sflag:$0x1] =	stream.indirect.gather [hbm4b:s4+s14], $0x80, s30, s14, $0xb8;
	[tilespmem:$0x1F800] =	vst v63  }
0x39: {  	_ =	swait.ge [sflag:s16], $0x4000  }
0x3a: {  	[sflag:s16] =	ssyncset.done $0x0  }
0x3b: {  	s31 =	simm.s32 $0x5000;
	[sflag:s16] =	ssyncadd.s32 $0xFFFFC000  }
0x3c: {  	[spmem:s2] =	stream.indirect.scatter.add.f32 [tilespmem:s15], [sflag:$0x2], $0x80, s31, s14, $0xb8;
	[tilespmem:$0x1F800] =	vst v63  }
0x3d: {  	_ =	swait.ge [sflag:s10], $0x4000  }
0x3e: {  	s19 =	simm.s32 $0x400;
	s18 =	simm.s32 $0x80;
	[sflag:s10] =	ssyncset.done $0x0  }
.LBB2_5:
0x3f: {  	s20 =	sadd.s32 $0x2800, s18  }
0x40: {  	[sflag:s10] =	ssyncadd.s32 $0xFFFFC000;
	s21 =	smov.u32 s19;
	s22 =	sadd.s32 $0x200, s19  }
0x41: {  	[tilespmem:s15], [sflag:$0x1] =	stream.indirect.gather [hbm4b:s4+s14], $0x80, s20, s14, $0xb8;
	[tilespmem:$0x1F800] =	vst v63  }
0x42: {  	p1 =	sne.s32 s19, $0x9E00;
	_ =	swait.ge [sflag:s16], $0x4000  }
.Ltmp4:
0x43: {  	[sflag:s16] =	ssyncset.done $0x0;
	(pc) =	sbr.rel @p1 .LBB2_5-.Ltmp4, $4  }
0x44: {  	s18 =	sadd.s32 $0x5000, s18;
	[sflag:s16] =	ssyncadd.s32 $0xFFFFC000  }
0x45: {  	[spmem:s2] =	stream.indirect.scatter.add.f32 [tilespmem:s15], [sflag:$0x2], $0x80, s18, s14, $0xb8;
	[tilespmem:$0x1F800] =	vst v63  }
0x46: {  	_ =	swait.ge [sflag:s10], $0x4000  }
0x47: {  	s19 =	smov.u32 s22;
	s18 =	sshra.s32 s21, $0x2;
	[sflag:s10] =	ssyncset.done $0x0  }
.Ltmp5:
0x48: {  	_ = 	snop;
	(pc) =	sbr.rel .LBB2_6-.Ltmp5, $1  }
0x49: {  	_ =	sdelay $0x3  }
.LBB2_8:
0x4a: {  	_ =	sfence.sel $0x180000  }
0x4b: {  	[bflag:$0x0] =	sbarrier.arrive $0xFFFF  }
0x4c: {  	p0 =	sne.s32 s1, $0x0;
	_ =	strace $0x90000062  }
0x4d: {  	s0 =	sadd.s32 @!p0 $0x100000, s0;
	[bflag:$0x2] =	sbarrier.arrive $0xFFFF  }
0x4e: {  	[sflag:s0] =	ssyncadd.tile.s32 @!p0 $0x1;
	_ =	shalt  }
.Lfunc_end2:
_tile_overlayer_lowered:
.L_overlay_start_2:
0x4f: {  	(tag) =	ssettag $0x2  }
0x50: {  	s0 =	rddreg [dreg:$0x0];
	s2 =	stileid.u32  }
0x51: {  	s1 =	rddreg [dreg:$0x1];
	p0 =	sne.s32 s2, $0x0  }
0x52: {  	s3 =	rddreg [dreg:$0x2];
	[bflag:$0x3] =	sbarrier.arrive $0xFFFF;
	s2 =	simm.s32 @!p0 $0x1C02  }
0x53: {  	[timem:s3], [sflag:s2] =	dma.local @!p0 [hbm:s0], s1  }
0x54: {  	s0 =	simm.s32 @!p0 $0x2  }
0x55: {  	_ =	swait.ge @!p0 [sflag:s0], s1  }
0x56: {  	s1 =	ssub.s32 @!p0 $0x0, s1;
	[sflag:s0] =	ssyncset.done @!p0 $0x0  }
0x57: {  	[sflag:s0] =	ssyncadd.s32 @!p0 s1  }
0x58: {  	[bflag:$0x3] =	sbarrier.arrive $0xFFFF  }
0x59: {  	_ =	shalt  }

</sc_bundles>
